<compile_context>
chip_gen: v7x
topology: tpu7x:2x2x1
jax: 0.10.2.dev20260603
libtpu: 0.0.44.dev20260713+nightly
codegen_flags: <defaults>
</compile_context>

<pallas_src>
import functools

import jax
import jax.numpy as jnp
from jax import lax
from jax.experimental import pallas as pl
from jax.experimental.pallas import tpu as pltpu
from jax.experimental.pallas import tpu_sc as plsc

_NUM_CORES = 2
_NUM_SUBCORES = 16
_NUM_WORKERS = _NUM_CORES * _NUM_SUBCORES
_LANES = 16
_BLK = 128
_BINS_PER_TABLE = 256
_NBINS = 2 * _BINS_PER_TABLE
_ECAP = 3584
_RING = 32
_SCAN = 2048
_PSLOTS = 13


@functools.lru_cache(maxsize=None)
def _build_gather(batch, vocab, dim):
  n_pan = (vocab + _BLK - 1) // _BLK
  assert (n_pan + _NUM_WORKERS - 1) // _NUM_WORKERS <= _BINS_PER_TABLE - 1
  pad_pan_base = (_BINS_PER_TABLE - 1) * _NUM_WORKERS

  mesh = plsc.VectorSubcoreMesh(core_axis_name="c", subcore_axis_name="s")

  @functools.partial(
      pl.kernel,
      out_type=jax.ShapeDtypeStruct((2 * batch * dim,), jnp.float32),
      mesh=mesh,
      compiler_params=pltpu.CompilerParams(
          needs_layout_passes=False, use_tc_tiling_on_sc=True),
      scratch_types=[
          pltpu.VMEM((2, _SCAN), jnp.int32),
          pltpu.VMEM((_ECAP + _LANES,), jnp.int32),
          pltpu.VMEM((_ECAP + _LANES,), jnp.int32),
          pltpu.VMEM((_ECAP + _LANES,), jnp.int32),
          pltpu.VMEM((_ECAP + _LANES,), jnp.int32),
          pltpu.VMEM((_NBINS,), jnp.int32),
          pltpu.VMEM((_NBINS,), jnp.int32),
          pltpu.VMEM((_NBINS,), jnp.int32),
          pltpu.VMEM((_NBINS,), jnp.int32),
          pltpu.VMEM((_PSLOTS, dim, _BLK), jnp.float32),
          pltpu.VMEM((_RING * dim,), jnp.float32),
          pltpu.SemaphoreType.DMA,
          pltpu.SemaphoreType.DMA,
          pltpu.SemaphoreType.DMA,
      ],
  )
  def gathered(cidx_hbm, tidx_hbm, cemb_t_hbm, temb_t_hbm, rows_hbm,
               scan_v, eidx_v, edst_v, sidx_v, sdst_v,
               hist_v, start_v, cur_v, plist_v, blk_v, ring_v,
               sem_in, sem_pan, sem_out):
    wid = lax.axis_index("s") * _NUM_CORES + lax.axis_index("c")
    lane = lax.iota(jnp.int32, _LANES)
    widv = jnp.full((_LANES,), 0, jnp.int32) + wid
    ones = jnp.full((_LANES,), 1, jnp.int32)

    def scan_chunk(src_hbm, dest_off, cursor0):
      n_cb = batch // _SCAN
      pltpu.async_copy(src_hbm.at[pl.ds(0, _SCAN)], scan_v.at[0], sem_in)

      def chunk_body(cb, cursor):
        nxt = cb + 1

        @pl.when(nxt < n_cb)
        def _():
          pltpu.async_copy(src_hbm.at[pl.ds(nxt * _SCAN, _SCAN)],
                           scan_v.at[lax.rem(nxt, 2)], sem_in)

        pltpu.make_async_copy(src_hbm.at[pl.ds(0, _SCAN)],
                              scan_v.at[0], sem_in).wait()
        slot = lax.rem(cb, 2)

        def vec_body(j, cur):
          v = scan_v[slot, pl.ds(j * _LANES, _LANES)]
          pan = lax.shift_right_logical(v, jnp.full((_LANES,), 7, jnp.int32))
          mine = (pan & jnp.full((_LANES,), _NUM_WORKERS - 1, jnp.int32)) == widv
          inc = jnp.where(mine, ones, ones - 1)
          csum = plsc.cumsum(inc)
          pos = cur + csum - inc
          dest = dest_off + cb * _SCAN + j * _LANES + lane
          plsc.store_scatter(eidx_v, [pos], v, mask=mine)
          plsc.store_scatter(edst_v, [pos], dest, mask=mine)
          return cur + csum[_LANES - 1]

        return lax.fori_loop(0, _SCAN // _LANES, vec_body, cursor)

      return lax.fori_loop(0, n_cb, chunk_body, cursor0)

    cursor = scan_chunk(cidx_hbm, 0, jnp.int32(0))
    cursor = scan_chunk(tidx_hbm, batch, cursor)

    pad_idx = jnp.full((_LANES,), (pad_pan_base + 0) * _BLK, jnp.int32) + wid * _BLK
    pad_dst = jnp.full((_LANES,), 2 * batch - 1, jnp.int32)
    plsc.store_scatter(eidx_v, [cursor + lane], pad_idx)
    plsc.store_scatter(edst_v, [cursor + lane], pad_dst)

    n_vec = (cursor + _LANES - 1) // _LANES

    for q in range(_NBINS // _LANES):
      hist_v[pl.ds(q * _LANES, _LANES)] = jnp.zeros((_LANES,), jnp.int32)

    def key_of(v, dest):
      pan = lax.shift_right_logical(v, jnp.full((_LANES,), 7, jnp.int32))
      ploc = lax.shift_right_logical(pan, jnp.full((_LANES,), 5, jnp.int32))
      tbl = lax.shift_right_logical(dest, jnp.full((_LANES,), 14, jnp.int32))
      tbl = lax.min(tbl, ones)
      return tbl * _BINS_PER_TABLE + ploc

    def hist_body(ev, carry):
      v = eidx_v[pl.ds(ev * _LANES, _LANES)]
      dest = edst_v[pl.ds(ev * _LANES, _LANES)]
      key = key_of(v, dest)
      for k in range(_LANES):
        plsc.addupdate_scatter(hist_v, [key], ones, mask=lane == k)
      return carry

    lax.fori_loop(0, n_vec, hist_body, 0)

    running = jnp.int32(0)
    for q in range(_NBINS // _LANES):
      h = hist_v[pl.ds(q * _LANES, _LANES)]
      cs = plsc.cumsum(h)
      ex = cs - h + running
      start_v[pl.ds(q * _LANES, _LANES)] = ex
      cur_v[pl.ds(q * _LANES, _LANES)] = ex
      running = running + cs[_LANES - 1]

    def place_body(ev, carry):
      v = eidx_v[pl.ds(ev * _LANES, _LANES)]
      dest = edst_v[pl.ds(ev * _LANES, _LANES)]
      key = key_of(v, dest)
      for k in range(_LANES):
        m = lane == k
        pos = plsc.load_gather(cur_v, [key])
        plsc.store_scatter(sidx_v, [pos], v, mask=m)
        plsc.store_scatter(sdst_v, [pos], dest, mask=m)
        plsc.addupdate_scatter(cur_v, [key], ones, mask=m)
      return carry

    lax.fori_loop(0, n_vec, place_body, 0)

    def plist_body(q, pcur):
      binid = lane + q * _LANES
      h = hist_v[pl.ds(q * _LANES, _LANES)]
      valid = (h > 0) & ((binid & jnp.full((_LANES,), 255, jnp.int32))
                         < _BINS_PER_TABLE - 1)
      inc = jnp.where(valid, ones, ones - 1)
      csum = plsc.cumsum(inc)
      pos = pcur + csum - inc
      plsc.store_scatter(plist_v, [pos], binid, mask=valid)
      return pcur + csum[_LANES - 1]

    n_present = lax.fori_loop(0, _NBINS // _LANES, plist_body, jnp.int32(0))

    def bin_scalar(ref, e):
      return plsc.load_gather(ref, [jnp.full((_LANES,), 0, jnp.int32) + e])[0]

    def fetch(e):
      binid = bin_scalar(plist_v, e)
      tbl = binid // _BINS_PER_TABLE
      pan = (binid % _BINS_PER_TABLE) * _NUM_WORKERS + wid
      col0 = pl.multiple_of(pan * _BLK, _BLK)
      slot = lax.rem(e, _PSLOTS)

      @pl.when(tbl == 0)
      def _():
        pltpu.async_copy(cemb_t_hbm.at[:, pl.ds(col0, _BLK)],
                         blk_v.at[slot], sem_pan)

      @pl.when(tbl != 0)
      def _():
        pltpu.async_copy(temb_t_hbm.at[:, pl.ds(col0, _BLK)],
                         blk_v.at[slot], sem_pan)

    def drain_panel():
      pltpu.make_async_copy(
          cemb_t_hbm.at[:, pl.ds(0, _BLK)], blk_v.at[0], sem_pan).wait()

    def drain_row(sem):
      pltpu.make_async_copy(
          rows_hbm.at[pl.ds(0, dim)], ring_v.at[pl.ds(0, dim)], sem).wait()

    def prime_body(e, carry):
      fetch(e)
      return carry

    lax.fori_loop(0, lax.min(n_present, jnp.int32(_PSLOTS - 1)), prime_body, 0)

    def walk_body(e, carry):
      nxt = e + (_PSLOTS - 1)

      @pl.when(nxt < n_present)
      def _():
        fetch(nxt)

      drain_panel()

      slotv = jnp.full((_LANES,), 0, jnp.int32) + lax.rem(e, _PSLOTS)
      binid = bin_scalar(plist_v, e)
      j0 = bin_scalar(start_v, binid)
      cnt = bin_scalar(hist_v, binid)

      def entry_body(i, carry2):
        vi = bin_scalar(sidx_v, i)
        di = bin_scalar(sdst_v, i)
        colv = jnp.full((_LANES,), 0, jnp.int32) + lax.rem(vi, _BLK)
        rslot = lax.rem(i, _RING)
        rbase = pl.multiple_of(rslot * dim, _LANES)
        for qq in range(dim // _LANES):
          part = plsc.load_gather(blk_v, [slotv, lane + qq * _LANES, colv])
          ring_v[pl.ds(rbase + qq * _LANES, _LANES)] = part

        @pl.when(i >= _RING)
        def _():
          drain_row(sem_out)

        pltpu.async_copy(ring_v.at[pl.ds(rbase, dim)],
                         rows_hbm.at[pl.ds(di * dim, dim)], sem_out)
        return carry2

      lax.fori_loop(j0, j0 + cnt, entry_body, 0)
      return carry

    lax.fori_loop(0, n_present, walk_body, 0)

    def final_drain(i, carry):
      drain_row(sem_out)
      return carry

    lax.fori_loop(0, lax.min(cursor, jnp.int32(_RING)), final_drain, 0)

  return gathered


@functools.lru_cache(maxsize=None)
def _build_dot(batch, dim):
  b_per_w = batch // _NUM_WORKERS
  n_sub = 4
  b_sub = b_per_w // n_sub
  sub_elems = b_sub * dim
  mesh = plsc.VectorSubcoreMesh(core_axis_name="c", subcore_axis_name="s")

  @functools.partial(
      pl.kernel,
      out_type=jax.ShapeDtypeStruct((batch,), jnp.float32),
      mesh=mesh,
      compiler_params=pltpu.CompilerParams(
          needs_layout_passes=False, use_tc_tiling_on_sc=False),
      scratch_types=[
          pltpu.VMEM((2, sub_elems), jnp.float32),
          pltpu.VMEM((2, sub_elems), jnp.float32),
          pltpu.VMEM((b_per_w,), jnp.float32),
          pltpu.SemaphoreType.DMA,
          pltpu.SemaphoreType.DMA,
      ],
  )
  def dotted(rows_hbm, out_hbm, crow_v, trow_v, out_v, sem_a, sem_b):
    wid = lax.axis_index("s") * _NUM_CORES + lax.axis_index("c")
    base = wid * b_per_w
    lane = lax.iota(jnp.int32, _LANES)
    lane_d = lane * dim
    sems = (sem_a, sem_b)

    def fetch_sub(u, slot, sem):
      off = (base + u * b_sub) * dim
      pltpu.async_copy(rows_hbm.at[pl.ds(off, sub_elems)],
                       crow_v.at[slot], sem)
      pltpu.async_copy(rows_hbm.at[pl.ds(batch * dim + off, sub_elems)],
                       trow_v.at[slot], sem)

    def drain_sub(slot, sem):
      pltpu.make_async_copy(rows_hbm.at[pl.ds(0, sub_elems)],
                            crow_v.at[slot], sem).wait()
      pltpu.make_async_copy(rows_hbm.at[pl.ds(0, sub_elems)],
                            trow_v.at[slot], sem).wait()

    fetch_sub(jnp.int32(0), 0, sems[0])

    def sub_body(u, carry):
      for ss in range(2):
        @pl.when((u + 1 < n_sub) & (lax.rem(u + 1, 2) == ss))
        def _(ss=ss):
          fetch_sub(u + 1, ss, sems[ss])

      for ss in range(2):
        @pl.when(lax.rem(u, 2) == ss)
        def _(ss=ss):
          drain_sub(ss, sems[ss])

      slotv = jnp.full((_LANES,), 0, jnp.int32) + lax.rem(u, 2)

      def group_body(g, carry2):
        acc = [jnp.zeros((_LANES,), jnp.float32) for _ in range(4)]
        for d in range(dim):
          off = lane_d + (g * _LANES * dim + d)
          cv = plsc.load_gather(crow_v, [slotv, off])
          tv = plsc.load_gather(trow_v, [slotv, off])
          acc[d % 4] = acc[d % 4] + cv * tv
        out_v[pl.ds(pl.multiple_of((u * b_sub + g * _LANES), _LANES),
                    _LANES)] = (acc[0] + acc[1]) + (acc[2] + acc[3])
        return carry2

      lax.fori_loop(0, b_sub // _LANES, group_body, 0)
      return carry

    lax.fori_loop(0, n_sub, sub_body, 0)
    pltpu.sync_copy(out_v, out_hbm.at[pl.ds(base, b_per_w)])

  return dotted


def kernel(center_word_idx, target_word_idx, input_embeddings, output_embeddings):
  batch = center_word_idx.shape[0]
  vocab, dim = input_embeddings.shape
  rows = _build_gather(batch, vocab, dim)(
      center_word_idx.astype(jnp.int32),
      target_word_idx.astype(jnp.int32),
      input_embeddings.T,
      output_embeddings.T,
  )
  return _build_dot(batch, dim)(rows)

# --- scband reference (transcript-rebuilt; emitter-appended) ---
"""Pipeline reference for scband-word-embedding-model-45621142618829 (READ-ONLY COPY).

The authoritative reference and input builder live on the scoring server;
editing this copy changes nothing except your own understanding.
"""

import jax, jax.numpy as jnp
import numpy as np

VOCAB = 1000000
EMBED_DIM = 64
BATCH = 16384

def setup_inputs(seed: int = 0) -> dict:
    key = jax.random.key(seed)
    k1, k2, k3, k4 = jax.random.split(key, 4)
    center_word_idx = jax.random.randint(k1, (BATCH,), 0, VOCAB, dtype=jnp.int64 if jax.config.jax_enable_x64 else jnp.int32)
    target_word_idx = jax.random.randint(k2, (BATCH,), 0, VOCAB, dtype=jnp.int64 if jax.config.jax_enable_x64 else jnp.int32)
    input_embeddings = jax.random.uniform(k3, (VOCAB, EMBED_DIM), dtype=jnp.float32, minval=-1.0, maxval=1.0)
    output_embeddings = jax.random.uniform(k4, (VOCAB, EMBED_DIM), dtype=jnp.float32, minval=-1.0, maxval=1.0)
    return {
        "center_word_idx": center_word_idx,
        "target_word_idx": target_word_idx,
        "input_embeddings": input_embeddings,
        "output_embeddings": output_embeddings,
    }

def reference(center_word_idx, target_word_idx, input_embeddings, output_embeddings):
    center_embed = jnp.take(input_embeddings, center_word_idx, axis=0)
    target_embed = jnp.take(output_embeddings, target_word_idx, axis=0)
    score = jnp.sum(center_embed * target_embed, axis=-1)
    return score

if __name__ == "__main__":
    import jax
    _d = setup_inputs()
    print(jax.jit(kernel)(*tuple(_d.values())))

</pallas_src>

<mosaic_0001>
#map = affine_map<(d0, d1) -> (0)>
#map1 = affine_map<(d0, d1) -> (0, 0)>
module attributes {stable_mosaic.version = 14 : i64} {
  func.func @gathered(%arg0: i32, %arg1: i32, %arg2: memref<16384xi32, #tpu.memory_space<hbm>>, %arg3: memref<16384xi32, #tpu.memory_space<hbm>>, %arg4: memref<64x1000000xf32, #tpu.memory_space<hbm>>, %arg5: memref<64x1000000xf32, #tpu.memory_space<hbm>>, %arg6: memref<2097152xf32, #tpu.memory_space<hbm>>, %arg7: memref<2x2048xi32, #tpu.memory_space<vmem>>, %arg8: memref<3600xi32, #tpu.memory_space<vmem>>, %arg9: memref<3600xi32, #tpu.memory_space<vmem>>, %arg10: memref<3600xi32, #tpu.memory_space<vmem>>, %arg11: memref<3600xi32, #tpu.memory_space<vmem>>, %arg12: memref<512xi32, #tpu.memory_space<vmem>>, %arg13: memref<512xi32, #tpu.memory_space<vmem>>, %arg14: memref<512xi32, #tpu.memory_space<vmem>>, %arg15: memref<512xi32, #tpu.memory_space<vmem>>, %arg16: memref<13x64x128xf32, #tpu.memory_space<vmem>>, %arg17: memref<2048xf32, #tpu.memory_space<vmem>>, %arg18: memref<!tpu.dma_semaphore, #tpu.memory_space<semaphore_mem>>, %arg19: memref<!tpu.dma_semaphore, #tpu.memory_space<semaphore_mem>>, %arg20: memref<!tpu.dma_semaphore, #tpu.memory_space<semaphore_mem>>) attributes {dimension_semantics = [#tpu.dimension_semantics<core_parallel>, #tpu.dimension_semantics<subcore_parallel>], iteration_bounds = array<i64: 2, 16>, scalar_prefetch = 0 : i64, scratch_operands = 14 : i64, tpu.core_type = #tpu.core_type<sc_vector_subcore>, window_params = [{transform_indices = #map}, {transform_indices = #map}, {transform_indices = #map1}, {transform_indices = #map1}, {transform_indices = #map}]} {
    %mul3A = arith.constant 2 : i32
    %mul3A_0 = arith.muli %arg1, %mul3A : i32
    %add3A = arith.addi %mul3A_0, %arg0 : i32
    %iota3A = tpu.iota {dimensions = array<i32: 0>} : vector<16xi32>
    %broadcast_in_dim3A = arith.constant 0 : i32
    %broadcast_in_dim3A_1 = vector.broadcast %broadcast_in_dim3A : i32 to vector<16xi32>
    %add3A_2 = vector.broadcast %add3A : i32 to vector<16xi32>
    %add3A_3 = arith.addi %broadcast_in_dim3A_1, %add3A_2 : vector<16xi32>
    %broadcast_in_dim3A_4 = arith.constant 1 : i32
    %broadcast_in_dim3A_5 = vector.broadcast %broadcast_in_dim3A_4 : i32 to vector<16xi32>
    %dma_start3A = arith.constant 0 : i32
    %dma_start3A_6 = arith.constant 0 : i32
    %dma_start3A_7 = tpu.memref_slice %arg7[%dma_start3A, %dma_start3A_6] : memref<2x2048xi32, #tpu.memory_space<vmem>> -> memref<1x2048xi32, #tpu.memory_space<vmem>>
    %dma_start3A_8 = tpu.memref_squeeze %dma_start3A_7 : memref<1x2048xi32, #tpu.memory_space<vmem>> -> memref<2048xi32, #tpu.memory_space<vmem>>
    %dma_start3A_9 = arith.constant 0 : i32
    %dma_start3A_10 = tpu.memref_slice %arg2[%dma_start3A_9] : memref<16384xi32, #tpu.memory_space<hbm>> -> memref<2048xi32, #tpu.memory_space<hbm>>
    %dma_start3A_11 = arith.constant 0 : i32
    %dma_start3A_12 = tpu.memref_slice %arg7[%dma_start3A, %dma_start3A_11] : memref<2x2048xi32, #tpu.memory_space<vmem>> -> memref<1x2048xi32, #tpu.memory_space<vmem>>
    %dma_start3A_13 = tpu.memref_squeeze %dma_start3A_12 : memref<1x2048xi32, #tpu.memory_space<vmem>> -> memref<2048xi32, #tpu.memory_space<vmem>>
    %dma_start3A_14 = arith.constant 0 : i32
    %dma_start3A_15 = tpu.memref_slice %arg2[%dma_start3A_14] : memref<16384xi32, #tpu.memory_space<hbm>> -> memref<2048xi32, #tpu.memory_space<hbm>>
    tpu.enqueue_dma source(%dma_start3A_15 : memref<2048xi32, #tpu.memory_space<hbm>>) target(%dma_start3A_13 : memref<2048xi32, #tpu.memory_space<vmem>>) target_semaphore(%arg18 : memref<!tpu.dma_semaphore, #tpu.memory_space<semaphore_mem>>)
    %scan3A = arith.constant 0 : i32
    %scan3A_16 = arith.constant 0 : i32
    %scan3A_17 = arith.constant 8 : i32
    %scan3A_18 = arith.addi %scan3A_16, %scan3A_17 : i32
    %scan3A_19 = arith.constant 1 : i32
    %scan3A_20 = scf.for %scan3A_735 = %scan3A_16 to %scan3A_18 step %scan3A_19 iter_args(%scan3A_736 = %scan3A) -> (i32)  : i32 {
      %add3A_737 = arith.constant 1 : i32
      %add3A_738 = arith.addi %scan3A_735, %add3A_737 : i32
      %lt3A = arith.constant 8 : i32
      %lt3A_739 = arith.cmpi slt, %add3A_738, %lt3A : i32
      %convert_element_type3A = arith.extui %lt3A_739 : i1 to i32
      %cond3A = arith.constant 0 : i32
      %cond3A_740 = arith.cmpi ne, %convert_element_type3A, %cond3A : i32
      scf.if %cond3A_740 {
        %mul3A_759 = arith.constant 2048 : i32
        %mul3A_760 = arith.muli %add3A_738, %mul3A_759 : i32
        %rem3A_761 = arith.constant 2 : i32
        %rem3A_762 = arith.remsi %add3A_738, %rem3A_761 : i32
        %dma_start3A_763 = arith.constant 0 : i32
        %dma_start3A_764 = tpu.memref_slice %arg7[%rem3A_762, %dma_start3A_763] : memref<2x2048xi32, #tpu.memory_space<vmem>> -> memref<1x2048xi32, #tpu.memory_space<vmem>>
        %dma_start3A_765 = tpu.memref_squeeze %dma_start3A_764 : memref<1x2048xi32, #tpu.memory_space<vmem>> -> memref<2048xi32, #tpu.memory_space<vmem>>
        %dma_start3A_766 = tpu.memref_slice %arg2[%mul3A_760] : memref<16384xi32, #tpu.memory_space<hbm>> -> memref<2048xi32, #tpu.memory_space<hbm>>
        %dma_start3A_767 = arith.constant 0 : i32
        %dma_start3A_768 = tpu.memref_slice %arg7[%rem3A_762, %dma_start3A_767] : memref<2x2048xi32, #tpu.memory_space<vmem>> -> memref<1x2048xi32, #tpu.memory_space<vmem>>
        %dma_start3A_769 = tpu.memref_squeeze %dma_start3A_768 : memref<1x2048xi32, #tpu.memory_space<vmem>> -> memref<2048xi32, #tpu.memory_space<vmem>>
        %dma_start3A_770 = tpu.memref_slice %arg2[%mul3A_760] : memref<16384xi32, #tpu.memory_space<hbm>> -> memref<2048xi32, #tpu.memory_space<hbm>>
        tpu.enqueue_dma source(%dma_start3A_770 : memref<2048xi32, #tpu.memory_space<hbm>>) target(%dma_start3A_769 : memref<2048xi32, #tpu.memory_space<vmem>>) target_semaphore(%arg18 : memref<!tpu.dma_semaphore, #tpu.memory_space<semaphore_mem>>)
      } else {
      }
      %dma_wait3A = arith.constant 0 : i32
      %dma_wait3A_741 = arith.constant 0 : i32
      %dma_wait3A_742 = tpu.memref_slice %arg7[%dma_wait3A, %dma_wait3A_741] : memref<2x2048xi32, #tpu.memory_space<vmem>> -> memref<1x2048xi32, #tpu.memory_space<vmem>>
      %dma_wait3A_743 = tpu.memref_squeeze %dma_wait3A_742 : memref<1x2048xi32, #tpu.memory_space<vmem>> -> memref<2048xi32, #tpu.memory_space<vmem>>
      %dma_wait3A_744 = arith.constant 0 : i32
      %dma_wait3A_745 = tpu.memref_slice %arg2[%dma_wait3A_744] : memref<16384xi32, #tpu.memory_space<hbm>> -> memref<2048xi32, #tpu.memory_space<hbm>>
      %dma_wait3A_746 = arith.constant 0 : i32
      %dma_wait3A_747 = tpu.memref_slice %arg7[%dma_wait3A, %dma_wait3A_746] : memref<2x2048xi32, #tpu.memory_space<vmem>> -> memref<1x2048xi32, #tpu.memory_space<vmem>>
      %dma_wait3A_748 = tpu.memref_squeeze %dma_wait3A_747 : memref<1x2048xi32, #tpu.memory_space<vmem>> -> memref<2048xi32, #tpu.memory_space<vmem>>
      %dma_wait3A_749 = arith.constant 0 : i32
      %dma_wait3A_750 = tpu.memref_slice %arg2[%dma_wait3A_749] : memref<16384xi32, #tpu.memory_space<hbm>> -> memref<2048xi32, #tpu.memory_space<hbm>>
      tpu.wait_dma2 semaphore(%arg18 : memref<!tpu.dma_semaphore, #tpu.memory_space<semaphore_mem>>) src(%dma_wait3A_750 : memref<2048xi32, #tpu.memory_space<hbm>>) dst(%dma_wait3A_748 : memref<2048xi32, #tpu.memory_space<vmem>>)
      %rem3A_751 = arith.constant 2 : i32
      %rem3A_752 = arith.remsi %scan3A_735, %rem3A_751 : i32
      %scan3A_753 = arith.constant 0 : i32
      %scan3A_754 = arith.constant 128 : i32
      %scan3A_755 = arith.addi %scan3A_753, %scan3A_754 : i32
      %scan3A_756 = arith.constant 1 : i32
      %scan3A_757 = scf.for %scan3A_759 = %scan3A_753 to %scan3A_755 step %scan3A_756 iter_args(%scan3A_760 = %scan3A_736) -> (i32)  : i32 {
        %mul3A_761 = arith.constant 16 : i32
        %mul3A_762 = arith.muli %scan3A_759, %mul3A_761 : i32
        %get3A_763 = arith.index_cast %rem3A_752 : i32 to index
        %get3A_764 = arith.index_cast %mul3A_762 : i32 to index
        %get3A_765 = tpu.vector_load %arg7[%get3A_763, %get3A_764] {strides = array<i32>} : memref<2x2048xi32, #tpu.memory_space<vmem>>, vector<16xi32>,
        %broadcast_in_dim3A_766 = arith.constant 7 : i32
        %broadcast_in_dim3A_767 = vector.broadcast %broadcast_in_dim3A_766 : i32 to vector<16xi32>
        %shift_right_logical3A = arith.shrui %get3A_765, %broadcast_in_dim3A_767 : vector<16xi32>
        %broadcast_in_dim3A_768 = arith.constant 31 : i32
        %broadcast_in_dim3A_769 = vector.broadcast %broadcast_in_dim3A_768 : i32 to vector<16xi32>
        %and3A_770 = arith.andi %shift_right_logical3A, %broadcast_in_dim3A_769 : vector<16xi32>
        %eq3A = arith.cmpi eq, %and3A_770, %add3A_3 : vector<16xi32>
        %sub3A_771 = arith.constant 1 : i32
        %sub3A_772 = vector.broadcast %sub3A_771 : i32 to vector<16xi32>
        %sub3A_773 = arith.subi %broadcast_in_dim3A_5, %sub3A_772 : vector<16xi32>
        %select_n3A_774 = arith.select %eq3A, %broadcast_in_dim3A_5, %sub3A_773 : vector<16xi1>, vector<16xi32>
        %broadcast_in_dim3A_775 = arith.constant true
        %broadcast_in_dim3A_776 = vector.broadcast %broadcast_in_dim3A_775 : i1 to vector<16xi1>
        %masked_cumsum3A_777 = tpu.scan <sum>, %select_n3A_774 masked %broadcast_in_dim3A_776 : vector<16xi32>, vector<16xi1> -> vector<16xi32>
        %add3A_778 = vector.broadcast %scan3A_760 : i32 to vector<16xi32>
        %add3A_779 = arith.addi %add3A_778, %masked_cumsum3A_777 : vector<16xi32>
        %sub3A_780 = arith.subi %add3A_779, %select_n3A_774 : vector<16xi32>
        %mul3A_781 = arith.constant 2048 : i32
        %mul3A_782 = arith.muli %scan3A_735, %mul3A_781 : i32
        %add3A_783 = arith.constant 0 : i32
        %add3A_784 = arith.addi %add3A_783, %mul3A_782 : i32
        %mul3A_785 = arith.constant 16 : i32
        %mul3A_786 = arith.muli %scan3A_759, %mul3A_785 : i32
        %add3A_787 = arith.addi %add3A_784, %mul3A_786 : i32
        %add3A_788 = vector.broadcast %add3A_787 : i32 to vector<16xi32>
        %add3A_789 = arith.addi %add3A_788, %iota3A : vector<16xi32>
        tpu.vector_store_idx %arg8[%sub3A_780], %get3A_765 masked %eq3A : memref<3600xi32, #tpu.memory_space<vmem>>[vector<16xi32>], vector<16xi32>, vector<16xi1>
        tpu.vector_store_idx %arg9[%sub3A_780], %add3A_789 masked %eq3A : memref<3600xi32, #tpu.memory_space<vmem>>[vector<16xi32>], vector<16xi32>, vector<16xi1>
        %slice3A_790 = vector.extract_strided_slice %masked_cumsum3A_777 {offsets = [15], sizes = [1], strides = [1]} : vector<16xi32> to vector<1xi32>
        %squeeze3A_791 = vector.extract %slice3A_790[0] : i32 from vector<1xi32>
        %add3A_792 = arith.addi %scan3A_760, %squeeze3A_791 : i32
        scf.yield %add3A_792 : i32
      }
      %scan3A_758 = arith.constant 128 : i32
      scf.yield %scan3A_757 : i32
    }
    %scan3A_21 = arith.constant 8 : i32
    %dma_start3A_22 = arith.constant 0 : i32
    %dma_start3A_23 = arith.constant 0 : i32
    %dma_start3A_24 = tpu.memref_slice %arg7[%dma_start3A_22, %dma_start3A_23] : memref<2x2048xi32, #tpu.memory_space<vmem>> -> memref<1x2048xi32, #tpu.memory_space<vmem>>
    %dma_start3A_25 = tpu.memref_squeeze %dma_start3A_24 : memref<1x2048xi32, #tpu.memory_space<vmem>> -> memref<2048xi32, #tpu.memory_space<vmem>>
    %dma_start3A_26 = arith.constant 0 : i32
    %dma_start3A_27 = tpu.memref_slice %arg3[%dma_start3A_26] : memref<16384xi32, #tpu.memory_space<hbm>> -> memref<2048xi32, #tpu.memory_space<hbm>>
    %dma_start3A_28 = arith.constant 0 : i32
    %dma_start3A_29 = tpu.memref_slice %arg7[%dma_start3A_22, %dma_start3A_28] : memref<2x2048xi32, #tpu.memory_space<vmem>> -> memref<1x2048xi32, #tpu.memory_space<vmem>>
    %dma_start3A_30 = tpu.memref_squeeze %dma_start3A_29 : memref<1x2048xi32, #tpu.memory_space<vmem>> -> memref<2048xi32, #tpu.memory_space<vmem>>
    %dma_start3A_31 = arith.constant 0 : i32
    %dma_start3A_32 = tpu.memref_slice %arg3[%dma_start3A_31] : memref<16384xi32, #tpu.memory_space<hbm>> -> memref<2048xi32, #tpu.memory_space<hbm>>
    tpu.enqueue_dma source(%dma_start3A_32 : memref<2048xi32, #tpu.memory_space<hbm>>) target(%dma_start3A_30 : memref<2048xi32, #tpu.memory_space<vmem>>) target_semaphore(%arg18 : memref<!tpu.dma_semaphore, #tpu.memory_space<semaphore_mem>>)
    %scan3A_33 = arith.constant 0 : i32
    %scan3A_34 = arith.constant 8 : i32
    %scan3A_35 = arith.addi %scan3A_33, %scan3A_34 : i32
    %scan3A_36 = arith.constant 1 : i32
    %scan3A_37 = scf.for %scan3A_735 = %scan3A_33 to %scan3A_35 step %scan3A_36 iter_args(%scan3A_736 = %scan3A_20) -> (i32)  : i32 {
      %add3A_737 = arith.constant 1 : i32
      %add3A_738 = arith.addi %scan3A_735, %add3A_737 : i32
      %lt3A = arith.constant 8 : i32
      %lt3A_739 = arith.cmpi slt, %add3A_738, %lt3A : i32
      %convert_element_type3A = arith.extui %lt3A_739 : i1 to i32
      %cond3A = arith.constant 0 : i32
      %cond3A_740 = arith.cmpi ne, %convert_element_type3A, %cond3A : i32
      scf.if %cond3A_740 {
        %mul3A_759 = arith.constant 2048 : i32
        %mul3A_760 = arith.muli %add3A_738, %mul3A_759 : i32
        %rem3A_761 = arith.constant 2 : i32
        %rem3A_762 = arith.remsi %add3A_738, %rem3A_761 : i32
        %dma_start3A_763 = arith.constant 0 : i32
        %dma_start3A_764 = tpu.memref_slice %arg7[%rem3A_762, %dma_start3A_763] : memref<2x2048xi32, #tpu.memory_space<vmem>> -> memref<1x2048xi32, #tpu.memory_space<vmem>>
        %dma_start3A_765 = tpu.memref_squeeze %dma_start3A_764 : memref<1x2048xi32, #tpu.memory_space<vmem>> -> memref<2048xi32, #tpu.memory_space<vmem>>
        %dma_start3A_766 = tpu.memref_slice %arg3[%mul3A_760] : memref<16384xi32, #tpu.memory_space<hbm>> -> memref<2048xi32, #tpu.memory_space<hbm>>
        %dma_start3A_767 = arith.constant 0 : i32
        %dma_start3A_768 = tpu.memref_slice %arg7[%rem3A_762, %dma_start3A_767] : memref<2x2048xi32, #tpu.memory_space<vmem>> -> memref<1x2048xi32, #tpu.memory_space<vmem>>
        %dma_start3A_769 = tpu.memref_squeeze %dma_start3A_768 : memref<1x2048xi32, #tpu.memory_space<vmem>> -> memref<2048xi32, #tpu.memory_space<vmem>>
        %dma_start3A_770 = tpu.memref_slice %arg3[%mul3A_760] : memref<16384xi32, #tpu.memory_space<hbm>> -> memref<2048xi32, #tpu.memory_space<hbm>>
        tpu.enqueue_dma source(%dma_start3A_770 : memref<2048xi32, #tpu.memory_space<hbm>>) target(%dma_start3A_769 : memref<2048xi32, #tpu.memory_space<vmem>>) target_semaphore(%arg18 : memref<!tpu.dma_semaphore, #tpu.memory_space<semaphore_mem>>)
      } else {
      }
      %dma_wait3A = arith.constant 0 : i32
      %dma_wait3A_741 = arith.constant 0 : i32
      %dma_wait3A_742 = tpu.memref_slice %arg7[%dma_wait3A, %dma_wait3A_741] : memref<2x2048xi32, #tpu.memory_space<vmem>> -> memref<1x2048xi32, #tpu.memory_space<vmem>>
      %dma_wait3A_743 = tpu.memref_squeeze %dma_wait3A_742 : memref<1x2048xi32, #tpu.memory_space<vmem>> -> memref<2048xi32, #tpu.memory_space<vmem>>
      %dma_wait3A_744 = arith.constant 0 : i32
      %dma_wait3A_745 = tpu.memref_slice %arg3[%dma_wait3A_744] : memref<16384xi32, #tpu.memory_space<hbm>> -> memref<2048xi32, #tpu.memory_space<hbm>>
      %dma_wait3A_746 = arith.constant 0 : i32
      %dma_wait3A_747 = tpu.memref_slice %arg7[%dma_wait3A, %dma_wait3A_746] : memref<2x2048xi32, #tpu.memory_space<vmem>> -> memref<1x2048xi32, #tpu.memory_space<vmem>>
      %dma_wait3A_748 = tpu.memref_squeeze %dma_wait3A_747 : memref<1x2048xi32, #tpu.memory_space<vmem>> -> memref<2048xi32, #tpu.memory_space<vmem>>
      %dma_wait3A_749 = arith.constant 0 : i32
      %dma_wait3A_750 = tpu.memref_slice %arg3[%dma_wait3A_749] : memref<16384xi32, #tpu.memory_space<hbm>> -> memref<2048xi32, #tpu.memory_space<hbm>>
      tpu.wait_dma2 semaphore(%arg18 : memref<!tpu.dma_semaphore, #tpu.memory_space<semaphore_mem>>) src(%dma_wait3A_750 : memref<2048xi32, #tpu.memory_space<hbm>>) dst(%dma_wait3A_748 : memref<2048xi32, #tpu.memory_space<vmem>>)
      %rem3A_751 = arith.constant 2 : i32
      %rem3A_752 = arith.remsi %scan3A_735, %rem3A_751 : i32
      %scan3A_753 = arith.constant 0 : i32
      %scan3A_754 = arith.constant 128 : i32
      %scan3A_755 = arith.addi %scan3A_753, %scan3A_754 : i32
      %scan3A_756 = arith.constant 1 : i32
      %scan3A_757 = scf.for %scan3A_759 = %scan3A_753 to %scan3A_755 step %scan3A_756 iter_args(%scan3A_760 = %scan3A_736) -> (i32)  : i32 {
        %mul3A_761 = arith.constant 16 : i32
        %mul3A_762 = arith.muli %scan3A_759, %mul3A_761 : i32
        %get3A_763 = arith.index_cast %rem3A_752 : i32 to index
        %get3A_764 = arith.index_cast %mul3A_762 : i32 to index
        %get3A_765 = tpu.vector_load %arg7[%get3A_763, %get3A_764] {strides = array<i32>} : memref<2x2048xi32, #tpu.memory_space<vmem>>, vector<16xi32>,
        %broadcast_in_dim3A_766 = arith.constant 7 : i32
        %broadcast_in_dim3A_767 = vector.broadcast %broadcast_in_dim3A_766 : i32 to vector<16xi32>
        %shift_right_logical3A = arith.shrui %get3A_765, %broadcast_in_dim3A_767 : vector<16xi32>
        %broadcast_in_dim3A_768 = arith.constant 31 : i32
        %broadcast_in_dim3A_769 = vector.broadcast %broadcast_in_dim3A_768 : i32 to vector<16xi32>
        %and3A_770 = arith.andi %shift_right_logical3A, %broadcast_in_dim3A_769 : vector<16xi32>
        %eq3A = arith.cmpi eq, %and3A_770, %add3A_3 : vector<16xi32>
        %sub3A_771 = arith.constant 1 : i32
        %sub3A_772 = vector.broadcast %sub3A_771 : i32 to vector<16xi32>
        %sub3A_773 = arith.subi %broadcast_in_dim3A_5, %sub3A_772 : vector<16xi32>
        %select_n3A_774 = arith.select %eq3A, %broadcast_in_dim3A_5, %sub3A_773 : vector<16xi1>, vector<16xi32>
        %broadcast_in_dim3A_775 = arith.constant true
        %broadcast_in_dim3A_776 = vector.broadcast %broadcast_in_dim3A_775 : i1 to vector<16xi1>
        %masked_cumsum3A_777 = tpu.scan <sum>, %select_n3A_774 masked %broadcast_in_dim3A_776 : vector<16xi32>, vector<16xi1> -> vector<16xi32>
        %add3A_778 = vector.broadcast %scan3A_760 : i32 to vector<16xi32>
        %add3A_779 = arith.addi %add3A_778, %masked_cumsum3A_777 : vector<16xi32>
        %sub3A_780 = arith.subi %add3A_779, %select_n3A_774 : vector<16xi32>
        %mul3A_781 = arith.constant 2048 : i32
        %mul3A_782 = arith.muli %scan3A_735, %mul3A_781 : i32
        %add3A_783 = arith.constant 16384 : i32
        %add3A_784 = arith.addi %add3A_783, %mul3A_782 : i32
        %mul3A_785 = arith.constant 16 : i32
        %mul3A_786 = arith.muli %scan3A_759, %mul3A_785 : i32
        %add3A_787 = arith.addi %add3A_784, %mul3A_786 : i32
        %add3A_788 = vector.broadcast %add3A_787 : i32 to vector<16xi32>
        %add3A_789 = arith.addi %add3A_788, %iota3A : vector<16xi32>
        tpu.vector_store_idx %arg8[%sub3A_780], %get3A_765 masked %eq3A : memref<3600xi32, #tpu.memory_space<vmem>>[vector<16xi32>], vector<16xi32>, vector<16xi1>
        tpu.vector_store_idx %arg9[%sub3A_780], %add3A_789 masked %eq3A : memref<3600xi32, #tpu.memory_space<vmem>>[vector<16xi32>], vector<16xi32>, vector<16xi1>
        %slice3A_790 = vector.extract_strided_slice %masked_cumsum3A_777 {offsets = [15], sizes = [1], strides = [1]} : vector<16xi32> to vector<1xi32>
        %squeeze3A_791 = vector.extract %slice3A_790[0] : i32 from vector<1xi32>
        %add3A_792 = arith.addi %scan3A_760, %squeeze3A_791 : i32
        scf.yield %add3A_792 : i32
      }
      %scan3A_758 = arith.constant 128 : i32
      scf.yield %scan3A_757 : i32
    }
    %scan3A_38 = arith.constant 8 : i32
    %broadcast_in_dim3A_39 = arith.constant 1044480 : i32
    %broadcast_in_dim3A_40 = vector.broadcast %broadcast_in_dim3A_39 : i32 to vector<16xi32>
    %mul3A_41 = arith.constant 128 : i32
    %mul3A_42 = arith.muli %add3A, %mul3A_41 : i32
    %add3A_43 = vector.broadcast %mul3A_42 : i32 to vector<16xi32>
    %add3A_44 = arith.addi %broadcast_in_dim3A_40, %add3A_43 : vector<16xi32>
    %broadcast_in_dim3A_45 = arith.constant 32767 : i32
    %broadcast_in_dim3A_46 = vector.broadcast %broadcast_in_dim3A_45 : i32 to vector<16xi32>
    %add3A_47 = vector.broadcast %scan3A_37 : i32 to vector<16xi32>
    %add3A_48 = arith.addi %add3A_47, %iota3A : vector<16xi32>
    tpu.vector_store_idx %arg8[%add3A_48], %add3A_44 : memref<3600xi32, #tpu.memory_space<vmem>>[vector<16xi32>], vector<16xi32>,
    %add3A_49 = vector.broadcast %scan3A_37 : i32 to vector<16xi32>
    %add3A_50 = arith.addi %add3A_49, %iota3A : vector<16xi32>
    tpu.vector_store_idx %arg9[%add3A_50], %broadcast_in_dim3A_46 : memref<3600xi32, #tpu.memory_space<vmem>>[vector<16xi32>], vector<16xi32>,
    %add3A_51 = arith.constant 16 : i32
    %add3A_52 = arith.addi %scan3A_37, %add3A_51 : i32
    %sub3A = arith.constant 1 : i32
    %sub3A_53 = arith.subi %add3A_52, %sub3A : i32
    %jit3A = arith.constant 16 : i32
    %div3A = arith.divsi %sub3A_53, %jit3A : i32
    %sign3A = arith.constant 0 : i32
    %sign3A_54 = arith.cmpi sgt, %sub3A_53, %sign3A : i32
    %sign3A_55 = arith.extui %sign3A_54 : i1 to i32
    %sign3A_56 = arith.constant 0 : i32
    %sign3A_57 = arith.cmpi slt, %sub3A_53, %sign3A_56 : i32
    %sign3A_58 = arith.extui %sign3A_57 : i1 to i32
    %sign3A_59 = arith.subi %sign3A_55, %sign3A_58 : i32
    %sign3A_60 = arith.constant 0 : i32
    %sign3A_61 = arith.cmpi sgt, %jit3A, %sign3A_60 : i32
    %sign3A_62 = arith.extui %sign3A_61 : i1 to i32
    %sign3A_63 = arith.constant 0 : i32
    %sign3A_64 = arith.cmpi slt, %jit3A, %sign3A_63 : i32
    %sign3A_65 = arith.extui %sign3A_64 : i1 to i32
    %sign3A_66 = arith.subi %sign3A_62, %sign3A_65 : i32
    %ne3A = arith.cmpi ne, %sign3A_59, %sign3A_66 : i32
    %rem3A = arith.remsi %sub3A_53, %jit3A : i32
    %ne3A_67 = arith.constant 0 : i32
    %ne3A_68 = arith.cmpi ne, %rem3A, %ne3A_67 : i32
    %and3A = arith.andi %ne3A, %ne3A_68 : i1
    %sub3A_69 = arith.constant 1 : i32
    %sub3A_70 = arith.subi %div3A, %sub3A_69 : i32
    %select_n3A = arith.select %and3A, %sub3A_70, %div3A : i32
    %broadcast_in_dim3A_71 = arith.constant 0 : i32
    %broadcast_in_dim3A_72 = vector.broadcast %broadcast_in_dim3A_71 : i32 to vector<16xi32>
    %swap3A = arith.constant 0 : index
    %swap3A_73 = tpu.vector_load %arg12[%swap3A] {strides = array<i32>} : memref<512xi32, #tpu.memory_space<vmem>>, vector<16xi32>,
    tpu.vector_store %arg12[%swap3A], %broadcast_in_dim3A_72 {strides = array<i32>} : memref<512xi32, #tpu.memory_space<vmem>>, vector<16xi32>,
    %broadcast_in_dim3A_74 = arith.constant 0 : i32
    %broadcast_in_dim3A_75 = vector.broadcast %broadcast_in_dim3A_74 : i32 to vector<16xi32>
    %swap3A_76 = arith.constant 16 : index
    %swap3A_77 = tpu.vector_load %arg12[%swap3A_76] {strides = array<i32>} : memref<512xi32, #tpu.memory_space<vmem>>, vector<16xi32>,
    tpu.vector_store %arg12[%swap3A_76], %broadcast_in_dim3A_75 {strides = array<i32>} : memref<512xi32, #tpu.memory_space<vmem>>, vector<16xi32>,
    %broadcast_in_dim3A_78 = arith.constant 0 : i32
    %broadcast_in_dim3A_79 = vector.broadcast %broadcast_in_dim3A_78 : i32 to vector<16xi32>
    %swap3A_80 = arith.constant 32 : index
    %swap3A_81 = tpu.vector_load %arg12[%swap3A_80] {strides = array<i32>} : memref<512xi32, #tpu.memory_space<vmem>>, vector<16xi32>,
    tpu.vector_store %arg12[%swap3A_80], %broadcast_in_dim3A_79 {strides = array<i32>} : memref<512xi32, #tpu.memory_space<vmem>>, vector<16xi32>,
    %broadcast_in_dim3A_82 = arith.constant 0 : i32
    %broadcast_in_dim3A_83 = vector.broadcast %broadcast_in_dim3A_82 : i32 to vector<16xi32>
    %swap3A_84 = arith.constant 48 : index
    %swap3A_85 = tpu.vector_load %arg12[%swap3A_84] {strides = array<i32>} : memref<512xi32, #tpu.memory_space<vmem>>, vector<16xi32>,
    tpu.vector_store %arg12[%swap3A_84], %broadcast_in_dim3A_83 {strides = array<i32>} : memref<512xi32, #tpu.memory_space<vmem>>, vector<16xi32>,
    %broadcast_in_dim3A_86 = arith.constant 0 : i32
    %broadcast_in_dim3A_87 = vector.broadcast %broadcast_in_dim3A_86 : i32 to vector<16xi32>
    %swap3A_88 = arith.constant 64 : index
    %swap3A_89 = tpu.vector_load %arg12[%swap3A_88] {strides = array<i32>} : memref<512xi32, #tpu.memory_space<vmem>>, vector<16xi32>,
    tpu.vector_store %arg12[%swap3A_88], %broadcast_in_dim3A_87 {strides = array<i32>} : memref<512xi32, #tpu.memory_space<vmem>>, vector<16xi32>,
    %broadcast_in_dim3A_90 = arith.constant 0 : i32
    %broadcast_in_dim3A_91 = vector.broadcast %broadcast_in_dim3A_90 : i32 to vector<16xi32>
    %swap3A_92 = arith.constant 80 : index
    %swap3A_93 = tpu.vector_load %arg12[%swap3A_92] {strides = array<i32>} : memref<512xi32, #tpu.memory_space<vmem>>, vector<16xi32>,
    tpu.vector_store %arg12[%swap3A_92], %broadcast_in_dim3A_91 {strides = array<i32>} : memref<512xi32, #tpu.memory_space<vmem>>, vector<16xi32>,
    %broadcast_in_dim3A_94 = arith.constant 0 : i32
    %broadcast_in_dim3A_95 = vector.broadcast %broadcast_in_dim3A_94 : i32 to vector<16xi32>
    %swap3A_96 = arith.constant 96 : index
    %swap3A_97 = tpu.vector_load %arg12[%swap3A_96] {strides = array<i32>} : memref<512xi32, #tpu.memory_space<vmem>>, vector<16xi32>,
    tpu.vector_store %arg12[%swap3A_96], %broadcast_in_dim3A_95 {strides = array<i32>} : memref<512xi32, #tpu.memory_space<vmem>>, vector<16xi32>,
    %broadcast_in_dim3A_98 = arith.constant 0 : i32
    %broadcast_in_dim3A_99 = vector.broadcast %broadcast_in_dim3A_98 : i32 to vector<16xi32>
    %swap3A_100 = arith.constant 112 : index
    %swap3A_101 = tpu.vector_load %arg12[%swap3A_100] {strides = array<i32>} : memref<512xi32, #tpu.memory_space<vmem>>, vector<16xi32>,
    tpu.vector_store %arg12[%swap3A_100], %broadcast_in_dim3A_99 {strides = array<i32>} : memref<512xi32, #tpu.memory_space<vmem>>, vector<16xi32>,
    %broadcast_in_dim3A_102 = arith.constant 0 : i32
    %broadcast_in_dim3A_103 = vector.broadcast %broadcast_in_dim3A_102 : i32 to vector<16xi32>
    %swap3A_104 = arith.constant 128 : index
    %swap3A_105 = tpu.vector_load %arg12[%swap3A_104] {strides = array<i32>} : memref<512xi32, #tpu.memory_space<vmem>>, vector<16xi32>,
    tpu.vector_store %arg12[%swap3A_104], %broadcast_in_dim3A_103 {strides = array<i32>} : memref<512xi32, #tpu.memory_space<vmem>>, vector<16xi32>,
    %broadcast_in_dim3A_106 = arith.constant 0 : i32
    %broadcast_in_dim3A_107 = vector.broadcast %broadcast_in_dim3A_106 : i32 to vector<16xi32>
    %swap3A_108 = arith.constant 144 : index
    %swap3A_109 = tpu.vector_load %arg12[%swap3A_108] {strides = array<i32>} : memref<512xi32, #tpu.memory_space<vmem>>, vector<16xi32>,
    tpu.vector_store %arg12[%swap3A_108], %broadcast_in_dim3A_107 {strides = array<i32>} : memref<512xi32, #tpu.memory_space<vmem>>, vector<16xi32>,
    %broadcast_in_dim3A_110 = arith.constant 0 : i32
    %broadcast_in_dim3A_111 = vector.broadcast %broadcast_in_dim3A_110 : i32 to vector<16xi32>
    %swap3A_112 = arith.constant 160 : index
    %swap3A_113 = tpu.vector_load %arg12[%swap3A_112] {strides = array<i32>} : memref<512xi32, #tpu.memory_space<vmem>>, vector<16xi32>,
    tpu.vector_store %arg12[%swap3A_112], %broadcast_in_dim3A_111 {strides = array<i32>} : memref<512xi32, #tpu.memory_space<vmem>>, vector<16xi32>,
    %broadcast_in_dim3A_114 = arith.constant 0 : i32
    %broadcast_in_dim3A_115 = vector.broadcast %broadcast_in_dim3A_114 : i32 to vector<16xi32>
    %swap3A_116 = arith.constant 176 : index
    %swap3A_117 = tpu.vector_load %arg12[%swap3A_116] {strides = array<i32>} : memref<512xi32, #tpu.memory_space<vmem>>, vector<16xi32>,
    tpu.vector_store %arg12[%swap3A_116], %broadcast_in_dim3A_115 {strides = array<i32>} : memref<512xi32, #tpu.memory_space<vmem>>, vector<16xi32>,
    %broadcast_in_dim3A_118 = arith.constant 0 : i32
    %broadcast_in_dim3A_119 = vector.broadcast %broadcast_in_dim3A_118 : i32 to vector<16xi32>
    %swap3A_120 = arith.constant 192 : index
    %swap3A_121 = tpu.vector_load %arg12[%swap3A_120] {strides = array<i32>} : memref<512xi32, #tpu.memory_space<vmem>>, vector<16xi32>,
    tpu.vector_store %arg12[%swap3A_120], %broadcast_in_dim3A_119 {strides = array<i32>} : memref<512xi32, #tpu.memory_space<vmem>>, vector<16xi32>,
    %broadcast_in_dim3A_122 = arith.constant 0 : i32
    %broadcast_in_dim3A_123 = vector.broadcast %broadcast_in_dim3A_122 : i32 to vector<16xi32>
    %swap3A_124 = arith.constant 208 : index
    %swap3A_125 = tpu.vector_load %arg12[%swap3A_124] {strides = array<i32>} : memref<512xi32, #tpu.memory_space<vmem>>, vector<16xi32>,
    tpu.vector_store %arg12[%swap3A_124], %broadcast_in_dim3A_123 {strides = array<i32>} : memref<512xi32, #tpu.memory_space<vmem>>, vector<16xi32>,
    %broadcast_in_dim3A_126 = arith.constant 0 : i32
    %broadcast_in_dim3A_127 = vector.broadcast %broadcast_in_dim3A_126 : i32 to vector<16xi32>
    %swap3A_128 = arith.constant 224 : index
    %swap3A_129 = tpu.vector_load %arg12[%swap3A_128] {strides = array<i32>} : memref<512xi32, #tpu.memory_space<vmem>>, vector<16xi32>,
    tpu.vector_store %arg12[%swap3A_128], %broadcast_in_dim3A_127 {strides = array<i32>} : memref<512xi32, #tpu.memory_space<vmem>>, vector<16xi32>,
    %broadcast_in_dim3A_130 = arith.constant 0 : i32
    %broadcast_in_dim3A_131 = vector.broadcast %broadcast_in_dim3A_130 : i32 to vector<16xi32>
    %swap3A_132 = arith.constant 240 : index
    %swap3A_133 = tpu.vector_load %arg12[%swap3A_132] {strides = array<i32>} : memref<512xi32, #tpu.memory_space<vmem>>, vector<16xi32>,
    tpu.vector_store %arg12[%swap3A_132], %broadcast_in_dim3A_131 {strides = array<i32>} : memref<512xi32, #tpu.memory_space<vmem>>, vector<16xi32>,
    %broadcast_in_dim3A_134 = arith.constant 0 : i32
    %broadcast_in_dim3A_135 = vector.broadcast %broadcast_in_dim3A_134 : i32 to vector<16xi32>
    %swap3A_136 = arith.constant 256 : index
    %swap3A_137 = tpu.vector_load %arg12[%swap3A_136] {strides = array<i32>} : memref<512xi32, #tpu.memory_space<vmem>>, vector<16xi32>,
    tpu.vector_store %arg12[%swap3A_136], %broadcast_in_dim3A_135 {strides = array<i32>} : memref<512xi32, #tpu.memory_space<vmem>>, vector<16xi32>,
    %broadcast_in_dim3A_138 = arith.constant 0 : i32
    %broadcast_in_dim3A_139 = vector.broadcast %broadcast_in_dim3A_138 : i32 to vector<16xi32>
    %swap3A_140 = arith.constant 272 : index
    %swap3A_141 = tpu.vector_load %arg12[%swap3A_140] {strides = array<i32>} : memref<512xi32, #tpu.memory_space<vmem>>, vector<16xi32>,
    tpu.vector_store %arg12[%swap3A_140], %broadcast_in_dim3A_139 {strides = array<i32>} : memref<512xi32, #tpu.memory_space<vmem>>, vector<16xi32>,
    %broadcast_in_dim3A_142 = arith.constant 0 : i32
    %broadcast_in_dim3A_143 = vector.broadcast %broadcast_in_dim3A_142 : i32 to vector<16xi32>
    %swap3A_144 = arith.constant 288 : index
    %swap3A_145 = tpu.vector_load %arg12[%swap3A_144] {strides = array<i32>} : memref<512xi32, #tpu.memory_space<vmem>>, vector<16xi32>,
    tpu.vector_store %arg12[%swap3A_144], %broadcast_in_dim3A_143 {strides = array<i32>} : memref<512xi32, #tpu.memory_space<vmem>>, vector<16xi32>,
    %broadcast_in_dim3A_146 = arith.constant 0 : i32
    %broadcast_in_dim3A_147 = vector.broadcast %broadcast_in_dim3A_146 : i32 to vector<16xi32>
    %swap3A_148 = arith.constant 304 : index
    %swap3A_149 = tpu.vector_load %arg12[%swap3A_148] {strides = array<i32>} : memref<512xi32, #tpu.memory_space<vmem>>, vector<16xi32>,
    tpu.vector_store %arg12[%swap3A_148], %broadcast_in_dim3A_147 {strides = array<i32>} : memref<512xi32, #tpu.memory_space<vmem>>, vector<16xi32>,
    %broadcast_in_dim3A_150 = arith.constant 0 : i32
    %broadcast_in_dim3A_151 = vector.broadcast %broadcast_in_dim3A_150 : i32 to vector<16xi32>
    %swap3A_152 = arith.constant 320 : index
    %swap3A_153 = tpu.vector_load %arg12[%swap3A_152] {strides = array<i32>} : memref<512xi32, #tpu.memory_space<vmem>>, vector<16xi32>,
    tpu.vector_store %arg12[%swap3A_152], %broadcast_in_dim3A_151 {strides = array<i32>} : memref<512xi32, #tpu.memory_space<vmem>>, vector<16xi32>,
    %broadcast_in_dim3A_154 = arith.constant 0 : i32
    %broadcast_in_dim3A_155 = vector.broadcast %broadcast_in_dim3A_154 : i32 to vector<16xi32>
    %swap3A_156 = arith.constant 336 : index
    %swap3A_157 = tpu.vector_load %arg12[%swap3A_156] {strides = array<i32>} : memref<512xi32, #tpu.memory_space<vmem>>, vector<16xi32>,
    tpu.vector_store %arg12[%swap3A_156], %broadcast_in_dim3A_155 {strides = array<i32>} : memref<512xi32, #tpu.memory_space<vmem>>, vector<16xi32>,
    %broadcast_in_dim3A_158 = arith.constant 0 : i32
    %broadcast_in_dim3A_159 = vector.broadcast %broadcast_in_dim3A_158 : i32 to vector<16xi32>
    %swap3A_160 = arith.constant 352 : index
    %swap3A_161 = tpu.vector_load %arg12[%swap3A_160] {strides = array<i32>} : memref<512xi32, #tpu.memory_space<vmem>>, vector<16xi32>,
    tpu.vector_store %arg12[%swap3A_160], %broadcast_in_dim3A_159 {strides = array<i32>} : memref<512xi32, #tpu.memory_space<vmem>>, vector<16xi32>,
    %broadcast_in_dim3A_162 = arith.constant 0 : i32
    %broadcast_in_dim3A_163 = vector.broadcast %broadcast_in_dim3A_162 : i32 to vector<16xi32>
    %swap3A_164 = arith.constant 368 : index
    %swap3A_165 = tpu.vector_load %arg12[%swap3A_164] {strides = array<i32>} : memref<512xi32, #tpu.memory_space<vmem>>, vector<16xi32>,
    tpu.vector_store %arg12[%swap3A_164], %broadcast_in_dim3A_163 {strides = array<i32>} : memref<512xi32, #tpu.memory_space<vmem>>, vector<16xi32>,
    %broadcast_in_dim3A_166 = arith.constant 0 : i32
    %broadcast_in_dim3A_167 = vector.broadcast %broadcast_in_dim3A_166 : i32 to vector<16xi32>
    %swap3A_168 = arith.constant 384 : index
    %swap3A_169 = tpu.vector_load %arg12[%swap3A_168] {strides = array<i32>} : memref<512xi32, #tpu.memory_space<vmem>>, vector<16xi32>,
    tpu.vector_store %arg12[%swap3A_168], %broadcast_in_dim3A_167 {strides = array<i32>} : memref<512xi32, #tpu.memory_space<vmem>>, vector<16xi32>,
    %broadcast_in_dim3A_170 = arith.constant 0 : i32
    %broadcast_in_dim3A_171 = vector.broadcast %broadcast_in_dim3A_170 : i32 to vector<16xi32>
    %swap3A_172 = arith.constant 400 : index
    %swap3A_173 = tpu.vector_load %arg12[%swap3A_172] {strides = array<i32>} : memref<512xi32, #tpu.memory_space<vmem>>, vector<16xi32>,
    tpu.vector_store %arg12[%swap3A_172], %broadcast_in_dim3A_171 {strides = array<i32>} : memref<512xi32, #tpu.memory_space<vmem>>, vector<16xi32>,
    %broadcast_in_dim3A_174 = arith.constant 0 : i32
    %broadcast_in_dim3A_175 = vector.broadcast %broadcast_in_dim3A_174 : i32 to vector<16xi32>
    %swap3A_176 = arith.constant 416 : index
    %swap3A_177 = tpu.vector_load %arg12[%swap3A_176] {strides = array<i32>} : memref<512xi32, #tpu.memory_space<vmem>>, vector<16xi32>,
    tpu.vector_store %arg12[%swap3A_176], %broadcast_in_dim3A_175 {strides = array<i32>} : memref<512xi32, #tpu.memory_space<vmem>>, vector<16xi32>,
    %broadcast_in_dim3A_178 = arith.constant 0 : i32
    %broadcast_in_dim3A_179 = vector.broadcast %broadcast_in_dim3A_178 : i32 to vector<16xi32>
    %swap3A_180 = arith.constant 432 : index
    %swap3A_181 = tpu.vector_load %arg12[%swap3A_180] {strides = array<i32>} : memref<512xi32, #tpu.memory_space<vmem>>, vector<16xi32>,
    tpu.vector_store %arg12[%swap3A_180], %broadcast_in_dim3A_179 {strides = array<i32>} : memref<512xi32, #tpu.memory_space<vmem>>, vector<16xi32>,
    %broadcast_in_dim3A_182 = arith.constant 0 : i32
    %broadcast_in_dim3A_183 = vector.broadcast %broadcast_in_dim3A_182 : i32 to vector<16xi32>
    %swap3A_184 = arith.constant 448 : index
    %swap3A_185 = tpu.vector_load %arg12[%swap3A_184] {strides = array<i32>} : memref<512xi32, #tpu.memory_space<vmem>>, vector<16xi32>,
    tpu.vector_store %arg12[%swap3A_184], %broadcast_in_dim3A_183 {strides = array<i32>} : memref<512xi32, #tpu.memory_space<vmem>>, vector<16xi32>,
    %broadcast_in_dim3A_186 = arith.constant 0 : i32
    %broadcast_in_dim3A_187 = vector.broadcast %broadcast_in_dim3A_186 : i32 to vector<16xi32>
    %swap3A_188 = arith.constant 464 : index
    %swap3A_189 = tpu.vector_load %arg12[%swap3A_188] {strides = array<i32>} : memref<512xi32, #tpu.memory_space<vmem>>, vector<16xi32>,
    tpu.vector_store %arg12[%swap3A_188], %broadcast_in_dim3A_187 {strides = array<i32>} : memref<512xi32, #tpu.memory_space<vmem>>, vector<16xi32>,
    %broadcast_in_dim3A_190 = arith.constant 0 : i32
    %broadcast_in_dim3A_191 = vector.broadcast %broadcast_in_dim3A_190 : i32 to vector<16xi32>
    %swap3A_192 = arith.constant 480 : index
    %swap3A_193 = tpu.vector_load %arg12[%swap3A_192] {strides = array<i32>} : memref<512xi32, #tpu.memory_space<vmem>>, vector<16xi32>,
    tpu.vector_store %arg12[%swap3A_192], %broadcast_in_dim3A_191 {strides = array<i32>} : memref<512xi32, #tpu.memory_space<vmem>>, vector<16xi32>,
    %broadcast_in_dim3A_194 = arith.constant 0 : i32
    %broadcast_in_dim3A_195 = vector.broadcast %broadcast_in_dim3A_194 : i32 to vector<16xi32>
    %swap3A_196 = arith.constant 496 : index
    %swap3A_197 = tpu.vector_load %arg12[%swap3A_196] {strides = array<i32>} : memref<512xi32, #tpu.memory_space<vmem>>, vector<16xi32>,
    tpu.vector_store %arg12[%swap3A_196], %broadcast_in_dim3A_195 {strides = array<i32>} : memref<512xi32, #tpu.memory_space<vmem>>, vector<16xi32>,
    %while3A = arith.constant 0 : i32
    %while3A_198 = arith.constant 0 : i32
    %while3A_199 = arith.subi %select_n3A, %while3A_198 : i32
    %while3A_200 = arith.addi %while3A_198, %while3A_199 : i32
    %while3A_201 = arith.constant 1 : i32
    %while3A_202 = arith.divsi %while3A_199, %while3A_201 : i32
    %while3A_203 = arith.muli %while3A_202, %while3A_201 : i32
    %while3A_204 = arith.addi %while3A_198, %while3A_203 : i32
    %while3A_205 = arith.constant 1 : i32
    scf.for %while3A_735 = %while3A_198 to %while3A_204 step %while3A_205  : i32 {
      %mul3A_736 = arith.constant 16 : i32
      %mul3A_737 = arith.muli %while3A_735, %mul3A_736 : i32
      %get3A_738 = arith.index_cast %mul3A_737 : i32 to index
      %get3A_739 = tpu.vector_load %arg8[%get3A_738] {strides = array<i32>} : memref<3600xi32, #tpu.memory_space<vmem>>, vector<16xi32>,
      %mul3A_740 = arith.constant 16 : i32
      %mul3A_741 = arith.muli %while3A_735, %mul3A_740 : i32
      %get3A_742 = arith.index_cast %mul3A_741 : i32 to index
      %get3A_743 = tpu.vector_load %arg9[%get3A_742] {strides = array<i32>} : memref<3600xi32, #tpu.memory_space<vmem>>, vector<16xi32>,
      %broadcast_in_dim3A_744 = arith.constant 7 : i32
      %broadcast_in_dim3A_745 = vector.broadcast %broadcast_in_dim3A_744 : i32 to vector<16xi32>
      %shift_right_logical3A = arith.shrui %get3A_739, %broadcast_in_dim3A_745 : vector<16xi32>
      %broadcast_in_dim3A_746 = arith.constant 5 : i32
      %broadcast_in_dim3A_747 = vector.broadcast %broadcast_in_dim3A_746 : i32 to vector<16xi32>
      %shift_right_logical3A_748 = arith.shrui %shift_right_logical3A, %broadcast_in_dim3A_747 : vector<16xi32>
      %broadcast_in_dim3A_749 = arith.constant 14 : i32
      %broadcast_in_dim3A_750 = vector.broadcast %broadcast_in_dim3A_749 : i32 to vector<16xi32>
      %shift_right_logical3A_751 = arith.shrui %get3A_743, %broadcast_in_dim3A_750 : vector<16xi32>
      %min3A_752 = arith.minsi %shift_right_logical3A_751, %broadcast_in_dim3A_5 : vector<16xi32>
      %mul3A_753 = arith.constant 256 : i32
      %mul3A_754 = vector.broadcast %mul3A_753 : i32 to vector<16xi32>
      %mul3A_755 = arith.muli %min3A_752, %mul3A_754 : vector<16xi32>
      %add3A_756 = arith.addi %mul3A_755, %shift_right_logical3A_748 : vector<16xi32>
      %eq3A = arith.constant 0 : i32
      %eq3A_757 = vector.broadcast %eq3A : i32 to vector<16xi32>
      %eq3A_758 = arith.cmpi eq, %iota3A, %eq3A_757 : vector<16xi32>
      tpu.vector_store_idx %arg12[%add3A_756], %broadcast_in_dim3A_5 masked %eq3A_758 {add = true} : memref<512xi32, #tpu.memory_space<vmem>>[vector<16xi32>], vector<16xi32>, vector<16xi1>
      %eq3A_759 = arith.constant 1 : i32
      %eq3A_760 = vector.broadcast %eq3A_759 : i32 to vector<16xi32>
      %eq3A_761 = arith.cmpi eq, %iota3A, %eq3A_760 : vector<16xi32>
      tpu.vector_store_idx %arg12[%add3A_756], %broadcast_in_dim3A_5 masked %eq3A_761 {add = true} : memref<512xi32, #tpu.memory_space<vmem>>[vector<16xi32>], vector<16xi32>, vector<16xi1>
      %eq3A_762 = arith.constant 2 : i32
      %eq3A_763 = vector.broadcast %eq3A_762 : i32 to vector<16xi32>
      %eq3A_764 = arith.cmpi eq, %iota3A, %eq3A_763 : vector<16xi32>
      tpu.vector_store_idx %arg12[%add3A_756], %broadcast_in_dim3A_5 masked %eq3A_764 {add = true} : memref<512xi32, #tpu.memory_space<vmem>>[vector<16xi32>], vector<16xi32>, vector<16xi1>
      %eq3A_765 = arith.constant 3 : i32
      %eq3A_766 = vector.broadcast %eq3A_765 : i32 to vector<16xi32>
      %eq3A_767 = arith.cmpi eq, %iota3A, %eq3A_766 : vector<16xi32>
      tpu.vector_store_idx %arg12[%add3A_756], %broadcast_in_dim3A_5 masked %eq3A_767 {add = true} : memref<512xi32, #tpu.memory_space<vmem>>[vector<16xi32>], vector<16xi32>, vector<16xi1>
      %eq3A_768 = arith.constant 4 : i32
      %eq3A_769 = vector.broadcast %eq3A_768 : i32 to vector<16xi32>
      %eq3A_770 = arith.cmpi eq, %iota3A, %eq3A_769 : vector<16xi32>
      tpu.vector_store_idx %arg12[%add3A_756], %broadcast_in_dim3A_5 masked %eq3A_770 {add = true} : memref<512xi32, #tpu.memory_space<vmem>>[vector<16xi32>], vector<16xi32>, vector<16xi1>
      %eq3A_771 = arith.constant 5 : i32
      %eq3A_772 = vector.broadcast %eq3A_771 : i32 to vector<16xi32>
      %eq3A_773 = arith.cmpi eq, %iota3A, %eq3A_772 : vector<16xi32>
      tpu.vector_store_idx %arg12[%add3A_756], %broadcast_in_dim3A_5 masked %eq3A_773 {add = true} : memref<512xi32, #tpu.memory_space<vmem>>[vector<16xi32>], vector<16xi32>, vector<16xi1>
      %eq3A_774 = arith.constant 6 : i32
      %eq3A_775 = vector.broadcast %eq3A_774 : i32 to vector<16xi32>
      %eq3A_776 = arith.cmpi eq, %iota3A, %eq3A_775 : vector<16xi32>
      tpu.vector_store_idx %arg12[%add3A_756], %broadcast_in_dim3A_5 masked %eq3A_776 {add = true} : memref<512xi32, #tpu.memory_space<vmem>>[vector<16xi32>], vector<16xi32>, vector<16xi1>
      %eq3A_777 = arith.constant 7 : i32
      %eq3A_778 = vector.broadcast %eq3A_777 : i32 to vector<16xi32>
      %eq3A_779 = arith.cmpi eq, %iota3A, %eq3A_778 : vector<16xi32>
      tpu.vector_store_idx %arg12[%add3A_756], %broadcast_in_dim3A_5 masked %eq3A_779 {add = true} : memref<512xi32, #tpu.memory_space<vmem>>[vector<16xi32>], vector<16xi32>, vector<16xi1>
      %eq3A_780 = arith.constant 8 : i32
      %eq3A_781 = vector.broadcast %eq3A_780 : i32 to vector<16xi32>
      %eq3A_782 = arith.cmpi eq, %iota3A, %eq3A_781 : vector<16xi32>
      tpu.vector_store_idx %arg12[%add3A_756], %broadcast_in_dim3A_5 masked %eq3A_782 {add = true} : memref<512xi32, #tpu.memory_space<vmem>>[vector<16xi32>], vector<16xi32>, vector<16xi1>
      %eq3A_783 = arith.constant 9 : i32
      %eq3A_784 = vector.broadcast %eq3A_783 : i32 to vector<16xi32>
      %eq3A_785 = arith.cmpi eq, %iota3A, %eq3A_784 : vector<16xi32>
      tpu.vector_store_idx %arg12[%add3A_756], %broadcast_in_dim3A_5 masked %eq3A_785 {add = true} : memref<512xi32, #tpu.memory_space<vmem>>[vector<16xi32>], vector<16xi32>, vector<16xi1>
      %eq3A_786 = arith.constant 10 : i32
      %eq3A_787 = vector.broadcast %eq3A_786 : i32 to vector<16xi32>
      %eq3A_788 = arith.cmpi eq, %iota3A, %eq3A_787 : vector<16xi32>
      tpu.vector_store_idx %arg12[%add3A_756], %broadcast_in_dim3A_5 masked %eq3A_788 {add = true} : memref<512xi32, #tpu.memory_space<vmem>>[vector<16xi32>], vector<16xi32>, vector<16xi1>
      %eq3A_789 = arith.constant 11 : i32
      %eq3A_790 = vector.broadcast %eq3A_789 : i32 to vector<16xi32>
      %eq3A_791 = arith.cmpi eq, %iota3A, %eq3A_790 : vector<16xi32>
      tpu.vector_store_idx %arg12[%add3A_756], %broadcast_in_dim3A_5 masked %eq3A_791 {add = true} : memref<512xi32, #tpu.memory_space<vmem>>[vector<16xi32>], vector<16xi32>, vector<16xi1>
      %eq3A_792 = arith.constant 12 : i32
      %eq3A_793 = vector.broadcast %eq3A_792 : i32 to vector<16xi32>
      %eq3A_794 = arith.cmpi eq, %iota3A, %eq3A_793 : vector<16xi32>
      tpu.vector_store_idx %arg12[%add3A_756], %broadcast_in_dim3A_5 masked %eq3A_794 {add = true} : memref<512xi32, #tpu.memory_space<vmem>>[vector<16xi32>], vector<16xi32>, vector<16xi1>
      %eq3A_795 = arith.constant 13 : i32
      %eq3A_796 = vector.broadcast %eq3A_795 : i32 to vector<16xi32>
      %eq3A_797 = arith.cmpi eq, %iota3A, %eq3A_796 : vector<16xi32>
      tpu.vector_store_idx %arg12[%add3A_756], %broadcast_in_dim3A_5 masked %eq3A_797 {add = true} : memref<512xi32, #tpu.memory_space<vmem>>[vector<16xi32>], vector<16xi32>, vector<16xi1>
      %eq3A_798 = arith.constant 14 : i32
      %eq3A_799 = vector.broadcast %eq3A_798 : i32 to vector<16xi32>
      %eq3A_800 = arith.cmpi eq, %iota3A, %eq3A_799 : vector<16xi32>
      tpu.vector_store_idx %arg12[%add3A_756], %broadcast_in_dim3A_5 masked %eq3A_800 {add = true} : memref<512xi32, #tpu.memory_space<vmem>>[vector<16xi32>], vector<16xi32>, vector<16xi1>
      %eq3A_801 = arith.constant 15 : i32
      %eq3A_802 = vector.broadcast %eq3A_801 : i32 to vector<16xi32>
      %eq3A_803 = arith.cmpi eq, %iota3A, %eq3A_802 : vector<16xi32>
      tpu.vector_store_idx %arg12[%add3A_756], %broadcast_in_dim3A_5 masked %eq3A_803 {add = true} : memref<512xi32, #tpu.memory_space<vmem>>[vector<16xi32>], vector<16xi32>, vector<16xi1>
    }
    %while3A_206 = arith.constant 1 : i32
    scf.for %while3A_735 = %while3A_204 to %while3A_200 step %while3A_206  : i32 {
      %mul3A_736 = arith.constant 16 : i32
      %mul3A_737 = arith.muli %while3A_735, %mul3A_736 : i32
      %get3A_738 = arith.index_cast %mul3A_737 : i32 to index
      %get3A_739 = tpu.vector_load %arg8[%get3A_738] {strides = array<i32>} : memref<3600xi32, #tpu.memory_space<vmem>>, vector<16xi32>,
      %mul3A_740 = arith.constant 16 : i32
      %mul3A_741 = arith.muli %while3A_735, %mul3A_740 : i32
      %get3A_742 = arith.index_cast %mul3A_741 : i32 to index
      %get3A_743 = tpu.vector_load %arg9[%get3A_742] {strides = array<i32>} : memref<3600xi32, #tpu.memory_space<vmem>>, vector<16xi32>,
      %broadcast_in_dim3A_744 = arith.constant 7 : i32
      %broadcast_in_dim3A_745 = vector.broadcast %broadcast_in_dim3A_744 : i32 to vector<16xi32>
      %shift_right_logical3A = arith.shrui %get3A_739, %broadcast_in_dim3A_745 : vector<16xi32>
      %broadcast_in_dim3A_746 = arith.constant 5 : i32
      %broadcast_in_dim3A_747 = vector.broadcast %broadcast_in_dim3A_746 : i32 to vector<16xi32>
      %shift_right_logical3A_748 = arith.shrui %shift_right_logical3A, %broadcast_in_dim3A_747 : vector<16xi32>
      %broadcast_in_dim3A_749 = arith.constant 14 : i32
      %broadcast_in_dim3A_750 = vector.broadcast %broadcast_in_dim3A_749 : i32 to vector<16xi32>
      %shift_right_logical3A_751 = arith.shrui %get3A_743, %broadcast_in_dim3A_750 : vector<16xi32>
      %min3A_752 = arith.minsi %shift_right_logical3A_751, %broadcast_in_dim3A_5 : vector<16xi32>
      %mul3A_753 = arith.constant 256 : i32
      %mul3A_754 = vector.broadcast %mul3A_753 : i32 to vector<16xi32>
      %mul3A_755 = arith.muli %min3A_752, %mul3A_754 : vector<16xi32>
      %add3A_756 = arith.addi %mul3A_755, %shift_right_logical3A_748 : vector<16xi32>
      %eq3A = arith.constant 0 : i32
      %eq3A_757 = vector.broadcast %eq3A : i32 to vector<16xi32>
      %eq3A_758 = arith.cmpi eq, %iota3A, %eq3A_757 : vector<16xi32>
      tpu.vector_store_idx %arg12[%add3A_756], %broadcast_in_dim3A_5 masked %eq3A_758 {add = true} : memref<512xi32, #tpu.memory_space<vmem>>[vector<16xi32>], vector<16xi32>, vector<16xi1>
      %eq3A_759 = arith.constant 1 : i32
      %eq3A_760 = vector.broadcast %eq3A_759 : i32 to vector<16xi32>
      %eq3A_761 = arith.cmpi eq, %iota3A, %eq3A_760 : vector<16xi32>
      tpu.vector_store_idx %arg12[%add3A_756], %broadcast_in_dim3A_5 masked %eq3A_761 {add = true} : memref<512xi32, #tpu.memory_space<vmem>>[vector<16xi32>], vector<16xi32>, vector<16xi1>
      %eq3A_762 = arith.constant 2 : i32
      %eq3A_763 = vector.broadcast %eq3A_762 : i32 to vector<16xi32>
      %eq3A_764 = arith.cmpi eq, %iota3A, %eq3A_763 : vector<16xi32>
      tpu.vector_store_idx %arg12[%add3A_756], %broadcast_in_dim3A_5 masked %eq3A_764 {add = true} : memref<512xi32, #tpu.memory_space<vmem>>[vector<16xi32>], vector<16xi32>, vector<16xi1>
      %eq3A_765 = arith.constant 3 : i32
      %eq3A_766 = vector.broadcast %eq3A_765 : i32 to vector<16xi32>
      %eq3A_767 = arith.cmpi eq, %iota3A, %eq3A_766 : vector<16xi32>
      tpu.vector_store_idx %arg12[%add3A_756], %broadcast_in_dim3A_5 masked %eq3A_767 {add = true} : memref<512xi32, #tpu.memory_space<vmem>>[vector<16xi32>], vector<16xi32>, vector<16xi1>
      %eq3A_768 = arith.constant 4 : i32
      %eq3A_769 = vector.broadcast %eq3A_768 : i32 to vector<16xi32>
      %eq3A_770 = arith.cmpi eq, %iota3A, %eq3A_769 : vector<16xi32>
      tpu.vector_store_idx %arg12[%add3A_756], %broadcast_in_dim3A_5 masked %eq3A_770 {add = true} : memref<512xi32, #tpu.memory_space<vmem>>[vector<16xi32>], vector<16xi32>, vector<16xi1>
      %eq3A_771 = arith.constant 5 : i32
      %eq3A_772 = vector.broadcast %eq3A_771 : i32 to vector<16xi32>
      %eq3A_773 = arith.cmpi eq, %iota3A, %eq3A_772 : vector<16xi32>
      tpu.vector_store_idx %arg12[%add3A_756], %broadcast_in_dim3A_5 masked %eq3A_773 {add = true} : memref<512xi32, #tpu.memory_space<vmem>>[vector<16xi32>], vector<16xi32>, vector<16xi1>
      %eq3A_774 = arith.constant 6 : i32
      %eq3A_775 = vector.broadcast %eq3A_774 : i32 to vector<16xi32>
      %eq3A_776 = arith.cmpi eq, %iota3A, %eq3A_775 : vector<16xi32>
      tpu.vector_store_idx %arg12[%add3A_756], %broadcast_in_dim3A_5 masked %eq3A_776 {add = true} : memref<512xi32, #tpu.memory_space<vmem>>[vector<16xi32>], vector<16xi32>, vector<16xi1>
      %eq3A_777 = arith.constant 7 : i32
      %eq3A_778 = vector.broadcast %eq3A_777 : i32 to vector<16xi32>
      %eq3A_779 = arith.cmpi eq, %iota3A, %eq3A_778 : vector<16xi32>
      tpu.vector_store_idx %arg12[%add3A_756], %broadcast_in_dim3A_5 masked %eq3A_779 {add = true} : memref<512xi32, #tpu.memory_space<vmem>>[vector<16xi32>], vector<16xi32>, vector<16xi1>
      %eq3A_780 = arith.constant 8 : i32
      %eq3A_781 = vector.broadcast %eq3A_780 : i32 to vector<16xi32>
      %eq3A_782 = arith.cmpi eq, %iota3A, %eq3A_781 : vector<16xi32>
      tpu.vector_store_idx %arg12[%add3A_756], %broadcast_in_dim3A_5 masked %eq3A_782 {add = true} : memref<512xi32, #tpu.memory_space<vmem>>[vector<16xi32>], vector<16xi32>, vector<16xi1>
      %eq3A_783 = arith.constant 9 : i32
      %eq3A_784 = vector.broadcast %eq3A_783 : i32 to vector<16xi32>
      %eq3A_785 = arith.cmpi eq, %iota3A, %eq3A_784 : vector<16xi32>
      tpu.vector_store_idx %arg12[%add3A_756], %broadcast_in_dim3A_5 masked %eq3A_785 {add = true} : memref<512xi32, #tpu.memory_space<vmem>>[vector<16xi32>], vector<16xi32>, vector<16xi1>
      %eq3A_786 = arith.constant 10 : i32
      %eq3A_787 = vector.broadcast %eq3A_786 : i32 to vector<16xi32>
      %eq3A_788 = arith.cmpi eq, %iota3A, %eq3A_787 : vector<16xi32>
      tpu.vector_store_idx %arg12[%add3A_756], %broadcast_in_dim3A_5 masked %eq3A_788 {add = true} : memref<512xi32, #tpu.memory_space<vmem>>[vector<16xi32>], vector<16xi32>, vector<16xi1>
      %eq3A_789 = arith.constant 11 : i32
      %eq3A_790 = vector.broadcast %eq3A_789 : i32 to vector<16xi32>
      %eq3A_791 = arith.cmpi eq, %iota3A, %eq3A_790 : vector<16xi32>
      tpu.vector_store_idx %arg12[%add3A_756], %broadcast_in_dim3A_5 masked %eq3A_791 {add = true} : memref<512xi32, #tpu.memory_space<vmem>>[vector<16xi32>], vector<16xi32>, vector<16xi1>
      %eq3A_792 = arith.constant 12 : i32
      %eq3A_793 = vector.broadcast %eq3A_792 : i32 to vector<16xi32>
      %eq3A_794 = arith.cmpi eq, %iota3A, %eq3A_793 : vector<16xi32>
      tpu.vector_store_idx %arg12[%add3A_756], %broadcast_in_dim3A_5 masked %eq3A_794 {add = true} : memref<512xi32, #tpu.memory_space<vmem>>[vector<16xi32>], vector<16xi32>, vector<16xi1>
      %eq3A_795 = arith.constant 13 : i32
      %eq3A_796 = vector.broadcast %eq3A_795 : i32 to vector<16xi32>
      %eq3A_797 = arith.cmpi eq, %iota3A, %eq3A_796 : vector<16xi32>
      tpu.vector_store_idx %arg12[%add3A_756], %broadcast_in_dim3A_5 masked %eq3A_797 {add = true} : memref<512xi32, #tpu.memory_space<vmem>>[vector<16xi32>], vector<16xi32>, vector<16xi1>
      %eq3A_798 = arith.constant 14 : i32
      %eq3A_799 = vector.broadcast %eq3A_798 : i32 to vector<16xi32>
      %eq3A_800 = arith.cmpi eq, %iota3A, %eq3A_799 : vector<16xi32>
      tpu.vector_store_idx %arg12[%add3A_756], %broadcast_in_dim3A_5 masked %eq3A_800 {add = true} : memref<512xi32, #tpu.memory_space<vmem>>[vector<16xi32>], vector<16xi32>, vector<16xi1>
      %eq3A_801 = arith.constant 15 : i32
      %eq3A_802 = vector.broadcast %eq3A_801 : i32 to vector<16xi32>
      %eq3A_803 = arith.cmpi eq, %iota3A, %eq3A_802 : vector<16xi32>
      tpu.vector_store_idx %arg12[%add3A_756], %broadcast_in_dim3A_5 masked %eq3A_803 {add = true} : memref<512xi32, #tpu.memory_space<vmem>>[vector<16xi32>], vector<16xi32>, vector<16xi1>
    }
    %get3A = arith.constant 0 : index
    %get3A_207 = tpu.vector_load %arg12[%get3A] {strides = array<i32>} : memref<512xi32, #tpu.memory_space<vmem>>, vector<16xi32>,
    %broadcast_in_dim3A_208 = arith.constant true
    %broadcast_in_dim3A_209 = vector.broadcast %broadcast_in_dim3A_208 : i1 to vector<16xi1>
    %masked_cumsum3A = tpu.scan <sum>, %get3A_207 masked %broadcast_in_dim3A_209 : vector<16xi32>, vector<16xi1> -> vector<16xi32>
    %sub3A_210 = arith.subi %masked_cumsum3A, %get3A_207 : vector<16xi32>
    %add3A_211 = arith.constant 0 : i32
    %add3A_212 = vector.broadcast %add3A_211 : i32 to vector<16xi32>
    %add3A_213 = arith.addi %sub3A_210, %add3A_212 : vector<16xi32>
    %swap3A_214 = arith.constant 0 : index
    %swap3A_215 = tpu.vector_load %arg13[%swap3A_214] {strides = array<i32>} : memref<512xi32, #tpu.memory_space<vmem>>, vector<16xi32>,
    tpu.vector_store %arg13[%swap3A_214], %add3A_213 {strides = array<i32>} : memref<512xi32, #tpu.memory_space<vmem>>, vector<16xi32>,
    %swap3A_216 = arith.constant 0 : index
    %swap3A_217 = tpu.vector_load %arg14[%swap3A_216] {strides = array<i32>} : memref<512xi32, #tpu.memory_space<vmem>>, vector<16xi32>,
    tpu.vector_store %arg14[%swap3A_216], %add3A_213 {strides = array<i32>} : memref<512xi32, #tpu.memory_space<vmem>>, vector<16xi32>,
    %slice3A = vector.extract_strided_slice %masked_cumsum3A {offsets = [15], sizes = [1], strides = [1]} : vector<16xi32> to vector<1xi32>
    %squeeze3A = vector.extract %slice3A[0] : i32 from vector<1xi32>
    %add3A_218 = arith.constant 0 : i32
    %add3A_219 = arith.addi %add3A_218, %squeeze3A : i32
    %get3A_220 = arith.constant 16 : index
    %get3A_221 = tpu.vector_load %arg12[%get3A_220] {strides = array<i32>} : memref<512xi32, #tpu.memory_space<vmem>>, vector<16xi32>,
    %broadcast_in_dim3A_222 = arith.constant true
    %broadcast_in_dim3A_223 = vector.broadcast %broadcast_in_dim3A_222 : i1 to vector<16xi1>
    %masked_cumsum3A_224 = tpu.scan <sum>, %get3A_221 masked %broadcast_in_dim3A_223 : vector<16xi32>, vector<16xi1> -> vector<16xi32>
    %sub3A_225 = arith.subi %masked_cumsum3A_224, %get3A_221 : vector<16xi32>
    %add3A_226 = vector.broadcast %add3A_219 : i32 to vector<16xi32>
    %add3A_227 = arith.addi %sub3A_225, %add3A_226 : vector<16xi32>
    %swap3A_228 = arith.constant 16 : index
    %swap3A_229 = tpu.vector_load %arg13[%swap3A_228] {strides = array<i32>} : memref<512xi32, #tpu.memory_space<vmem>>, vector<16xi32>,
    tpu.vector_store %arg13[%swap3A_228], %add3A_227 {strides = array<i32>} : memref<512xi32, #tpu.memory_space<vmem>>, vector<16xi32>,
    %swap3A_230 = arith.constant 16 : index
    %swap3A_231 = tpu.vector_load %arg14[%swap3A_230] {strides = array<i32>} : memref<512xi32, #tpu.memory_space<vmem>>, vector<16xi32>,
    tpu.vector_store %arg14[%swap3A_230], %add3A_227 {strides = array<i32>} : memref<512xi32, #tpu.memory_space<vmem>>, vector<16xi32>,
    %slice3A_232 = vector.extract_strided_slice %masked_cumsum3A_224 {offsets = [15], sizes = [1], strides = [1]} : vector<16xi32> to vector<1xi32>
    %squeeze3A_233 = vector.extract %slice3A_232[0] : i32 from vector<1xi32>
    %add3A_234 = arith.addi %add3A_219, %squeeze3A_233 : i32
    %get3A_235 = arith.constant 32 : index
    %get3A_236 = tpu.vector_load %arg12[%get3A_235] {strides = array<i32>} : memref<512xi32, #tpu.memory_space<vmem>>, vector<16xi32>,
    %broadcast_in_dim3A_237 = arith.constant true
    %broadcast_in_dim3A_238 = vector.broadcast %broadcast_in_dim3A_237 : i1 to vector<16xi1>
    %masked_cumsum3A_239 = tpu.scan <sum>, %get3A_236 masked %broadcast_in_dim3A_238 : vector<16xi32>, vector<16xi1> -> vector<16xi32>
    %sub3A_240 = arith.subi %masked_cumsum3A_239, %get3A_236 : vector<16xi32>
    %add3A_241 = vector.broadcast %add3A_234 : i32 to vector<16xi32>
    %add3A_242 = arith.addi %sub3A_240, %add3A_241 : vector<16xi32>
    %swap3A_243 = arith.constant 32 : index
    %swap3A_244 = tpu.vector_load %arg13[%swap3A_243] {strides = array<i32>} : memref<512xi32, #tpu.memory_space<vmem>>, vector<16xi32>,
    tpu.vector_store %arg13[%swap3A_243], %add3A_242 {strides = array<i32>} : memref<512xi32, #tpu.memory_space<vmem>>, vector<16xi32>,
    %swap3A_245 = arith.constant 32 : index
    %swap3A_246 = tpu.vector_load %arg14[%swap3A_245] {strides = array<i32>} : memref<512xi32, #tpu.memory_space<vmem>>, vector<16xi32>,
    tpu.vector_store %arg14[%swap3A_245], %add3A_242 {strides = array<i32>} : memref<512xi32, #tpu.memory_space<vmem>>, vector<16xi32>,
    %slice3A_247 = vector.extract_strided_slice %masked_cumsum3A_239 {offsets = [15], sizes = [1], strides = [1]} : vector<16xi32> to vector<1xi32>
    %squeeze3A_248 = vector.extract %slice3A_247[0] : i32 from vector<1xi32>
    %add3A_249 = arith.addi %add3A_234, %squeeze3A_248 : i32
    %get3A_250 = arith.constant 48 : index
    %get3A_251 = tpu.vector_load %arg12[%get3A_250] {strides = array<i32>} : memref<512xi32, #tpu.memory_space<vmem>>, vector<16xi32>,
    %broadcast_in_dim3A_252 = arith.constant true
    %broadcast_in_dim3A_253 = vector.broadcast %broadcast_in_dim3A_252 : i1 to vector<16xi1>
    %masked_cumsum3A_254 = tpu.scan <sum>, %get3A_251 masked %broadcast_in_dim3A_253 : vector<16xi32>, vector<16xi1> -> vector<16xi32>
    %sub3A_255 = arith.subi %masked_cumsum3A_254, %get3A_251 : vector<16xi32>
    %add3A_256 = vector.broadcast %add3A_249 : i32 to vector<16xi32>
    %add3A_257 = arith.addi %sub3A_255, %add3A_256 : vector<16xi32>
    %swap3A_258 = arith.constant 48 : index
    %swap3A_259 = tpu.vector_load %arg13[%swap3A_258] {strides = array<i32>} : memref<512xi32, #tpu.memory_space<vmem>>, vector<16xi32>,
    tpu.vector_store %arg13[%swap3A_258], %add3A_257 {strides = array<i32>} : memref<512xi32, #tpu.memory_space<vmem>>, vector<16xi32>,
    %swap3A_260 = arith.constant 48 : index
    %swap3A_261 = tpu.vector_load %arg14[%swap3A_260] {strides = array<i32>} : memref<512xi32, #tpu.memory_space<vmem>>, vector<16xi32>,
    tpu.vector_store %arg14[%swap3A_260], %add3A_257 {strides = array<i32>} : memref<512xi32, #tpu.memory_space<vmem>>, vector<16xi32>,
    %slice3A_262 = vector.extract_strided_slice %masked_cumsum3A_254 {offsets = [15], sizes = [1], strides = [1]} : vector<16xi32> to vector<1xi32>
    %squeeze3A_263 = vector.extract %slice3A_262[0] : i32 from vector<1xi32>
    %add3A_264 = arith.addi %add3A_249, %squeeze3A_263 : i32
    %get3A_265 = arith.constant 64 : index
    %get3A_266 = tpu.vector_load %arg12[%get3A_265] {strides = array<i32>} : memref<512xi32, #tpu.memory_space<vmem>>, vector<16xi32>,
    %broadcast_in_dim3A_267 = arith.constant true
    %broadcast_in_dim3A_268 = vector.broadcast %broadcast_in_dim3A_267 : i1 to vector<16xi1>
    %masked_cumsum3A_269 = tpu.scan <sum>, %get3A_266 masked %broadcast_in_dim3A_268 : vector<16xi32>, vector<16xi1> -> vector<16xi32>
    %sub3A_270 = arith.subi %masked_cumsum3A_269, %get3A_266 : vector<16xi32>
    %add3A_271 = vector.broadcast %add3A_264 : i32 to vector<16xi32>
    %add3A_272 = arith.addi %sub3A_270, %add3A_271 : vector<16xi32>
    %swap3A_273 = arith.constant 64 : index
    %swap3A_274 = tpu.vector_load %arg13[%swap3A_273] {strides = array<i32>} : memref<512xi32, #tpu.memory_space<vmem>>, vector<16xi32>,
    tpu.vector_store %arg13[%swap3A_273], %add3A_272 {strides = array<i32>} : memref<512xi32, #tpu.memory_space<vmem>>, vector<16xi32>,
    %swap3A_275 = arith.constant 64 : index
    %swap3A_276 = tpu.vector_load %arg14[%swap3A_275] {strides = array<i32>} : memref<512xi32, #tpu.memory_space<vmem>>, vector<16xi32>,
    tpu.vector_store %arg14[%swap3A_275], %add3A_272 {strides = array<i32>} : memref<512xi32, #tpu.memory_space<vmem>>, vector<16xi32>,
    %slice3A_277 = vector.extract_strided_slice %masked_cumsum3A_269 {offsets = [15], sizes = [1], strides = [1]} : vector<16xi32> to vector<1xi32>
    %squeeze3A_278 = vector.extract %slice3A_277[0] : i32 from vector<1xi32>
    %add3A_279 = arith.addi %add3A_264, %squeeze3A_278 : i32
    %get3A_280 = arith.constant 80 : index
    %get3A_281 = tpu.vector_load %arg12[%get3A_280] {strides = array<i32>} : memref<512xi32, #tpu.memory_space<vmem>>, vector<16xi32>,
    %broadcast_in_dim3A_282 = arith.constant true
    %broadcast_in_dim3A_283 = vector.broadcast %broadcast_in_dim3A_282 : i1 to vector<16xi1>
    %masked_cumsum3A_284 = tpu.scan <sum>, %get3A_281 masked %broadcast_in_dim3A_283 : vector<16xi32>, vector<16xi1> -> vector<16xi32>
    %sub3A_285 = arith.subi %masked_cumsum3A_284, %get3A_281 : vector<16xi32>
    %add3A_286 = vector.broadcast %add3A_279 : i32 to vector<16xi32>
    %add3A_287 = arith.addi %sub3A_285, %add3A_286 : vector<16xi32>
    %swap3A_288 = arith.constant 80 : index
    %swap3A_289 = tpu.vector_load %arg13[%swap3A_288] {strides = array<i32>} : memref<512xi32, #tpu.memory_space<vmem>>, vector<16xi32>,
    tpu.vector_store %arg13[%swap3A_288], %add3A_287 {strides = array<i32>} : memref<512xi32, #tpu.memory_space<vmem>>, vector<16xi32>,
    %swap3A_290 = arith.constant 80 : index
    %swap3A_291 = tpu.vector_load %arg14[%swap3A_290] {strides = array<i32>} : memref<512xi32, #tpu.memory_space<vmem>>, vector<16xi32>,
    tpu.vector_store %arg14[%swap3A_290], %add3A_287 {strides = array<i32>} : memref<512xi32, #tpu.memory_space<vmem>>, vector<16xi32>,
    %slice3A_292 = vector.extract_strided_slice %masked_cumsum3A_284 {offsets = [15], sizes = [1], strides = [1]} : vector<16xi32> to vector<1xi32>
    %squeeze3A_293 = vector.extract %slice3A_292[0] : i32 from vector<1xi32>
    %add3A_294 = arith.addi %add3A_279, %squeeze3A_293 : i32
    %get3A_295 = arith.constant 96 : index
    %get3A_296 = tpu.vector_load %arg12[%get3A_295] {strides = array<i32>} : memref<512xi32, #tpu.memory_space<vmem>>, vector<16xi32>,
    %broadcast_in_dim3A_297 = arith.constant true
    %broadcast_in_dim3A_298 = vector.broadcast %broadcast_in_dim3A_297 : i1 to vector<16xi1>
    %masked_cumsum3A_299 = tpu.scan <sum>, %get3A_296 masked %broadcast_in_dim3A_298 : vector<16xi32>, vector<16xi1> -> vector<16xi32>
    %sub3A_300 = arith.subi %masked_cumsum3A_299, %get3A_296 : vector<16xi32>
    %add3A_301 = vector.broadcast %add3A_294 : i32 to vector<16xi32>
    %add3A_302 = arith.addi %sub3A_300, %add3A_301 : vector<16xi32>
    %swap3A_303 = arith.constant 96 : index
    %swap3A_304 = tpu.vector_load %arg13[%swap3A_303] {strides = array<i32>} : memref<512xi32, #tpu.memory_space<vmem>>, vector<16xi32>,
    tpu.vector_store %arg13[%swap3A_303], %add3A_302 {strides = array<i32>} : memref<512xi32, #tpu.memory_space<vmem>>, vector<16xi32>,
    %swap3A_305 = arith.constant 96 : index
    %swap3A_306 = tpu.vector_load %arg14[%swap3A_305] {strides = array<i32>} : memref<512xi32, #tpu.memory_space<vmem>>, vector<16xi32>,
    tpu.vector_store %arg14[%swap3A_305], %add3A_302 {strides = array<i32>} : memref<512xi32, #tpu.memory_space<vmem>>, vector<16xi32>,
    %slice3A_307 = vector.extract_strided_slice %masked_cumsum3A_299 {offsets = [15], sizes = [1], strides = [1]} : vector<16xi32> to vector<1xi32>
    %squeeze3A_308 = vector.extract %slice3A_307[0] : i32 from vector<1xi32>
    %add3A_309 = arith.addi %add3A_294, %squeeze3A_308 : i32
    %get3A_310 = arith.constant 112 : index
    %get3A_311 = tpu.vector_load %arg12[%get3A_310] {strides = array<i32>} : memref<512xi32, #tpu.memory_space<vmem>>, vector<16xi32>,
    %broadcast_in_dim3A_312 = arith.constant true
    %broadcast_in_dim3A_313 = vector.broadcast %broadcast_in_dim3A_312 : i1 to vector<16xi1>
    %masked_cumsum3A_314 = tpu.scan <sum>, %get3A_311 masked %broadcast_in_dim3A_313 : vector<16xi32>, vector<16xi1> -> vector<16xi32>
    %sub3A_315 = arith.subi %masked_cumsum3A_314, %get3A_311 : vector<16xi32>
    %add3A_316 = vector.broadcast %add3A_309 : i32 to vector<16xi32>
    %add3A_317 = arith.addi %sub3A_315, %add3A_316 : vector<16xi32>
    %swap3A_318 = arith.constant 112 : index
    %swap3A_319 = tpu.vector_load %arg13[%swap3A_318] {strides = array<i32>} : memref<512xi32, #tpu.memory_space<vmem>>, vector<16xi32>,
    tpu.vector_store %arg13[%swap3A_318], %add3A_317 {strides = array<i32>} : memref<512xi32, #tpu.memory_space<vmem>>, vector<16xi32>,
    %swap3A_320 = arith.constant 112 : index
    %swap3A_321 = tpu.vector_load %arg14[%swap3A_320] {strides = array<i32>} : memref<512xi32, #tpu.memory_space<vmem>>, vector<16xi32>,
    tpu.vector_store %arg14[%swap3A_320], %add3A_317 {strides = array<i32>} : memref<512xi32, #tpu.memory_space<vmem>>, vector<16xi32>,
    %slice3A_322 = vector.extract_strided_slice %masked_cumsum3A_314 {offsets = [15], sizes = [1], strides = [1]} : vector<16xi32> to vector<1xi32>
    %squeeze3A_323 = vector.extract %slice3A_322[0] : i32 from vector<1xi32>
    %add3A_324 = arith.addi %add3A_309, %squeeze3A_323 : i32
    %get3A_325 = arith.constant 128 : index
    %get3A_326 = tpu.vector_load %arg12[%get3A_325] {strides = array<i32>} : memref<512xi32, #tpu.memory_space<vmem>>, vector<16xi32>,
    %broadcast_in_dim3A_327 = arith.constant true
    %broadcast_in_dim3A_328 = vector.broadcast %broadcast_in_dim3A_327 : i1 to vector<16xi1>
    %masked_cumsum3A_329 = tpu.scan <sum>, %get3A_326 masked %broadcast_in_dim3A_328 : vector<16xi32>, vector<16xi1> -> vector<16xi32>
    %sub3A_330 = arith.subi %masked_cumsum3A_329, %get3A_326 : vector<16xi32>
    %add3A_331 = vector.broadcast %add3A_324 : i32 to vector<16xi32>
    %add3A_332 = arith.addi %sub3A_330, %add3A_331 : vector<16xi32>
    %swap3A_333 = arith.constant 128 : index
    %swap3A_334 = tpu.vector_load %arg13[%swap3A_333] {strides = array<i32>} : memref<512xi32, #tpu.memory_space<vmem>>, vector<16xi32>,
    tpu.vector_store %arg13[%swap3A_333], %add3A_332 {strides = array<i32>} : memref<512xi32, #tpu.memory_space<vmem>>, vector<16xi32>,
    %swap3A_335 = arith.constant 128 : index
    %swap3A_336 = tpu.vector_load %arg14[%swap3A_335] {strides = array<i32>} : memref<512xi32, #tpu.memory_space<vmem>>, vector<16xi32>,
    tpu.vector_store %arg14[%swap3A_335], %add3A_332 {strides = array<i32>} : memref<512xi32, #tpu.memory_space<vmem>>, vector<16xi32>,
    %slice3A_337 = vector.extract_strided_slice %masked_cumsum3A_329 {offsets = [15], sizes = [1], strides = [1]} : vector<16xi32> to vector<1xi32>
    %squeeze3A_338 = vector.extract %slice3A_337[0] : i32 from vector<1xi32>
    %add3A_339 = arith.addi %add3A_324, %squeeze3A_338 : i32
    %get3A_340 = arith.constant 144 : index
    %get3A_341 = tpu.vector_load %arg12[%get3A_340] {strides = array<i32>} : memref<512xi32, #tpu.memory_space<vmem>>, vector<16xi32>,
    %broadcast_in_dim3A_342 = arith.constant true
    %broadcast_in_dim3A_343 = vector.broadcast %broadcast_in_dim3A_342 : i1 to vector<16xi1>
    %masked_cumsum3A_344 = tpu.scan <sum>, %get3A_341 masked %broadcast_in_dim3A_343 : vector<16xi32>, vector<16xi1> -> vector<16xi32>
    %sub3A_345 = arith.subi %masked_cumsum3A_344, %get3A_341 : vector<16xi32>
    %add3A_346 = vector.broadcast %add3A_339 : i32 to vector<16xi32>
    %add3A_347 = arith.addi %sub3A_345, %add3A_346 : vector<16xi32>
    %swap3A_348 = arith.constant 144 : index
    %swap3A_349 = tpu.vector_load %arg13[%swap3A_348] {strides = array<i32>} : memref<512xi32, #tpu.memory_space<vmem>>, vector<16xi32>,
    tpu.vector_store %arg13[%swap3A_348], %add3A_347 {strides = array<i32>} : memref<512xi32, #tpu.memory_space<vmem>>, vector<16xi32>,
    %swap3A_350 = arith.constant 144 : index
    %swap3A_351 = tpu.vector_load %arg14[%swap3A_350] {strides = array<i32>} : memref<512xi32, #tpu.memory_space<vmem>>, vector<16xi32>,
    tpu.vector_store %arg14[%swap3A_350], %add3A_347 {strides = array<i32>} : memref<512xi32, #tpu.memory_space<vmem>>, vector<16xi32>,
    %slice3A_352 = vector.extract_strided_slice %masked_cumsum3A_344 {offsets = [15], sizes = [1], strides = [1]} : vector<16xi32> to vector<1xi32>
    %squeeze3A_353 = vector.extract %slice3A_352[0] : i32 from vector<1xi32>
    %add3A_354 = arith.addi %add3A_339, %squeeze3A_353 : i32
    %get3A_355 = arith.constant 160 : index
    %get3A_356 = tpu.vector_load %arg12[%get3A_355] {strides = array<i32>} : memref<512xi32, #tpu.memory_space<vmem>>, vector<16xi32>,
    %broadcast_in_dim3A_357 = arith.constant true
    %broadcast_in_dim3A_358 = vector.broadcast %broadcast_in_dim3A_357 : i1 to vector<16xi1>
    %masked_cumsum3A_359 = tpu.scan <sum>, %get3A_356 masked %broadcast_in_dim3A_358 : vector<16xi32>, vector<16xi1> -> vector<16xi32>
    %sub3A_360 = arith.subi %masked_cumsum3A_359, %get3A_356 : vector<16xi32>
    %add3A_361 = vector.broadcast %add3A_354 : i32 to vector<16xi32>
    %add3A_362 = arith.addi %sub3A_360, %add3A_361 : vector<16xi32>
    %swap3A_363 = arith.constant 160 : index
    %swap3A_364 = tpu.vector_load %arg13[%swap3A_363] {strides = array<i32>} : memref<512xi32, #tpu.memory_space<vmem>>, vector<16xi32>,
    tpu.vector_store %arg13[%swap3A_363], %add3A_362 {strides = array<i32>} : memref<512xi32, #tpu.memory_space<vmem>>, vector<16xi32>,
    %swap3A_365 = arith.constant 160 : index
    %swap3A_366 = tpu.vector_load %arg14[%swap3A_365] {strides = array<i32>} : memref<512xi32, #tpu.memory_space<vmem>>, vector<16xi32>,
    tpu.vector_store %arg14[%swap3A_365], %add3A_362 {strides = array<i32>} : memref<512xi32, #tpu.memory_space<vmem>>, vector<16xi32>,
    %slice3A_367 = vector.extract_strided_slice %masked_cumsum3A_359 {offsets = [15], sizes = [1], strides = [1]} : vector<16xi32> to vector<1xi32>
    %squeeze3A_368 = vector.extract %slice3A_367[0] : i32 from vector<1xi32>
    %add3A_369 = arith.addi %add3A_354, %squeeze3A_368 : i32
    %get3A_370 = arith.constant 176 : index
    %get3A_371 = tpu.vector_load %arg12[%get3A_370] {strides = array<i32>} : memref<512xi32, #tpu.memory_space<vmem>>, vector<16xi32>,
    %broadcast_in_dim3A_372 = arith.constant true
    %broadcast_in_dim3A_373 = vector.broadcast %broadcast_in_dim3A_372 : i1 to vector<16xi1>
    %masked_cumsum3A_374 = tpu.scan <sum>, %get3A_371 masked %broadcast_in_dim3A_373 : vector<16xi32>, vector<16xi1> -> vector<16xi32>
    %sub3A_375 = arith.subi %masked_cumsum3A_374, %get3A_371 : vector<16xi32>
    %add3A_376 = vector.broadcast %add3A_369 : i32 to vector<16xi32>
    %add3A_377 = arith.addi %sub3A_375, %add3A_376 : vector<16xi32>
    %swap3A_378 = arith.constant 176 : index
    %swap3A_379 = tpu.vector_load %arg13[%swap3A_378] {strides = array<i32>} : memref<512xi32, #tpu.memory_space<vmem>>, vector<16xi32>,
    tpu.vector_store %arg13[%swap3A_378], %add3A_377 {strides = array<i32>} : memref<512xi32, #tpu.memory_space<vmem>>, vector<16xi32>,
    %swap3A_380 = arith.constant 176 : index
    %swap3A_381 = tpu.vector_load %arg14[%swap3A_380] {strides = array<i32>} : memref<512xi32, #tpu.memory_space<vmem>>, vector<16xi32>,
    tpu.vector_store %arg14[%swap3A_380], %add3A_377 {strides = array<i32>} : memref<512xi32, #tpu.memory_space<vmem>>, vector<16xi32>,
    %slice3A_382 = vector.extract_strided_slice %masked_cumsum3A_374 {offsets = [15], sizes = [1], strides = [1]} : vector<16xi32> to vector<1xi32>
    %squeeze3A_383 = vector.extract %slice3A_382[0] : i32 from vector<1xi32>
    %add3A_384 = arith.addi %add3A_369, %squeeze3A_383 : i32
    %get3A_385 = arith.constant 192 : index
    %get3A_386 = tpu.vector_load %arg12[%get3A_385] {strides = array<i32>} : memref<512xi32, #tpu.memory_space<vmem>>, vector<16xi32>,
    %broadcast_in_dim3A_387 = arith.constant true
    %broadcast_in_dim3A_388 = vector.broadcast %broadcast_in_dim3A_387 : i1 to vector<16xi1>
    %masked_cumsum3A_389 = tpu.scan <sum>, %get3A_386 masked %broadcast_in_dim3A_388 : vector<16xi32>, vector<16xi1> -> vector<16xi32>
    %sub3A_390 = arith.subi %masked_cumsum3A_389, %get3A_386 : vector<16xi32>
    %add3A_391 = vector.broadcast %add3A_384 : i32 to vector<16xi32>
    %add3A_392 = arith.addi %sub3A_390, %add3A_391 : vector<16xi32>
    %swap3A_393 = arith.constant 192 : index
    %swap3A_394 = tpu.vector_load %arg13[%swap3A_393] {strides = array<i32>} : memref<512xi32, #tpu.memory_space<vmem>>, vector<16xi32>,
    tpu.vector_store %arg13[%swap3A_393], %add3A_392 {strides = array<i32>} : memref<512xi32, #tpu.memory_space<vmem>>, vector<16xi32>,
    %swap3A_395 = arith.constant 192 : index
    %swap3A_396 = tpu.vector_load %arg14[%swap3A_395] {strides = array<i32>} : memref<512xi32, #tpu.memory_space<vmem>>, vector<16xi32>,
    tpu.vector_store %arg14[%swap3A_395], %add3A_392 {strides = array<i32>} : memref<512xi32, #tpu.memory_space<vmem>>, vector<16xi32>,
    %slice3A_397 = vector.extract_strided_slice %masked_cumsum3A_389 {offsets = [15], sizes = [1], strides = [1]} : vector<16xi32> to vector<1xi32>
    %squeeze3A_398 = vector.extract %slice3A_397[0] : i32 from vector<1xi32>
    %add3A_399 = arith.addi %add3A_384, %squeeze3A_398 : i32
    %get3A_400 = arith.constant 208 : index
    %get3A_401 = tpu.vector_load %arg12[%get3A_400] {strides = array<i32>} : memref<512xi32, #tpu.memory_space<vmem>>, vector<16xi32>,
    %broadcast_in_dim3A_402 = arith.constant true
    %broadcast_in_dim3A_403 = vector.broadcast %broadcast_in_dim3A_402 : i1 to vector<16xi1>
    %masked_cumsum3A_404 = tpu.scan <sum>, %get3A_401 masked %broadcast_in_dim3A_403 : vector<16xi32>, vector<16xi1> -> vector<16xi32>
    %sub3A_405 = arith.subi %masked_cumsum3A_404, %get3A_401 : vector<16xi32>
    %add3A_406 = vector.broadcast %add3A_399 : i32 to vector<16xi32>
    %add3A_407 = arith.addi %sub3A_405, %add3A_406 : vector<16xi32>
    %swap3A_408 = arith.constant 208 : index
    %swap3A_409 = tpu.vector_load %arg13[%swap3A_408] {strides = array<i32>} : memref<512xi32, #tpu.memory_space<vmem>>, vector<16xi32>,
    tpu.vector_store %arg13[%swap3A_408], %add3A_407 {strides = array<i32>} : memref<512xi32, #tpu.memory_space<vmem>>, vector<16xi32>,
    %swap3A_410 = arith.constant 208 : index
    %swap3A_411 = tpu.vector_load %arg14[%swap3A_410] {strides = array<i32>} : memref<512xi32, #tpu.memory_space<vmem>>, vector<16xi32>,
    tpu.vector_store %arg14[%swap3A_410], %add3A_407 {strides = array<i32>} : memref<512xi32, #tpu.memory_space<vmem>>, vector<16xi32>,
    %slice3A_412 = vector.extract_strided_slice %masked_cumsum3A_404 {offsets = [15], sizes = [1], strides = [1]} : vector<16xi32> to vector<1xi32>
    %squeeze3A_413 = vector.extract %slice3A_412[0] : i32 from vector<1xi32>
    %add3A_414 = arith.addi %add3A_399, %squeeze3A_413 : i32
    %get3A_415 = arith.constant 224 : index
    %get3A_416 = tpu.vector_load %arg12[%get3A_415] {strides = array<i32>} : memref<512xi32, #tpu.memory_space<vmem>>, vector<16xi32>,
    %broadcast_in_dim3A_417 = arith.constant true
    %broadcast_in_dim3A_418 = vector.broadcast %broadcast_in_dim3A_417 : i1 to vector<16xi1>
    %masked_cumsum3A_419 = tpu.scan <sum>, %get3A_416 masked %broadcast_in_dim3A_418 : vector<16xi32>, vector<16xi1> -> vector<16xi32>
    %sub3A_420 = arith.subi %masked_cumsum3A_419, %get3A_416 : vector<16xi32>
    %add3A_421 = vector.broadcast %add3A_414 : i32 to vector<16xi32>
    %add3A_422 = arith.addi %sub3A_420, %add3A_421 : vector<16xi32>
    %swap3A_423 = arith.constant 224 : index
    %swap3A_424 = tpu.vector_load %arg13[%swap3A_423] {strides = array<i32>} : memref<512xi32, #tpu.memory_space<vmem>>, vector<16xi32>,
    tpu.vector_store %arg13[%swap3A_423], %add3A_422 {strides = array<i32>} : memref<512xi32, #tpu.memory_space<vmem>>, vector<16xi32>,
    %swap3A_425 = arith.constant 224 : index
    %swap3A_426 = tpu.vector_load %arg14[%swap3A_425] {strides = array<i32>} : memref<512xi32, #tpu.memory_space<vmem>>, vector<16xi32>,
    tpu.vector_store %arg14[%swap3A_425], %add3A_422 {strides = array<i32>} : memref<512xi32, #tpu.memory_space<vmem>>, vector<16xi32>,
    %slice3A_427 = vector.extract_strided_slice %masked_cumsum3A_419 {offsets = [15], sizes = [1], strides = [1]} : vector<16xi32> to vector<1xi32>
    %squeeze3A_428 = vector.extract %slice3A_427[0] : i32 from vector<1xi32>
    %add3A_429 = arith.addi %add3A_414, %squeeze3A_428 : i32
    %get3A_430 = arith.constant 240 : index
    %get3A_431 = tpu.vector_load %arg12[%get3A_430] {strides = array<i32>} : memref<512xi32, #tpu.memory_space<vmem>>, vector<16xi32>,
    %broadcast_in_dim3A_432 = arith.constant true
    %broadcast_in_dim3A_433 = vector.broadcast %broadcast_in_dim3A_432 : i1 to vector<16xi1>
    %masked_cumsum3A_434 = tpu.scan <sum>, %get3A_431 masked %broadcast_in_dim3A_433 : vector<16xi32>, vector<16xi1> -> vector<16xi32>
    %sub3A_435 = arith.subi %masked_cumsum3A_434, %get3A_431 : vector<16xi32>
    %add3A_436 = vector.broadcast %add3A_429 : i32 to vector<16xi32>
    %add3A_437 = arith.addi %sub3A_435, %add3A_436 : vector<16xi32>
    %swap3A_438 = arith.constant 240 : index
    %swap3A_439 = tpu.vector_load %arg13[%swap3A_438] {strides = array<i32>} : memref<512xi32, #tpu.memory_space<vmem>>, vector<16xi32>,
    tpu.vector_store %arg13[%swap3A_438], %add3A_437 {strides = array<i32>} : memref<512xi32, #tpu.memory_space<vmem>>, vector<16xi32>,
    %swap3A_440 = arith.constant 240 : index
    %swap3A_441 = tpu.vector_load %arg14[%swap3A_440] {strides = array<i32>} : memref<512xi32, #tpu.memory_space<vmem>>, vector<16xi32>,
    tpu.vector_store %arg14[%swap3A_440], %add3A_437 {strides = array<i32>} : memref<512xi32, #tpu.memory_space<vmem>>, vector<16xi32>,
    %slice3A_442 = vector.extract_strided_slice %masked_cumsum3A_434 {offsets = [15], sizes = [1], strides = [1]} : vector<16xi32> to vector<1xi32>
    %squeeze3A_443 = vector.extract %slice3A_442[0] : i32 from vector<1xi32>
    %add3A_444 = arith.addi %add3A_429, %squeeze3A_443 : i32
    %get3A_445 = arith.constant 256 : index
    %get3A_446 = tpu.vector_load %arg12[%get3A_445] {strides = array<i32>} : memref<512xi32, #tpu.memory_space<vmem>>, vector<16xi32>,
    %broadcast_in_dim3A_447 = arith.constant true
    %broadcast_in_dim3A_448 = vector.broadcast %broadcast_in_dim3A_447 : i1 to vector<16xi1>
    %masked_cumsum3A_449 = tpu.scan <sum>, %get3A_446 masked %broadcast_in_dim3A_448 : vector<16xi32>, vector<16xi1> -> vector<16xi32>
    %sub3A_450 = arith.subi %masked_cumsum3A_449, %get3A_446 : vector<16xi32>
    %add3A_451 = vector.broadcast %add3A_444 : i32 to vector<16xi32>
    %add3A_452 = arith.addi %sub3A_450, %add3A_451 : vector<16xi32>
    %swap3A_453 = arith.constant 256 : index
    %swap3A_454 = tpu.vector_load %arg13[%swap3A_453] {strides = array<i32>} : memref<512xi32, #tpu.memory_space<vmem>>, vector<16xi32>,
    tpu.vector_store %arg13[%swap3A_453], %add3A_452 {strides = array<i32>} : memref<512xi32, #tpu.memory_space<vmem>>, vector<16xi32>,
    %swap3A_455 = arith.constant 256 : index
    %swap3A_456 = tpu.vector_load %arg14[%swap3A_455] {strides = array<i32>} : memref<512xi32, #tpu.memory_space<vmem>>, vector<16xi32>,
    tpu.vector_store %arg14[%swap3A_455], %add3A_452 {strides = array<i32>} : memref<512xi32, #tpu.memory_space<vmem>>, vector<16xi32>,
    %slice3A_457 = vector.extract_strided_slice %masked_cumsum3A_449 {offsets = [15], sizes = [1], strides = [1]} : vector<16xi32> to vector<1xi32>
    %squeeze3A_458 = vector.extract %slice3A_457[0] : i32 from vector<1xi32>
    %add3A_459 = arith.addi %add3A_444, %squeeze3A_458 : i32
    %get3A_460 = arith.constant 272 : index
    %get3A_461 = tpu.vector_load %arg12[%get3A_460] {strides = array<i32>} : memref<512xi32, #tpu.memory_space<vmem>>, vector<16xi32>,
    %broadcast_in_dim3A_462 = arith.constant true
    %broadcast_in_dim3A_463 = vector.broadcast %broadcast_in_dim3A_462 : i1 to vector<16xi1>
    %masked_cumsum3A_464 = tpu.scan <sum>, %get3A_461 masked %broadcast_in_dim3A_463 : vector<16xi32>, vector<16xi1> -> vector<16xi32>
    %sub3A_465 = arith.subi %masked_cumsum3A_464, %get3A_461 : vector<16xi32>
    %add3A_466 = vector.broadcast %add3A_459 : i32 to vector<16xi32>
    %add3A_467 = arith.addi %sub3A_465, %add3A_466 : vector<16xi32>
    %swap3A_468 = arith.constant 272 : index
    %swap3A_469 = tpu.vector_load %arg13[%swap3A_468] {strides = array<i32>} : memref<512xi32, #tpu.memory_space<vmem>>, vector<16xi32>,
    tpu.vector_store %arg13[%swap3A_468], %add3A_467 {strides = array<i32>} : memref<512xi32, #tpu.memory_space<vmem>>, vector<16xi32>,
    %swap3A_470 = arith.constant 272 : index
    %swap3A_471 = tpu.vector_load %arg14[%swap3A_470] {strides = array<i32>} : memref<512xi32, #tpu.memory_space<vmem>>, vector<16xi32>,
    tpu.vector_store %arg14[%swap3A_470], %add3A_467 {strides = array<i32>} : memref<512xi32, #tpu.memory_space<vmem>>, vector<16xi32>,
    %slice3A_472 = vector.extract_strided_slice %masked_cumsum3A_464 {offsets = [15], sizes = [1], strides = [1]} : vector<16xi32> to vector<1xi32>
    %squeeze3A_473 = vector.extract %slice3A_472[0] : i32 from vector<1xi32>
    %add3A_474 = arith.addi %add3A_459, %squeeze3A_473 : i32
    %get3A_475 = arith.constant 288 : index
    %get3A_476 = tpu.vector_load %arg12[%get3A_475] {strides = array<i32>} : memref<512xi32, #tpu.memory_space<vmem>>, vector<16xi32>,
    %broadcast_in_dim3A_477 = arith.constant true
    %broadcast_in_dim3A_478 = vector.broadcast %broadcast_in_dim3A_477 : i1 to vector<16xi1>
    %masked_cumsum3A_479 = tpu.scan <sum>, %get3A_476 masked %broadcast_in_dim3A_478 : vector<16xi32>, vector<16xi1> -> vector<16xi32>
    %sub3A_480 = arith.subi %masked_cumsum3A_479, %get3A_476 : vector<16xi32>
    %add3A_481 = vector.broadcast %add3A_474 : i32 to vector<16xi32>
    %add3A_482 = arith.addi %sub3A_480, %add3A_481 : vector<16xi32>
    %swap3A_483 = arith.constant 288 : index
    %swap3A_484 = tpu.vector_load %arg13[%swap3A_483] {strides = array<i32>} : memref<512xi32, #tpu.memory_space<vmem>>, vector<16xi32>,
    tpu.vector_store %arg13[%swap3A_483], %add3A_482 {strides = array<i32>} : memref<512xi32, #tpu.memory_space<vmem>>, vector<16xi32>,
    %swap3A_485 = arith.constant 288 : index
    %swap3A_486 = tpu.vector_load %arg14[%swap3A_485] {strides = array<i32>} : memref<512xi32, #tpu.memory_space<vmem>>, vector<16xi32>,
    tpu.vector_store %arg14[%swap3A_485], %add3A_482 {strides = array<i32>} : memref<512xi32, #tpu.memory_space<vmem>>, vector<16xi32>,
    %slice3A_487 = vector.extract_strided_slice %masked_cumsum3A_479 {offsets = [15], sizes = [1], strides = [1]} : vector<16xi32> to vector<1xi32>
    %squeeze3A_488 = vector.extract %slice3A_487[0] : i32 from vector<1xi32>
    %add3A_489 = arith.addi %add3A_474, %squeeze3A_488 : i32
    %get3A_490 = arith.constant 304 : index
    %get3A_491 = tpu.vector_load %arg12[%get3A_490] {strides = array<i32>} : memref<512xi32, #tpu.memory_space<vmem>>, vector<16xi32>,
    %broadcast_in_dim3A_492 = arith.constant true
    %broadcast_in_dim3A_493 = vector.broadcast %broadcast_in_dim3A_492 : i1 to vector<16xi1>
    %masked_cumsum3A_494 = tpu.scan <sum>, %get3A_491 masked %broadcast_in_dim3A_493 : vector<16xi32>, vector<16xi1> -> vector<16xi32>
    %sub3A_495 = arith.subi %masked_cumsum3A_494, %get3A_491 : vector<16xi32>
    %add3A_496 = vector.broadcast %add3A_489 : i32 to vector<16xi32>
    %add3A_497 = arith.addi %sub3A_495, %add3A_496 : vector<16xi32>
    %swap3A_498 = arith.constant 304 : index
    %swap3A_499 = tpu.vector_load %arg13[%swap3A_498] {strides = array<i32>} : memref<512xi32, #tpu.memory_space<vmem>>, vector<16xi32>,
    tpu.vector_store %arg13[%swap3A_498], %add3A_497 {strides = array<i32>} : memref<512xi32, #tpu.memory_space<vmem>>, vector<16xi32>,
    %swap3A_500 = arith.constant 304 : index
    %swap3A_501 = tpu.vector_load %arg14[%swap3A_500] {strides = array<i32>} : memref<512xi32, #tpu.memory_space<vmem>>, vector<16xi32>,
    tpu.vector_store %arg14[%swap3A_500], %add3A_497 {strides = array<i32>} : memref<512xi32, #tpu.memory_space<vmem>>, vector<16xi32>,
    %slice3A_502 = vector.extract_strided_slice %masked_cumsum3A_494 {offsets = [15], sizes = [1], strides = [1]} : vector<16xi32> to vector<1xi32>
    %squeeze3A_503 = vector.extract %slice3A_502[0] : i32 from vector<1xi32>
    %add3A_504 = arith.addi %add3A_489, %squeeze3A_503 : i32
    %get3A_505 = arith.constant 320 : index
    %get3A_506 = tpu.vector_load %arg12[%get3A_505] {strides = array<i32>} : memref<512xi32, #tpu.memory_space<vmem>>, vector<16xi32>,
    %broadcast_in_dim3A_507 = arith.constant true
    %broadcast_in_dim3A_508 = vector.broadcast %broadcast_in_dim3A_507 : i1 to vector<16xi1>
    %masked_cumsum3A_509 = tpu.scan <sum>, %get3A_506 masked %broadcast_in_dim3A_508 : vector<16xi32>, vector<16xi1> -> vector<16xi32>
    %sub3A_510 = arith.subi %masked_cumsum3A_509, %get3A_506 : vector<16xi32>
    %add3A_511 = vector.broadcast %add3A_504 : i32 to vector<16xi32>
    %add3A_512 = arith.addi %sub3A_510, %add3A_511 : vector<16xi32>
    %swap3A_513 = arith.constant 320 : index
    %swap3A_514 = tpu.vector_load %arg13[%swap3A_513] {strides = array<i32>} : memref<512xi32, #tpu.memory_space<vmem>>, vector<16xi32>,
    tpu.vector_store %arg13[%swap3A_513], %add3A_512 {strides = array<i32>} : memref<512xi32, #tpu.memory_space<vmem>>, vector<16xi32>,
    %swap3A_515 = arith.constant 320 : index
    %swap3A_516 = tpu.vector_load %arg14[%swap3A_515] {strides = array<i32>} : memref<512xi32, #tpu.memory_space<vmem>>, vector<16xi32>,
    tpu.vector_store %arg14[%swap3A_515], %add3A_512 {strides = array<i32>} : memref<512xi32, #tpu.memory_space<vmem>>, vector<16xi32>,
    %slice3A_517 = vector.extract_strided_slice %masked_cumsum3A_509 {offsets = [15], sizes = [1], strides = [1]} : vector<16xi32> to vector<1xi32>
    %squeeze3A_518 = vector.extract %slice3A_517[0] : i32 from vector<1xi32>
    %add3A_519 = arith.addi %add3A_504, %squeeze3A_518 : i32
    %get3A_520 = arith.constant 336 : index
    %get3A_521 = tpu.vector_load %arg12[%get3A_520] {strides = array<i32>} : memref<512xi32, #tpu.memory_space<vmem>>, vector<16xi32>,
    %broadcast_in_dim3A_522 = arith.constant true
    %broadcast_in_dim3A_523 = vector.broadcast %broadcast_in_dim3A_522 : i1 to vector<16xi1>
    %masked_cumsum3A_524 = tpu.scan <sum>, %get3A_521 masked %broadcast_in_dim3A_523 : vector<16xi32>, vector<16xi1> -> vector<16xi32>
    %sub3A_525 = arith.subi %masked_cumsum3A_524, %get3A_521 : vector<16xi32>
    %add3A_526 = vector.broadcast %add3A_519 : i32 to vector<16xi32>
    %add3A_527 = arith.addi %sub3A_525, %add3A_526 : vector<16xi32>
    %swap3A_528 = arith.constant 336 : index
    %swap3A_529 = tpu.vector_load %arg13[%swap3A_528] {strides = array<i32>} : memref<512xi32, #tpu.memory_space<vmem>>, vector<16xi32>,
    tpu.vector_store %arg13[%swap3A_528], %add3A_527 {strides = array<i32>} : memref<512xi32, #tpu.memory_space<vmem>>, vector<16xi32>,
    %swap3A_530 = arith.constant 336 : index
    %swap3A_531 = tpu.vector_load %arg14[%swap3A_530] {strides = array<i32>} : memref<512xi32, #tpu.memory_space<vmem>>, vector<16xi32>,
    tpu.vector_store %arg14[%swap3A_530], %add3A_527 {strides = array<i32>} : memref<512xi32, #tpu.memory_space<vmem>>, vector<16xi32>,
    %slice3A_532 = vector.extract_strided_slice %masked_cumsum3A_524 {offsets = [15], sizes = [1], strides = [1]} : vector<16xi32> to vector<1xi32>
    %squeeze3A_533 = vector.extract %slice3A_532[0] : i32 from vector<1xi32>
    %add3A_534 = arith.addi %add3A_519, %squeeze3A_533 : i32
    %get3A_535 = arith.constant 352 : index
    %get3A_536 = tpu.vector_load %arg12[%get3A_535] {strides = array<i32>} : memref<512xi32, #tpu.memory_space<vmem>>, vector<16xi32>,
    %broadcast_in_dim3A_537 = arith.constant true
    %broadcast_in_dim3A_538 = vector.broadcast %broadcast_in_dim3A_537 : i1 to vector<16xi1>
    %masked_cumsum3A_539 = tpu.scan <sum>, %get3A_536 masked %broadcast_in_dim3A_538 : vector<16xi32>, vector<16xi1> -> vector<16xi32>
    %sub3A_540 = arith.subi %masked_cumsum3A_539, %get3A_536 : vector<16xi32>
    %add3A_541 = vector.broadcast %add3A_534 : i32 to vector<16xi32>
    %add3A_542 = arith.addi %sub3A_540, %add3A_541 : vector<16xi32>
    %swap3A_543 = arith.constant 352 : index
    %swap3A_544 = tpu.vector_load %arg13[%swap3A_543] {strides = array<i32>} : memref<512xi32, #tpu.memory_space<vmem>>, vector<16xi32>,
    tpu.vector_store %arg13[%swap3A_543], %add3A_542 {strides = array<i32>} : memref<512xi32, #tpu.memory_space<vmem>>, vector<16xi32>,
    %swap3A_545 = arith.constant 352 : index
    %swap3A_546 = tpu.vector_load %arg14[%swap3A_545] {strides = array<i32>} : memref<512xi32, #tpu.memory_space<vmem>>, vector<16xi32>,
    tpu.vector_store %arg14[%swap3A_545], %add3A_542 {strides = array<i32>} : memref<512xi32, #tpu.memory_space<vmem>>, vector<16xi32>,
    %slice3A_547 = vector.extract_strided_slice %masked_cumsum3A_539 {offsets = [15], sizes = [1], strides = [1]} : vector<16xi32> to vector<1xi32>
    %squeeze3A_548 = vector.extract %slice3A_547[0] : i32 from vector<1xi32>
    %add3A_549 = arith.addi %add3A_534, %squeeze3A_548 : i32
    %get3A_550 = arith.constant 368 : index
    %get3A_551 = tpu.vector_load %arg12[%get3A_550] {strides = array<i32>} : memref<512xi32, #tpu.memory_space<vmem>>, vector<16xi32>,
    %broadcast_in_dim3A_552 = arith.constant true
    %broadcast_in_dim3A_553 = vector.broadcast %broadcast_in_dim3A_552 : i1 to vector<16xi1>
    %masked_cumsum3A_554 = tpu.scan <sum>, %get3A_551 masked %broadcast_in_dim3A_553 : vector<16xi32>, vector<16xi1> -> vector<16xi32>
    %sub3A_555 = arith.subi %masked_cumsum3A_554, %get3A_551 : vector<16xi32>
    %add3A_556 = vector.broadcast %add3A_549 : i32 to vector<16xi32>
    %add3A_557 = arith.addi %sub3A_555, %add3A_556 : vector<16xi32>
    %swap3A_558 = arith.constant 368 : index
    %swap3A_559 = tpu.vector_load %arg13[%swap3A_558] {strides = array<i32>} : memref<512xi32, #tpu.memory_space<vmem>>, vector<16xi32>,
    tpu.vector_store %arg13[%swap3A_558], %add3A_557 {strides = array<i32>} : memref<512xi32, #tpu.memory_space<vmem>>, vector<16xi32>,
    %swap3A_560 = arith.constant 368 : index
    %swap3A_561 = tpu.vector_load %arg14[%swap3A_560] {strides = array<i32>} : memref<512xi32, #tpu.memory_space<vmem>>, vector<16xi32>,
    tpu.vector_store %arg14[%swap3A_560], %add3A_557 {strides = array<i32>} : memref<512xi32, #tpu.memory_space<vmem>>, vector<16xi32>,
    %slice3A_562 = vector.extract_strided_slice %masked_cumsum3A_554 {offsets = [15], sizes = [1], strides = [1]} : vector<16xi32> to vector<1xi32>
    %squeeze3A_563 = vector.extract %slice3A_562[0] : i32 from vector<1xi32>
    %add3A_564 = arith.addi %add3A_549, %squeeze3A_563 : i32
    %get3A_565 = arith.constant 384 : index
    %get3A_566 = tpu.vector_load %arg12[%get3A_565] {strides = array<i32>} : memref<512xi32, #tpu.memory_space<vmem>>, vector<16xi32>,
    %broadcast_in_dim3A_567 = arith.constant true
    %broadcast_in_dim3A_568 = vector.broadcast %broadcast_in_dim3A_567 : i1 to vector<16xi1>
    %masked_cumsum3A_569 = tpu.scan <sum>, %get3A_566 masked %broadcast_in_dim3A_568 : vector<16xi32>, vector<16xi1> -> vector<16xi32>
    %sub3A_570 = arith.subi %masked_cumsum3A_569, %get3A_566 : vector<16xi32>
    %add3A_571 = vector.broadcast %add3A_564 : i32 to vector<16xi32>
    %add3A_572 = arith.addi %sub3A_570, %add3A_571 : vector<16xi32>
    %swap3A_573 = arith.constant 384 : index
    %swap3A_574 = tpu.vector_load %arg13[%swap3A_573] {strides = array<i32>} : memref<512xi32, #tpu.memory_space<vmem>>, vector<16xi32>,
    tpu.vector_store %arg13[%swap3A_573], %add3A_572 {strides = array<i32>} : memref<512xi32, #tpu.memory_space<vmem>>, vector<16xi32>,
    %swap3A_575 = arith.constant 384 : index
    %swap3A_576 = tpu.vector_load %arg14[%swap3A_575] {strides = array<i32>} : memref<512xi32, #tpu.memory_space<vmem>>, vector<16xi32>,
    tpu.vector_store %arg14[%swap3A_575], %add3A_572 {strides = array<i32>} : memref<512xi32, #tpu.memory_space<vmem>>, vector<16xi32>,
    %slice3A_577 = vector.extract_strided_slice %masked_cumsum3A_569 {offsets = [15], sizes = [1], strides = [1]} : vector<16xi32> to vector<1xi32>
    %squeeze3A_578 = vector.extract %slice3A_577[0] : i32 from vector<1xi32>
    %add3A_579 = arith.addi %add3A_564, %squeeze3A_578 : i32
    %get3A_580 = arith.constant 400 : index
    %get3A_581 = tpu.vector_load %arg12[%get3A_580] {strides = array<i32>} : memref<512xi32, #tpu.memory_space<vmem>>, vector<16xi32>,
    %broadcast_in_dim3A_582 = arith.constant true
    %broadcast_in_dim3A_583 = vector.broadcast %broadcast_in_dim3A_582 : i1 to vector<16xi1>
    %masked_cumsum3A_584 = tpu.scan <sum>, %get3A_581 masked %broadcast_in_dim3A_583 : vector<16xi32>, vector<16xi1> -> vector<16xi32>
    %sub3A_585 = arith.subi %masked_cumsum3A_584, %get3A_581 : vector<16xi32>
    %add3A_586 = vector.broadcast %add3A_579 : i32 to vector<16xi32>
    %add3A_587 = arith.addi %sub3A_585, %add3A_586 : vector<16xi32>
    %swap3A_588 = arith.constant 400 : index
    %swap3A_589 = tpu.vector_load %arg13[%swap3A_588] {strides = array<i32>} : memref<512xi32, #tpu.memory_space<vmem>>, vector<16xi32>,
    tpu.vector_store %arg13[%swap3A_588], %add3A_587 {strides = array<i32>} : memref<512xi32, #tpu.memory_space<vmem>>, vector<16xi32>,
    %swap3A_590 = arith.constant 400 : index
    %swap3A_591 = tpu.vector_load %arg14[%swap3A_590] {strides = array<i32>} : memref<512xi32, #tpu.memory_space<vmem>>, vector<16xi32>,
    tpu.vector_store %arg14[%swap3A_590], %add3A_587 {strides = array<i32>} : memref<512xi32, #tpu.memory_space<vmem>>, vector<16xi32>,
    %slice3A_592 = vector.extract_strided_slice %masked_cumsum3A_584 {offsets = [15], sizes = [1], strides = [1]} : vector<16xi32> to vector<1xi32>
    %squeeze3A_593 = vector.extract %slice3A_592[0] : i32 from vector<1xi32>
    %add3A_594 = arith.addi %add3A_579, %squeeze3A_593 : i32
    %get3A_595 = arith.constant 416 : index
    %get3A_596 = tpu.vector_load %arg12[%get3A_595] {strides = array<i32>} : memref<512xi32, #tpu.memory_space<vmem>>, vector<16xi32>,
    %broadcast_in_dim3A_597 = arith.constant true
    %broadcast_in_dim3A_598 = vector.broadcast %broadcast_in_dim3A_597 : i1 to vector<16xi1>
    %masked_cumsum3A_599 = tpu.scan <sum>, %get3A_596 masked %broadcast_in_dim3A_598 : vector<16xi32>, vector<16xi1> -> vector<16xi32>
    %sub3A_600 = arith.subi %masked_cumsum3A_599, %get3A_596 : vector<16xi32>
    %add3A_601 = vector.broadcast %add3A_594 : i32 to vector<16xi32>
    %add3A_602 = arith.addi %sub3A_600, %add3A_601 : vector<16xi32>
    %swap3A_603 = arith.constant 416 : index
    %swap3A_604 = tpu.vector_load %arg13[%swap3A_603] {strides = array<i32>} : memref<512xi32, #tpu.memory_space<vmem>>, vector<16xi32>,
    tpu.vector_store %arg13[%swap3A_603], %add3A_602 {strides = array<i32>} : memref<512xi32, #tpu.memory_space<vmem>>, vector<16xi32>,
    %swap3A_605 = arith.constant 416 : index
    %swap3A_606 = tpu.vector_load %arg14[%swap3A_605] {strides = array<i32>} : memref<512xi32, #tpu.memory_space<vmem>>, vector<16xi32>,
    tpu.vector_store %arg14[%swap3A_605], %add3A_602 {strides = array<i32>} : memref<512xi32, #tpu.memory_space<vmem>>, vector<16xi32>,
    %slice3A_607 = vector.extract_strided_slice %masked_cumsum3A_599 {offsets = [15], sizes = [1], strides = [1]} : vector<16xi32> to vector<1xi32>
    %squeeze3A_608 = vector.extract %slice3A_607[0] : i32 from vector<1xi32>
    %add3A_609 = arith.addi %add3A_594, %squeeze3A_608 : i32
    %get3A_610 = arith.constant 432 : index
    %get3A_611 = tpu.vector_load %arg12[%get3A_610] {strides = array<i32>} : memref<512xi32, #tpu.memory_space<vmem>>, vector<16xi32>,
    %broadcast_in_dim3A_612 = arith.constant true
    %broadcast_in_dim3A_613 = vector.broadcast %broadcast_in_dim3A_612 : i1 to vector<16xi1>
    %masked_cumsum3A_614 = tpu.scan <sum>, %get3A_611 masked %broadcast_in_dim3A_613 : vector<16xi32>, vector<16xi1> -> vector<16xi32>
    %sub3A_615 = arith.subi %masked_cumsum3A_614, %get3A_611 : vector<16xi32>
    %add3A_616 = vector.broadcast %add3A_609 : i32 to vector<16xi32>
    %add3A_617 = arith.addi %sub3A_615, %add3A_616 : vector<16xi32>
    %swap3A_618 = arith.constant 432 : index
    %swap3A_619 = tpu.vector_load %arg13[%swap3A_618] {strides = array<i32>} : memref<512xi32, #tpu.memory_space<vmem>>, vector<16xi32>,
    tpu.vector_store %arg13[%swap3A_618], %add3A_617 {strides = array<i32>} : memref<512xi32, #tpu.memory_space<vmem>>, vector<16xi32>,
    %swap3A_620 = arith.constant 432 : index
    %swap3A_621 = tpu.vector_load %arg14[%swap3A_620] {strides = array<i32>} : memref<512xi32, #tpu.memory_space<vmem>>, vector<16xi32>,
    tpu.vector_store %arg14[%swap3A_620], %add3A_617 {strides = array<i32>} : memref<512xi32, #tpu.memory_space<vmem>>, vector<16xi32>,
    %slice3A_622 = vector.extract_strided_slice %masked_cumsum3A_614 {offsets = [15], sizes = [1], strides = [1]} : vector<16xi32> to vector<1xi32>
    %squeeze3A_623 = vector.extract %slice3A_622[0] : i32 from vector<1xi32>
    %add3A_624 = arith.addi %add3A_609, %squeeze3A_623 : i32
    %get3A_625 = arith.constant 448 : index
    %get3A_626 = tpu.vector_load %arg12[%get3A_625] {strides = array<i32>} : memref<512xi32, #tpu.memory_space<vmem>>, vector<16xi32>,
    %broadcast_in_dim3A_627 = arith.constant true
    %broadcast_in_dim3A_628 = vector.broadcast %broadcast_in_dim3A_627 : i1 to vector<16xi1>
    %masked_cumsum3A_629 = tpu.scan <sum>, %get3A_626 masked %broadcast_in_dim3A_628 : vector<16xi32>, vector<16xi1> -> vector<16xi32>
    %sub3A_630 = arith.subi %masked_cumsum3A_629, %get3A_626 : vector<16xi32>
    %add3A_631 = vector.broadcast %add3A_624 : i32 to vector<16xi32>
    %add3A_632 = arith.addi %sub3A_630, %add3A_631 : vector<16xi32>
    %swap3A_633 = arith.constant 448 : index
    %swap3A_634 = tpu.vector_load %arg13[%swap3A_633] {strides = array<i32>} : memref<512xi32, #tpu.memory_space<vmem>>, vector<16xi32>,
    tpu.vector_store %arg13[%swap3A_633], %add3A_632 {strides = array<i32>} : memref<512xi32, #tpu.memory_space<vmem>>, vector<16xi32>,
    %swap3A_635 = arith.constant 448 : index
    %swap3A_636 = tpu.vector_load %arg14[%swap3A_635] {strides = array<i32>} : memref<512xi32, #tpu.memory_space<vmem>>, vector<16xi32>,
    tpu.vector_store %arg14[%swap3A_635], %add3A_632 {strides = array<i32>} : memref<512xi32, #tpu.memory_space<vmem>>, vector<16xi32>,
    %slice3A_637 = vector.extract_strided_slice %masked_cumsum3A_629 {offsets = [15], sizes = [1], strides = [1]} : vector<16xi32> to vector<1xi32>
    %squeeze3A_638 = vector.extract %slice3A_637[0] : i32 from vector<1xi32>
    %add3A_639 = arith.addi %add3A_624, %squeeze3A_638 : i32
    %get3A_640 = arith.constant 464 : index
    %get3A_641 = tpu.vector_load %arg12[%get3A_640] {strides = array<i32>} : memref<512xi32, #tpu.memory_space<vmem>>, vector<16xi32>,
    %broadcast_in_dim3A_642 = arith.constant true
    %broadcast_in_dim3A_643 = vector.broadcast %broadcast_in_dim3A_642 : i1 to vector<16xi1>
    %masked_cumsum3A_644 = tpu.scan <sum>, %get3A_641 masked %broadcast_in_dim3A_643 : vector<16xi32>, vector<16xi1> -> vector<16xi32>
    %sub3A_645 = arith.subi %masked_cumsum3A_644, %get3A_641 : vector<16xi32>
    %add3A_646 = vector.broadcast %add3A_639 : i32 to vector<16xi32>
    %add3A_647 = arith.addi %sub3A_645, %add3A_646 : vector<16xi32>
    %swap3A_648 = arith.constant 464 : index
    %swap3A_649 = tpu.vector_load %arg13[%swap3A_648] {strides = array<i32>} : memref<512xi32, #tpu.memory_space<vmem>>, vector<16xi32>,
    tpu.vector_store %arg13[%swap3A_648], %add3A_647 {strides = array<i32>} : memref<512xi32, #tpu.memory_space<vmem>>, vector<16xi32>,
    %swap3A_650 = arith.constant 464 : index
    %swap3A_651 = tpu.vector_load %arg14[%swap3A_650] {strides = array<i32>} : memref<512xi32, #tpu.memory_space<vmem>>, vector<16xi32>,
    tpu.vector_store %arg14[%swap3A_650], %add3A_647 {strides = array<i32>} : memref<512xi32, #tpu.memory_space<vmem>>, vector<16xi32>,
    %slice3A_652 = vector.extract_strided_slice %masked_cumsum3A_644 {offsets = [15], sizes = [1], strides = [1]} : vector<16xi32> to vector<1xi32>
    %squeeze3A_653 = vector.extract %slice3A_652[0] : i32 from vector<1xi32>
    %add3A_654 = arith.addi %add3A_639, %squeeze3A_653 : i32
    %get3A_655 = arith.constant 480 : index
    %get3A_656 = tpu.vector_load %arg12[%get3A_655] {strides = array<i32>} : memref<512xi32, #tpu.memory_space<vmem>>, vector<16xi32>,
    %broadcast_in_dim3A_657 = arith.constant true
    %broadcast_in_dim3A_658 = vector.broadcast %broadcast_in_dim3A_657 : i1 to vector<16xi1>
    %masked_cumsum3A_659 = tpu.scan <sum>, %get3A_656 masked %broadcast_in_dim3A_658 : vector<16xi32>, vector<16xi1> -> vector<16xi32>
    %sub3A_660 = arith.subi %masked_cumsum3A_659, %get3A_656 : vector<16xi32>
    %add3A_661 = vector.broadcast %add3A_654 : i32 to vector<16xi32>
    %add3A_662 = arith.addi %sub3A_660, %add3A_661 : vector<16xi32>
    %swap3A_663 = arith.constant 480 : index
    %swap3A_664 = tpu.vector_load %arg13[%swap3A_663] {strides = array<i32>} : memref<512xi32, #tpu.memory_space<vmem>>, vector<16xi32>,
    tpu.vector_store %arg13[%swap3A_663], %add3A_662 {strides = array<i32>} : memref<512xi32, #tpu.memory_space<vmem>>, vector<16xi32>,
    %swap3A_665 = arith.constant 480 : index
    %swap3A_666 = tpu.vector_load %arg14[%swap3A_665] {strides = array<i32>} : memref<512xi32, #tpu.memory_space<vmem>>, vector<16xi32>,
    tpu.vector_store %arg14[%swap3A_665], %add3A_662 {strides = array<i32>} : memref<512xi32, #tpu.memory_space<vmem>>, vector<16xi32>,
    %slice3A_667 = vector.extract_strided_slice %masked_cumsum3A_659 {offsets = [15], sizes = [1], strides = [1]} : vector<16xi32> to vector<1xi32>
    %squeeze3A_668 = vector.extract %slice3A_667[0] : i32 from vector<1xi32>
    %add3A_669 = arith.addi %add3A_654, %squeeze3A_668 : i32
    %get3A_670 = arith.constant 496 : index
    %get3A_671 = tpu.vector_load %arg12[%get3A_670] {strides = array<i32>} : memref<512xi32, #tpu.memory_space<vmem>>, vector<16xi32>,
    %broadcast_in_dim3A_672 = arith.constant true
    %broadcast_in_dim3A_673 = vector.broadcast %broadcast_in_dim3A_672 : i1 to vector<16xi1>
    %masked_cumsum3A_674 = tpu.scan <sum>, %get3A_671 masked %broadcast_in_dim3A_673 : vector<16xi32>, vector<16xi1> -> vector<16xi32>
    %sub3A_675 = arith.subi %masked_cumsum3A_674, %get3A_671 : vector<16xi32>
    %add3A_676 = vector.broadcast %add3A_669 : i32 to vector<16xi32>
    %add3A_677 = arith.addi %sub3A_675, %add3A_676 : vector<16xi32>
    %swap3A_678 = arith.constant 496 : index
    %swap3A_679 = tpu.vector_load %arg13[%swap3A_678] {strides = array<i32>} : memref<512xi32, #tpu.memory_space<vmem>>, vector<16xi32>,
    tpu.vector_store %arg13[%swap3A_678], %add3A_677 {strides = array<i32>} : memref<512xi32, #tpu.memory_space<vmem>>, vector<16xi32>,
    %swap3A_680 = arith.constant 496 : index
    %swap3A_681 = tpu.vector_load %arg14[%swap3A_680] {strides = array<i32>} : memref<512xi32, #tpu.memory_space<vmem>>, vector<16xi32>,
    tpu.vector_store %arg14[%swap3A_680], %add3A_677 {strides = array<i32>} : memref<512xi32, #tpu.memory_space<vmem>>, vector<16xi32>,
    %slice3A_682 = vector.extract_strided_slice %masked_cumsum3A_674 {offsets = [15], sizes = [1], strides = [1]} : vector<16xi32> to vector<1xi32>
    %squeeze3A_683 = vector.extract %slice3A_682[0] : i32 from vector<1xi32>
    %add3A_684 = arith.addi %add3A_669, %squeeze3A_683 : i32
    %while3A_685 = arith.constant 0 : i32
    %while3A_686 = arith.constant 0 : i32
    %while3A_687 = arith.subi %select_n3A, %while3A_686 : i32
    %while3A_688 = arith.addi %while3A_686, %while3A_687 : i32
    %while3A_689 = arith.constant 1 : i32
    %while3A_690 = arith.divsi %while3A_687, %while3A_689 : i32
    %while3A_691 = arith.muli %while3A_690, %while3A_689 : i32
    %while3A_692 = arith.addi %while3A_686, %while3A_691 : i32
    %while3A_693 = arith.constant 1 : i32
    scf.for %while3A_735 = %while3A_686 to %while3A_692 step %while3A_693  : i32 {
      %mul3A_736 = arith.constant 16 : i32
      %mul3A_737 = arith.muli %while3A_735, %mul3A_736 : i32
      %get3A_738 = arith.index_cast %mul3A_737 : i32 to index
      %get3A_739 = tpu.vector_load %arg8[%get3A_738] {strides = array<i32>} : memref<3600xi32, #tpu.memory_space<vmem>>, vector<16xi32>,
      %mul3A_740 = arith.constant 16 : i32
      %mul3A_741 = arith.muli %while3A_735, %mul3A_740 : i32
      %get3A_742 = arith.index_cast %mul3A_741 : i32 to index
      %get3A_743 = tpu.vector_load %arg9[%get3A_742] {strides = array<i32>} : memref<3600xi32, #tpu.memory_space<vmem>>, vector<16xi32>,
      %broadcast_in_dim3A_744 = arith.constant 7 : i32
      %broadcast_in_dim3A_745 = vector.broadcast %broadcast_in_dim3A_744 : i32 to vector<16xi32>
      %shift_right_logical3A = arith.shrui %get3A_739, %broadcast_in_dim3A_745 : vector<16xi32>
      %broadcast_in_dim3A_746 = arith.constant 5 : i32
      %broadcast_in_dim3A_747 = vector.broadcast %broadcast_in_dim3A_746 : i32 to vector<16xi32>
      %shift_right_logical3A_748 = arith.shrui %shift_right_logical3A, %broadcast_in_dim3A_747 : vector<16xi32>
      %broadcast_in_dim3A_749 = arith.constant 14 : i32
      %broadcast_in_dim3A_750 = vector.broadcast %broadcast_in_dim3A_749 : i32 to vector<16xi32>
      %shift_right_logical3A_751 = arith.shrui %get3A_743, %broadcast_in_dim3A_750 : vector<16xi32>
      %min3A_752 = arith.minsi %shift_right_logical3A_751, %broadcast_in_dim3A_5 : vector<16xi32>
      %mul3A_753 = arith.constant 256 : i32
      %mul3A_754 = vector.broadcast %mul3A_753 : i32 to vector<16xi32>
      %mul3A_755 = arith.muli %min3A_752, %mul3A_754 : vector<16xi32>
      %add3A_756 = arith.addi %mul3A_755, %shift_right_logical3A_748 : vector<16xi32>
      %eq3A = arith.constant 0 : i32
      %eq3A_757 = vector.broadcast %eq3A : i32 to vector<16xi32>
      %eq3A_758 = arith.cmpi eq, %iota3A, %eq3A_757 : vector<16xi32>
      %gather3A = tpu.vector_load_idx %arg14[%add3A_756] : memref<512xi32, #tpu.memory_space<vmem>>[vector<16xi32>], vector<16xi32>,
      tpu.vector_store_idx %arg10[%gather3A], %get3A_739 masked %eq3A_758 : memref<3600xi32, #tpu.memory_space<vmem>>[vector<16xi32>], vector<16xi32>, vector<16xi1>
      tpu.vector_store_idx %arg11[%gather3A], %get3A_743 masked %eq3A_758 : memref<3600xi32, #tpu.memory_space<vmem>>[vector<16xi32>], vector<16xi32>, vector<16xi1>
      tpu.vector_store_idx %arg14[%add3A_756], %broadcast_in_dim3A_5 masked %eq3A_758 {add = true} : memref<512xi32, #tpu.memory_space<vmem>>[vector<16xi32>], vector<16xi32>, vector<16xi1>
      %eq3A_759 = arith.constant 1 : i32
      %eq3A_760 = vector.broadcast %eq3A_759 : i32 to vector<16xi32>
      %eq3A_761 = arith.cmpi eq, %iota3A, %eq3A_760 : vector<16xi32>
      %gather3A_762 = tpu.vector_load_idx %arg14[%add3A_756] : memref<512xi32, #tpu.memory_space<vmem>>[vector<16xi32>], vector<16xi32>,
      tpu.vector_store_idx %arg10[%gather3A_762], %get3A_739 masked %eq3A_761 : memref<3600xi32, #tpu.memory_space<vmem>>[vector<16xi32>], vector<16xi32>, vector<16xi1>
      tpu.vector_store_idx %arg11[%gather3A_762], %get3A_743 masked %eq3A_761 : memref<3600xi32, #tpu.memory_space<vmem>>[vector<16xi32>], vector<16xi32>, vector<16xi1>
      tpu.vector_store_idx %arg14[%add3A_756], %broadcast_in_dim3A_5 masked %eq3A_761 {add = true} : memref<512xi32, #tpu.memory_space<vmem>>[vector<16xi32>], vector<16xi32>, vector<16xi1>
      %eq3A_763 = arith.constant 2 : i32
      %eq3A_764 = vector.broadcast %eq3A_763 : i32 to vector<16xi32>
      %eq3A_765 = arith.cmpi eq, %iota3A, %eq3A_764 : vector<16xi32>
      %gather3A_766 = tpu.vector_load_idx %arg14[%add3A_756] : memref<512xi32, #tpu.memory_space<vmem>>[vector<16xi32>], vector<16xi32>,
      tpu.vector_store_idx %arg10[%gather3A_766], %get3A_739 masked %eq3A_765 : memref<3600xi32, #tpu.memory_space<vmem>>[vector<16xi32>], vector<16xi32>, vector<16xi1>
      tpu.vector_store_idx %arg11[%gather3A_766], %get3A_743 masked %eq3A_765 : memref<3600xi32, #tpu.memory_space<vmem>>[vector<16xi32>], vector<16xi32>, vector<16xi1>
      tpu.vector_store_idx %arg14[%add3A_756], %broadcast_in_dim3A_5 masked %eq3A_765 {add = true} : memref<512xi32, #tpu.memory_space<vmem>>[vector<16xi32>], vector<16xi32>, vector<16xi1>
      %eq3A_767 = arith.constant 3 : i32
      %eq3A_768 = vector.broadcast %eq3A_767 : i32 to vector<16xi32>
      %eq3A_769 = arith.cmpi eq, %iota3A, %eq3A_768 : vector<16xi32>
      %gather3A_770 = tpu.vector_load_idx %arg14[%add3A_756] : memref<512xi32, #tpu.memory_space<vmem>>[vector<16xi32>], vector<16xi32>,
      tpu.vector_store_idx %arg10[%gather3A_770], %get3A_739 masked %eq3A_769 : memref<3600xi32, #tpu.memory_space<vmem>>[vector<16xi32>], vector<16xi32>, vector<16xi1>
      tpu.vector_store_idx %arg11[%gather3A_770], %get3A_743 masked %eq3A_769 : memref<3600xi32, #tpu.memory_space<vmem>>[vector<16xi32>], vector<16xi32>, vector<16xi1>
      tpu.vector_store_idx %arg14[%add3A_756], %broadcast_in_dim3A_5 masked %eq3A_769 {add = true} : memref<512xi32, #tpu.memory_space<vmem>>[vector<16xi32>], vector<16xi32>, vector<16xi1>
      %eq3A_771 = arith.constant 4 : i32
      %eq3A_772 = vector.broadcast %eq3A_771 : i32 to vector<16xi32>
      %eq3A_773 = arith.cmpi eq, %iota3A, %eq3A_772 : vector<16xi32>
      %gather3A_774 = tpu.vector_load_idx %arg14[%add3A_756] : memref<512xi32, #tpu.memory_space<vmem>>[vector<16xi32>], vector<16xi32>,
      tpu.vector_store_idx %arg10[%gather3A_774], %get3A_739 masked %eq3A_773 : memref<3600xi32, #tpu.memory_space<vmem>>[vector<16xi32>], vector<16xi32>, vector<16xi1>
      tpu.vector_store_idx %arg11[%gather3A_774], %get3A_743 masked %eq3A_773 : memref<3600xi32, #tpu.memory_space<vmem>>[vector<16xi32>], vector<16xi32>, vector<16xi1>
      tpu.vector_store_idx %arg14[%add3A_756], %broadcast_in_dim3A_5 masked %eq3A_773 {add = true} : memref<512xi32, #tpu.memory_space<vmem>>[vector<16xi32>], vector<16xi32>, vector<16xi1>
      %eq3A_775 = arith.constant 5 : i32
      %eq3A_776 = vector.broadcast %eq3A_775 : i32 to vector<16xi32>
      %eq3A_777 = arith.cmpi eq, %iota3A, %eq3A_776 : vector<16xi32>
      %gather3A_778 = tpu.vector_load_idx %arg14[%add3A_756] : memref<512xi32, #tpu.memory_space<vmem>>[vector<16xi32>], vector<16xi32>,
      tpu.vector_store_idx %arg10[%gather3A_778], %get3A_739 masked %eq3A_777 : memref<3600xi32, #tpu.memory_space<vmem>>[vector<16xi32>], vector<16xi32>, vector<16xi1>
      tpu.vector_store_idx %arg11[%gather3A_778], %get3A_743 masked %eq3A_777 : memref<3600xi32, #tpu.memory_space<vmem>>[vector<16xi32>], vector<16xi32>, vector<16xi1>
      tpu.vector_store_idx %arg14[%add3A_756], %broadcast_in_dim3A_5 masked %eq3A_777 {add = true} : memref<512xi32, #tpu.memory_space<vmem>>[vector<16xi32>], vector<16xi32>, vector<16xi1>
      %eq3A_779 = arith.constant 6 : i32
      %eq3A_780 = vector.broadcast %eq3A_779 : i32 to vector<16xi32>
      %eq3A_781 = arith.cmpi eq, %iota3A, %eq3A_780 : vector<16xi32>
      %gather3A_782 = tpu.vector_load_idx %arg14[%add3A_756] : memref<512xi32, #tpu.memory_space<vmem>>[vector<16xi32>], vector<16xi32>,
      tpu.vector_store_idx %arg10[%gather3A_782], %get3A_739 masked %eq3A_781 : memref<3600xi32, #tpu.memory_space<vmem>>[vector<16xi32>], vector<16xi32>, vector<16xi1>
      tpu.vector_store_idx %arg11[%gather3A_782], %get3A_743 masked %eq3A_781 : memref<3600xi32, #tpu.memory_space<vmem>>[vector<16xi32>], vector<16xi32>, vector<16xi1>
      tpu.vector_store_idx %arg14[%add3A_756], %broadcast_in_dim3A_5 masked %eq3A_781 {add = true} : memref<512xi32, #tpu.memory_space<vmem>>[vector<16xi32>], vector<16xi32>, vector<16xi1>
      %eq3A_783 = arith.constant 7 : i32
      %eq3A_784 = vector.broadcast %eq3A_783 : i32 to vector<16xi32>
      %eq3A_785 = arith.cmpi eq, %iota3A, %eq3A_784 : vector<16xi32>
      %gather3A_786 = tpu.vector_load_idx %arg14[%add3A_756] : memref<512xi32, #tpu.memory_space<vmem>>[vector<16xi32>], vector<16xi32>,
      tpu.vector_store_idx %arg10[%gather3A_786], %get3A_739 masked %eq3A_785 : memref<3600xi32, #tpu.memory_space<vmem>>[vector<16xi32>], vector<16xi32>, vector<16xi1>
      tpu.vector_store_idx %arg11[%gather3A_786], %get3A_743 masked %eq3A_785 : memref<3600xi32, #tpu.memory_space<vmem>>[vector<16xi32>], vector<16xi32>, vector<16xi1>
      tpu.vector_store_idx %arg14[%add3A_756], %broadcast_in_dim3A_5 masked %eq3A_785 {add = true} : memref<512xi32, #tpu.memory_space<vmem>>[vector<16xi32>], vector<16xi32>, vector<16xi1>
      %eq3A_787 = arith.constant 8 : i32
      %eq3A_788 = vector.broadcast %eq3A_787 : i32 to vector<16xi32>
      %eq3A_789 = arith.cmpi eq, %iota3A, %eq3A_788 : vector<16xi32>
      %gather3A_790 = tpu.vector_load_idx %arg14[%add3A_756] : memref<512xi32, #tpu.memory_space<vmem>>[vector<16xi32>], vector<16xi32>,
      tpu.vector_store_idx %arg10[%gather3A_790], %get3A_739 masked %eq3A_789 : memref<3600xi32, #tpu.memory_space<vmem>>[vector<16xi32>], vector<16xi32>, vector<16xi1>
      tpu.vector_store_idx %arg11[%gather3A_790], %get3A_743 masked %eq3A_789 : memref<3600xi32, #tpu.memory_space<vmem>>[vector<16xi32>], vector<16xi32>, vector<16xi1>
      tpu.vector_store_idx %arg14[%add3A_756], %broadcast_in_dim3A_5 masked %eq3A_789 {add = true} : memref<512xi32, #tpu.memory_space<vmem>>[vector<16xi32>], vector<16xi32>, vector<16xi1>
      %eq3A_791 = arith.constant 9 : i32
      %eq3A_792 = vector.broadcast %eq3A_791 : i32 to vector<16xi32>
      %eq3A_793 = arith.cmpi eq, %iota3A, %eq3A_792 : vector<16xi32>
      %gather3A_794 = tpu.vector_load_idx %arg14[%add3A_756] : memref<512xi32, #tpu.memory_space<vmem>>[vector<16xi32>], vector<16xi32>,
      tpu.vector_store_idx %arg10[%gather3A_794], %get3A_739 masked %eq3A_793 : memref<3600xi32, #tpu.memory_space<vmem>>[vector<16xi32>], vector<16xi32>, vector<16xi1>
      tpu.vector_store_idx %arg11[%gather3A_794], %get3A_743 masked %eq3A_793 : memref<3600xi32, #tpu.memory_space<vmem>>[vector<16xi32>], vector<16xi32>, vector<16xi1>
      tpu.vector_store_idx %arg14[%add3A_756], %broadcast_in_dim3A_5 masked %eq3A_793 {add = true} : memref<512xi32, #tpu.memory_space<vmem>>[vector<16xi32>], vector<16xi32>, vector<16xi1>
      %eq3A_795 = arith.constant 10 : i32
      %eq3A_796 = vector.broadcast %eq3A_795 : i32 to vector<16xi32>
      %eq3A_797 = arith.cmpi eq, %iota3A, %eq3A_796 : vector<16xi32>
      %gather3A_798 = tpu.vector_load_idx %arg14[%add3A_756] : memref<512xi32, #tpu.memory_space<vmem>>[vector<16xi32>], vector<16xi32>,
      tpu.vector_store_idx %arg10[%gather3A_798], %get3A_739 masked %eq3A_797 : memref<3600xi32, #tpu.memory_space<vmem>>[vector<16xi32>], vector<16xi32>, vector<16xi1>
      tpu.vector_store_idx %arg11[%gather3A_798], %get3A_743 masked %eq3A_797 : memref<3600xi32, #tpu.memory_space<vmem>>[vector<16xi32>], vector<16xi32>, vector<16xi1>
      tpu.vector_store_idx %arg14[%add3A_756], %broadcast_in_dim3A_5 masked %eq3A_797 {add = true} : memref<512xi32, #tpu.memory_space<vmem>>[vector<16xi32>], vector<16xi32>, vector<16xi1>
      %eq3A_799 = arith.constant 11 : i32
      %eq3A_800 = vector.broadcast %eq3A_799 : i32 to vector<16xi32>
      %eq3A_801 = arith.cmpi eq, %iota3A, %eq3A_800 : vector<16xi32>
      %gather3A_802 = tpu.vector_load_idx %arg14[%add3A_756] : memref<512xi32, #tpu.memory_space<vmem>>[vector<16xi32>], vector<16xi32>,
      tpu.vector_store_idx %arg10[%gather3A_802], %get3A_739 masked %eq3A_801 : memref<3600xi32, #tpu.memory_space<vmem>>[vector<16xi32>], vector<16xi32>, vector<16xi1>
      tpu.vector_store_idx %arg11[%gather3A_802], %get3A_743 masked %eq3A_801 : memref<3600xi32, #tpu.memory_space<vmem>>[vector<16xi32>], vector<16xi32>, vector<16xi1>
      tpu.vector_store_idx %arg14[%add3A_756], %broadcast_in_dim3A_5 masked %eq3A_801 {add = true} : memref<512xi32, #tpu.memory_space<vmem>>[vector<16xi32>], vector<16xi32>, vector<16xi1>
      %eq3A_803 = arith.constant 12 : i32
      %eq3A_804 = vector.broadcast %eq3A_803 : i32 to vector<16xi32>
      %eq3A_805 = arith.cmpi eq, %iota3A, %eq3A_804 : vector<16xi32>
      %gather3A_806 = tpu.vector_load_idx %arg14[%add3A_756] : memref<512xi32, #tpu.memory_space<vmem>>[vector<16xi32>], vector<16xi32>,
      tpu.vector_store_idx %arg10[%gather3A_806], %get3A_739 masked %eq3A_805 : memref<3600xi32, #tpu.memory_space<vmem>>[vector<16xi32>], vector<16xi32>, vector<16xi1>
      tpu.vector_store_idx %arg11[%gather3A_806], %get3A_743 masked %eq3A_805 : memref<3600xi32, #tpu.memory_space<vmem>>[vector<16xi32>], vector<16xi32>, vector<16xi1>
      tpu.vector_store_idx %arg14[%add3A_756], %broadcast_in_dim3A_5 masked %eq3A_805 {add = true} : memref<512xi32, #tpu.memory_space<vmem>>[vector<16xi32>], vector<16xi32>, vector<16xi1>
      %eq3A_807 = arith.constant 13 : i32
      %eq3A_808 = vector.broadcast %eq3A_807 : i32 to vector<16xi32>
      %eq3A_809 = arith.cmpi eq, %iota3A, %eq3A_808 : vector<16xi32>
      %gather3A_810 = tpu.vector_load_idx %arg14[%add3A_756] : memref<512xi32, #tpu.memory_space<vmem>>[vector<16xi32>], vector<16xi32>,
      tpu.vector_store_idx %arg10[%gather3A_810], %get3A_739 masked %eq3A_809 : memref<3600xi32, #tpu.memory_space<vmem>>[vector<16xi32>], vector<16xi32>, vector<16xi1>
      tpu.vector_store_idx %arg11[%gather3A_810], %get3A_743 masked %eq3A_809 : memref<3600xi32, #tpu.memory_space<vmem>>[vector<16xi32>], vector<16xi32>, vector<16xi1>
      tpu.vector_store_idx %arg14[%add3A_756], %broadcast_in_dim3A_5 masked %eq3A_809 {add = true} : memref<512xi32, #tpu.memory_space<vmem>>[vector<16xi32>], vector<16xi32>, vector<16xi1>
      %eq3A_811 = arith.constant 14 : i32
      %eq3A_812 = vector.broadcast %eq3A_811 : i32 to vector<16xi32>
      %eq3A_813 = arith.cmpi eq, %iota3A, %eq3A_812 : vector<16xi32>
      %gather3A_814 = tpu.vector_load_idx %arg14[%add3A_756] : memref<512xi32, #tpu.memory_space<vmem>>[vector<16xi32>], vector<16xi32>,
      tpu.vector_store_idx %arg10[%gather3A_814], %get3A_739 masked %eq3A_813 : memref<3600xi32, #tpu.memory_space<vmem>>[vector<16xi32>], vector<16xi32>, vector<16xi1>
      tpu.vector_store_idx %arg11[%gather3A_814], %get3A_743 masked %eq3A_813 : memref<3600xi32, #tpu.memory_space<vmem>>[vector<16xi32>], vector<16xi32>, vector<16xi1>
      tpu.vector_store_idx %arg14[%add3A_756], %broadcast_in_dim3A_5 masked %eq3A_813 {add = true} : memref<512xi32, #tpu.memory_space<vmem>>[vector<16xi32>], vector<16xi32>, vector<16xi1>
      %eq3A_815 = arith.constant 15 : i32
      %eq3A_816 = vector.broadcast %eq3A_815 : i32 to vector<16xi32>
      %eq3A_817 = arith.cmpi eq, %iota3A, %eq3A_816 : vector<16xi32>
      %gather3A_818 = tpu.vector_load_idx %arg14[%add3A_756] : memref<512xi32, #tpu.memory_space<vmem>>[vector<16xi32>], vector<16xi32>,
      tpu.vector_store_idx %arg10[%gather3A_818], %get3A_739 masked %eq3A_817 : memref<3600xi32, #tpu.memory_space<vmem>>[vector<16xi32>], vector<16xi32>, vector<16xi1>
      tpu.vector_store_idx %arg11[%gather3A_818], %get3A_743 masked %eq3A_817 : memref<3600xi32, #tpu.memory_space<vmem>>[vector<16xi32>], vector<16xi32>, vector<16xi1>
      tpu.vector_store_idx %arg14[%add3A_756], %broadcast_in_dim3A_5 masked %eq3A_817 {add = true} : memref<512xi32, #tpu.memory_space<vmem>>[vector<16xi32>], vector<16xi32>, vector<16xi1>
    }
    %while3A_694 = arith.constant 1 : i32
    scf.for %while3A_735 = %while3A_692 to %while3A_688 step %while3A_694  : i32 {
      %mul3A_736 = arith.constant 16 : i32
      %mul3A_737 = arith.muli %while3A_735, %mul3A_736 : i32
      %get3A_738 = arith.index_cast %mul3A_737 : i32 to index
      %get3A_739 = tpu.vector_load %arg8[%get3A_738] {strides = array<i32>} : memref<3600xi32, #tpu.memory_space<vmem>>, vector<16xi32>,
      %mul3A_740 = arith.constant 16 : i32
      %mul3A_741 = arith.muli %while3A_735, %mul3A_740 : i32
      %get3A_742 = arith.index_cast %mul3A_741 : i32 to index
      %get3A_743 = tpu.vector_load %arg9[%get3A_742] {strides = array<i32>} : memref<3600xi32, #tpu.memory_space<vmem>>, vector<16xi32>,
      %broadcast_in_dim3A_744 = arith.constant 7 : i32
      %broadcast_in_dim3A_745 = vector.broadcast %broadcast_in_dim3A_744 : i32 to vector<16xi32>
      %shift_right_logical3A = arith.shrui %get3A_739, %broadcast_in_dim3A_745 : vector<16xi32>
      %broadcast_in_dim3A_746 = arith.constant 5 : i32
      %broadcast_in_dim3A_747 = vector.broadcast %broadcast_in_dim3A_746 : i32 to vector<16xi32>
      %shift_right_logical3A_748 = arith.shrui %shift_right_logical3A, %broadcast_in_dim3A_747 : vector<16xi32>
      %broadcast_in_dim3A_749 = arith.constant 14 : i32
      %broadcast_in_dim3A_750 = vector.broadcast %broadcast_in_dim3A_749 : i32 to vector<16xi32>
      %shift_right_logical3A_751 = arith.shrui %get3A_743, %broadcast_in_dim3A_750 : vector<16xi32>
      %min3A_752 = arith.minsi %shift_right_logical3A_751, %broadcast_in_dim3A_5 : vector<16xi32>
      %mul3A_753 = arith.constant 256 : i32
      %mul3A_754 = vector.broadcast %mul3A_753 : i32 to vector<16xi32>
      %mul3A_755 = arith.muli %min3A_752, %mul3A_754 : vector<16xi32>
      %add3A_756 = arith.addi %mul3A_755, %shift_right_logical3A_748 : vector<16xi32>
      %eq3A = arith.constant 0 : i32
      %eq3A_757 = vector.broadcast %eq3A : i32 to vector<16xi32>
      %eq3A_758 = arith.cmpi eq, %iota3A, %eq3A_757 : vector<16xi32>
      %gather3A = tpu.vector_load_idx %arg14[%add3A_756] : memref<512xi32, #tpu.memory_space<vmem>>[vector<16xi32>], vector<16xi32>,
      tpu.vector_store_idx %arg10[%gather3A], %get3A_739 masked %eq3A_758 : memref<3600xi32, #tpu.memory_space<vmem>>[vector<16xi32>], vector<16xi32>, vector<16xi1>
      tpu.vector_store_idx %arg11[%gather3A], %get3A_743 masked %eq3A_758 : memref<3600xi32, #tpu.memory_space<vmem>>[vector<16xi32>], vector<16xi32>, vector<16xi1>
      tpu.vector_store_idx %arg14[%add3A_756], %broadcast_in_dim3A_5 masked %eq3A_758 {add = true} : memref<512xi32, #tpu.memory_space<vmem>>[vector<16xi32>], vector<16xi32>, vector<16xi1>
      %eq3A_759 = arith.constant 1 : i32
      %eq3A_760 = vector.broadcast %eq3A_759 : i32 to vector<16xi32>
      %eq3A_761 = arith.cmpi eq, %iota3A, %eq3A_760 : vector<16xi32>
      %gather3A_762 = tpu.vector_load_idx %arg14[%add3A_756] : memref<512xi32, #tpu.memory_space<vmem>>[vector<16xi32>], vector<16xi32>,
      tpu.vector_store_idx %arg10[%gather3A_762], %get3A_739 masked %eq3A_761 : memref<3600xi32, #tpu.memory_space<vmem>>[vector<16xi32>], vector<16xi32>, vector<16xi1>
      tpu.vector_store_idx %arg11[%gather3A_762], %get3A_743 masked %eq3A_761 : memref<3600xi32, #tpu.memory_space<vmem>>[vector<16xi32>], vector<16xi32>, vector<16xi1>
      tpu.vector_store_idx %arg14[%add3A_756], %broadcast_in_dim3A_5 masked %eq3A_761 {add = true} : memref<512xi32, #tpu.memory_space<vmem>>[vector<16xi32>], vector<16xi32>, vector<16xi1>
      %eq3A_763 = arith.constant 2 : i32
      %eq3A_764 = vector.broadcast %eq3A_763 : i32 to vector<16xi32>
      %eq3A_765 = arith.cmpi eq, %iota3A, %eq3A_764 : vector<16xi32>
      %gather3A_766 = tpu.vector_load_idx %arg14[%add3A_756] : memref<512xi32, #tpu.memory_space<vmem>>[vector<16xi32>], vector<16xi32>,
      tpu.vector_store_idx %arg10[%gather3A_766], %get3A_739 masked %eq3A_765 : memref<3600xi32, #tpu.memory_space<vmem>>[vector<16xi32>], vector<16xi32>, vector<16xi1>
      tpu.vector_store_idx %arg11[%gather3A_766], %get3A_743 masked %eq3A_765 : memref<3600xi32, #tpu.memory_space<vmem>>[vector<16xi32>], vector<16xi32>, vector<16xi1>
      tpu.vector_store_idx %arg14[%add3A_756], %broadcast_in_dim3A_5 masked %eq3A_765 {add = true} : memref<512xi32, #tpu.memory_space<vmem>>[vector<16xi32>], vector<16xi32>, vector<16xi1>
      %eq3A_767 = arith.constant 3 : i32
      %eq3A_768 = vector.broadcast %eq3A_767 : i32 to vector<16xi32>
      %eq3A_769 = arith.cmpi eq, %iota3A, %eq3A_768 : vector<16xi32>
      %gather3A_770 = tpu.vector_load_idx %arg14[%add3A_756] : memref<512xi32, #tpu.memory_space<vmem>>[vector<16xi32>], vector<16xi32>,
      tpu.vector_store_idx %arg10[%gather3A_770], %get3A_739 masked %eq3A_769 : memref<3600xi32, #tpu.memory_space<vmem>>[vector<16xi32>], vector<16xi32>, vector<16xi1>
      tpu.vector_store_idx %arg11[%gather3A_770], %get3A_743 masked %eq3A_769 : memref<3600xi32, #tpu.memory_space<vmem>>[vector<16xi32>], vector<16xi32>, vector<16xi1>
      tpu.vector_store_idx %arg14[%add3A_756], %broadcast_in_dim3A_5 masked %eq3A_769 {add = true} : memref<512xi32, #tpu.memory_space<vmem>>[vector<16xi32>], vector<16xi32>, vector<16xi1>
      %eq3A_771 = arith.constant 4 : i32
      %eq3A_772 = vector.broadcast %eq3A_771 : i32 to vector<16xi32>
      %eq3A_773 = arith.cmpi eq, %iota3A, %eq3A_772 : vector<16xi32>
      %gather3A_774 = tpu.vector_load_idx %arg14[%add3A_756] : memref<512xi32, #tpu.memory_space<vmem>>[vector<16xi32>], vector<16xi32>,
      tpu.vector_store_idx %arg10[%gather3A_774], %get3A_739 masked %eq3A_773 : memref<3600xi32, #tpu.memory_space<vmem>>[vector<16xi32>], vector<16xi32>, vector<16xi1>
      tpu.vector_store_idx %arg11[%gather3A_774], %get3A_743 masked %eq3A_773 : memref<3600xi32, #tpu.memory_space<vmem>>[vector<16xi32>], vector<16xi32>, vector<16xi1>
      tpu.vector_store_idx %arg14[%add3A_756], %broadcast_in_dim3A_5 masked %eq3A_773 {add = true} : memref<512xi32, #tpu.memory_space<vmem>>[vector<16xi32>], vector<16xi32>, vector<16xi1>
      %eq3A_775 = arith.constant 5 : i32
      %eq3A_776 = vector.broadcast %eq3A_775 : i32 to vector<16xi32>
      %eq3A_777 = arith.cmpi eq, %iota3A, %eq3A_776 : vector<16xi32>
      %gather3A_778 = tpu.vector_load_idx %arg14[%add3A_756] : memref<512xi32, #tpu.memory_space<vmem>>[vector<16xi32>], vector<16xi32>,
      tpu.vector_store_idx %arg10[%gather3A_778], %get3A_739 masked %eq3A_777 : memref<3600xi32, #tpu.memory_space<vmem>>[vector<16xi32>], vector<16xi32>, vector<16xi1>
      tpu.vector_store_idx %arg11[%gather3A_778], %get3A_743 masked %eq3A_777 : memref<3600xi32, #tpu.memory_space<vmem>>[vector<16xi32>], vector<16xi32>, vector<16xi1>
      tpu.vector_store_idx %arg14[%add3A_756], %broadcast_in_dim3A_5 masked %eq3A_777 {add = true} : memref<512xi32, #tpu.memory_space<vmem>>[vector<16xi32>], vector<16xi32>, vector<16xi1>
      %eq3A_779 = arith.constant 6 : i32
      %eq3A_780 = vector.broadcast %eq3A_779 : i32 to vector<16xi32>
      %eq3A_781 = arith.cmpi eq, %iota3A, %eq3A_780 : vector<16xi32>
      %gather3A_782 = tpu.vector_load_idx %arg14[%add3A_756] : memref<512xi32, #tpu.memory_space<vmem>>[vector<16xi32>], vector<16xi32>,
      tpu.vector_store_idx %arg10[%gather3A_782], %get3A_739 masked %eq3A_781 : memref<3600xi32, #tpu.memory_space<vmem>>[vector<16xi32>], vector<16xi32>, vector<16xi1>
      tpu.vector_store_idx %arg11[%gather3A_782], %get3A_743 masked %eq3A_781 : memref<3600xi32, #tpu.memory_space<vmem>>[vector<16xi32>], vector<16xi32>, vector<16xi1>
      tpu.vector_store_idx %arg14[%add3A_756], %broadcast_in_dim3A_5 masked %eq3A_781 {add = true} : memref<512xi32, #tpu.memory_space<vmem>>[vector<16xi32>], vector<16xi32>, vector<16xi1>
      %eq3A_783 = arith.constant 7 : i32
      %eq3A_784 = vector.broadcast %eq3A_783 : i32 to vector<16xi32>
      %eq3A_785 = arith.cmpi eq, %iota3A, %eq3A_784 : vector<16xi32>
      %gather3A_786 = tpu.vector_load_idx %arg14[%add3A_756] : memref<512xi32, #tpu.memory_space<vmem>>[vector<16xi32>], vector<16xi32>,
      tpu.vector_store_idx %arg10[%gather3A_786], %get3A_739 masked %eq3A_785 : memref<3600xi32, #tpu.memory_space<vmem>>[vector<16xi32>], vector<16xi32>, vector<16xi1>
      tpu.vector_store_idx %arg11[%gather3A_786], %get3A_743 masked %eq3A_785 : memref<3600xi32, #tpu.memory_space<vmem>>[vector<16xi32>], vector<16xi32>, vector<16xi1>
      tpu.vector_store_idx %arg14[%add3A_756], %broadcast_in_dim3A_5 masked %eq3A_785 {add = true} : memref<512xi32, #tpu.memory_space<vmem>>[vector<16xi32>], vector<16xi32>, vector<16xi1>
      %eq3A_787 = arith.constant 8 : i32
      %eq3A_788 = vector.broadcast %eq3A_787 : i32 to vector<16xi32>
      %eq3A_789 = arith.cmpi eq, %iota3A, %eq3A_788 : vector<16xi32>
      %gather3A_790 = tpu.vector_load_idx %arg14[%add3A_756] : memref<512xi32, #tpu.memory_space<vmem>>[vector<16xi32>], vector<16xi32>,
      tpu.vector_store_idx %arg10[%gather3A_790], %get3A_739 masked %eq3A_789 : memref<3600xi32, #tpu.memory_space<vmem>>[vector<16xi32>], vector<16xi32>, vector<16xi1>
      tpu.vector_store_idx %arg11[%gather3A_790], %get3A_743 masked %eq3A_789 : memref<3600xi32, #tpu.memory_space<vmem>>[vector<16xi32>], vector<16xi32>, vector<16xi1>
      tpu.vector_store_idx %arg14[%add3A_756], %broadcast_in_dim3A_5 masked %eq3A_789 {add = true} : memref<512xi32, #tpu.memory_space<vmem>>[vector<16xi32>], vector<16xi32>, vector<16xi1>
      %eq3A_791 = arith.constant 9 : i32
      %eq3A_792 = vector.broadcast %eq3A_791 : i32 to vector<16xi32>
      %eq3A_793 = arith.cmpi eq, %iota3A, %eq3A_792 : vector<16xi32>
      %gather3A_794 = tpu.vector_load_idx %arg14[%add3A_756] : memref<512xi32, #tpu.memory_space<vmem>>[vector<16xi32>], vector<16xi32>,
      tpu.vector_store_idx %arg10[%gather3A_794], %get3A_739 masked %eq3A_793 : memref<3600xi32, #tpu.memory_space<vmem>>[vector<16xi32>], vector<16xi32>, vector<16xi1>
      tpu.vector_store_idx %arg11[%gather3A_794], %get3A_743 masked %eq3A_793 : memref<3600xi32, #tpu.memory_space<vmem>>[vector<16xi32>], vector<16xi32>, vector<16xi1>
      tpu.vector_store_idx %arg14[%add3A_756], %broadcast_in_dim3A_5 masked %eq3A_793 {add = true} : memref<512xi32, #tpu.memory_space<vmem>>[vector<16xi32>], vector<16xi32>, vector<16xi1>
      %eq3A_795 = arith.constant 10 : i32
      %eq3A_796 = vector.broadcast %eq3A_795 : i32 to vector<16xi32>
      %eq3A_797 = arith.cmpi eq, %iota3A, %eq3A_796 : vector<16xi32>
      %gather3A_798 = tpu.vector_load_idx %arg14[%add3A_756] : memref<512xi32, #tpu.memory_space<vmem>>[vector<16xi32>], vector<16xi32>,
      tpu.vector_store_idx %arg10[%gather3A_798], %get3A_739 masked %eq3A_797 : memref<3600xi32, #tpu.memory_space<vmem>>[vector<16xi32>], vector<16xi32>, vector<16xi1>
      tpu.vector_store_idx %arg11[%gather3A_798], %get3A_743 masked %eq3A_797 : memref<3600xi32, #tpu.memory_space<vmem>>[vector<16xi32>], vector<16xi32>, vector<16xi1>
      tpu.vector_store_idx %arg14[%add3A_756], %broadcast_in_dim3A_5 masked %eq3A_797 {add = true} : memref<512xi32, #tpu.memory_space<vmem>>[vector<16xi32>], vector<16xi32>, vector<16xi1>
      %eq3A_799 = arith.constant 11 : i32
      %eq3A_800 = vector.broadcast %eq3A_799 : i32 to vector<16xi32>
      %eq3A_801 = arith.cmpi eq, %iota3A, %eq3A_800 : vector<16xi32>
      %gather3A_802 = tpu.vector_load_idx %arg14[%add3A_756] : memref<512xi32, #tpu.memory_space<vmem>>[vector<16xi32>], vector<16xi32>,
      tpu.vector_store_idx %arg10[%gather3A_802], %get3A_739 masked %eq3A_801 : memref<3600xi32, #tpu.memory_space<vmem>>[vector<16xi32>], vector<16xi32>, vector<16xi1>
      tpu.vector_store_idx %arg11[%gather3A_802], %get3A_743 masked %eq3A_801 : memref<3600xi32, #tpu.memory_space<vmem>>[vector<16xi32>], vector<16xi32>, vector<16xi1>
      tpu.vector_store_idx %arg14[%add3A_756], %broadcast_in_dim3A_5 masked %eq3A_801 {add = true} : memref<512xi32, #tpu.memory_space<vmem>>[vector<16xi32>], vector<16xi32>, vector<16xi1>
      %eq3A_803 = arith.constant 12 : i32
      %eq3A_804 = vector.broadcast %eq3A_803 : i32 to vector<16xi32>
      %eq3A_805 = arith.cmpi eq, %iota3A, %eq3A_804 : vector<16xi32>
      %gather3A_806 = tpu.vector_load_idx %arg14[%add3A_756] : memref<512xi32, #tpu.memory_space<vmem>>[vector<16xi32>], vector<16xi32>,
      tpu.vector_store_idx %arg10[%gather3A_806], %get3A_739 masked %eq3A_805 : memref<3600xi32, #tpu.memory_space<vmem>>[vector<16xi32>], vector<16xi32>, vector<16xi1>
      tpu.vector_store_idx %arg11[%gather3A_806], %get3A_743 masked %eq3A_805 : memref<3600xi32, #tpu.memory_space<vmem>>[vector<16xi32>], vector<16xi32>, vector<16xi1>
      tpu.vector_store_idx %arg14[%add3A_756], %broadcast_in_dim3A_5 masked %eq3A_805 {add = true} : memref<512xi32, #tpu.memory_space<vmem>>[vector<16xi32>], vector<16xi32>, vector<16xi1>
      %eq3A_807 = arith.constant 13 : i32
      %eq3A_808 = vector.broadcast %eq3A_807 : i32 to vector<16xi32>
      %eq3A_809 = arith.cmpi eq, %iota3A, %eq3A_808 : vector<16xi32>
      %gather3A_810 = tpu.vector_load_idx %arg14[%add3A_756] : memref<512xi32, #tpu.memory_space<vmem>>[vector<16xi32>], vector<16xi32>,
      tpu.vector_store_idx %arg10[%gather3A_810], %get3A_739 masked %eq3A_809 : memref<3600xi32, #tpu.memory_space<vmem>>[vector<16xi32>], vector<16xi32>, vector<16xi1>
      tpu.vector_store_idx %arg11[%gather3A_810], %get3A_743 masked %eq3A_809 : memref<3600xi32, #tpu.memory_space<vmem>>[vector<16xi32>], vector<16xi32>, vector<16xi1>
      tpu.vector_store_idx %arg14[%add3A_756], %broadcast_in_dim3A_5 masked %eq3A_809 {add = true} : memref<512xi32, #tpu.memory_space<vmem>>[vector<16xi32>], vector<16xi32>, vector<16xi1>
      %eq3A_811 = arith.constant 14 : i32
      %eq3A_812 = vector.broadcast %eq3A_811 : i32 to vector<16xi32>
      %eq3A_813 = arith.cmpi eq, %iota3A, %eq3A_812 : vector<16xi32>
      %gather3A_814 = tpu.vector_load_idx %arg14[%add3A_756] : memref<512xi32, #tpu.memory_space<vmem>>[vector<16xi32>], vector<16xi32>,
      tpu.vector_store_idx %arg10[%gather3A_814], %get3A_739 masked %eq3A_813 : memref<3600xi32, #tpu.memory_space<vmem>>[vector<16xi32>], vector<16xi32>, vector<16xi1>
      tpu.vector_store_idx %arg11[%gather3A_814], %get3A_743 masked %eq3A_813 : memref<3600xi32, #tpu.memory_space<vmem>>[vector<16xi32>], vector<16xi32>, vector<16xi1>
      tpu.vector_store_idx %arg14[%add3A_756], %broadcast_in_dim3A_5 masked %eq3A_813 {add = true} : memref<512xi32, #tpu.memory_space<vmem>>[vector<16xi32>], vector<16xi32>, vector<16xi1>
      %eq3A_815 = arith.constant 15 : i32
      %eq3A_816 = vector.broadcast %eq3A_815 : i32 to vector<16xi32>
      %eq3A_817 = arith.cmpi eq, %iota3A, %eq3A_816 : vector<16xi32>
      %gather3A_818 = tpu.vector_load_idx %arg14[%add3A_756] : memref<512xi32, #tpu.memory_space<vmem>>[vector<16xi32>], vector<16xi32>,
      tpu.vector_store_idx %arg10[%gather3A_818], %get3A_739 masked %eq3A_817 : memref<3600xi32, #tpu.memory_space<vmem>>[vector<16xi32>], vector<16xi32>, vector<16xi1>
      tpu.vector_store_idx %arg11[%gather3A_818], %get3A_743 masked %eq3A_817 : memref<3600xi32, #tpu.memory_space<vmem>>[vector<16xi32>], vector<16xi32>, vector<16xi1>
      tpu.vector_store_idx %arg14[%add3A_756], %broadcast_in_dim3A_5 masked %eq3A_817 {add = true} : memref<512xi32, #tpu.memory_space<vmem>>[vector<16xi32>], vector<16xi32>, vector<16xi1>
    }
    %scan3A_695 = arith.constant 0 : i32
    %scan3A_696 = arith.constant 0 : i32
    %scan3A_697 = arith.constant 32 : i32
    %scan3A_698 = arith.addi %scan3A_696, %scan3A_697 : i32
    %scan3A_699 = arith.constant 1 : i32
    %scan3A_700 = scf.for %scan3A_735 = %scan3A_696 to %scan3A_698 step %scan3A_699 iter_args(%scan3A_736 = %scan3A_695) -> (i32)  : i32 {
      %mul3A_737 = arith.constant 16 : i32
      %mul3A_738 = arith.muli %scan3A_735, %mul3A_737 : i32
      %add3A_739 = vector.broadcast %mul3A_738 : i32 to vector<16xi32>
      %add3A_740 = arith.addi %iota3A, %add3A_739 : vector<16xi32>
      %mul3A_741 = arith.constant 16 : i32
      %mul3A_742 = arith.muli %scan3A_735, %mul3A_741 : i32
      %get3A_743 = arith.index_cast %mul3A_742 : i32 to index
      %get3A_744 = tpu.vector_load %arg12[%get3A_743] {strides = array<i32>} : memref<512xi32, #tpu.memory_space<vmem>>, vector<16xi32>,
      %gt3A = arith.constant 0 : i32
      %gt3A_745 = vector.broadcast %gt3A : i32 to vector<16xi32>
      %gt3A_746 = arith.cmpi sgt, %get3A_744, %gt3A_745 : vector<16xi32>
      %broadcast_in_dim3A_747 = arith.constant 255 : i32
      %broadcast_in_dim3A_748 = vector.broadcast %broadcast_in_dim3A_747 : i32 to vector<16xi32>
      %and3A_749 = arith.andi %add3A_740, %broadcast_in_dim3A_748 : vector<16xi32>
      %lt3A = arith.constant 255 : i32
      %lt3A_750 = vector.broadcast %lt3A : i32 to vector<16xi32>
      %lt3A_751 = arith.cmpi slt, %and3A_749, %lt3A_750 : vector<16xi32>
      %and3A_752 = arith.andi %gt3A_746, %lt3A_751 : vector<16xi1>
      %sub3A_753 = arith.constant 1 : i32
      %sub3A_754 = vector.broadcast %sub3A_753 : i32 to vector<16xi32>
      %sub3A_755 = arith.subi %broadcast_in_dim3A_5, %sub3A_754 : vector<16xi32>
      %select_n3A_756 = arith.select %and3A_752, %broadcast_in_dim3A_5, %sub3A_755 : vector<16xi1>, vector<16xi32>
      %broadcast_in_dim3A_757 = arith.constant true
      %broadcast_in_dim3A_758 = vector.broadcast %broadcast_in_dim3A_757 : i1 to vector<16xi1>
      %masked_cumsum3A_759 = tpu.scan <sum>, %select_n3A_756 masked %broadcast_in_dim3A_758 : vector<16xi32>, vector<16xi1> -> vector<16xi32>
      %add3A_760 = vector.broadcast %scan3A_736 : i32 to vector<16xi32>
      %add3A_761 = arith.addi %add3A_760, %masked_cumsum3A_759 : vector<16xi32>
      %sub3A_762 = arith.subi %add3A_761, %select_n3A_756 : vector<16xi32>
      tpu.vector_store_idx %arg15[%sub3A_762], %add3A_740 masked %and3A_752 : memref<512xi32, #tpu.memory_space<vmem>>[vector<16xi32>], vector<16xi32>, vector<16xi1>
      %slice3A_763 = vector.extract_strided_slice %masked_cumsum3A_759 {offsets = [15], sizes = [1], strides = [1]} : vector<16xi32> to vector<1xi32>
      %squeeze3A_764 = vector.extract %slice3A_763[0] : i32 from vector<1xi32>
      %add3A_765 = arith.addi %scan3A_736, %squeeze3A_764 : i32
      scf.yield %add3A_765 : i32
    }
    %scan3A_701 = arith.constant 32 : i32
    %min3A = arith.constant 12 : i32
    %min3A_702 = arith.minsi %scan3A_700, %min3A : i32
    %while3A_703 = arith.constant 0 : i32
    %while3A_704 = arith.constant 0 : i32
    %while3A_705 = arith.subi %min3A_702, %while3A_704 : i32
    %while3A_706 = arith.addi %while3A_704, %while3A_705 : i32
    %while3A_707 = arith.constant 1 : i32
    %while3A_708 = arith.divsi %while3A_705, %while3A_707 : i32
    %while3A_709 = arith.muli %while3A_708, %while3A_707 : i32
    %while3A_710 = arith.addi %while3A_704, %while3A_709 : i32
    %while3A_711 = arith.constant 1 : i32
    scf.for %while3A_735 = %while3A_704 to %while3A_710 step %while3A_711  : i32 {
      %broadcast_in_dim3A_736 = arith.constant 0 : i32
      %broadcast_in_dim3A_737 = vector.broadcast %broadcast_in_dim3A_736 : i32 to vector<16xi32>
      %add3A_738 = vector.broadcast %while3A_735 : i32 to vector<16xi32>
      %add3A_739 = arith.addi %broadcast_in_dim3A_737, %add3A_738 : vector<16xi32>
      %gather3A = tpu.vector_load_idx %arg15[%add3A_739] : memref<512xi32, #tpu.memory_space<vmem>>[vector<16xi32>], vector<16xi32>,
      %slice3A_740 = vector.extract_strided_slice %gather3A {offsets = [0], sizes = [1], strides = [1]} : vector<16xi32> to vector<1xi32>
      %squeeze3A_741 = vector.extract %slice3A_740[0] : i32 from vector<1xi32>
      %jit3A_742 = arith.constant 256 : i32
      %div3A_743 = arith.divsi %squeeze3A_741, %jit3A_742 : i32
      %sign3A_744 = arith.constant 0 : i32
      %sign3A_745 = arith.cmpi sgt, %squeeze3A_741, %sign3A_744 : i32
      %sign3A_746 = arith.extui %sign3A_745 : i1 to i32
      %sign3A_747 = arith.constant 0 : i32
      %sign3A_748 = arith.cmpi slt, %squeeze3A_741, %sign3A_747 : i32
      %sign3A_749 = arith.extui %sign3A_748 : i1 to i32
      %sign3A_750 = arith.subi %sign3A_746, %sign3A_749 : i32
      %sign3A_751 = arith.constant 0 : i32
      %sign3A_752 = arith.cmpi sgt, %jit3A_742, %sign3A_751 : i32
      %sign3A_753 = arith.extui %sign3A_752 : i1 to i32
      %sign3A_754 = arith.constant 0 : i32
      %sign3A_755 = arith.cmpi slt, %jit3A_742, %sign3A_754 : i32
      %sign3A_756 = arith.extui %sign3A_755 : i1 to i32
      %sign3A_757 = arith.subi %sign3A_753, %sign3A_756 : i32
      %ne3A_758 = arith.cmpi ne, %sign3A_750, %sign3A_757 : i32
      %rem3A_759 = arith.remsi %squeeze3A_741, %jit3A_742 : i32
      %ne3A_760 = arith.constant 0 : i32
      %ne3A_761 = arith.cmpi ne, %rem3A_759, %ne3A_760 : i32
      %and3A_762 = arith.andi %ne3A_758, %ne3A_761 : i1
      %sub3A_763 = arith.constant 1 : i32
      %sub3A_764 = arith.subi %div3A_743, %sub3A_763 : i32
      %select_n3A_765 = arith.select %and3A_762, %sub3A_764, %div3A_743 : i32
      %jit3A_766 = arith.constant 256 : i32
      %eq3A = arith.constant 0 : i32
      %eq3A_767 = arith.cmpi eq, %jit3A_766, %eq3A : i32
      %jit3A_768 = arith.constant 1 : i32
      %select_n3A_769 = arith.select %eq3A_767, %jit3A_768, %jit3A_766 : i32
      %rem3A_770 = arith.remsi %squeeze3A_741, %select_n3A_769 : i32
      %ne3A_771 = arith.constant 0 : i32
      %ne3A_772 = arith.cmpi ne, %rem3A_770, %ne3A_771 : i32
      %lt3A = arith.constant 0 : i32
      %lt3A_773 = arith.cmpi slt, %rem3A_770, %lt3A : i32
      %lt3A_774 = arith.constant 0 : i32
      %lt3A_775 = arith.cmpi slt, %select_n3A_769, %lt3A_774 : i32
      %ne3A_776 = arith.xori %lt3A_773, %lt3A_775 : i1
      %and3A_777 = arith.andi %ne3A_776, %ne3A_772 : i1
      %add3A_778 = arith.addi %rem3A_770, %select_n3A_769 : i32
      %select_n3A_779 = arith.select %and3A_777, %add3A_778, %rem3A_770 : i32
      %mul3A_780 = arith.constant 32 : i32
      %mul3A_781 = arith.muli %select_n3A_779, %mul3A_780 : i32
      %add3A_782 = arith.addi %mul3A_781, %add3A : i32
      %mul3A_783 = arith.constant 128 : i32
      %mul3A_784 = arith.muli %add3A_782, %mul3A_783 : i32
      %multiple_of3A = tpu.assume_multiple %mul3A_784, 128 : i32
      %rem3A_785 = arith.constant 13 : i32
      %rem3A_786 = arith.remsi %while3A_735, %rem3A_785 : i32
      %eq3A_787 = arith.constant 0 : i32
      %eq3A_788 = arith.cmpi eq, %select_n3A_765, %eq3A_787 : i32
      %convert_element_type3A = arith.extui %eq3A_788 : i1 to i32
      %cond3A = arith.constant 0 : i32
      %cond3A_789 = arith.cmpi ne, %convert_element_type3A, %cond3A : i32
      scf.if %cond3A_789 {
        %dma_start3A_795 = arith.constant 0 : i32
        %dma_start3A_796 = arith.constant 0 : i32
        %dma_start3A_797 = tpu.memref_slice %arg16[%rem3A_786, %dma_start3A_795, %dma_start3A_796] : memref<13x64x128xf32, #tpu.memory_space<vmem>> -> memref<1x64x128xf32, #tpu.memory_space<vmem>>
        %dma_start3A_798 = tpu.memref_squeeze %dma_start3A_797 : memref<1x64x128xf32, #tpu.memory_space<vmem>> -> memref<64x128xf32, #tpu.memory_space<vmem>>
        %dma_start3A_799 = arith.constant 0 : i32
        %dma_start3A_800 = tpu.memref_slice %arg4[%dma_start3A_799, %multiple_of3A] : memref<64x1000000xf32, #tpu.memory_space<hbm>> -> memref<64x128xf32, #tpu.memory_space<hbm>>
        %dma_start3A_801 = arith.constant 0 : i32
        %dma_start3A_802 = arith.constant 0 : i32
        %dma_start3A_803 = tpu.memref_slice %arg16[%rem3A_786, %dma_start3A_801, %dma_start3A_802] : memref<13x64x128xf32, #tpu.memory_space<vmem>> -> memref<1x64x128xf32, #tpu.memory_space<vmem>>
        %dma_start3A_804 = tpu.memref_squeeze %dma_start3A_803 : memref<1x64x128xf32, #tpu.memory_space<vmem>> -> memref<64x128xf32, #tpu.memory_space<vmem>>
        %dma_start3A_805 = arith.constant 0 : i32
        %dma_start3A_806 = tpu.memref_slice %arg4[%dma_start3A_805, %multiple_of3A] : memref<64x1000000xf32, #tpu.memory_space<hbm>> -> memref<64x128xf32, #tpu.memory_space<hbm>>
        tpu.enqueue_dma source(%dma_start3A_806 : memref<64x128xf32, #tpu.memory_space<hbm>>) target(%dma_start3A_804 : memref<64x128xf32, #tpu.memory_space<vmem>>) target_semaphore(%arg19 : memref<!tpu.dma_semaphore, #tpu.memory_space<semaphore_mem>>)
      } else {
      }
      %ne3A_790 = arith.constant 0 : i32
      %ne3A_791 = arith.cmpi ne, %select_n3A_765, %ne3A_790 : i32
      %convert_element_type3A_792 = arith.extui %ne3A_791 : i1 to i32
      %cond3A_793 = arith.constant 0 : i32
      %cond3A_794 = arith.cmpi ne, %convert_element_type3A_792, %cond3A_793 : i32
      scf.if %cond3A_794 {
        %dma_start3A_795 = arith.constant 0 : i32
        %dma_start3A_796 = arith.constant 0 : i32
        %dma_start3A_797 = tpu.memref_slice %arg16[%rem3A_786, %dma_start3A_795, %dma_start3A_796] : memref<13x64x128xf32, #tpu.memory_space<vmem>> -> memref<1x64x128xf32, #tpu.memory_space<vmem>>
        %dma_start3A_798 = tpu.memref_squeeze %dma_start3A_797 : memref<1x64x128xf32, #tpu.memory_space<vmem>> -> memref<64x128xf32, #tpu.memory_space<vmem>>
        %dma_start3A_799 = arith.constant 0 : i32
        %dma_start3A_800 = tpu.memref_slice %arg5[%dma_start3A_799, %multiple_of3A] : memref<64x1000000xf32, #tpu.memory_space<hbm>> -> memref<64x128xf32, #tpu.memory_space<hbm>>
        %dma_start3A_801 = arith.constant 0 : i32
        %dma_start3A_802 = arith.constant 0 : i32
        %dma_start3A_803 = tpu.memref_slice %arg16[%rem3A_786, %dma_start3A_801, %dma_start3A_802] : memref<13x64x128xf32, #tpu.memory_space<vmem>> -> memref<1x64x128xf32, #tpu.memory_space<vmem>>
        %dma_start3A_804 = tpu.memref_squeeze %dma_start3A_803 : memref<1x64x128xf32, #tpu.memory_space<vmem>> -> memref<64x128xf32, #tpu.memory_space<vmem>>
        %dma_start3A_805 = arith.constant 0 : i32
        %dma_start3A_806 = tpu.memref_slice %arg5[%dma_start3A_805, %multiple_of3A] : memref<64x1000000xf32, #tpu.memory_space<hbm>> -> memref<64x128xf32, #tpu.memory_space<hbm>>
        tpu.enqueue_dma source(%dma_start3A_806 : memref<64x128xf32, #tpu.memory_space<hbm>>) target(%dma_start3A_804 : memref<64x128xf32, #tpu.memory_space<vmem>>) target_semaphore(%arg19 : memref<!tpu.dma_semaphore, #tpu.memory_space<semaphore_mem>>)
      } else {
      }
    }
    %while3A_712 = arith.constant 1 : i32
    scf.for %while3A_735 = %while3A_710 to %while3A_706 step %while3A_712  : i32 {
      %broadcast_in_dim3A_736 = arith.constant 0 : i32
      %broadcast_in_dim3A_737 = vector.broadcast %broadcast_in_dim3A_736 : i32 to vector<16xi32>
      %add3A_738 = vector.broadcast %while3A_735 : i32 to vector<16xi32>
      %add3A_739 = arith.addi %broadcast_in_dim3A_737, %add3A_738 : vector<16xi32>
      %gather3A = tpu.vector_load_idx %arg15[%add3A_739] : memref<512xi32, #tpu.memory_space<vmem>>[vector<16xi32>], vector<16xi32>,
      %slice3A_740 = vector.extract_strided_slice %gather3A {offsets = [0], sizes = [1], strides = [1]} : vector<16xi32> to vector<1xi32>
      %squeeze3A_741 = vector.extract %slice3A_740[0] : i32 from vector<1xi32>
      %jit3A_742 = arith.constant 256 : i32
      %div3A_743 = arith.divsi %squeeze3A_741, %jit3A_742 : i32
      %sign3A_744 = arith.constant 0 : i32
      %sign3A_745 = arith.cmpi sgt, %squeeze3A_741, %sign3A_744 : i32
      %sign3A_746 = arith.extui %sign3A_745 : i1 to i32
      %sign3A_747 = arith.constant 0 : i32
      %sign3A_748 = arith.cmpi slt, %squeeze3A_741, %sign3A_747 : i32
      %sign3A_749 = arith.extui %sign3A_748 : i1 to i32
      %sign3A_750 = arith.subi %sign3A_746, %sign3A_749 : i32
      %sign3A_751 = arith.constant 0 : i32
      %sign3A_752 = arith.cmpi sgt, %jit3A_742, %sign3A_751 : i32
      %sign3A_753 = arith.extui %sign3A_752 : i1 to i32
      %sign3A_754 = arith.constant 0 : i32
      %sign3A_755 = arith.cmpi slt, %jit3A_742, %sign3A_754 : i32
      %sign3A_756 = arith.extui %sign3A_755 : i1 to i32
      %sign3A_757 = arith.subi %sign3A_753, %sign3A_756 : i32
      %ne3A_758 = arith.cmpi ne, %sign3A_750, %sign3A_757 : i32
      %rem3A_759 = arith.remsi %squeeze3A_741, %jit3A_742 : i32
      %ne3A_760 = arith.constant 0 : i32
      %ne3A_761 = arith.cmpi ne, %rem3A_759, %ne3A_760 : i32
      %and3A_762 = arith.andi %ne3A_758, %ne3A_761 : i1
      %sub3A_763 = arith.constant 1 : i32
      %sub3A_764 = arith.subi %div3A_743, %sub3A_763 : i32
      %select_n3A_765 = arith.select %and3A_762, %sub3A_764, %div3A_743 : i32
      %jit3A_766 = arith.constant 256 : i32
      %eq3A = arith.constant 0 : i32
      %eq3A_767 = arith.cmpi eq, %jit3A_766, %eq3A : i32
      %jit3A_768 = arith.constant 1 : i32
      %select_n3A_769 = arith.select %eq3A_767, %jit3A_768, %jit3A_766 : i32
      %rem3A_770 = arith.remsi %squeeze3A_741, %select_n3A_769 : i32
      %ne3A_771 = arith.constant 0 : i32
      %ne3A_772 = arith.cmpi ne, %rem3A_770, %ne3A_771 : i32
      %lt3A = arith.constant 0 : i32
      %lt3A_773 = arith.cmpi slt, %rem3A_770, %lt3A : i32
      %lt3A_774 = arith.constant 0 : i32
      %lt3A_775 = arith.cmpi slt, %select_n3A_769, %lt3A_774 : i32
      %ne3A_776 = arith.xori %lt3A_773, %lt3A_775 : i1
      %and3A_777 = arith.andi %ne3A_776, %ne3A_772 : i1
      %add3A_778 = arith.addi %rem3A_770, %select_n3A_769 : i32
      %select_n3A_779 = arith.select %and3A_777, %add3A_778, %rem3A_770 : i32
      %mul3A_780 = arith.constant 32 : i32
      %mul3A_781 = arith.muli %select_n3A_779, %mul3A_780 : i32
      %add3A_782 = arith.addi %mul3A_781, %add3A : i32
      %mul3A_783 = arith.constant 128 : i32
      %mul3A_784 = arith.muli %add3A_782, %mul3A_783 : i32
      %multiple_of3A = tpu.assume_multiple %mul3A_784, 128 : i32
      %rem3A_785 = arith.constant 13 : i32
      %rem3A_786 = arith.remsi %while3A_735, %rem3A_785 : i32
      %eq3A_787 = arith.constant 0 : i32
      %eq3A_788 = arith.cmpi eq, %select_n3A_765, %eq3A_787 : i32
      %convert_element_type3A = arith.extui %eq3A_788 : i1 to i32
      %cond3A = arith.constant 0 : i32
      %cond3A_789 = arith.cmpi ne, %convert_element_type3A, %cond3A : i32
      scf.if %cond3A_789 {
        %dma_start3A_795 = arith.constant 0 : i32
        %dma_start3A_796 = arith.constant 0 : i32
        %dma_start3A_797 = tpu.memref_slice %arg16[%rem3A_786, %dma_start3A_795, %dma_start3A_796] : memref<13x64x128xf32, #tpu.memory_space<vmem>> -> memref<1x64x128xf32, #tpu.memory_space<vmem>>
        %dma_start3A_798 = tpu.memref_squeeze %dma_start3A_797 : memref<1x64x128xf32, #tpu.memory_space<vmem>> -> memref<64x128xf32, #tpu.memory_space<vmem>>
        %dma_start3A_799 = arith.constant 0 : i32
        %dma_start3A_800 = tpu.memref_slice %arg4[%dma_start3A_799, %multiple_of3A] : memref<64x1000000xf32, #tpu.memory_space<hbm>> -> memref<64x128xf32, #tpu.memory_space<hbm>>
        %dma_start3A_801 = arith.constant 0 : i32
        %dma_start3A_802 = arith.constant 0 : i32
        %dma_start3A_803 = tpu.memref_slice %arg16[%rem3A_786, %dma_start3A_801, %dma_start3A_802] : memref<13x64x128xf32, #tpu.memory_space<vmem>> -> memref<1x64x128xf32, #tpu.memory_space<vmem>>
        %dma_start3A_804 = tpu.memref_squeeze %dma_start3A_803 : memref<1x64x128xf32, #tpu.memory_space<vmem>> -> memref<64x128xf32, #tpu.memory_space<vmem>>
        %dma_start3A_805 = arith.constant 0 : i32
        %dma_start3A_806 = tpu.memref_slice %arg4[%dma_start3A_805, %multiple_of3A] : memref<64x1000000xf32, #tpu.memory_space<hbm>> -> memref<64x128xf32, #tpu.memory_space<hbm>>
        tpu.enqueue_dma source(%dma_start3A_806 : memref<64x128xf32, #tpu.memory_space<hbm>>) target(%dma_start3A_804 : memref<64x128xf32, #tpu.memory_space<vmem>>) target_semaphore(%arg19 : memref<!tpu.dma_semaphore, #tpu.memory_space<semaphore_mem>>)
      } else {
      }
      %ne3A_790 = arith.constant 0 : i32
      %ne3A_791 = arith.cmpi ne, %select_n3A_765, %ne3A_790 : i32
      %convert_element_type3A_792 = arith.extui %ne3A_791 : i1 to i32
      %cond3A_793 = arith.constant 0 : i32
      %cond3A_794 = arith.cmpi ne, %convert_element_type3A_792, %cond3A_793 : i32
      scf.if %cond3A_794 {
        %dma_start3A_795 = arith.constant 0 : i32
        %dma_start3A_796 = arith.constant 0 : i32
        %dma_start3A_797 = tpu.memref_slice %arg16[%rem3A_786, %dma_start3A_795, %dma_start3A_796] : memref<13x64x128xf32, #tpu.memory_space<vmem>> -> memref<1x64x128xf32, #tpu.memory_space<vmem>>
        %dma_start3A_798 = tpu.memref_squeeze %dma_start3A_797 : memref<1x64x128xf32, #tpu.memory_space<vmem>> -> memref<64x128xf32, #tpu.memory_space<vmem>>
        %dma_start3A_799 = arith.constant 0 : i32
        %dma_start3A_800 = tpu.memref_slice %arg5[%dma_start3A_799, %multiple_of3A] : memref<64x1000000xf32, #tpu.memory_space<hbm>> -> memref<64x128xf32, #tpu.memory_space<hbm>>
        %dma_start3A_801 = arith.constant 0 : i32
        %dma_start3A_802 = arith.constant 0 : i32
        %dma_start3A_803 = tpu.memref_slice %arg16[%rem3A_786, %dma_start3A_801, %dma_start3A_802] : memref<13x64x128xf32, #tpu.memory_space<vmem>> -> memref<1x64x128xf32, #tpu.memory_space<vmem>>
        %dma_start3A_804 = tpu.memref_squeeze %dma_start3A_803 : memref<1x64x128xf32, #tpu.memory_space<vmem>> -> memref<64x128xf32, #tpu.memory_space<vmem>>
        %dma_start3A_805 = arith.constant 0 : i32
        %dma_start3A_806 = tpu.memref_slice %arg5[%dma_start3A_805, %multiple_of3A] : memref<64x1000000xf32, #tpu.memory_space<hbm>> -> memref<64x128xf32, #tpu.memory_space<hbm>>
        tpu.enqueue_dma source(%dma_start3A_806 : memref<64x128xf32, #tpu.memory_space<hbm>>) target(%dma_start3A_804 : memref<64x128xf32, #tpu.memory_space<vmem>>) target_semaphore(%arg19 : memref<!tpu.dma_semaphore, #tpu.memory_space<semaphore_mem>>)
      } else {
      }
    }
    %while3A_713 = arith.constant 0 : i32
    %while3A_714 = arith.constant 0 : i32
    %while3A_715 = arith.subi %scan3A_700, %while3A_714 : i32
    %while3A_716 = arith.addi %while3A_714, %while3A_715 : i32
    %while3A_717 = arith.constant 1 : i32
    %while3A_718 = arith.divsi %while3A_715, %while3A_717 : i32
    %while3A_719 = arith.muli %while3A_718, %while3A_717 : i32
    %while3A_720 = arith.addi %while3A_714, %while3A_719 : i32
    %while3A_721 = arith.constant 1 : i32
    scf.for %while3A_735 = %while3A_714 to %while3A_720 step %while3A_721  : i32 {
      %add3A_736 = arith.constant 12 : i32
      %add3A_737 = arith.addi %while3A_735, %add3A_736 : i32
      %lt3A = arith.cmpi slt, %add3A_737, %scan3A_700 : i32
      %convert_element_type3A = arith.extui %lt3A : i1 to i32
      %cond3A = arith.constant 0 : i32
      %cond3A_738 = arith.cmpi ne, %convert_element_type3A, %cond3A : i32
      scf.if %cond3A_738 {
        %broadcast_in_dim3A_789 = arith.constant 0 : i32
        %broadcast_in_dim3A_790 = vector.broadcast %broadcast_in_dim3A_789 : i32 to vector<16xi32>
        %add3A_791 = vector.broadcast %add3A_737 : i32 to vector<16xi32>
        %add3A_792 = arith.addi %broadcast_in_dim3A_790, %add3A_791 : vector<16xi32>
        %gather3A_793 = tpu.vector_load_idx %arg15[%add3A_792] : memref<512xi32, #tpu.memory_space<vmem>>[vector<16xi32>], vector<16xi32>,
        %slice3A_794 = vector.extract_strided_slice %gather3A_793 {offsets = [0], sizes = [1], strides = [1]} : vector<16xi32> to vector<1xi32>
        %squeeze3A_795 = vector.extract %slice3A_794[0] : i32 from vector<1xi32>
        %jit3A_796 = arith.constant 256 : i32
        %div3A_797 = arith.divsi %squeeze3A_795, %jit3A_796 : i32
        %sign3A_798 = arith.constant 0 : i32
        %sign3A_799 = arith.cmpi sgt, %squeeze3A_795, %sign3A_798 : i32
        %sign3A_800 = arith.extui %sign3A_799 : i1 to i32
        %sign3A_801 = arith.constant 0 : i32
        %sign3A_802 = arith.cmpi slt, %squeeze3A_795, %sign3A_801 : i32
        %sign3A_803 = arith.extui %sign3A_802 : i1 to i32
        %sign3A_804 = arith.subi %sign3A_800, %sign3A_803 : i32
        %sign3A_805 = arith.constant 0 : i32
        %sign3A_806 = arith.cmpi sgt, %jit3A_796, %sign3A_805 : i32
        %sign3A_807 = arith.extui %sign3A_806 : i1 to i32
        %sign3A_808 = arith.constant 0 : i32
        %sign3A_809 = arith.cmpi slt, %jit3A_796, %sign3A_808 : i32
        %sign3A_810 = arith.extui %sign3A_809 : i1 to i32
        %sign3A_811 = arith.subi %sign3A_807, %sign3A_810 : i32
        %ne3A_812 = arith.cmpi ne, %sign3A_804, %sign3A_811 : i32
        %rem3A_813 = arith.remsi %squeeze3A_795, %jit3A_796 : i32
        %ne3A_814 = arith.constant 0 : i32
        %ne3A_815 = arith.cmpi ne, %rem3A_813, %ne3A_814 : i32
        %and3A_816 = arith.andi %ne3A_812, %ne3A_815 : i1
        %sub3A_817 = arith.constant 1 : i32
        %sub3A_818 = arith.subi %div3A_797, %sub3A_817 : i32
        %select_n3A_819 = arith.select %and3A_816, %sub3A_818, %div3A_797 : i32
        %jit3A_820 = arith.constant 256 : i32
        %eq3A = arith.constant 0 : i32
        %eq3A_821 = arith.cmpi eq, %jit3A_820, %eq3A : i32
        %jit3A_822 = arith.constant 1 : i32
        %select_n3A_823 = arith.select %eq3A_821, %jit3A_822, %jit3A_820 : i32
        %rem3A_824 = arith.remsi %squeeze3A_795, %select_n3A_823 : i32
        %ne3A_825 = arith.constant 0 : i32
        %ne3A_826 = arith.cmpi ne, %rem3A_824, %ne3A_825 : i32
        %lt3A_827 = arith.constant 0 : i32
        %lt3A_828 = arith.cmpi slt, %rem3A_824, %lt3A_827 : i32
        %lt3A_829 = arith.constant 0 : i32
        %lt3A_830 = arith.cmpi slt, %select_n3A_823, %lt3A_829 : i32
        %ne3A_831 = arith.xori %lt3A_828, %lt3A_830 : i1
        %and3A_832 = arith.andi %ne3A_831, %ne3A_826 : i1
        %add3A_833 = arith.addi %rem3A_824, %select_n3A_823 : i32
        %select_n3A_834 = arith.select %and3A_832, %add3A_833, %rem3A_824 : i32
        %mul3A_835 = arith.constant 32 : i32
        %mul3A_836 = arith.muli %select_n3A_834, %mul3A_835 : i32
        %add3A_837 = arith.addi %mul3A_836, %add3A : i32
        %mul3A_838 = arith.constant 128 : i32
        %mul3A_839 = arith.muli %add3A_837, %mul3A_838 : i32
        %multiple_of3A = tpu.assume_multiple %mul3A_839, 128 : i32
        %rem3A_840 = arith.constant 13 : i32
        %rem3A_841 = arith.remsi %add3A_737, %rem3A_840 : i32
        %eq3A_842 = arith.constant 0 : i32
        %eq3A_843 = arith.cmpi eq, %select_n3A_819, %eq3A_842 : i32
        %convert_element_type3A_844 = arith.extui %eq3A_843 : i1 to i32
        %cond3A_845 = arith.constant 0 : i32
        %cond3A_846 = arith.cmpi ne, %convert_element_type3A_844, %cond3A_845 : i32
        scf.if %cond3A_846 {
          %dma_start3A_852 = arith.constant 0 : i32
          %dma_start3A_853 = arith.constant 0 : i32
          %dma_start3A_854 = tpu.memref_slice %arg16[%rem3A_841, %dma_start3A_852, %dma_start3A_853] : memref<13x64x128xf32, #tpu.memory_space<vmem>> -> memref<1x64x128xf32, #tpu.memory_space<vmem>>
          %dma_start3A_855 = tpu.memref_squeeze %dma_start3A_854 : memref<1x64x128xf32, #tpu.memory_space<vmem>> -> memref<64x128xf32, #tpu.memory_space<vmem>>
          %dma_start3A_856 = arith.constant 0 : i32
          %dma_start3A_857 = tpu.memref_slice %arg4[%dma_start3A_856, %multiple_of3A] : memref<64x1000000xf32, #tpu.memory_space<hbm>> -> memref<64x128xf32, #tpu.memory_space<hbm>>
          %dma_start3A_858 = arith.constant 0 : i32
          %dma_start3A_859 = arith.constant 0 : i32
          %dma_start3A_860 = tpu.memref_slice %arg16[%rem3A_841, %dma_start3A_858, %dma_start3A_859] : memref<13x64x128xf32, #tpu.memory_space<vmem>> -> memref<1x64x128xf32, #tpu.memory_space<vmem>>
          %dma_start3A_861 = tpu.memref_squeeze %dma_start3A_860 : memref<1x64x128xf32, #tpu.memory_space<vmem>> -> memref<64x128xf32, #tpu.memory_space<vmem>>
          %dma_start3A_862 = arith.constant 0 : i32
          %dma_start3A_863 = tpu.memref_slice %arg4[%dma_start3A_862, %multiple_of3A] : memref<64x1000000xf32, #tpu.memory_space<hbm>> -> memref<64x128xf32, #tpu.memory_space<hbm>>
          tpu.enqueue_dma source(%dma_start3A_863 : memref<64x128xf32, #tpu.memory_space<hbm>>) target(%dma_start3A_861 : memref<64x128xf32, #tpu.memory_space<vmem>>) target_semaphore(%arg19 : memref<!tpu.dma_semaphore, #tpu.memory_space<semaphore_mem>>)
        } else {
        }
        %ne3A_847 = arith.constant 0 : i32
        %ne3A_848 = arith.cmpi ne, %select_n3A_819, %ne3A_847 : i32
        %convert_element_type3A_849 = arith.extui %ne3A_848 : i1 to i32
        %cond3A_850 = arith.constant 0 : i32
        %cond3A_851 = arith.cmpi ne, %convert_element_type3A_849, %cond3A_850 : i32
        scf.if %cond3A_851 {
          %dma_start3A_852 = arith.constant 0 : i32
          %dma_start3A_853 = arith.constant 0 : i32
          %dma_start3A_854 = tpu.memref_slice %arg16[%rem3A_841, %dma_start3A_852, %dma_start3A_853] : memref<13x64x128xf32, #tpu.memory_space<vmem>> -> memref<1x64x128xf32, #tpu.memory_space<vmem>>
          %dma_start3A_855 = tpu.memref_squeeze %dma_start3A_854 : memref<1x64x128xf32, #tpu.memory_space<vmem>> -> memref<64x128xf32, #tpu.memory_space<vmem>>
          %dma_start3A_856 = arith.constant 0 : i32
          %dma_start3A_857 = tpu.memref_slice %arg5[%dma_start3A_856, %multiple_of3A] : memref<64x1000000xf32, #tpu.memory_space<hbm>> -> memref<64x128xf32, #tpu.memory_space<hbm>>
          %dma_start3A_858 = arith.constant 0 : i32
          %dma_start3A_859 = arith.constant 0 : i32
          %dma_start3A_860 = tpu.memref_slice %arg16[%rem3A_841, %dma_start3A_858, %dma_start3A_859] : memref<13x64x128xf32, #tpu.memory_space<vmem>> -> memref<1x64x128xf32, #tpu.memory_space<vmem>>
          %dma_start3A_861 = tpu.memref_squeeze %dma_start3A_860 : memref<1x64x128xf32, #tpu.memory_space<vmem>> -> memref<64x128xf32, #tpu.memory_space<vmem>>
          %dma_start3A_862 = arith.constant 0 : i32
          %dma_start3A_863 = tpu.memref_slice %arg5[%dma_start3A_862, %multiple_of3A] : memref<64x1000000xf32, #tpu.memory_space<hbm>> -> memref<64x128xf32, #tpu.memory_space<hbm>>
          tpu.enqueue_dma source(%dma_start3A_863 : memref<64x128xf32, #tpu.memory_space<hbm>>) target(%dma_start3A_861 : memref<64x128xf32, #tpu.memory_space<vmem>>) target_semaphore(%arg19 : memref<!tpu.dma_semaphore, #tpu.memory_space<semaphore_mem>>)
        } else {
        }
      } else {
      }
      %dma_wait3A = arith.constant 0 : i32
      %dma_wait3A_739 = arith.constant 0 : i32
      %dma_wait3A_740 = arith.constant 0 : i32
      %dma_wait3A_741 = tpu.memref_slice %arg16[%dma_wait3A, %dma_wait3A_739, %dma_wait3A_740] : memref<13x64x128xf32, #tpu.memory_space<vmem>> -> memref<1x64x128xf32, #tpu.memory_space<vmem>>
      %dma_wait3A_742 = tpu.memref_squeeze %dma_wait3A_741 : memref<1x64x128xf32, #tpu.memory_space<vmem>> -> memref<64x128xf32, #tpu.memory_space<vmem>>
      %dma_wait3A_743 = arith.constant 0 : i32
      %dma_wait3A_744 = arith.constant 0 : i32
      %dma_wait3A_745 = tpu.memref_slice %arg4[%dma_wait3A_743, %dma_wait3A_744] : memref<64x1000000xf32, #tpu.memory_space<hbm>> -> memref<64x128xf32, #tpu.memory_space<hbm>>
      %dma_wait3A_746 = arith.constant 0 : i32
      %dma_wait3A_747 = arith.constant 0 : i32
      %dma_wait3A_748 = tpu.memref_slice %arg16[%dma_wait3A, %dma_wait3A_746, %dma_wait3A_747] : memref<13x64x128xf32, #tpu.memory_space<vmem>> -> memref<1x64x128xf32, #tpu.memory_space<vmem>>
      %dma_wait3A_749 = tpu.memref_squeeze %dma_wait3A_748 : memref<1x64x128xf32, #tpu.memory_space<vmem>> -> memref<64x128xf32, #tpu.memory_space<vmem>>
      %dma_wait3A_750 = arith.constant 0 : i32
      %dma_wait3A_751 = arith.constant 0 : i32
      %dma_wait3A_752 = tpu.memref_slice %arg4[%dma_wait3A_750, %dma_wait3A_751] : memref<64x1000000xf32, #tpu.memory_space<hbm>> -> memref<64x128xf32, #tpu.memory_space<hbm>>
      tpu.wait_dma2 semaphore(%arg19 : memref<!tpu.dma_semaphore, #tpu.memory_space<semaphore_mem>>) src(%dma_wait3A_752 : memref<64x128xf32, #tpu.memory_space<hbm>>) dst(%dma_wait3A_749 : memref<64x128xf32, #tpu.memory_space<vmem>>)
      %broadcast_in_dim3A_753 = arith.constant 0 : i32
      %broadcast_in_dim3A_754 = vector.broadcast %broadcast_in_dim3A_753 : i32 to vector<16xi32>
      %rem3A_755 = arith.constant 13 : i32
      %rem3A_756 = arith.remsi %while3A_735, %rem3A_755 : i32
      %add3A_757 = vector.broadcast %rem3A_756 : i32 to vector<16xi32>
      %add3A_758 = arith.addi %broadcast_in_dim3A_754, %add3A_757 : vector<16xi32>
      %broadcast_in_dim3A_759 = arith.constant 0 : i32
      %broadcast_in_dim3A_760 = vector.broadcast %broadcast_in_dim3A_759 : i32 to vector<16xi32>
      %add3A_761 = vector.broadcast %while3A_735 : i32 to vector<16xi32>
      %add3A_762 = arith.addi %broadcast_in_dim3A_760, %add3A_761 : vector<16xi32>
      %gather3A = tpu.vector_load_idx %arg15[%add3A_762] : memref<512xi32, #tpu.memory_space<vmem>>[vector<16xi32>], vector<16xi32>,
      %slice3A_763 = vector.extract_strided_slice %gather3A {offsets = [0], sizes = [1], strides = [1]} : vector<16xi32> to vector<1xi32>
      %squeeze3A_764 = vector.extract %slice3A_763[0] : i32 from vector<1xi32>
      %broadcast_in_dim3A_765 = arith.constant 0 : i32
      %broadcast_in_dim3A_766 = vector.broadcast %broadcast_in_dim3A_765 : i32 to vector<16xi32>
      %add3A_767 = vector.broadcast %squeeze3A_764 : i32 to vector<16xi32>
      %add3A_768 = arith.addi %broadcast_in_dim3A_766, %add3A_767 : vector<16xi32>
      %gather3A_769 = tpu.vector_load_idx %arg13[%add3A_768] : memref<512xi32, #tpu.memory_space<vmem>>[vector<16xi32>], vector<16xi32>,
      %slice3A_770 = vector.extract_strided_slice %gather3A_769 {offsets = [0], sizes = [1], strides = [1]} : vector<16xi32> to vector<1xi32>
      %squeeze3A_771 = vector.extract %slice3A_770[0] : i32 from vector<1xi32>
      %broadcast_in_dim3A_772 = arith.constant 0 : i32
      %broadcast_in_dim3A_773 = vector.broadcast %broadcast_in_dim3A_772 : i32 to vector<16xi32>
      %add3A_774 = vector.broadcast %squeeze3A_764 : i32 to vector<16xi32>
      %add3A_775 = arith.addi %broadcast_in_dim3A_773, %add3A_774 : vector<16xi32>
      %gather3A_776 = tpu.vector_load_idx %arg12[%add3A_775] : memref<512xi32, #tpu.memory_space<vmem>>[vector<16xi32>], vector<16xi32>,
      %slice3A_777 = vector.extract_strided_slice %gather3A_776 {offsets = [0], sizes = [1], strides = [1]} : vector<16xi32> to vector<1xi32>
      %squeeze3A_778 = vector.extract %slice3A_777[0] : i32 from vector<1xi32>
      %add3A_779 = arith.addi %squeeze3A_771, %squeeze3A_778 : i32
      %while3A_780 = arith.constant 0 : i32
      %while3A_781 = arith.subi %add3A_779, %squeeze3A_771 : i32
      %while3A_782 = arith.addi %squeeze3A_771, %while3A_781 : i32
      %while3A_783 = arith.constant 1 : i32
      %while3A_784 = arith.divsi %while3A_781, %while3A_783 : i32
      %while3A_785 = arith.muli %while3A_784, %while3A_783 : i32
      %while3A_786 = arith.addi %squeeze3A_771, %while3A_785 : i32
      %while3A_787 = arith.constant 1 : i32
      scf.for %while3A_789 = %squeeze3A_771 to %while3A_786 step %while3A_787  : i32 {
        %broadcast_in_dim3A_790 = arith.constant 0 : i32
        %broadcast_in_dim3A_791 = vector.broadcast %broadcast_in_dim3A_790 : i32 to vector<16xi32>
        %add3A_792 = vector.broadcast %while3A_789 : i32 to vector<16xi32>
        %add3A_793 = arith.addi %broadcast_in_dim3A_791, %add3A_792 : vector<16xi32>
        %gather3A_794 = tpu.vector_load_idx %arg10[%add3A_793] : memref<3600xi32, #tpu.memory_space<vmem>>[vector<16xi32>], vector<16xi32>,
        %slice3A_795 = vector.extract_strided_slice %gather3A_794 {offsets = [0], sizes = [1], strides = [1]} : vector<16xi32> to vector<1xi32>
        %squeeze3A_796 = vector.extract %slice3A_795[0] : i32 from vector<1xi32>
        %broadcast_in_dim3A_797 = arith.constant 0 : i32
        %broadcast_in_dim3A_798 = vector.broadcast %broadcast_in_dim3A_797 : i32 to vector<16xi32>
        %add3A_799 = vector.broadcast %while3A_789 : i32 to vector<16xi32>
        %add3A_800 = arith.addi %broadcast_in_dim3A_798, %add3A_799 : vector<16xi32>
        %gather3A_801 = tpu.vector_load_idx %arg11[%add3A_800] : memref<3600xi32, #tpu.memory_space<vmem>>[vector<16xi32>], vector<16xi32>,
        %slice3A_802 = vector.extract_strided_slice %gather3A_801 {offsets = [0], sizes = [1], strides = [1]} : vector<16xi32> to vector<1xi32>
        %squeeze3A_803 = vector.extract %slice3A_802[0] : i32 from vector<1xi32>
        %broadcast_in_dim3A_804 = arith.constant 0 : i32
        %broadcast_in_dim3A_805 = vector.broadcast %broadcast_in_dim3A_804 : i32 to vector<16xi32>
        %rem3A_806 = arith.constant 128 : i32
        %rem3A_807 = arith.remsi %squeeze3A_796, %rem3A_806 : i32
        %add3A_808 = vector.broadcast %rem3A_807 : i32 to vector<16xi32>
        %add3A_809 = arith.addi %broadcast_in_dim3A_805, %add3A_808 : vector<16xi32>
        %rem3A_810 = arith.constant 32 : i32
        %rem3A_811 = arith.remsi %while3A_789, %rem3A_810 : i32
        %mul3A_812 = arith.constant 64 : i32
        %mul3A_813 = arith.muli %rem3A_811, %mul3A_812 : i32
        %multiple_of3A = tpu.assume_multiple %mul3A_813, 16 : i32
        %add3A_814 = arith.constant 0 : i32
        %add3A_815 = vector.broadcast %add3A_814 : i32 to vector<16xi32>
        %add3A_816 = arith.addi %iota3A, %add3A_815 : vector<16xi32>
        %gather3A_817 = tpu.vector_load_idx %arg16[%add3A_758, %add3A_816, %add3A_809] : memref<13x64x128xf32, #tpu.memory_space<vmem>>[vector<16xi32>, vector<16xi32>, vector<16xi32>], vector<16xf32>,
        %add3A_818 = arith.constant 0 : i32
        %add3A_819 = arith.addi %multiple_of3A, %add3A_818 : i32
        %swap3A_820 = arith.index_cast %add3A_819 : i32 to index
        %swap3A_821 = tpu.vector_load %arg17[%swap3A_820] {strides = array<i32>} : memref<2048xf32, #tpu.memory_space<vmem>>, vector<16xf32>,
        tpu.vector_store %arg17[%swap3A_820], %gather3A_817 {strides = array<i32>} : memref<2048xf32, #tpu.memory_space<vmem>>, vector<16xf32>,
        %add3A_822 = arith.constant 16 : i32
        %add3A_823 = vector.broadcast %add3A_822 : i32 to vector<16xi32>
        %add3A_824 = arith.addi %iota3A, %add3A_823 : vector<16xi32>
        %gather3A_825 = tpu.vector_load_idx %arg16[%add3A_758, %add3A_824, %add3A_809] : memref<13x64x128xf32, #tpu.memory_space<vmem>>[vector<16xi32>, vector<16xi32>, vector<16xi32>], vector<16xf32>,
        %add3A_826 = arith.constant 16 : i32
        %add3A_827 = arith.addi %multiple_of3A, %add3A_826 : i32
        %swap3A_828 = arith.index_cast %add3A_827 : i32 to index
        %swap3A_829 = tpu.vector_load %arg17[%swap3A_828] {strides = array<i32>} : memref<2048xf32, #tpu.memory_space<vmem>>, vector<16xf32>,
        tpu.vector_store %arg17[%swap3A_828], %gather3A_825 {strides = array<i32>} : memref<2048xf32, #tpu.memory_space<vmem>>, vector<16xf32>,
        %add3A_830 = arith.constant 32 : i32
        %add3A_831 = vector.broadcast %add3A_830 : i32 to vector<16xi32>
        %add3A_832 = arith.addi %iota3A, %add3A_831 : vector<16xi32>
        %gather3A_833 = tpu.vector_load_idx %arg16[%add3A_758, %add3A_832, %add3A_809] : memref<13x64x128xf32, #tpu.memory_space<vmem>>[vector<16xi32>, vector<16xi32>, vector<16xi32>], vector<16xf32>,
        %add3A_834 = arith.constant 32 : i32
        %add3A_835 = arith.addi %multiple_of3A, %add3A_834 : i32
        %swap3A_836 = arith.index_cast %add3A_835 : i32 to index
        %swap3A_837 = tpu.vector_load %arg17[%swap3A_836] {strides = array<i32>} : memref<2048xf32, #tpu.memory_space<vmem>>, vector<16xf32>,
        tpu.vector_store %arg17[%swap3A_836], %gather3A_833 {strides = array<i32>} : memref<2048xf32, #tpu.memory_space<vmem>>, vector<16xf32>,
        %add3A_838 = arith.constant 48 : i32
        %add3A_839 = vector.broadcast %add3A_838 : i32 to vector<16xi32>
        %add3A_840 = arith.addi %iota3A, %add3A_839 : vector<16xi32>
        %gather3A_841 = tpu.vector_load_idx %arg16[%add3A_758, %add3A_840, %add3A_809] : memref<13x64x128xf32, #tpu.memory_space<vmem>>[vector<16xi32>, vector<16xi32>, vector<16xi32>], vector<16xf32>,
        %add3A_842 = arith.constant 48 : i32
        %add3A_843 = arith.addi %multiple_of3A, %add3A_842 : i32
        %swap3A_844 = arith.index_cast %add3A_843 : i32 to index
        %swap3A_845 = tpu.vector_load %arg17[%swap3A_844] {strides = array<i32>} : memref<2048xf32, #tpu.memory_space<vmem>>, vector<16xf32>,
        tpu.vector_store %arg17[%swap3A_844], %gather3A_841 {strides = array<i32>} : memref<2048xf32, #tpu.memory_space<vmem>>, vector<16xf32>,
        %ge3A = arith.constant 32 : i32
        %ge3A_846 = arith.cmpi sge, %while3A_789, %ge3A : i32
        %convert_element_type3A_847 = arith.extui %ge3A_846 : i1 to i32
        %cond3A_848 = arith.constant 0 : i32
        %cond3A_849 = arith.cmpi ne, %convert_element_type3A_847, %cond3A_848 : i32
        scf.if %cond3A_849 {
          %dma_wait3A_856 = arith.constant 0 : i32
          %dma_wait3A_857 = tpu.memref_slice %arg17[%dma_wait3A_856] : memref<2048xf32, #tpu.memory_space<vmem>> -> memref<64xf32, #tpu.memory_space<vmem>>
          %dma_wait3A_858 = arith.constant 0 : i32
          %dma_wait3A_859 = tpu.memref_slice %arg6[%dma_wait3A_858] : memref<2097152xf32, #tpu.memory_space<hbm>> -> memref<64xf32, #tpu.memory_space<hbm>>
          %dma_wait3A_860 = arith.constant 0 : i32
          %dma_wait3A_861 = tpu.memref_slice %arg17[%dma_wait3A_860] : memref<2048xf32, #tpu.memory_space<vmem>> -> memref<64xf32, #tpu.memory_space<vmem>>
          %dma_wait3A_862 = arith.constant 0 : i32
          %dma_wait3A_863 = tpu.memref_slice %arg6[%dma_wait3A_862] : memref<2097152xf32, #tpu.memory_space<hbm>> -> memref<64xf32, #tpu.memory_space<hbm>>
          tpu.wait_dma2 semaphore(%arg20 : memref<!tpu.dma_semaphore, #tpu.memory_space<semaphore_mem>>) src(%dma_wait3A_863 : memref<64xf32, #tpu.memory_space<hbm>>) dst(%dma_wait3A_861 : memref<64xf32, #tpu.memory_space<vmem>>)
        } else {
        }
        %mul3A_850 = arith.constant 64 : i32
        %mul3A_851 = arith.muli %squeeze3A_803, %mul3A_850 : i32
        %dma_start3A_852 = tpu.memref_slice %arg17[%multiple_of3A] : memref<2048xf32, #tpu.memory_space<vmem>> -> memref<64xf32, #tpu.memory_space<vmem>>
        %dma_start3A_853 = tpu.memref_slice %arg6[%mul3A_851] : memref<2097152xf32, #tpu.memory_space<hbm>> -> memref<64xf32, #tpu.memory_space<hbm>>
        %dma_start3A_854 = tpu.memref_slice %arg6[%mul3A_851] : memref<2097152xf32, #tpu.memory_space<hbm>> -> memref<64xf32, #tpu.memory_space<hbm>>
        %dma_start3A_855 = tpu.memref_slice %arg17[%multiple_of3A] : memref<2048xf32, #tpu.memory_space<vmem>> -> memref<64xf32, #tpu.memory_space<vmem>>
        tpu.enqueue_dma source(%dma_start3A_855 : memref<64xf32, #tpu.memory_space<vmem>>) target(%dma_start3A_854 : memref<64xf32, #tpu.memory_space<hbm>>) target_semaphore(%arg20 : memref<!tpu.dma_semaphore, #tpu.memory_space<semaphore_mem>>)
      }
      %while3A_788 = arith.constant 1 : i32
      scf.for %while3A_789 = %while3A_786 to %while3A_782 step %while3A_788  : i32 {
        %broadcast_in_dim3A_790 = arith.constant 0 : i32
        %broadcast_in_dim3A_791 = vector.broadcast %broadcast_in_dim3A_790 : i32 to vector<16xi32>
        %add3A_792 = vector.broadcast %while3A_789 : i32 to vector<16xi32>
        %add3A_793 = arith.addi %broadcast_in_dim3A_791, %add3A_792 : vector<16xi32>
        %gather3A_794 = tpu.vector_load_idx %arg10[%add3A_793] : memref<3600xi32, #tpu.memory_space<vmem>>[vector<16xi32>], vector<16xi32>,
        %slice3A_795 = vector.extract_strided_slice %gather3A_794 {offsets = [0], sizes = [1], strides = [1]} : vector<16xi32> to vector<1xi32>
        %squeeze3A_796 = vector.extract %slice3A_795[0] : i32 from vector<1xi32>
        %broadcast_in_dim3A_797 = arith.constant 0 : i32
        %broadcast_in_dim3A_798 = vector.broadcast %broadcast_in_dim3A_797 : i32 to vector<16xi32>
        %add3A_799 = vector.broadcast %while3A_789 : i32 to vector<16xi32>
        %add3A_800 = arith.addi %broadcast_in_dim3A_798, %add3A_799 : vector<16xi32>
        %gather3A_801 = tpu.vector_load_idx %arg11[%add3A_800] : memref<3600xi32, #tpu.memory_space<vmem>>[vector<16xi32>], vector<16xi32>,
        %slice3A_802 = vector.extract_strided_slice %gather3A_801 {offsets = [0], sizes = [1], strides = [1]} : vector<16xi32> to vector<1xi32>
        %squeeze3A_803 = vector.extract %slice3A_802[0] : i32 from vector<1xi32>
        %broadcast_in_dim3A_804 = arith.constant 0 : i32
        %broadcast_in_dim3A_805 = vector.broadcast %broadcast_in_dim3A_804 : i32 to vector<16xi32>
        %rem3A_806 = arith.constant 128 : i32
        %rem3A_807 = arith.remsi %squeeze3A_796, %rem3A_806 : i32
        %add3A_808 = vector.broadcast %rem3A_807 : i32 to vector<16xi32>
        %add3A_809 = arith.addi %broadcast_in_dim3A_805, %add3A_808 : vector<16xi32>
        %rem3A_810 = arith.constant 32 : i32
        %rem3A_811 = arith.remsi %while3A_789, %rem3A_810 : i32
        %mul3A_812 = arith.constant 64 : i32
        %mul3A_813 = arith.muli %rem3A_811, %mul3A_812 : i32
        %multiple_of3A = tpu.assume_multiple %mul3A_813, 16 : i32
        %add3A_814 = arith.constant 0 : i32
        %add3A_815 = vector.broadcast %add3A_814 : i32 to vector<16xi32>
        %add3A_816 = arith.addi %iota3A, %add3A_815 : vector<16xi32>
        %gather3A_817 = tpu.vector_load_idx %arg16[%add3A_758, %add3A_816, %add3A_809] : memref<13x64x128xf32, #tpu.memory_space<vmem>>[vector<16xi32>, vector<16xi32>, vector<16xi32>], vector<16xf32>,
        %add3A_818 = arith.constant 0 : i32
        %add3A_819 = arith.addi %multiple_of3A, %add3A_818 : i32
        %swap3A_820 = arith.index_cast %add3A_819 : i32 to index
        %swap3A_821 = tpu.vector_load %arg17[%swap3A_820] {strides = array<i32>} : memref<2048xf32, #tpu.memory_space<vmem>>, vector<16xf32>,
        tpu.vector_store %arg17[%swap3A_820], %gather3A_817 {strides = array<i32>} : memref<2048xf32, #tpu.memory_space<vmem>>, vector<16xf32>,
        %add3A_822 = arith.constant 16 : i32
        %add3A_823 = vector.broadcast %add3A_822 : i32 to vector<16xi32>
        %add3A_824 = arith.addi %iota3A, %add3A_823 : vector<16xi32>
        %gather3A_825 = tpu.vector_load_idx %arg16[%add3A_758, %add3A_824, %add3A_809] : memref<13x64x128xf32, #tpu.memory_space<vmem>>[vector<16xi32>, vector<16xi32>, vector<16xi32>], vector<16xf32>,
        %add3A_826 = arith.constant 16 : i32
        %add3A_827 = arith.addi %multiple_of3A, %add3A_826 : i32
        %swap3A_828 = arith.index_cast %add3A_827 : i32 to index
        %swap3A_829 = tpu.vector_load %arg17[%swap3A_828] {strides = array<i32>} : memref<2048xf32, #tpu.memory_space<vmem>>, vector<16xf32>,
        tpu.vector_store %arg17[%swap3A_828], %gather3A_825 {strides = array<i32>} : memref<2048xf32, #tpu.memory_space<vmem>>, vector<16xf32>,
        %add3A_830 = arith.constant 32 : i32
        %add3A_831 = vector.broadcast %add3A_830 : i32 to vector<16xi32>
        %add3A_832 = arith.addi %iota3A, %add3A_831 : vector<16xi32>
        %gather3A_833 = tpu.vector_load_idx %arg16[%add3A_758, %add3A_832, %add3A_809] : memref<13x64x128xf32, #tpu.memory_space<vmem>>[vector<16xi32>, vector<16xi32>, vector<16xi32>], vector<16xf32>,
        %add3A_834 = arith.constant 32 : i32
        %add3A_835 = arith.addi %multiple_of3A, %add3A_834 : i32
        %swap3A_836 = arith.index_cast %add3A_835 : i32 to index
        %swap3A_837 = tpu.vector_load %arg17[%swap3A_836] {strides = array<i32>} : memref<2048xf32, #tpu.memory_space<vmem>>, vector<16xf32>,
        tpu.vector_store %arg17[%swap3A_836], %gather3A_833 {strides = array<i32>} : memref<2048xf32, #tpu.memory_space<vmem>>, vector<16xf32>,
        %add3A_838 = arith.constant 48 : i32
        %add3A_839 = vector.broadcast %add3A_838 : i32 to vector<16xi32>
        %add3A_840 = arith.addi %iota3A, %add3A_839 : vector<16xi32>
        %gather3A_841 = tpu.vector_load_idx %arg16[%add3A_758, %add3A_840, %add3A_809] : memref<13x64x128xf32, #tpu.memory_space<vmem>>[vector<16xi32>, vector<16xi32>, vector<16xi32>], vector<16xf32>,
        %add3A_842 = arith.constant 48 : i32
        %add3A_843 = arith.addi %multiple_of3A, %add3A_842 : i32
        %swap3A_844 = arith.index_cast %add3A_843 : i32 to index
        %swap3A_845 = tpu.vector_load %arg17[%swap3A_844] {strides = array<i32>} : memref<2048xf32, #tpu.memory_space<vmem>>, vector<16xf32>,
        tpu.vector_store %arg17[%swap3A_844], %gather3A_841 {strides = array<i32>} : memref<2048xf32, #tpu.memory_space<vmem>>, vector<16xf32>,
        %ge3A = arith.constant 32 : i32
        %ge3A_846 = arith.cmpi sge, %while3A_789, %ge3A : i32
        %convert_element_type3A_847 = arith.extui %ge3A_846 : i1 to i32
        %cond3A_848 = arith.constant 0 : i32
        %cond3A_849 = arith.cmpi ne, %convert_element_type3A_847, %cond3A_848 : i32
        scf.if %cond3A_849 {
          %dma_wait3A_856 = arith.constant 0 : i32
          %dma_wait3A_857 = tpu.memref_slice %arg17[%dma_wait3A_856] : memref<2048xf32, #tpu.memory_space<vmem>> -> memref<64xf32, #tpu.memory_space<vmem>>
          %dma_wait3A_858 = arith.constant 0 : i32
          %dma_wait3A_859 = tpu.memref_slice %arg6[%dma_wait3A_858] : memref<2097152xf32, #tpu.memory_space<hbm>> -> memref<64xf32, #tpu.memory_space<hbm>>
          %dma_wait3A_860 = arith.constant 0 : i32
          %dma_wait3A_861 = tpu.memref_slice %arg17[%dma_wait3A_860] : memref<2048xf32, #tpu.memory_space<vmem>> -> memref<64xf32, #tpu.memory_space<vmem>>
          %dma_wait3A_862 = arith.constant 0 : i32
          %dma_wait3A_863 = tpu.memref_slice %arg6[%dma_wait3A_862] : memref<2097152xf32, #tpu.memory_space<hbm>> -> memref<64xf32, #tpu.memory_space<hbm>>
          tpu.wait_dma2 semaphore(%arg20 : memref<!tpu.dma_semaphore, #tpu.memory_space<semaphore_mem>>) src(%dma_wait3A_863 : memref<64xf32, #tpu.memory_space<hbm>>) dst(%dma_wait3A_861 : memref<64xf32, #tpu.memory_space<vmem>>)
        } else {
        }
        %mul3A_850 = arith.constant 64 : i32
        %mul3A_851 = arith.muli %squeeze3A_803, %mul3A_850 : i32
        %dma_start3A_852 = tpu.memref_slice %arg17[%multiple_of3A] : memref<2048xf32, #tpu.memory_space<vmem>> -> memref<64xf32, #tpu.memory_space<vmem>>
        %dma_start3A_853 = tpu.memref_slice %arg6[%mul3A_851] : memref<2097152xf32, #tpu.memory_space<hbm>> -> memref<64xf32, #tpu.memory_space<hbm>>
        %dma_start3A_854 = tpu.memref_slice %arg6[%mul3A_851] : memref<2097152xf32, #tpu.memory_space<hbm>> -> memref<64xf32, #tpu.memory_space<hbm>>
        %dma_start3A_855 = tpu.memref_slice %arg17[%multiple_of3A] : memref<2048xf32, #tpu.memory_space<vmem>> -> memref<64xf32, #tpu.memory_space<vmem>>
        tpu.enqueue_dma source(%dma_start3A_855 : memref<64xf32, #tpu.memory_space<vmem>>) target(%dma_start3A_854 : memref<64xf32, #tpu.memory_space<hbm>>) target_semaphore(%arg20 : memref<!tpu.dma_semaphore, #tpu.memory_space<semaphore_mem>>)
      }
    }
    %while3A_722 = arith.constant 1 : i32
    scf.for %while3A_735 = %while3A_720 to %while3A_716 step %while3A_722  : i32 {
      %add3A_736 = arith.constant 12 : i32
      %add3A_737 = arith.addi %while3A_735, %add3A_736 : i32
      %lt3A = arith.cmpi slt, %add3A_737, %scan3A_700 : i32
      %convert_element_type3A = arith.extui %lt3A : i1 to i32
      %cond3A = arith.constant 0 : i32
      %cond3A_738 = arith.cmpi ne, %convert_element_type3A, %cond3A : i32
      scf.if %cond3A_738 {
        %broadcast_in_dim3A_789 = arith.constant 0 : i32
        %broadcast_in_dim3A_790 = vector.broadcast %broadcast_in_dim3A_789 : i32 to vector<16xi32>
        %add3A_791 = vector.broadcast %add3A_737 : i32 to vector<16xi32>
        %add3A_792 = arith.addi %broadcast_in_dim3A_790, %add3A_791 : vector<16xi32>
        %gather3A_793 = tpu.vector_load_idx %arg15[%add3A_792] : memref<512xi32, #tpu.memory_space<vmem>>[vector<16xi32>], vector<16xi32>,
        %slice3A_794 = vector.extract_strided_slice %gather3A_793 {offsets = [0], sizes = [1], strides = [1]} : vector<16xi32> to vector<1xi32>
        %squeeze3A_795 = vector.extract %slice3A_794[0] : i32 from vector<1xi32>
        %jit3A_796 = arith.constant 256 : i32
        %div3A_797 = arith.divsi %squeeze3A_795, %jit3A_796 : i32
        %sign3A_798 = arith.constant 0 : i32
        %sign3A_799 = arith.cmpi sgt, %squeeze3A_795, %sign3A_798 : i32
        %sign3A_800 = arith.extui %sign3A_799 : i1 to i32
        %sign3A_801 = arith.constant 0 : i32
        %sign3A_802 = arith.cmpi slt, %squeeze3A_795, %sign3A_801 : i32
        %sign3A_803 = arith.extui %sign3A_802 : i1 to i32
        %sign3A_804 = arith.subi %sign3A_800, %sign3A_803 : i32
        %sign3A_805 = arith.constant 0 : i32
        %sign3A_806 = arith.cmpi sgt, %jit3A_796, %sign3A_805 : i32
        %sign3A_807 = arith.extui %sign3A_806 : i1 to i32
        %sign3A_808 = arith.constant 0 : i32
        %sign3A_809 = arith.cmpi slt, %jit3A_796, %sign3A_808 : i32
        %sign3A_810 = arith.extui %sign3A_809 : i1 to i32
        %sign3A_811 = arith.subi %sign3A_807, %sign3A_810 : i32
        %ne3A_812 = arith.cmpi ne, %sign3A_804, %sign3A_811 : i32
        %rem3A_813 = arith.remsi %squeeze3A_795, %jit3A_796 : i32
        %ne3A_814 = arith.constant 0 : i32
        %ne3A_815 = arith.cmpi ne, %rem3A_813, %ne3A_814 : i32
        %and3A_816 = arith.andi %ne3A_812, %ne3A_815 : i1
        %sub3A_817 = arith.constant 1 : i32
        %sub3A_818 = arith.subi %div3A_797, %sub3A_817 : i32
        %select_n3A_819 = arith.select %and3A_816, %sub3A_818, %div3A_797 : i32
        %jit3A_820 = arith.constant 256 : i32
        %eq3A = arith.constant 0 : i32
        %eq3A_821 = arith.cmpi eq, %jit3A_820, %eq3A : i32
        %jit3A_822 = arith.constant 1 : i32
        %select_n3A_823 = arith.select %eq3A_821, %jit3A_822, %jit3A_820 : i32
        %rem3A_824 = arith.remsi %squeeze3A_795, %select_n3A_823 : i32
        %ne3A_825 = arith.constant 0 : i32
        %ne3A_826 = arith.cmpi ne, %rem3A_824, %ne3A_825 : i32
        %lt3A_827 = arith.constant 0 : i32
        %lt3A_828 = arith.cmpi slt, %rem3A_824, %lt3A_827 : i32
        %lt3A_829 = arith.constant 0 : i32
        %lt3A_830 = arith.cmpi slt, %select_n3A_823, %lt3A_829 : i32
        %ne3A_831 = arith.xori %lt3A_828, %lt3A_830 : i1
        %and3A_832 = arith.andi %ne3A_831, %ne3A_826 : i1
        %add3A_833 = arith.addi %rem3A_824, %select_n3A_823 : i32
        %select_n3A_834 = arith.select %and3A_832, %add3A_833, %rem3A_824 : i32
        %mul3A_835 = arith.constant 32 : i32
        %mul3A_836 = arith.muli %select_n3A_834, %mul3A_835 : i32
        %add3A_837 = arith.addi %mul3A_836, %add3A : i32
        %mul3A_838 = arith.constant 128 : i32
        %mul3A_839 = arith.muli %add3A_837, %mul3A_838 : i32
        %multiple_of3A = tpu.assume_multiple %mul3A_839, 128 : i32
        %rem3A_840 = arith.constant 13 : i32
        %rem3A_841 = arith.remsi %add3A_737, %rem3A_840 : i32
        %eq3A_842 = arith.constant 0 : i32
        %eq3A_843 = arith.cmpi eq, %select_n3A_819, %eq3A_842 : i32
        %convert_element_type3A_844 = arith.extui %eq3A_843 : i1 to i32
        %cond3A_845 = arith.constant 0 : i32
        %cond3A_846 = arith.cmpi ne, %convert_element_type3A_844, %cond3A_845 : i32
        scf.if %cond3A_846 {
          %dma_start3A_852 = arith.constant 0 : i32
          %dma_start3A_853 = arith.constant 0 : i32
          %dma_start3A_854 = tpu.memref_slice %arg16[%rem3A_841, %dma_start3A_852, %dma_start3A_853] : memref<13x64x128xf32, #tpu.memory_space<vmem>> -> memref<1x64x128xf32, #tpu.memory_space<vmem>>
          %dma_start3A_855 = tpu.memref_squeeze %dma_start3A_854 : memref<1x64x128xf32, #tpu.memory_space<vmem>> -> memref<64x128xf32, #tpu.memory_space<vmem>>
          %dma_start3A_856 = arith.constant 0 : i32
          %dma_start3A_857 = tpu.memref_slice %arg4[%dma_start3A_856, %multiple_of3A] : memref<64x1000000xf32, #tpu.memory_space<hbm>> -> memref<64x128xf32, #tpu.memory_space<hbm>>
          %dma_start3A_858 = arith.constant 0 : i32
          %dma_start3A_859 = arith.constant 0 : i32
          %dma_start3A_860 = tpu.memref_slice %arg16[%rem3A_841, %dma_start3A_858, %dma_start3A_859] : memref<13x64x128xf32, #tpu.memory_space<vmem>> -> memref<1x64x128xf32, #tpu.memory_space<vmem>>
          %dma_start3A_861 = tpu.memref_squeeze %dma_start3A_860 : memref<1x64x128xf32, #tpu.memory_space<vmem>> -> memref<64x128xf32, #tpu.memory_space<vmem>>
          %dma_start3A_862 = arith.constant 0 : i32
          %dma_start3A_863 = tpu.memref_slice %arg4[%dma_start3A_862, %multiple_of3A] : memref<64x1000000xf32, #tpu.memory_space<hbm>> -> memref<64x128xf32, #tpu.memory_space<hbm>>
          tpu.enqueue_dma source(%dma_start3A_863 : memref<64x128xf32, #tpu.memory_space<hbm>>) target(%dma_start3A_861 : memref<64x128xf32, #tpu.memory_space<vmem>>) target_semaphore(%arg19 : memref<!tpu.dma_semaphore, #tpu.memory_space<semaphore_mem>>)
        } else {
        }
        %ne3A_847 = arith.constant 0 : i32
        %ne3A_848 = arith.cmpi ne, %select_n3A_819, %ne3A_847 : i32
        %convert_element_type3A_849 = arith.extui %ne3A_848 : i1 to i32
        %cond3A_850 = arith.constant 0 : i32
        %cond3A_851 = arith.cmpi ne, %convert_element_type3A_849, %cond3A_850 : i32
        scf.if %cond3A_851 {
          %dma_start3A_852 = arith.constant 0 : i32
          %dma_start3A_853 = arith.constant 0 : i32
          %dma_start3A_854 = tpu.memref_slice %arg16[%rem3A_841, %dma_start3A_852, %dma_start3A_853] : memref<13x64x128xf32, #tpu.memory_space<vmem>> -> memref<1x64x128xf32, #tpu.memory_space<vmem>>
          %dma_start3A_855 = tpu.memref_squeeze %dma_start3A_854 : memref<1x64x128xf32, #tpu.memory_space<vmem>> -> memref<64x128xf32, #tpu.memory_space<vmem>>
          %dma_start3A_856 = arith.constant 0 : i32
          %dma_start3A_857 = tpu.memref_slice %arg5[%dma_start3A_856, %multiple_of3A] : memref<64x1000000xf32, #tpu.memory_space<hbm>> -> memref<64x128xf32, #tpu.memory_space<hbm>>
          %dma_start3A_858 = arith.constant 0 : i32
          %dma_start3A_859 = arith.constant 0 : i32
          %dma_start3A_860 = tpu.memref_slice %arg16[%rem3A_841, %dma_start3A_858, %dma_start3A_859] : memref<13x64x128xf32, #tpu.memory_space<vmem>> -> memref<1x64x128xf32, #tpu.memory_space<vmem>>
          %dma_start3A_861 = tpu.memref_squeeze %dma_start3A_860 : memref<1x64x128xf32, #tpu.memory_space<vmem>> -> memref<64x128xf32, #tpu.memory_space<vmem>>
          %dma_start3A_862 = arith.constant 0 : i32
          %dma_start3A_863 = tpu.memref_slice %arg5[%dma_start3A_862, %multiple_of3A] : memref<64x1000000xf32, #tpu.memory_space<hbm>> -> memref<64x128xf32, #tpu.memory_space<hbm>>
          tpu.enqueue_dma source(%dma_start3A_863 : memref<64x128xf32, #tpu.memory_space<hbm>>) target(%dma_start3A_861 : memref<64x128xf32, #tpu.memory_space<vmem>>) target_semaphore(%arg19 : memref<!tpu.dma_semaphore, #tpu.memory_space<semaphore_mem>>)
        } else {
        }
      } else {
      }
      %dma_wait3A = arith.constant 0 : i32
      %dma_wait3A_739 = arith.constant 0 : i32
      %dma_wait3A_740 = arith.constant 0 : i32
      %dma_wait3A_741 = tpu.memref_slice %arg16[%dma_wait3A, %dma_wait3A_739, %dma_wait3A_740] : memref<13x64x128xf32, #tpu.memory_space<vmem>> -> memref<1x64x128xf32, #tpu.memory_space<vmem>>
      %dma_wait3A_742 = tpu.memref_squeeze %dma_wait3A_741 : memref<1x64x128xf32, #tpu.memory_space<vmem>> -> memref<64x128xf32, #tpu.memory_space<vmem>>
      %dma_wait3A_743 = arith.constant 0 : i32
      %dma_wait3A_744 = arith.constant 0 : i32
      %dma_wait3A_745 = tpu.memref_slice %arg4[%dma_wait3A_743, %dma_wait3A_744] : memref<64x1000000xf32, #tpu.memory_space<hbm>> -> memref<64x128xf32, #tpu.memory_space<hbm>>
      %dma_wait3A_746 = arith.constant 0 : i32
      %dma_wait3A_747 = arith.constant 0 : i32
      %dma_wait3A_748 = tpu.memref_slice %arg16[%dma_wait3A, %dma_wait3A_746, %dma_wait3A_747] : memref<13x64x128xf32, #tpu.memory_space<vmem>> -> memref<1x64x128xf32, #tpu.memory_space<vmem>>
      %dma_wait3A_749 = tpu.memref_squeeze %dma_wait3A_748 : memref<1x64x128xf32, #tpu.memory_space<vmem>> -> memref<64x128xf32, #tpu.memory_space<vmem>>
      %dma_wait3A_750 = arith.constant 0 : i32
      %dma_wait3A_751 = arith.constant 0 : i32
      %dma_wait3A_752 = tpu.memref_slice %arg4[%dma_wait3A_750, %dma_wait3A_751] : memref<64x1000000xf32, #tpu.memory_space<hbm>> -> memref<64x128xf32, #tpu.memory_space<hbm>>
      tpu.wait_dma2 semaphore(%arg19 : memref<!tpu.dma_semaphore, #tpu.memory_space<semaphore_mem>>) src(%dma_wait3A_752 : memref<64x128xf32, #tpu.memory_space<hbm>>) dst(%dma_wait3A_749 : memref<64x128xf32, #tpu.memory_space<vmem>>)
      %broadcast_in_dim3A_753 = arith.constant 0 : i32
      %broadcast_in_dim3A_754 = vector.broadcast %broadcast_in_dim3A_753 : i32 to vector<16xi32>
      %rem3A_755 = arith.constant 13 : i32
      %rem3A_756 = arith.remsi %while3A_735, %rem3A_755 : i32
      %add3A_757 = vector.broadcast %rem3A_756 : i32 to vector<16xi32>
      %add3A_758 = arith.addi %broadcast_in_dim3A_754, %add3A_757 : vector<16xi32>
      %broadcast_in_dim3A_759 = arith.constant 0 : i32
      %broadcast_in_dim3A_760 = vector.broadcast %broadcast_in_dim3A_759 : i32 to vector<16xi32>
      %add3A_761 = vector.broadcast %while3A_735 : i32 to vector<16xi32>
      %add3A_762 = arith.addi %broadcast_in_dim3A_760, %add3A_761 : vector<16xi32>
      %gather3A = tpu.vector_load_idx %arg15[%add3A_762] : memref<512xi32, #tpu.memory_space<vmem>>[vector<16xi32>], vector<16xi32>,
      %slice3A_763 = vector.extract_strided_slice %gather3A {offsets = [0], sizes = [1], strides = [1]} : vector<16xi32> to vector<1xi32>
      %squeeze3A_764 = vector.extract %slice3A_763[0] : i32 from vector<1xi32>
      %broadcast_in_dim3A_765 = arith.constant 0 : i32
      %broadcast_in_dim3A_766 = vector.broadcast %broadcast_in_dim3A_765 : i32 to vector<16xi32>
      %add3A_767 = vector.broadcast %squeeze3A_764 : i32 to vector<16xi32>
      %add3A_768 = arith.addi %broadcast_in_dim3A_766, %add3A_767 : vector<16xi32>
      %gather3A_769 = tpu.vector_load_idx %arg13[%add3A_768] : memref<512xi32, #tpu.memory_space<vmem>>[vector<16xi32>], vector<16xi32>,
      %slice3A_770 = vector.extract_strided_slice %gather3A_769 {offsets = [0], sizes = [1], strides = [1]} : vector<16xi32> to vector<1xi32>
      %squeeze3A_771 = vector.extract %slice3A_770[0] : i32 from vector<1xi32>
      %broadcast_in_dim3A_772 = arith.constant 0 : i32
      %broadcast_in_dim3A_773 = vector.broadcast %broadcast_in_dim3A_772 : i32 to vector<16xi32>
      %add3A_774 = vector.broadcast %squeeze3A_764 : i32 to vector<16xi32>
      %add3A_775 = arith.addi %broadcast_in_dim3A_773, %add3A_774 : vector<16xi32>
      %gather3A_776 = tpu.vector_load_idx %arg12[%add3A_775] : memref<512xi32, #tpu.memory_space<vmem>>[vector<16xi32>], vector<16xi32>,
      %slice3A_777 = vector.extract_strided_slice %gather3A_776 {offsets = [0], sizes = [1], strides = [1]} : vector<16xi32> to vector<1xi32>
      %squeeze3A_778 = vector.extract %slice3A_777[0] : i32 from vector<1xi32>
      %add3A_779 = arith.addi %squeeze3A_771, %squeeze3A_778 : i32
      %while3A_780 = arith.constant 0 : i32
      %while3A_781 = arith.subi %add3A_779, %squeeze3A_771 : i32
      %while3A_782 = arith.addi %squeeze3A_771, %while3A_781 : i32
      %while3A_783 = arith.constant 1 : i32
      %while3A_784 = arith.divsi %while3A_781, %while3A_783 : i32
      %while3A_785 = arith.muli %while3A_784, %while3A_783 : i32
      %while3A_786 = arith.addi %squeeze3A_771, %while3A_785 : i32
      %while3A_787 = arith.constant 1 : i32
      scf.for %while3A_789 = %squeeze3A_771 to %while3A_786 step %while3A_787  : i32 {
        %broadcast_in_dim3A_790 = arith.constant 0 : i32
        %broadcast_in_dim3A_791 = vector.broadcast %broadcast_in_dim3A_790 : i32 to vector<16xi32>
        %add3A_792 = vector.broadcast %while3A_789 : i32 to vector<16xi32>
        %add3A_793 = arith.addi %broadcast_in_dim3A_791, %add3A_792 : vector<16xi32>
        %gather3A_794 = tpu.vector_load_idx %arg10[%add3A_793] : memref<3600xi32, #tpu.memory_space<vmem>>[vector<16xi32>], vector<16xi32>,
        %slice3A_795 = vector.extract_strided_slice %gather3A_794 {offsets = [0], sizes = [1], strides = [1]} : vector<16xi32> to vector<1xi32>
        %squeeze3A_796 = vector.extract %slice3A_795[0] : i32 from vector<1xi32>
        %broadcast_in_dim3A_797 = arith.constant 0 : i32
        %broadcast_in_dim3A_798 = vector.broadcast %broadcast_in_dim3A_797 : i32 to vector<16xi32>
        %add3A_799 = vector.broadcast %while3A_789 : i32 to vector<16xi32>
        %add3A_800 = arith.addi %broadcast_in_dim3A_798, %add3A_799 : vector<16xi32>
        %gather3A_801 = tpu.vector_load_idx %arg11[%add3A_800] : memref<3600xi32, #tpu.memory_space<vmem>>[vector<16xi32>], vector<16xi32>,
        %slice3A_802 = vector.extract_strided_slice %gather3A_801 {offsets = [0], sizes = [1], strides = [1]} : vector<16xi32> to vector<1xi32>
        %squeeze3A_803 = vector.extract %slice3A_802[0] : i32 from vector<1xi32>
        %broadcast_in_dim3A_804 = arith.constant 0 : i32
        %broadcast_in_dim3A_805 = vector.broadcast %broadcast_in_dim3A_804 : i32 to vector<16xi32>
        %rem3A_806 = arith.constant 128 : i32
        %rem3A_807 = arith.remsi %squeeze3A_796, %rem3A_806 : i32
        %add3A_808 = vector.broadcast %rem3A_807 : i32 to vector<16xi32>
        %add3A_809 = arith.addi %broadcast_in_dim3A_805, %add3A_808 : vector<16xi32>
        %rem3A_810 = arith.constant 32 : i32
        %rem3A_811 = arith.remsi %while3A_789, %rem3A_810 : i32
        %mul3A_812 = arith.constant 64 : i32
        %mul3A_813 = arith.muli %rem3A_811, %mul3A_812 : i32
        %multiple_of3A = tpu.assume_multiple %mul3A_813, 16 : i32
        %add3A_814 = arith.constant 0 : i32
        %add3A_815 = vector.broadcast %add3A_814 : i32 to vector<16xi32>
        %add3A_816 = arith.addi %iota3A, %add3A_815 : vector<16xi32>
        %gather3A_817 = tpu.vector_load_idx %arg16[%add3A_758, %add3A_816, %add3A_809] : memref<13x64x128xf32, #tpu.memory_space<vmem>>[vector<16xi32>, vector<16xi32>, vector<16xi32>], vector<16xf32>,
        %add3A_818 = arith.constant 0 : i32
        %add3A_819 = arith.addi %multiple_of3A, %add3A_818 : i32
        %swap3A_820 = arith.index_cast %add3A_819 : i32 to index
        %swap3A_821 = tpu.vector_load %arg17[%swap3A_820] {strides = array<i32>} : memref<2048xf32, #tpu.memory_space<vmem>>, vector<16xf32>,
        tpu.vector_store %arg17[%swap3A_820], %gather3A_817 {strides = array<i32>} : memref<2048xf32, #tpu.memory_space<vmem>>, vector<16xf32>,
        %add3A_822 = arith.constant 16 : i32
        %add3A_823 = vector.broadcast %add3A_822 : i32 to vector<16xi32>
        %add3A_824 = arith.addi %iota3A, %add3A_823 : vector<16xi32>
        %gather3A_825 = tpu.vector_load_idx %arg16[%add3A_758, %add3A_824, %add3A_809] : memref<13x64x128xf32, #tpu.memory_space<vmem>>[vector<16xi32>, vector<16xi32>, vector<16xi32>], vector<16xf32>,
        %add3A_826 = arith.constant 16 : i32
        %add3A_827 = arith.addi %multiple_of3A, %add3A_826 : i32
        %swap3A_828 = arith.index_cast %add3A_827 : i32 to index
        %swap3A_829 = tpu.vector_load %arg17[%swap3A_828] {strides = array<i32>} : memref<2048xf32, #tpu.memory_space<vmem>>, vector<16xf32>,
        tpu.vector_store %arg17[%swap3A_828], %gather3A_825 {strides = array<i32>} : memref<2048xf32, #tpu.memory_space<vmem>>, vector<16xf32>,
        %add3A_830 = arith.constant 32 : i32
        %add3A_831 = vector.broadcast %add3A_830 : i32 to vector<16xi32>
        %add3A_832 = arith.addi %iota3A, %add3A_831 : vector<16xi32>
        %gather3A_833 = tpu.vector_load_idx %arg16[%add3A_758, %add3A_832, %add3A_809] : memref<13x64x128xf32, #tpu.memory_space<vmem>>[vector<16xi32>, vector<16xi32>, vector<16xi32>], vector<16xf32>,
        %add3A_834 = arith.constant 32 : i32
        %add3A_835 = arith.addi %multiple_of3A, %add3A_834 : i32
        %swap3A_836 = arith.index_cast %add3A_835 : i32 to index
        %swap3A_837 = tpu.vector_load %arg17[%swap3A_836] {strides = array<i32>} : memref<2048xf32, #tpu.memory_space<vmem>>, vector<16xf32>,
        tpu.vector_store %arg17[%swap3A_836], %gather3A_833 {strides = array<i32>} : memref<2048xf32, #tpu.memory_space<vmem>>, vector<16xf32>,
        %add3A_838 = arith.constant 48 : i32
        %add3A_839 = vector.broadcast %add3A_838 : i32 to vector<16xi32>
        %add3A_840 = arith.addi %iota3A, %add3A_839 : vector<16xi32>
        %gather3A_841 = tpu.vector_load_idx %arg16[%add3A_758, %add3A_840, %add3A_809] : memref<13x64x128xf32, #tpu.memory_space<vmem>>[vector<16xi32>, vector<16xi32>, vector<16xi32>], vector<16xf32>,
        %add3A_842 = arith.constant 48 : i32
        %add3A_843 = arith.addi %multiple_of3A, %add3A_842 : i32
        %swap3A_844 = arith.index_cast %add3A_843 : i32 to index
        %swap3A_845 = tpu.vector_load %arg17[%swap3A_844] {strides = array<i32>} : memref<2048xf32, #tpu.memory_space<vmem>>, vector<16xf32>,
        tpu.vector_store %arg17[%swap3A_844], %gather3A_841 {strides = array<i32>} : memref<2048xf32, #tpu.memory_space<vmem>>, vector<16xf32>,
        %ge3A = arith.constant 32 : i32
        %ge3A_846 = arith.cmpi sge, %while3A_789, %ge3A : i32
        %convert_element_type3A_847 = arith.extui %ge3A_846 : i1 to i32
        %cond3A_848 = arith.constant 0 : i32
        %cond3A_849 = arith.cmpi ne, %convert_element_type3A_847, %cond3A_848 : i32
        scf.if %cond3A_849 {
          %dma_wait3A_856 = arith.constant 0 : i32
          %dma_wait3A_857 = tpu.memref_slice %arg17[%dma_wait3A_856] : memref<2048xf32, #tpu.memory_space<vmem>> -> memref<64xf32, #tpu.memory_space<vmem>>
          %dma_wait3A_858 = arith.constant 0 : i32
          %dma_wait3A_859 = tpu.memref_slice %arg6[%dma_wait3A_858] : memref<2097152xf32, #tpu.memory_space<hbm>> -> memref<64xf32, #tpu.memory_space<hbm>>
          %dma_wait3A_860 = arith.constant 0 : i32
          %dma_wait3A_861 = tpu.memref_slice %arg17[%dma_wait3A_860] : memref<2048xf32, #tpu.memory_space<vmem>> -> memref<64xf32, #tpu.memory_space<vmem>>
          %dma_wait3A_862 = arith.constant 0 : i32
          %dma_wait3A_863 = tpu.memref_slice %arg6[%dma_wait3A_862] : memref<2097152xf32, #tpu.memory_space<hbm>> -> memref<64xf32, #tpu.memory_space<hbm>>
          tpu.wait_dma2 semaphore(%arg20 : memref<!tpu.dma_semaphore, #tpu.memory_space<semaphore_mem>>) src(%dma_wait3A_863 : memref<64xf32, #tpu.memory_space<hbm>>) dst(%dma_wait3A_861 : memref<64xf32, #tpu.memory_space<vmem>>)
        } else {
        }
        %mul3A_850 = arith.constant 64 : i32
        %mul3A_851 = arith.muli %squeeze3A_803, %mul3A_850 : i32
        %dma_start3A_852 = tpu.memref_slice %arg17[%multiple_of3A] : memref<2048xf32, #tpu.memory_space<vmem>> -> memref<64xf32, #tpu.memory_space<vmem>>
        %dma_start3A_853 = tpu.memref_slice %arg6[%mul3A_851] : memref<2097152xf32, #tpu.memory_space<hbm>> -> memref<64xf32, #tpu.memory_space<hbm>>
        %dma_start3A_854 = tpu.memref_slice %arg6[%mul3A_851] : memref<2097152xf32, #tpu.memory_space<hbm>> -> memref<64xf32, #tpu.memory_space<hbm>>
        %dma_start3A_855 = tpu.memref_slice %arg17[%multiple_of3A] : memref<2048xf32, #tpu.memory_space<vmem>> -> memref<64xf32, #tpu.memory_space<vmem>>
        tpu.enqueue_dma source(%dma_start3A_855 : memref<64xf32, #tpu.memory_space<vmem>>) target(%dma_start3A_854 : memref<64xf32, #tpu.memory_space<hbm>>) target_semaphore(%arg20 : memref<!tpu.dma_semaphore, #tpu.memory_space<semaphore_mem>>)
      }
      %while3A_788 = arith.constant 1 : i32
      scf.for %while3A_789 = %while3A_786 to %while3A_782 step %while3A_788  : i32 {
        %broadcast_in_dim3A_790 = arith.constant 0 : i32
        %broadcast_in_dim3A_791 = vector.broadcast %broadcast_in_dim3A_790 : i32 to vector<16xi32>
        %add3A_792 = vector.broadcast %while3A_789 : i32 to vector<16xi32>
        %add3A_793 = arith.addi %broadcast_in_dim3A_791, %add3A_792 : vector<16xi32>
        %gather3A_794 = tpu.vector_load_idx %arg10[%add3A_793] : memref<3600xi32, #tpu.memory_space<vmem>>[vector<16xi32>], vector<16xi32>,
        %slice3A_795 = vector.extract_strided_slice %gather3A_794 {offsets = [0], sizes = [1], strides = [1]} : vector<16xi32> to vector<1xi32>
        %squeeze3A_796 = vector.extract %slice3A_795[0] : i32 from vector<1xi32>
        %broadcast_in_dim3A_797 = arith.constant 0 : i32
        %broadcast_in_dim3A_798 = vector.broadcast %broadcast_in_dim3A_797 : i32 to vector<16xi32>
        %add3A_799 = vector.broadcast %while3A_789 : i32 to vector<16xi32>
        %add3A_800 = arith.addi %broadcast_in_dim3A_798, %add3A_799 : vector<16xi32>
        %gather3A_801 = tpu.vector_load_idx %arg11[%add3A_800] : memref<3600xi32, #tpu.memory_space<vmem>>[vector<16xi32>], vector<16xi32>,
        %slice3A_802 = vector.extract_strided_slice %gather3A_801 {offsets = [0], sizes = [1], strides = [1]} : vector<16xi32> to vector<1xi32>
        %squeeze3A_803 = vector.extract %slice3A_802[0] : i32 from vector<1xi32>
        %broadcast_in_dim3A_804 = arith.constant 0 : i32
        %broadcast_in_dim3A_805 = vector.broadcast %broadcast_in_dim3A_804 : i32 to vector<16xi32>
        %rem3A_806 = arith.constant 128 : i32
        %rem3A_807 = arith.remsi %squeeze3A_796, %rem3A_806 : i32
        %add3A_808 = vector.broadcast %rem3A_807 : i32 to vector<16xi32>
        %add3A_809 = arith.addi %broadcast_in_dim3A_805, %add3A_808 : vector<16xi32>
        %rem3A_810 = arith.constant 32 : i32
        %rem3A_811 = arith.remsi %while3A_789, %rem3A_810 : i32
        %mul3A_812 = arith.constant 64 : i32
        %mul3A_813 = arith.muli %rem3A_811, %mul3A_812 : i32
        %multiple_of3A = tpu.assume_multiple %mul3A_813, 16 : i32
        %add3A_814 = arith.constant 0 : i32
        %add3A_815 = vector.broadcast %add3A_814 : i32 to vector<16xi32>
        %add3A_816 = arith.addi %iota3A, %add3A_815 : vector<16xi32>
        %gather3A_817 = tpu.vector_load_idx %arg16[%add3A_758, %add3A_816, %add3A_809] : memref<13x64x128xf32, #tpu.memory_space<vmem>>[vector<16xi32>, vector<16xi32>, vector<16xi32>], vector<16xf32>,
        %add3A_818 = arith.constant 0 : i32
        %add3A_819 = arith.addi %multiple_of3A, %add3A_818 : i32
        %swap3A_820 = arith.index_cast %add3A_819 : i32 to index
        %swap3A_821 = tpu.vector_load %arg17[%swap3A_820] {strides = array<i32>} : memref<2048xf32, #tpu.memory_space<vmem>>, vector<16xf32>,
        tpu.vector_store %arg17[%swap3A_820], %gather3A_817 {strides = array<i32>} : memref<2048xf32, #tpu.memory_space<vmem>>, vector<16xf32>,
        %add3A_822 = arith.constant 16 : i32
        %add3A_823 = vector.broadcast %add3A_822 : i32 to vector<16xi32>
        %add3A_824 = arith.addi %iota3A, %add3A_823 : vector<16xi32>
        %gather3A_825 = tpu.vector_load_idx %arg16[%add3A_758, %add3A_824, %add3A_809] : memref<13x64x128xf32, #tpu.memory_space<vmem>>[vector<16xi32>, vector<16xi32>, vector<16xi32>], vector<16xf32>,
        %add3A_826 = arith.constant 16 : i32
        %add3A_827 = arith.addi %multiple_of3A, %add3A_826 : i32
        %swap3A_828 = arith.index_cast %add3A_827 : i32 to index
        %swap3A_829 = tpu.vector_load %arg17[%swap3A_828] {strides = array<i32>} : memref<2048xf32, #tpu.memory_space<vmem>>, vector<16xf32>,
        tpu.vector_store %arg17[%swap3A_828], %gather3A_825 {strides = array<i32>} : memref<2048xf32, #tpu.memory_space<vmem>>, vector<16xf32>,
        %add3A_830 = arith.constant 32 : i32
        %add3A_831 = vector.broadcast %add3A_830 : i32 to vector<16xi32>
        %add3A_832 = arith.addi %iota3A, %add3A_831 : vector<16xi32>
        %gather3A_833 = tpu.vector_load_idx %arg16[%add3A_758, %add3A_832, %add3A_809] : memref<13x64x128xf32, #tpu.memory_space<vmem>>[vector<16xi32>, vector<16xi32>, vector<16xi32>], vector<16xf32>,
        %add3A_834 = arith.constant 32 : i32
        %add3A_835 = arith.addi %multiple_of3A, %add3A_834 : i32
        %swap3A_836 = arith.index_cast %add3A_835 : i32 to index
        %swap3A_837 = tpu.vector_load %arg17[%swap3A_836] {strides = array<i32>} : memref<2048xf32, #tpu.memory_space<vmem>>, vector<16xf32>,
        tpu.vector_store %arg17[%swap3A_836], %gather3A_833 {strides = array<i32>} : memref<2048xf32, #tpu.memory_space<vmem>>, vector<16xf32>,
        %add3A_838 = arith.constant 48 : i32
        %add3A_839 = vector.broadcast %add3A_838 : i32 to vector<16xi32>
        %add3A_840 = arith.addi %iota3A, %add3A_839 : vector<16xi32>
        %gather3A_841 = tpu.vector_load_idx %arg16[%add3A_758, %add3A_840, %add3A_809] : memref<13x64x128xf32, #tpu.memory_space<vmem>>[vector<16xi32>, vector<16xi32>, vector<16xi32>], vector<16xf32>,
        %add3A_842 = arith.constant 48 : i32
        %add3A_843 = arith.addi %multiple_of3A, %add3A_842 : i32
        %swap3A_844 = arith.index_cast %add3A_843 : i32 to index
        %swap3A_845 = tpu.vector_load %arg17[%swap3A_844] {strides = array<i32>} : memref<2048xf32, #tpu.memory_space<vmem>>, vector<16xf32>,
        tpu.vector_store %arg17[%swap3A_844], %gather3A_841 {strides = array<i32>} : memref<2048xf32, #tpu.memory_space<vmem>>, vector<16xf32>,
        %ge3A = arith.constant 32 : i32
        %ge3A_846 = arith.cmpi sge, %while3A_789, %ge3A : i32
        %convert_element_type3A_847 = arith.extui %ge3A_846 : i1 to i32
        %cond3A_848 = arith.constant 0 : i32
        %cond3A_849 = arith.cmpi ne, %convert_element_type3A_847, %cond3A_848 : i32
        scf.if %cond3A_849 {
          %dma_wait3A_856 = arith.constant 0 : i32
          %dma_wait3A_857 = tpu.memref_slice %arg17[%dma_wait3A_856] : memref<2048xf32, #tpu.memory_space<vmem>> -> memref<64xf32, #tpu.memory_space<vmem>>
          %dma_wait3A_858 = arith.constant 0 : i32
          %dma_wait3A_859 = tpu.memref_slice %arg6[%dma_wait3A_858] : memref<2097152xf32, #tpu.memory_space<hbm>> -> memref<64xf32, #tpu.memory_space<hbm>>
          %dma_wait3A_860 = arith.constant 0 : i32
          %dma_wait3A_861 = tpu.memref_slice %arg17[%dma_wait3A_860] : memref<2048xf32, #tpu.memory_space<vmem>> -> memref<64xf32, #tpu.memory_space<vmem>>
          %dma_wait3A_862 = arith.constant 0 : i32
          %dma_wait3A_863 = tpu.memref_slice %arg6[%dma_wait3A_862] : memref<2097152xf32, #tpu.memory_space<hbm>> -> memref<64xf32, #tpu.memory_space<hbm>>
          tpu.wait_dma2 semaphore(%arg20 : memref<!tpu.dma_semaphore, #tpu.memory_space<semaphore_mem>>) src(%dma_wait3A_863 : memref<64xf32, #tpu.memory_space<hbm>>) dst(%dma_wait3A_861 : memref<64xf32, #tpu.memory_space<vmem>>)
        } else {
        }
        %mul3A_850 = arith.constant 64 : i32
        %mul3A_851 = arith.muli %squeeze3A_803, %mul3A_850 : i32
        %dma_start3A_852 = tpu.memref_slice %arg17[%multiple_of3A] : memref<2048xf32, #tpu.memory_space<vmem>> -> memref<64xf32, #tpu.memory_space<vmem>>
        %dma_start3A_853 = tpu.memref_slice %arg6[%mul3A_851] : memref<2097152xf32, #tpu.memory_space<hbm>> -> memref<64xf32, #tpu.memory_space<hbm>>
        %dma_start3A_854 = tpu.memref_slice %arg6[%mul3A_851] : memref<2097152xf32, #tpu.memory_space<hbm>> -> memref<64xf32, #tpu.memory_space<hbm>>
        %dma_start3A_855 = tpu.memref_slice %arg17[%multiple_of3A] : memref<2048xf32, #tpu.memory_space<vmem>> -> memref<64xf32, #tpu.memory_space<vmem>>
        tpu.enqueue_dma source(%dma_start3A_855 : memref<64xf32, #tpu.memory_space<vmem>>) target(%dma_start3A_854 : memref<64xf32, #tpu.memory_space<hbm>>) target_semaphore(%arg20 : memref<!tpu.dma_semaphore, #tpu.memory_space<semaphore_mem>>)
      }
    }
    %min3A_723 = arith.constant 32 : i32
    %min3A_724 = arith.minsi %scan3A_37, %min3A_723 : i32
    %while3A_725 = arith.constant 0 : i32
    %while3A_726 = arith.constant 0 : i32
    %while3A_727 = arith.subi %min3A_724, %while3A_726 : i32
    %while3A_728 = arith.addi %while3A_726, %while3A_727 : i32
    %while3A_729 = arith.constant 1 : i32
    %while3A_730 = arith.divsi %while3A_727, %while3A_729 : i32
    %while3A_731 = arith.muli %while3A_730, %while3A_729 : i32
    %while3A_732 = arith.addi %while3A_726, %while3A_731 : i32
    %while3A_733 = arith.constant 1 : i32
    scf.for %while3A_735 = %while3A_726 to %while3A_732 step %while3A_733  : i32 {
      %dma_wait3A = arith.constant 0 : i32
      %dma_wait3A_736 = tpu.memref_slice %arg17[%dma_wait3A] : memref<2048xf32, #tpu.memory_space<vmem>> -> memref<64xf32, #tpu.memory_space<vmem>>
      %dma_wait3A_737 = arith.constant 0 : i32
      %dma_wait3A_738 = tpu.memref_slice %arg6[%dma_wait3A_737] : memref<2097152xf32, #tpu.memory_space<hbm>> -> memref<64xf32, #tpu.memory_space<hbm>>
      %dma_wait3A_739 = arith.constant 0 : i32
      %dma_wait3A_740 = tpu.memref_slice %arg17[%dma_wait3A_739] : memref<2048xf32, #tpu.memory_space<vmem>> -> memref<64xf32, #tpu.memory_space<vmem>>
      %dma_wait3A_741 = arith.constant 0 : i32
      %dma_wait3A_742 = tpu.memref_slice %arg6[%dma_wait3A_741] : memref<2097152xf32, #tpu.memory_space<hbm>> -> memref<64xf32, #tpu.memory_space<hbm>>
      tpu.wait_dma2 semaphore(%arg20 : memref<!tpu.dma_semaphore, #tpu.memory_space<semaphore_mem>>) src(%dma_wait3A_742 : memref<64xf32, #tpu.memory_space<hbm>>) dst(%dma_wait3A_740 : memref<64xf32, #tpu.memory_space<vmem>>)
    }
    %while3A_734 = arith.constant 1 : i32
    scf.for %while3A_735 = %while3A_732 to %while3A_728 step %while3A_734  : i32 {
      %dma_wait3A = arith.constant 0 : i32
      %dma_wait3A_736 = tpu.memref_slice %arg17[%dma_wait3A] : memref<2048xf32, #tpu.memory_space<vmem>> -> memref<64xf32, #tpu.memory_space<vmem>>
      %dma_wait3A_737 = arith.constant 0 : i32
      %dma_wait3A_738 = tpu.memref_slice %arg6[%dma_wait3A_737] : memref<2097152xf32, #tpu.memory_space<hbm>> -> memref<64xf32, #tpu.memory_space<hbm>>
      %dma_wait3A_739 = arith.constant 0 : i32
      %dma_wait3A_740 = tpu.memref_slice %arg17[%dma_wait3A_739] : memref<2048xf32, #tpu.memory_space<vmem>> -> memref<64xf32, #tpu.memory_space<vmem>>
      %dma_wait3A_741 = arith.constant 0 : i32
      %dma_wait3A_742 = tpu.memref_slice %arg6[%dma_wait3A_741] : memref<2097152xf32, #tpu.memory_space<hbm>> -> memref<64xf32, #tpu.memory_space<hbm>>
      tpu.wait_dma2 semaphore(%arg20 : memref<!tpu.dma_semaphore, #tpu.memory_space<semaphore_mem>>) src(%dma_wait3A_742 : memref<64xf32, #tpu.memory_space<hbm>>) dst(%dma_wait3A_740 : memref<64xf32, #tpu.memory_space<vmem>>)
    }
    return
  }
}

#map = affine_map<(d0, d1) -> (0)>
module attributes {stable_mosaic.version = 14 : i64} {
  func.func @dotted(%arg0: i32, %arg1: i32, %arg2: memref<2097152xf32, #tpu.memory_space<hbm>>, %arg3: memref<16384xf32, #tpu.memory_space<hbm>>, %arg4: memref<2x8192xf32, #tpu.memory_space<vmem>>, %arg5: memref<2x8192xf32, #tpu.memory_space<vmem>>, %arg6: memref<512xf32, #tpu.memory_space<vmem>>, %arg7: memref<!tpu.dma_semaphore, #tpu.memory_space<semaphore_mem>>, %arg8: memref<!tpu.dma_semaphore, #tpu.memory_space<semaphore_mem>>) attributes {dimension_semantics = [#tpu.dimension_semantics<core_parallel>, #tpu.dimension_semantics<subcore_parallel>], iteration_bounds = array<i64: 2, 16>, scalar_prefetch = 0 : i64, scratch_operands = 5 : i64, tpu.core_type = #tpu.core_type<sc_vector_subcore>, window_params = [{transform_indices = #map}, {transform_indices = #map}]} {
    %mul3A = arith.constant 2 : i32
    %mul3A_0 = arith.muli %arg1, %mul3A : i32
    %add3A = arith.addi %mul3A_0, %arg0 : i32
    %mul3A_1 = arith.constant 512 : i32
    %mul3A_2 = arith.muli %add3A, %mul3A_1 : i32
    %iota3A = tpu.iota {dimensions = array<i32: 0>} : vector<16xi32>
    %mul3A_3 = arith.constant 64 : i32
    %mul3A_4 = vector.broadcast %mul3A_3 : i32 to vector<16xi32>
    %mul3A_5 = arith.muli %iota3A, %mul3A_4 : vector<16xi32>
    %mul3A_6 = arith.constant 0 : i32
    %mul3A_7 = arith.constant 128 : i32
    %mul3A_8 = arith.muli %mul3A_6, %mul3A_7 : i32
    %add3A_9 = arith.addi %mul3A_2, %mul3A_8 : i32
    %mul3A_10 = arith.constant 64 : i32
    %mul3A_11 = arith.muli %add3A_9, %mul3A_10 : i32
    %dma_start3A = arith.constant 0 : i32
    %dma_start3A_12 = arith.constant 0 : i32
    %dma_start3A_13 = tpu.memref_slice %arg4[%dma_start3A, %dma_start3A_12] : memref<2x8192xf32, #tpu.memory_space<vmem>> -> memref<1x8192xf32, #tpu.memory_space<vmem>>
    %dma_start3A_14 = tpu.memref_squeeze %dma_start3A_13 : memref<1x8192xf32, #tpu.memory_space<vmem>> -> memref<8192xf32, #tpu.memory_space<vmem>>
    %dma_start3A_15 = tpu.memref_slice %arg2[%mul3A_11] : memref<2097152xf32, #tpu.memory_space<hbm>> -> memref<8192xf32, #tpu.memory_space<hbm>>
    %dma_start3A_16 = arith.constant 0 : i32
    %dma_start3A_17 = tpu.memref_slice %arg4[%dma_start3A, %dma_start3A_16] : memref<2x8192xf32, #tpu.memory_space<vmem>> -> memref<1x8192xf32, #tpu.memory_space<vmem>>
    %dma_start3A_18 = tpu.memref_squeeze %dma_start3A_17 : memref<1x8192xf32, #tpu.memory_space<vmem>> -> memref<8192xf32, #tpu.memory_space<vmem>>
    %dma_start3A_19 = tpu.memref_slice %arg2[%mul3A_11] : memref<2097152xf32, #tpu.memory_space<hbm>> -> memref<8192xf32, #tpu.memory_space<hbm>>
    tpu.enqueue_dma source(%dma_start3A_19 : memref<8192xf32, #tpu.memory_space<hbm>>) target(%dma_start3A_18 : memref<8192xf32, #tpu.memory_space<vmem>>) target_semaphore(%arg7 : memref<!tpu.dma_semaphore, #tpu.memory_space<semaphore_mem>>)
    %add3A_20 = arith.constant 1048576 : i32
    %add3A_21 = arith.addi %add3A_20, %mul3A_11 : i32
    %dma_start3A_22 = arith.constant 0 : i32
    %dma_start3A_23 = arith.constant 0 : i32
    %dma_start3A_24 = tpu.memref_slice %arg5[%dma_start3A_22, %dma_start3A_23] : memref<2x8192xf32, #tpu.memory_space<vmem>> -> memref<1x8192xf32, #tpu.memory_space<vmem>>
    %dma_start3A_25 = tpu.memref_squeeze %dma_start3A_24 : memref<1x8192xf32, #tpu.memory_space<vmem>> -> memref<8192xf32, #tpu.memory_space<vmem>>
    %dma_start3A_26 = tpu.memref_slice %arg2[%add3A_21] : memref<2097152xf32, #tpu.memory_space<hbm>> -> memref<8192xf32, #tpu.memory_space<hbm>>
    %dma_start3A_27 = arith.constant 0 : i32
    %dma_start3A_28 = tpu.memref_slice %arg5[%dma_start3A_22, %dma_start3A_27] : memref<2x8192xf32, #tpu.memory_space<vmem>> -> memref<1x8192xf32, #tpu.memory_space<vmem>>
    %dma_start3A_29 = tpu.memref_squeeze %dma_start3A_28 : memref<1x8192xf32, #tpu.memory_space<vmem>> -> memref<8192xf32, #tpu.memory_space<vmem>>
    %dma_start3A_30 = tpu.memref_slice %arg2[%add3A_21] : memref<2097152xf32, #tpu.memory_space<hbm>> -> memref<8192xf32, #tpu.memory_space<hbm>>
    tpu.enqueue_dma source(%dma_start3A_30 : memref<8192xf32, #tpu.memory_space<hbm>>) target(%dma_start3A_29 : memref<8192xf32, #tpu.memory_space<vmem>>) target_semaphore(%arg7 : memref<!tpu.dma_semaphore, #tpu.memory_space<semaphore_mem>>)
    %scan3A = arith.constant 0 : i32
    %scan3A_31 = arith.constant 0 : i32
    %scan3A_32 = arith.constant 4 : i32
    %scan3A_33 = arith.addi %scan3A_31, %scan3A_32 : i32
    %scan3A_34 = arith.constant 1 : i32
    scf.for %scan3A_36 = %scan3A_31 to %scan3A_33 step %scan3A_34  : i32 {
      %add3A_37 = arith.constant 1 : i32
      %add3A_38 = arith.addi %scan3A_36, %add3A_37 : i32
      %lt3A = arith.constant 4 : i32
      %lt3A_39 = arith.cmpi slt, %add3A_38, %lt3A : i32
      %add3A_40 = arith.constant 1 : i32
      %add3A_41 = arith.addi %scan3A_36, %add3A_40 : i32
      %rem3A = arith.constant 2 : i32
      %rem3A_42 = arith.remsi %add3A_41, %rem3A : i32
      %eq3A = arith.constant 0 : i32
      %eq3A_43 = arith.cmpi eq, %rem3A_42, %eq3A : i32
      %and3A = arith.andi %lt3A_39, %eq3A_43 : i1
      %convert_element_type3A = arith.extui %and3A : i1 to i32
      %cond3A = arith.constant 0 : i32
      %cond3A_44 = arith.cmpi ne, %convert_element_type3A, %cond3A : i32
      scf.if %cond3A_44 {
        %add3A_84 = arith.constant 1 : i32
        %add3A_85 = arith.addi %scan3A_36, %add3A_84 : i32
        %mul3A_86 = arith.constant 128 : i32
        %mul3A_87 = arith.muli %add3A_85, %mul3A_86 : i32
        %add3A_88 = arith.addi %mul3A_2, %mul3A_87 : i32
        %mul3A_89 = arith.constant 64 : i32
        %mul3A_90 = arith.muli %add3A_88, %mul3A_89 : i32
        %dma_start3A_91 = arith.constant 0 : i32
        %dma_start3A_92 = arith.constant 0 : i32
        %dma_start3A_93 = tpu.memref_slice %arg4[%dma_start3A_91, %dma_start3A_92] : memref<2x8192xf32, #tpu.memory_space<vmem>> -> memref<1x8192xf32, #tpu.memory_space<vmem>>
        %dma_start3A_94 = tpu.memref_squeeze %dma_start3A_93 : memref<1x8192xf32, #tpu.memory_space<vmem>> -> memref<8192xf32, #tpu.memory_space<vmem>>
        %dma_start3A_95 = tpu.memref_slice %arg2[%mul3A_90] : memref<2097152xf32, #tpu.memory_space<hbm>> -> memref<8192xf32, #tpu.memory_space<hbm>>
        %dma_start3A_96 = arith.constant 0 : i32
        %dma_start3A_97 = tpu.memref_slice %arg4[%dma_start3A_91, %dma_start3A_96] : memref<2x8192xf32, #tpu.memory_space<vmem>> -> memref<1x8192xf32, #tpu.memory_space<vmem>>
        %dma_start3A_98 = tpu.memref_squeeze %dma_start3A_97 : memref<1x8192xf32, #tpu.memory_space<vmem>> -> memref<8192xf32, #tpu.memory_space<vmem>>
        %dma_start3A_99 = tpu.memref_slice %arg2[%mul3A_90] : memref<2097152xf32, #tpu.memory_space<hbm>> -> memref<8192xf32, #tpu.memory_space<hbm>>
        tpu.enqueue_dma source(%dma_start3A_99 : memref<8192xf32, #tpu.memory_space<hbm>>) target(%dma_start3A_98 : memref<8192xf32, #tpu.memory_space<vmem>>) target_semaphore(%arg7 : memref<!tpu.dma_semaphore, #tpu.memory_space<semaphore_mem>>)
        %add3A_100 = arith.constant 1048576 : i32
        %add3A_101 = arith.addi %add3A_100, %mul3A_90 : i32
        %dma_start3A_102 = arith.constant 0 : i32
        %dma_start3A_103 = arith.constant 0 : i32
        %dma_start3A_104 = tpu.memref_slice %arg5[%dma_start3A_102, %dma_start3A_103] : memref<2x8192xf32, #tpu.memory_space<vmem>> -> memref<1x8192xf32, #tpu.memory_space<vmem>>
        %dma_start3A_105 = tpu.memref_squeeze %dma_start3A_104 : memref<1x8192xf32, #tpu.memory_space<vmem>> -> memref<8192xf32, #tpu.memory_space<vmem>>
        %dma_start3A_106 = tpu.memref_slice %arg2[%add3A_101] : memref<2097152xf32, #tpu.memory_space<hbm>> -> memref<8192xf32, #tpu.memory_space<hbm>>
        %dma_start3A_107 = arith.constant 0 : i32
        %dma_start3A_108 = tpu.memref_slice %arg5[%dma_start3A_102, %dma_start3A_107] : memref<2x8192xf32, #tpu.memory_space<vmem>> -> memref<1x8192xf32, #tpu.memory_space<vmem>>
        %dma_start3A_109 = tpu.memref_squeeze %dma_start3A_108 : memref<1x8192xf32, #tpu.memory_space<vmem>> -> memref<8192xf32, #tpu.memory_space<vmem>>
        %dma_start3A_110 = tpu.memref_slice %arg2[%add3A_101] : memref<2097152xf32, #tpu.memory_space<hbm>> -> memref<8192xf32, #tpu.memory_space<hbm>>
        tpu.enqueue_dma source(%dma_start3A_110 : memref<8192xf32, #tpu.memory_space<hbm>>) target(%dma_start3A_109 : memref<8192xf32, #tpu.memory_space<vmem>>) target_semaphore(%arg7 : memref<!tpu.dma_semaphore, #tpu.memory_space<semaphore_mem>>)
      } else {
      }
      %add3A_45 = arith.constant 1 : i32
      %add3A_46 = arith.addi %scan3A_36, %add3A_45 : i32
      %lt3A_47 = arith.constant 4 : i32
      %lt3A_48 = arith.cmpi slt, %add3A_46, %lt3A_47 : i32
      %add3A_49 = arith.constant 1 : i32
      %add3A_50 = arith.addi %scan3A_36, %add3A_49 : i32
      %rem3A_51 = arith.constant 2 : i32
      %rem3A_52 = arith.remsi %add3A_50, %rem3A_51 : i32
      %eq3A_53 = arith.constant 1 : i32
      %eq3A_54 = arith.cmpi eq, %rem3A_52, %eq3A_53 : i32
      %and3A_55 = arith.andi %lt3A_48, %eq3A_54 : i1
      %convert_element_type3A_56 = arith.extui %and3A_55 : i1 to i32
      %cond3A_57 = arith.constant 0 : i32
      %cond3A_58 = arith.cmpi ne, %convert_element_type3A_56, %cond3A_57 : i32
      scf.if %cond3A_58 {
        %add3A_84 = arith.constant 1 : i32
        %add3A_85 = arith.addi %scan3A_36, %add3A_84 : i32
        %mul3A_86 = arith.constant 128 : i32
        %mul3A_87 = arith.muli %add3A_85, %mul3A_86 : i32
        %add3A_88 = arith.addi %mul3A_2, %mul3A_87 : i32
        %mul3A_89 = arith.constant 64 : i32
        %mul3A_90 = arith.muli %add3A_88, %mul3A_89 : i32
        %dma_start3A_91 = arith.constant 1 : i32
        %dma_start3A_92 = arith.constant 0 : i32
        %dma_start3A_93 = tpu.memref_slice %arg4[%dma_start3A_91, %dma_start3A_92] : memref<2x8192xf32, #tpu.memory_space<vmem>> -> memref<1x8192xf32, #tpu.memory_space<vmem>>
        %dma_start3A_94 = tpu.memref_squeeze %dma_start3A_93 : memref<1x8192xf32, #tpu.memory_space<vmem>> -> memref<8192xf32, #tpu.memory_space<vmem>>
        %dma_start3A_95 = tpu.memref_slice %arg2[%mul3A_90] : memref<2097152xf32, #tpu.memory_space<hbm>> -> memref<8192xf32, #tpu.memory_space<hbm>>
        %dma_start3A_96 = arith.constant 0 : i32
        %dma_start3A_97 = tpu.memref_slice %arg4[%dma_start3A_91, %dma_start3A_96] : memref<2x8192xf32, #tpu.memory_space<vmem>> -> memref<1x8192xf32, #tpu.memory_space<vmem>>
        %dma_start3A_98 = tpu.memref_squeeze %dma_start3A_97 : memref<1x8192xf32, #tpu.memory_space<vmem>> -> memref<8192xf32, #tpu.memory_space<vmem>>
        %dma_start3A_99 = tpu.memref_slice %arg2[%mul3A_90] : memref<2097152xf32, #tpu.memory_space<hbm>> -> memref<8192xf32, #tpu.memory_space<hbm>>
        tpu.enqueue_dma source(%dma_start3A_99 : memref<8192xf32, #tpu.memory_space<hbm>>) target(%dma_start3A_98 : memref<8192xf32, #tpu.memory_space<vmem>>) target_semaphore(%arg8 : memref<!tpu.dma_semaphore, #tpu.memory_space<semaphore_mem>>)
        %add3A_100 = arith.constant 1048576 : i32
        %add3A_101 = arith.addi %add3A_100, %mul3A_90 : i32
        %dma_start3A_102 = arith.constant 1 : i32
        %dma_start3A_103 = arith.constant 0 : i32
        %dma_start3A_104 = tpu.memref_slice %arg5[%dma_start3A_102, %dma_start3A_103] : memref<2x8192xf32, #tpu.memory_space<vmem>> -> memref<1x8192xf32, #tpu.memory_space<vmem>>
        %dma_start3A_105 = tpu.memref_squeeze %dma_start3A_104 : memref<1x8192xf32, #tpu.memory_space<vmem>> -> memref<8192xf32, #tpu.memory_space<vmem>>
        %dma_start3A_106 = tpu.memref_slice %arg2[%add3A_101] : memref<2097152xf32, #tpu.memory_space<hbm>> -> memref<8192xf32, #tpu.memory_space<hbm>>
        %dma_start3A_107 = arith.constant 0 : i32
        %dma_start3A_108 = tpu.memref_slice %arg5[%dma_start3A_102, %dma_start3A_107] : memref<2x8192xf32, #tpu.memory_space<vmem>> -> memref<1x8192xf32, #tpu.memory_space<vmem>>
        %dma_start3A_109 = tpu.memref_squeeze %dma_start3A_108 : memref<1x8192xf32, #tpu.memory_space<vmem>> -> memref<8192xf32, #tpu.memory_space<vmem>>
        %dma_start3A_110 = tpu.memref_slice %arg2[%add3A_101] : memref<2097152xf32, #tpu.memory_space<hbm>> -> memref<8192xf32, #tpu.memory_space<hbm>>
        tpu.enqueue_dma source(%dma_start3A_110 : memref<8192xf32, #tpu.memory_space<hbm>>) target(%dma_start3A_109 : memref<8192xf32, #tpu.memory_space<vmem>>) target_semaphore(%arg8 : memref<!tpu.dma_semaphore, #tpu.memory_space<semaphore_mem>>)
      } else {
      }
      %rem3A_59 = arith.constant 2 : i32
      %rem3A_60 = arith.remsi %scan3A_36, %rem3A_59 : i32
      %eq3A_61 = arith.constant 0 : i32
      %eq3A_62 = arith.cmpi eq, %rem3A_60, %eq3A_61 : i32
      %convert_element_type3A_63 = arith.extui %eq3A_62 : i1 to i32
      %cond3A_64 = arith.constant 0 : i32
      %cond3A_65 = arith.cmpi ne, %convert_element_type3A_63, %cond3A_64 : i32
      scf.if %cond3A_65 {
        %dma_wait3A = arith.constant 0 : i32
        %dma_wait3A_84 = arith.constant 0 : i32
        %dma_wait3A_85 = tpu.memref_slice %arg4[%dma_wait3A, %dma_wait3A_84] : memref<2x8192xf32, #tpu.memory_space<vmem>> -> memref<1x8192xf32, #tpu.memory_space<vmem>>
        %dma_wait3A_86 = tpu.memref_squeeze %dma_wait3A_85 : memref<1x8192xf32, #tpu.memory_space<vmem>> -> memref<8192xf32, #tpu.memory_space<vmem>>
        %dma_wait3A_87 = arith.constant 0 : i32
        %dma_wait3A_88 = tpu.memref_slice %arg2[%dma_wait3A_87] : memref<2097152xf32, #tpu.memory_space<hbm>> -> memref<8192xf32, #tpu.memory_space<hbm>>
        %dma_wait3A_89 = arith.constant 0 : i32
        %dma_wait3A_90 = tpu.memref_slice %arg4[%dma_wait3A, %dma_wait3A_89] : memref<2x8192xf32, #tpu.memory_space<vmem>> -> memref<1x8192xf32, #tpu.memory_space<vmem>>
        %dma_wait3A_91 = tpu.memref_squeeze %dma_wait3A_90 : memref<1x8192xf32, #tpu.memory_space<vmem>> -> memref<8192xf32, #tpu.memory_space<vmem>>
        %dma_wait3A_92 = arith.constant 0 : i32
        %dma_wait3A_93 = tpu.memref_slice %arg2[%dma_wait3A_92] : memref<2097152xf32, #tpu.memory_space<hbm>> -> memref<8192xf32, #tpu.memory_space<hbm>>
        tpu.wait_dma2 semaphore(%arg7 : memref<!tpu.dma_semaphore, #tpu.memory_space<semaphore_mem>>) src(%dma_wait3A_93 : memref<8192xf32, #tpu.memory_space<hbm>>) dst(%dma_wait3A_91 : memref<8192xf32, #tpu.memory_space<vmem>>)
        %dma_wait3A_94 = arith.constant 0 : i32
        %dma_wait3A_95 = arith.constant 0 : i32
        %dma_wait3A_96 = tpu.memref_slice %arg5[%dma_wait3A_94, %dma_wait3A_95] : memref<2x8192xf32, #tpu.memory_space<vmem>> -> memref<1x8192xf32, #tpu.memory_space<vmem>>
        %dma_wait3A_97 = tpu.memref_squeeze %dma_wait3A_96 : memref<1x8192xf32, #tpu.memory_space<vmem>> -> memref<8192xf32, #tpu.memory_space<vmem>>
        %dma_wait3A_98 = arith.constant 0 : i32
        %dma_wait3A_99 = tpu.memref_slice %arg2[%dma_wait3A_98] : memref<2097152xf32, #tpu.memory_space<hbm>> -> memref<8192xf32, #tpu.memory_space<hbm>>
        %dma_wait3A_100 = arith.constant 0 : i32
        %dma_wait3A_101 = tpu.memref_slice %arg5[%dma_wait3A_94, %dma_wait3A_100] : memref<2x8192xf32, #tpu.memory_space<vmem>> -> memref<1x8192xf32, #tpu.memory_space<vmem>>
        %dma_wait3A_102 = tpu.memref_squeeze %dma_wait3A_101 : memref<1x8192xf32, #tpu.memory_space<vmem>> -> memref<8192xf32, #tpu.memory_space<vmem>>
        %dma_wait3A_103 = arith.constant 0 : i32
        %dma_wait3A_104 = tpu.memref_slice %arg2[%dma_wait3A_103] : memref<2097152xf32, #tpu.memory_space<hbm>> -> memref<8192xf32, #tpu.memory_space<hbm>>
        tpu.wait_dma2 semaphore(%arg7 : memref<!tpu.dma_semaphore, #tpu.memory_space<semaphore_mem>>) src(%dma_wait3A_104 : memref<8192xf32, #tpu.memory_space<hbm>>) dst(%dma_wait3A_102 : memref<8192xf32, #tpu.memory_space<vmem>>)
      } else {
      }
      %rem3A_66 = arith.constant 2 : i32
      %rem3A_67 = arith.remsi %scan3A_36, %rem3A_66 : i32
      %eq3A_68 = arith.constant 1 : i32
      %eq3A_69 = arith.cmpi eq, %rem3A_67, %eq3A_68 : i32
      %convert_element_type3A_70 = arith.extui %eq3A_69 : i1 to i32
      %cond3A_71 = arith.constant 0 : i32
      %cond3A_72 = arith.cmpi ne, %convert_element_type3A_70, %cond3A_71 : i32
      scf.if %cond3A_72 {
        %dma_wait3A = arith.constant 1 : i32
        %dma_wait3A_84 = arith.constant 0 : i32
        %dma_wait3A_85 = tpu.memref_slice %arg4[%dma_wait3A, %dma_wait3A_84] : memref<2x8192xf32, #tpu.memory_space<vmem>> -> memref<1x8192xf32, #tpu.memory_space<vmem>>
        %dma_wait3A_86 = tpu.memref_squeeze %dma_wait3A_85 : memref<1x8192xf32, #tpu.memory_space<vmem>> -> memref<8192xf32, #tpu.memory_space<vmem>>
        %dma_wait3A_87 = arith.constant 0 : i32
        %dma_wait3A_88 = tpu.memref_slice %arg2[%dma_wait3A_87] : memref<2097152xf32, #tpu.memory_space<hbm>> -> memref<8192xf32, #tpu.memory_space<hbm>>
        %dma_wait3A_89 = arith.constant 0 : i32
        %dma_wait3A_90 = tpu.memref_slice %arg4[%dma_wait3A, %dma_wait3A_89] : memref<2x8192xf32, #tpu.memory_space<vmem>> -> memref<1x8192xf32, #tpu.memory_space<vmem>>
        %dma_wait3A_91 = tpu.memref_squeeze %dma_wait3A_90 : memref<1x8192xf32, #tpu.memory_space<vmem>> -> memref<8192xf32, #tpu.memory_space<vmem>>
        %dma_wait3A_92 = arith.constant 0 : i32
        %dma_wait3A_93 = tpu.memref_slice %arg2[%dma_wait3A_92] : memref<2097152xf32, #tpu.memory_space<hbm>> -> memref<8192xf32, #tpu.memory_space<hbm>>
        tpu.wait_dma2 semaphore(%arg8 : memref<!tpu.dma_semaphore, #tpu.memory_space<semaphore_mem>>) src(%dma_wait3A_93 : memref<8192xf32, #tpu.memory_space<hbm>>) dst(%dma_wait3A_91 : memref<8192xf32, #tpu.memory_space<vmem>>)
        %dma_wait3A_94 = arith.constant 1 : i32
        %dma_wait3A_95 = arith.constant 0 : i32
        %dma_wait3A_96 = tpu.memref_slice %arg5[%dma_wait3A_94, %dma_wait3A_95] : memref<2x8192xf32, #tpu.memory_space<vmem>> -> memref<1x8192xf32, #tpu.memory_space<vmem>>
        %dma_wait3A_97 = tpu.memref_squeeze %dma_wait3A_96 : memref<1x8192xf32, #tpu.memory_space<vmem>> -> memref<8192xf32, #tpu.memory_space<vmem>>
        %dma_wait3A_98 = arith.constant 0 : i32
        %dma_wait3A_99 = tpu.memref_slice %arg2[%dma_wait3A_98] : memref<2097152xf32, #tpu.memory_space<hbm>> -> memref<8192xf32, #tpu.memory_space<hbm>>
        %dma_wait3A_100 = arith.constant 0 : i32
        %dma_wait3A_101 = tpu.memref_slice %arg5[%dma_wait3A_94, %dma_wait3A_100] : memref<2x8192xf32, #tpu.memory_space<vmem>> -> memref<1x8192xf32, #tpu.memory_space<vmem>>
        %dma_wait3A_102 = tpu.memref_squeeze %dma_wait3A_101 : memref<1x8192xf32, #tpu.memory_space<vmem>> -> memref<8192xf32, #tpu.memory_space<vmem>>
        %dma_wait3A_103 = arith.constant 0 : i32
        %dma_wait3A_104 = tpu.memref_slice %arg2[%dma_wait3A_103] : memref<2097152xf32, #tpu.memory_space<hbm>> -> memref<8192xf32, #tpu.memory_space<hbm>>
        tpu.wait_dma2 semaphore(%arg8 : memref<!tpu.dma_semaphore, #tpu.memory_space<semaphore_mem>>) src(%dma_wait3A_104 : memref<8192xf32, #tpu.memory_space<hbm>>) dst(%dma_wait3A_102 : memref<8192xf32, #tpu.memory_space<vmem>>)
      } else {
      }
      %broadcast_in_dim3A = arith.constant 0 : i32
      %broadcast_in_dim3A_73 = vector.broadcast %broadcast_in_dim3A : i32 to vector<16xi32>
      %rem3A_74 = arith.constant 2 : i32
      %rem3A_75 = arith.remsi %scan3A_36, %rem3A_74 : i32
      %add3A_76 = vector.broadcast %rem3A_75 : i32 to vector<16xi32>
      %add3A_77 = arith.addi %broadcast_in_dim3A_73, %add3A_76 : vector<16xi32>
      %scan3A_78 = arith.constant 0 : i32
      %scan3A_79 = arith.constant 0 : i32
      %scan3A_80 = arith.constant 8 : i32
      %scan3A_81 = arith.addi %scan3A_79, %scan3A_80 : i32
      %scan3A_82 = arith.constant 1 : i32
      scf.for %scan3A_84 = %scan3A_79 to %scan3A_81 step %scan3A_82  : i32 {
        %broadcast_in_dim3A_85 = arith.constant 0.000000e+00 : f32
        %broadcast_in_dim3A_86 = vector.broadcast %broadcast_in_dim3A_85 : f32 to vector<16xf32>
        %broadcast_in_dim3A_87 = arith.constant 0.000000e+00 : f32
        %broadcast_in_dim3A_88 = vector.broadcast %broadcast_in_dim3A_87 : f32 to vector<16xf32>
        %broadcast_in_dim3A_89 = arith.constant 0.000000e+00 : f32
        %broadcast_in_dim3A_90 = vector.broadcast %broadcast_in_dim3A_89 : f32 to vector<16xf32>
        %broadcast_in_dim3A_91 = arith.constant 0.000000e+00 : f32
        %broadcast_in_dim3A_92 = vector.broadcast %broadcast_in_dim3A_91 : f32 to vector<16xf32>
        %mul3A_93 = arith.constant 16 : i32
        %mul3A_94 = arith.muli %scan3A_84, %mul3A_93 : i32
        %mul3A_95 = arith.constant 64 : i32
        %mul3A_96 = arith.muli %mul3A_94, %mul3A_95 : i32
        %add3A_97 = arith.constant 0 : i32
        %add3A_98 = arith.addi %mul3A_96, %add3A_97 : i32
        %add3A_99 = vector.broadcast %add3A_98 : i32 to vector<16xi32>
        %add3A_100 = arith.addi %mul3A_5, %add3A_99 : vector<16xi32>
        %gather3A = tpu.vector_load_idx %arg4[%add3A_77, %add3A_100] : memref<2x8192xf32, #tpu.memory_space<vmem>>[vector<16xi32>, vector<16xi32>], vector<16xf32>,
        %gather3A_101 = tpu.vector_load_idx %arg5[%add3A_77, %add3A_100] : memref<2x8192xf32, #tpu.memory_space<vmem>>[vector<16xi32>, vector<16xi32>], vector<16xf32>,
        %mul3A_102 = arith.mulf %gather3A, %gather3A_101 : vector<16xf32>
        %add3A_103 = arith.addf %broadcast_in_dim3A_86, %mul3A_102 : vector<16xf32>
        %mul3A_104 = arith.constant 16 : i32
        %mul3A_105 = arith.muli %scan3A_84, %mul3A_104 : i32
        %mul3A_106 = arith.constant 64 : i32
        %mul3A_107 = arith.muli %mul3A_105, %mul3A_106 : i32
        %add3A_108 = arith.constant 1 : i32
        %add3A_109 = arith.addi %mul3A_107, %add3A_108 : i32
        %add3A_110 = vector.broadcast %add3A_109 : i32 to vector<16xi32>
        %add3A_111 = arith.addi %mul3A_5, %add3A_110 : vector<16xi32>
        %gather3A_112 = tpu.vector_load_idx %arg4[%add3A_77, %add3A_111] : memref<2x8192xf32, #tpu.memory_space<vmem>>[vector<16xi32>, vector<16xi32>], vector<16xf32>,
        %gather3A_113 = tpu.vector_load_idx %arg5[%add3A_77, %add3A_111] : memref<2x8192xf32, #tpu.memory_space<vmem>>[vector<16xi32>, vector<16xi32>], vector<16xf32>,
        %mul3A_114 = arith.mulf %gather3A_112, %gather3A_113 : vector<16xf32>
        %add3A_115 = arith.addf %broadcast_in_dim3A_88, %mul3A_114 : vector<16xf32>
        %mul3A_116 = arith.constant 16 : i32
        %mul3A_117 = arith.muli %scan3A_84, %mul3A_116 : i32
        %mul3A_118 = arith.constant 64 : i32
        %mul3A_119 = arith.muli %mul3A_117, %mul3A_118 : i32
        %add3A_120 = arith.constant 2 : i32
        %add3A_121 = arith.addi %mul3A_119, %add3A_120 : i32
        %add3A_122 = vector.broadcast %add3A_121 : i32 to vector<16xi32>
        %add3A_123 = arith.addi %mul3A_5, %add3A_122 : vector<16xi32>
        %gather3A_124 = tpu.vector_load_idx %arg4[%add3A_77, %add3A_123] : memref<2x8192xf32, #tpu.memory_space<vmem>>[vector<16xi32>, vector<16xi32>], vector<16xf32>,
        %gather3A_125 = tpu.vector_load_idx %arg5[%add3A_77, %add3A_123] : memref<2x8192xf32, #tpu.memory_space<vmem>>[vector<16xi32>, vector<16xi32>], vector<16xf32>,
        %mul3A_126 = arith.mulf %gather3A_124, %gather3A_125 : vector<16xf32>
        %add3A_127 = arith.addf %broadcast_in_dim3A_90, %mul3A_126 : vector<16xf32>
        %mul3A_128 = arith.constant 16 : i32
        %mul3A_129 = arith.muli %scan3A_84, %mul3A_128 : i32
        %mul3A_130 = arith.constant 64 : i32
        %mul3A_131 = arith.muli %mul3A_129, %mul3A_130 : i32
        %add3A_132 = arith.constant 3 : i32
        %add3A_133 = arith.addi %mul3A_131, %add3A_132 : i32
        %add3A_134 = vector.broadcast %add3A_133 : i32 to vector<16xi32>
        %add3A_135 = arith.addi %mul3A_5, %add3A_134 : vector<16xi32>
        %gather3A_136 = tpu.vector_load_idx %arg4[%add3A_77, %add3A_135] : memref<2x8192xf32, #tpu.memory_space<vmem>>[vector<16xi32>, vector<16xi32>], vector<16xf32>,
        %gather3A_137 = tpu.vector_load_idx %arg5[%add3A_77, %add3A_135] : memref<2x8192xf32, #tpu.memory_space<vmem>>[vector<16xi32>, vector<16xi32>], vector<16xf32>,
        %mul3A_138 = arith.mulf %gather3A_136, %gather3A_137 : vector<16xf32>
        %add3A_139 = arith.addf %broadcast_in_dim3A_92, %mul3A_138 : vector<16xf32>
        %mul3A_140 = arith.constant 16 : i32
        %mul3A_141 = arith.muli %scan3A_84, %mul3A_140 : i32
        %mul3A_142 = arith.constant 64 : i32
        %mul3A_143 = arith.muli %mul3A_141, %mul3A_142 : i32
        %add3A_144 = arith.constant 4 : i32
        %add3A_145 = arith.addi %mul3A_143, %add3A_144 : i32
        %add3A_146 = vector.broadcast %add3A_145 : i32 to vector<16xi32>
        %add3A_147 = arith.addi %mul3A_5, %add3A_146 : vector<16xi32>
        %gather3A_148 = tpu.vector_load_idx %arg4[%add3A_77, %add3A_147] : memref<2x8192xf32, #tpu.memory_space<vmem>>[vector<16xi32>, vector<16xi32>], vector<16xf32>,
        %gather3A_149 = tpu.vector_load_idx %arg5[%add3A_77, %add3A_147] : memref<2x8192xf32, #tpu.memory_space<vmem>>[vector<16xi32>, vector<16xi32>], vector<16xf32>,
        %mul3A_150 = arith.mulf %gather3A_148, %gather3A_149 : vector<16xf32>
        %add3A_151 = arith.addf %add3A_103, %mul3A_150 : vector<16xf32>
        %mul3A_152 = arith.constant 16 : i32
        %mul3A_153 = arith.muli %scan3A_84, %mul3A_152 : i32
        %mul3A_154 = arith.constant 64 : i32
        %mul3A_155 = arith.muli %mul3A_153, %mul3A_154 : i32
        %add3A_156 = arith.constant 5 : i32
        %add3A_157 = arith.addi %mul3A_155, %add3A_156 : i32
        %add3A_158 = vector.broadcast %add3A_157 : i32 to vector<16xi32>
        %add3A_159 = arith.addi %mul3A_5, %add3A_158 : vector<16xi32>
        %gather3A_160 = tpu.vector_load_idx %arg4[%add3A_77, %add3A_159] : memref<2x8192xf32, #tpu.memory_space<vmem>>[vector<16xi32>, vector<16xi32>], vector<16xf32>,
        %gather3A_161 = tpu.vector_load_idx %arg5[%add3A_77, %add3A_159] : memref<2x8192xf32, #tpu.memory_space<vmem>>[vector<16xi32>, vector<16xi32>], vector<16xf32>,
        %mul3A_162 = arith.mulf %gather3A_160, %gather3A_161 : vector<16xf32>
        %add3A_163 = arith.addf %add3A_115, %mul3A_162 : vector<16xf32>
        %mul3A_164 = arith.constant 16 : i32
        %mul3A_165 = arith.muli %scan3A_84, %mul3A_164 : i32
        %mul3A_166 = arith.constant 64 : i32
        %mul3A_167 = arith.muli %mul3A_165, %mul3A_166 : i32
        %add3A_168 = arith.constant 6 : i32
        %add3A_169 = arith.addi %mul3A_167, %add3A_168 : i32
        %add3A_170 = vector.broadcast %add3A_169 : i32 to vector<16xi32>
        %add3A_171 = arith.addi %mul3A_5, %add3A_170 : vector<16xi32>
        %gather3A_172 = tpu.vector_load_idx %arg4[%add3A_77, %add3A_171] : memref<2x8192xf32, #tpu.memory_space<vmem>>[vector<16xi32>, vector<16xi32>], vector<16xf32>,
        %gather3A_173 = tpu.vector_load_idx %arg5[%add3A_77, %add3A_171] : memref<2x8192xf32, #tpu.memory_space<vmem>>[vector<16xi32>, vector<16xi32>], vector<16xf32>,
        %mul3A_174 = arith.mulf %gather3A_172, %gather3A_173 : vector<16xf32>
        %add3A_175 = arith.addf %add3A_127, %mul3A_174 : vector<16xf32>
        %mul3A_176 = arith.constant 16 : i32
        %mul3A_177 = arith.muli %scan3A_84, %mul3A_176 : i32
        %mul3A_178 = arith.constant 64 : i32
        %mul3A_179 = arith.muli %mul3A_177, %mul3A_178 : i32
        %add3A_180 = arith.constant 7 : i32
        %add3A_181 = arith.addi %mul3A_179, %add3A_180 : i32
        %add3A_182 = vector.broadcast %add3A_181 : i32 to vector<16xi32>
        %add3A_183 = arith.addi %mul3A_5, %add3A_182 : vector<16xi32>
        %gather3A_184 = tpu.vector_load_idx %arg4[%add3A_77, %add3A_183] : memref<2x8192xf32, #tpu.memory_space<vmem>>[vector<16xi32>, vector<16xi32>], vector<16xf32>,
        %gather3A_185 = tpu.vector_load_idx %arg5[%add3A_77, %add3A_183] : memref<2x8192xf32, #tpu.memory_space<vmem>>[vector<16xi32>, vector<16xi32>], vector<16xf32>,
        %mul3A_186 = arith.mulf %gather3A_184, %gather3A_185 : vector<16xf32>
        %add3A_187 = arith.addf %add3A_139, %mul3A_186 : vector<16xf32>
        %mul3A_188 = arith.constant 16 : i32
        %mul3A_189 = arith.muli %scan3A_84, %mul3A_188 : i32
        %mul3A_190 = arith.constant 64 : i32
        %mul3A_191 = arith.muli %mul3A_189, %mul3A_190 : i32
        %add3A_192 = arith.constant 8 : i32
        %add3A_193 = arith.addi %mul3A_191, %add3A_192 : i32
        %add3A_194 = vector.broadcast %add3A_193 : i32 to vector<16xi32>
        %add3A_195 = arith.addi %mul3A_5, %add3A_194 : vector<16xi32>
        %gather3A_196 = tpu.vector_load_idx %arg4[%add3A_77, %add3A_195] : memref<2x8192xf32, #tpu.memory_space<vmem>>[vector<16xi32>, vector<16xi32>], vector<16xf32>,
        %gather3A_197 = tpu.vector_load_idx %arg5[%add3A_77, %add3A_195] : memref<2x8192xf32, #tpu.memory_space<vmem>>[vector<16xi32>, vector<16xi32>], vector<16xf32>,
        %mul3A_198 = arith.mulf %gather3A_196, %gather3A_197 : vector<16xf32>
        %add3A_199 = arith.addf %add3A_151, %mul3A_198 : vector<16xf32>
        %mul3A_200 = arith.constant 16 : i32
        %mul3A_201 = arith.muli %scan3A_84, %mul3A_200 : i32
        %mul3A_202 = arith.constant 64 : i32
        %mul3A_203 = arith.muli %mul3A_201, %mul3A_202 : i32
        %add3A_204 = arith.constant 9 : i32
        %add3A_205 = arith.addi %mul3A_203, %add3A_204 : i32
        %add3A_206 = vector.broadcast %add3A_205 : i32 to vector<16xi32>
        %add3A_207 = arith.addi %mul3A_5, %add3A_206 : vector<16xi32>
        %gather3A_208 = tpu.vector_load_idx %arg4[%add3A_77, %add3A_207] : memref<2x8192xf32, #tpu.memory_space<vmem>>[vector<16xi32>, vector<16xi32>], vector<16xf32>,
        %gather3A_209 = tpu.vector_load_idx %arg5[%add3A_77, %add3A_207] : memref<2x8192xf32, #tpu.memory_space<vmem>>[vector<16xi32>, vector<16xi32>], vector<16xf32>,
        %mul3A_210 = arith.mulf %gather3A_208, %gather3A_209 : vector<16xf32>
        %add3A_211 = arith.addf %add3A_163, %mul3A_210 : vector<16xf32>
        %mul3A_212 = arith.constant 16 : i32
        %mul3A_213 = arith.muli %scan3A_84, %mul3A_212 : i32
        %mul3A_214 = arith.constant 64 : i32
        %mul3A_215 = arith.muli %mul3A_213, %mul3A_214 : i32
        %add3A_216 = arith.constant 10 : i32
        %add3A_217 = arith.addi %mul3A_215, %add3A_216 : i32
        %add3A_218 = vector.broadcast %add3A_217 : i32 to vector<16xi32>
        %add3A_219 = arith.addi %mul3A_5, %add3A_218 : vector<16xi32>
        %gather3A_220 = tpu.vector_load_idx %arg4[%add3A_77, %add3A_219] : memref<2x8192xf32, #tpu.memory_space<vmem>>[vector<16xi32>, vector<16xi32>], vector<16xf32>,
        %gather3A_221 = tpu.vector_load_idx %arg5[%add3A_77, %add3A_219] : memref<2x8192xf32, #tpu.memory_space<vmem>>[vector<16xi32>, vector<16xi32>], vector<16xf32>,
        %mul3A_222 = arith.mulf %gather3A_220, %gather3A_221 : vector<16xf32>
        %add3A_223 = arith.addf %add3A_175, %mul3A_222 : vector<16xf32>
        %mul3A_224 = arith.constant 16 : i32
        %mul3A_225 = arith.muli %scan3A_84, %mul3A_224 : i32
        %mul3A_226 = arith.constant 64 : i32
        %mul3A_227 = arith.muli %mul3A_225, %mul3A_226 : i32
        %add3A_228 = arith.constant 11 : i32
        %add3A_229 = arith.addi %mul3A_227, %add3A_228 : i32
        %add3A_230 = vector.broadcast %add3A_229 : i32 to vector<16xi32>
        %add3A_231 = arith.addi %mul3A_5, %add3A_230 : vector<16xi32>
        %gather3A_232 = tpu.vector_load_idx %arg4[%add3A_77, %add3A_231] : memref<2x8192xf32, #tpu.memory_space<vmem>>[vector<16xi32>, vector<16xi32>], vector<16xf32>,
        %gather3A_233 = tpu.vector_load_idx %arg5[%add3A_77, %add3A_231] : memref<2x8192xf32, #tpu.memory_space<vmem>>[vector<16xi32>, vector<16xi32>], vector<16xf32>,
        %mul3A_234 = arith.mulf %gather3A_232, %gather3A_233 : vector<16xf32>
        %add3A_235 = arith.addf %add3A_187, %mul3A_234 : vector<16xf32>
        %mul3A_236 = arith.constant 16 : i32
        %mul3A_237 = arith.muli %scan3A_84, %mul3A_236 : i32
        %mul3A_238 = arith.constant 64 : i32
        %mul3A_239 = arith.muli %mul3A_237, %mul3A_238 : i32
        %add3A_240 = arith.constant 12 : i32
        %add3A_241 = arith.addi %mul3A_239, %add3A_240 : i32
        %add3A_242 = vector.broadcast %add3A_241 : i32 to vector<16xi32>
        %add3A_243 = arith.addi %mul3A_5, %add3A_242 : vector<16xi32>
        %gather3A_244 = tpu.vector_load_idx %arg4[%add3A_77, %add3A_243] : memref<2x8192xf32, #tpu.memory_space<vmem>>[vector<16xi32>, vector<16xi32>], vector<16xf32>,
        %gather3A_245 = tpu.vector_load_idx %arg5[%add3A_77, %add3A_243] : memref<2x8192xf32, #tpu.memory_space<vmem>>[vector<16xi32>, vector<16xi32>], vector<16xf32>,
        %mul3A_246 = arith.mulf %gather3A_244, %gather3A_245 : vector<16xf32>
        %add3A_247 = arith.addf %add3A_199, %mul3A_246 : vector<16xf32>
        %mul3A_248 = arith.constant 16 : i32
        %mul3A_249 = arith.muli %scan3A_84, %mul3A_248 : i32
        %mul3A_250 = arith.constant 64 : i32
        %mul3A_251 = arith.muli %mul3A_249, %mul3A_250 : i32
        %add3A_252 = arith.constant 13 : i32
        %add3A_253 = arith.addi %mul3A_251, %add3A_252 : i32
        %add3A_254 = vector.broadcast %add3A_253 : i32 to vector<16xi32>
        %add3A_255 = arith.addi %mul3A_5, %add3A_254 : vector<16xi32>
        %gather3A_256 = tpu.vector_load_idx %arg4[%add3A_77, %add3A_255] : memref<2x8192xf32, #tpu.memory_space<vmem>>[vector<16xi32>, vector<16xi32>], vector<16xf32>,
        %gather3A_257 = tpu.vector_load_idx %arg5[%add3A_77, %add3A_255] : memref<2x8192xf32, #tpu.memory_space<vmem>>[vector<16xi32>, vector<16xi32>], vector<16xf32>,
        %mul3A_258 = arith.mulf %gather3A_256, %gather3A_257 : vector<16xf32>
        %add3A_259 = arith.addf %add3A_211, %mul3A_258 : vector<16xf32>
        %mul3A_260 = arith.constant 16 : i32
        %mul3A_261 = arith.muli %scan3A_84, %mul3A_260 : i32
        %mul3A_262 = arith.constant 64 : i32
        %mul3A_263 = arith.muli %mul3A_261, %mul3A_262 : i32
        %add3A_264 = arith.constant 14 : i32
        %add3A_265 = arith.addi %mul3A_263, %add3A_264 : i32
        %add3A_266 = vector.broadcast %add3A_265 : i32 to vector<16xi32>
        %add3A_267 = arith.addi %mul3A_5, %add3A_266 : vector<16xi32>
        %gather3A_268 = tpu.vector_load_idx %arg4[%add3A_77, %add3A_267] : memref<2x8192xf32, #tpu.memory_space<vmem>>[vector<16xi32>, vector<16xi32>], vector<16xf32>,
        %gather3A_269 = tpu.vector_load_idx %arg5[%add3A_77, %add3A_267] : memref<2x8192xf32, #tpu.memory_space<vmem>>[vector<16xi32>, vector<16xi32>], vector<16xf32>,
        %mul3A_270 = arith.mulf %gather3A_268, %gather3A_269 : vector<16xf32>
        %add3A_271 = arith.addf %add3A_223, %mul3A_270 : vector<16xf32>
        %mul3A_272 = arith.constant 16 : i32
        %mul3A_273 = arith.muli %scan3A_84, %mul3A_272 : i32
        %mul3A_274 = arith.constant 64 : i32
        %mul3A_275 = arith.muli %mul3A_273, %mul3A_274 : i32
        %add3A_276 = arith.constant 15 : i32
        %add3A_277 = arith.addi %mul3A_275, %add3A_276 : i32
        %add3A_278 = vector.broadcast %add3A_277 : i32 to vector<16xi32>
        %add3A_279 = arith.addi %mul3A_5, %add3A_278 : vector<16xi32>
        %gather3A_280 = tpu.vector_load_idx %arg4[%add3A_77, %add3A_279] : memref<2x8192xf32, #tpu.memory_space<vmem>>[vector<16xi32>, vector<16xi32>], vector<16xf32>,
        %gather3A_281 = tpu.vector_load_idx %arg5[%add3A_77, %add3A_279] : memref<2x8192xf32, #tpu.memory_space<vmem>>[vector<16xi32>, vector<16xi32>], vector<16xf32>,
        %mul3A_282 = arith.mulf %gather3A_280, %gather3A_281 : vector<16xf32>
        %add3A_283 = arith.addf %add3A_235, %mul3A_282 : vector<16xf32>
        %mul3A_284 = arith.constant 16 : i32
        %mul3A_285 = arith.muli %scan3A_84, %mul3A_284 : i32
        %mul3A_286 = arith.constant 64 : i32
        %mul3A_287 = arith.muli %mul3A_285, %mul3A_286 : i32
        %add3A_288 = arith.constant 16 : i32
        %add3A_289 = arith.addi %mul3A_287, %add3A_288 : i32
        %add3A_290 = vector.broadcast %add3A_289 : i32 to vector<16xi32>
        %add3A_291 = arith.addi %mul3A_5, %add3A_290 : vector<16xi32>
        %gather3A_292 = tpu.vector_load_idx %arg4[%add3A_77, %add3A_291] : memref<2x8192xf32, #tpu.memory_space<vmem>>[vector<16xi32>, vector<16xi32>], vector<16xf32>,
        %gather3A_293 = tpu.vector_load_idx %arg5[%add3A_77, %add3A_291] : memref<2x8192xf32, #tpu.memory_space<vmem>>[vector<16xi32>, vector<16xi32>], vector<16xf32>,
        %mul3A_294 = arith.mulf %gather3A_292, %gather3A_293 : vector<16xf32>
        %add3A_295 = arith.addf %add3A_247, %mul3A_294 : vector<16xf32>
        %mul3A_296 = arith.constant 16 : i32
        %mul3A_297 = arith.muli %scan3A_84, %mul3A_296 : i32
        %mul3A_298 = arith.constant 64 : i32
        %mul3A_299 = arith.muli %mul3A_297, %mul3A_298 : i32
        %add3A_300 = arith.constant 17 : i32
        %add3A_301 = arith.addi %mul3A_299, %add3A_300 : i32
        %add3A_302 = vector.broadcast %add3A_301 : i32 to vector<16xi32>
        %add3A_303 = arith.addi %mul3A_5, %add3A_302 : vector<16xi32>
        %gather3A_304 = tpu.vector_load_idx %arg4[%add3A_77, %add3A_303] : memref<2x8192xf32, #tpu.memory_space<vmem>>[vector<16xi32>, vector<16xi32>], vector<16xf32>,
        %gather3A_305 = tpu.vector_load_idx %arg5[%add3A_77, %add3A_303] : memref<2x8192xf32, #tpu.memory_space<vmem>>[vector<16xi32>, vector<16xi32>], vector<16xf32>,
        %mul3A_306 = arith.mulf %gather3A_304, %gather3A_305 : vector<16xf32>
        %add3A_307 = arith.addf %add3A_259, %mul3A_306 : vector<16xf32>
        %mul3A_308 = arith.constant 16 : i32
        %mul3A_309 = arith.muli %scan3A_84, %mul3A_308 : i32
        %mul3A_310 = arith.constant 64 : i32
        %mul3A_311 = arith.muli %mul3A_309, %mul3A_310 : i32
        %add3A_312 = arith.constant 18 : i32
        %add3A_313 = arith.addi %mul3A_311, %add3A_312 : i32
        %add3A_314 = vector.broadcast %add3A_313 : i32 to vector<16xi32>
        %add3A_315 = arith.addi %mul3A_5, %add3A_314 : vector<16xi32>
        %gather3A_316 = tpu.vector_load_idx %arg4[%add3A_77, %add3A_315] : memref<2x8192xf32, #tpu.memory_space<vmem>>[vector<16xi32>, vector<16xi32>], vector<16xf32>,
        %gather3A_317 = tpu.vector_load_idx %arg5[%add3A_77, %add3A_315] : memref<2x8192xf32, #tpu.memory_space<vmem>>[vector<16xi32>, vector<16xi32>], vector<16xf32>,
        %mul3A_318 = arith.mulf %gather3A_316, %gather3A_317 : vector<16xf32>
        %add3A_319 = arith.addf %add3A_271, %mul3A_318 : vector<16xf32>
        %mul3A_320 = arith.constant 16 : i32
        %mul3A_321 = arith.muli %scan3A_84, %mul3A_320 : i32
        %mul3A_322 = arith.constant 64 : i32
        %mul3A_323 = arith.muli %mul3A_321, %mul3A_322 : i32
        %add3A_324 = arith.constant 19 : i32
        %add3A_325 = arith.addi %mul3A_323, %add3A_324 : i32
        %add3A_326 = vector.broadcast %add3A_325 : i32 to vector<16xi32>
        %add3A_327 = arith.addi %mul3A_5, %add3A_326 : vector<16xi32>
        %gather3A_328 = tpu.vector_load_idx %arg4[%add3A_77, %add3A_327] : memref<2x8192xf32, #tpu.memory_space<vmem>>[vector<16xi32>, vector<16xi32>], vector<16xf32>,
        %gather3A_329 = tpu.vector_load_idx %arg5[%add3A_77, %add3A_327] : memref<2x8192xf32, #tpu.memory_space<vmem>>[vector<16xi32>, vector<16xi32>], vector<16xf32>,
        %mul3A_330 = arith.mulf %gather3A_328, %gather3A_329 : vector<16xf32>
        %add3A_331 = arith.addf %add3A_283, %mul3A_330 : vector<16xf32>
        %mul3A_332 = arith.constant 16 : i32
        %mul3A_333 = arith.muli %scan3A_84, %mul3A_332 : i32
        %mul3A_334 = arith.constant 64 : i32
        %mul3A_335 = arith.muli %mul3A_333, %mul3A_334 : i32
        %add3A_336 = arith.constant 20 : i32
        %add3A_337 = arith.addi %mul3A_335, %add3A_336 : i32
        %add3A_338 = vector.broadcast %add3A_337 : i32 to vector<16xi32>
        %add3A_339 = arith.addi %mul3A_5, %add3A_338 : vector<16xi32>
        %gather3A_340 = tpu.vector_load_idx %arg4[%add3A_77, %add3A_339] : memref<2x8192xf32, #tpu.memory_space<vmem>>[vector<16xi32>, vector<16xi32>], vector<16xf32>,
        %gather3A_341 = tpu.vector_load_idx %arg5[%add3A_77, %add3A_339] : memref<2x8192xf32, #tpu.memory_space<vmem>>[vector<16xi32>, vector<16xi32>], vector<16xf32>,
        %mul3A_342 = arith.mulf %gather3A_340, %gather3A_341 : vector<16xf32>
        %add3A_343 = arith.addf %add3A_295, %mul3A_342 : vector<16xf32>
        %mul3A_344 = arith.constant 16 : i32
        %mul3A_345 = arith.muli %scan3A_84, %mul3A_344 : i32
        %mul3A_346 = arith.constant 64 : i32
        %mul3A_347 = arith.muli %mul3A_345, %mul3A_346 : i32
        %add3A_348 = arith.constant 21 : i32
        %add3A_349 = arith.addi %mul3A_347, %add3A_348 : i32
        %add3A_350 = vector.broadcast %add3A_349 : i32 to vector<16xi32>
        %add3A_351 = arith.addi %mul3A_5, %add3A_350 : vector<16xi32>
        %gather3A_352 = tpu.vector_load_idx %arg4[%add3A_77, %add3A_351] : memref<2x8192xf32, #tpu.memory_space<vmem>>[vector<16xi32>, vector<16xi32>], vector<16xf32>,
        %gather3A_353 = tpu.vector_load_idx %arg5[%add3A_77, %add3A_351] : memref<2x8192xf32, #tpu.memory_space<vmem>>[vector<16xi32>, vector<16xi32>], vector<16xf32>,
        %mul3A_354 = arith.mulf %gather3A_352, %gather3A_353 : vector<16xf32>
        %add3A_355 = arith.addf %add3A_307, %mul3A_354 : vector<16xf32>
        %mul3A_356 = arith.constant 16 : i32
        %mul3A_357 = arith.muli %scan3A_84, %mul3A_356 : i32
        %mul3A_358 = arith.constant 64 : i32
        %mul3A_359 = arith.muli %mul3A_357, %mul3A_358 : i32
        %add3A_360 = arith.constant 22 : i32
        %add3A_361 = arith.addi %mul3A_359, %add3A_360 : i32
        %add3A_362 = vector.broadcast %add3A_361 : i32 to vector<16xi32>
        %add3A_363 = arith.addi %mul3A_5, %add3A_362 : vector<16xi32>
        %gather3A_364 = tpu.vector_load_idx %arg4[%add3A_77, %add3A_363] : memref<2x8192xf32, #tpu.memory_space<vmem>>[vector<16xi32>, vector<16xi32>], vector<16xf32>,
        %gather3A_365 = tpu.vector_load_idx %arg5[%add3A_77, %add3A_363] : memref<2x8192xf32, #tpu.memory_space<vmem>>[vector<16xi32>, vector<16xi32>], vector<16xf32>,
        %mul3A_366 = arith.mulf %gather3A_364, %gather3A_365 : vector<16xf32>
        %add3A_367 = arith.addf %add3A_319, %mul3A_366 : vector<16xf32>
        %mul3A_368 = arith.constant 16 : i32
        %mul3A_369 = arith.muli %scan3A_84, %mul3A_368 : i32
        %mul3A_370 = arith.constant 64 : i32
        %mul3A_371 = arith.muli %mul3A_369, %mul3A_370 : i32
        %add3A_372 = arith.constant 23 : i32
        %add3A_373 = arith.addi %mul3A_371, %add3A_372 : i32
        %add3A_374 = vector.broadcast %add3A_373 : i32 to vector<16xi32>
        %add3A_375 = arith.addi %mul3A_5, %add3A_374 : vector<16xi32>
        %gather3A_376 = tpu.vector_load_idx %arg4[%add3A_77, %add3A_375] : memref<2x8192xf32, #tpu.memory_space<vmem>>[vector<16xi32>, vector<16xi32>], vector<16xf32>,
        %gather3A_377 = tpu.vector_load_idx %arg5[%add3A_77, %add3A_375] : memref<2x8192xf32, #tpu.memory_space<vmem>>[vector<16xi32>, vector<16xi32>], vector<16xf32>,
        %mul3A_378 = arith.mulf %gather3A_376, %gather3A_377 : vector<16xf32>
        %add3A_379 = arith.addf %add3A_331, %mul3A_378 : vector<16xf32>
        %mul3A_380 = arith.constant 16 : i32
        %mul3A_381 = arith.muli %scan3A_84, %mul3A_380 : i32
        %mul3A_382 = arith.constant 64 : i32
        %mul3A_383 = arith.muli %mul3A_381, %mul3A_382 : i32
        %add3A_384 = arith.constant 24 : i32
        %add3A_385 = arith.addi %mul3A_383, %add3A_384 : i32
        %add3A_386 = vector.broadcast %add3A_385 : i32 to vector<16xi32>
        %add3A_387 = arith.addi %mul3A_5, %add3A_386 : vector<16xi32>
        %gather3A_388 = tpu.vector_load_idx %arg4[%add3A_77, %add3A_387] : memref<2x8192xf32, #tpu.memory_space<vmem>>[vector<16xi32>, vector<16xi32>], vector<16xf32>,
        %gather3A_389 = tpu.vector_load_idx %arg5[%add3A_77, %add3A_387] : memref<2x8192xf32, #tpu.memory_space<vmem>>[vector<16xi32>, vector<16xi32>], vector<16xf32>,
        %mul3A_390 = arith.mulf %gather3A_388, %gather3A_389 : vector<16xf32>
        %add3A_391 = arith.addf %add3A_343, %mul3A_390 : vector<16xf32>
        %mul3A_392 = arith.constant 16 : i32
        %mul3A_393 = arith.muli %scan3A_84, %mul3A_392 : i32
        %mul3A_394 = arith.constant 64 : i32
        %mul3A_395 = arith.muli %mul3A_393, %mul3A_394 : i32
        %add3A_396 = arith.constant 25 : i32
        %add3A_397 = arith.addi %mul3A_395, %add3A_396 : i32
        %add3A_398 = vector.broadcast %add3A_397 : i32 to vector<16xi32>
        %add3A_399 = arith.addi %mul3A_5, %add3A_398 : vector<16xi32>
        %gather3A_400 = tpu.vector_load_idx %arg4[%add3A_77, %add3A_399] : memref<2x8192xf32, #tpu.memory_space<vmem>>[vector<16xi32>, vector<16xi32>], vector<16xf32>,
        %gather3A_401 = tpu.vector_load_idx %arg5[%add3A_77, %add3A_399] : memref<2x8192xf32, #tpu.memory_space<vmem>>[vector<16xi32>, vector<16xi32>], vector<16xf32>,
        %mul3A_402 = arith.mulf %gather3A_400, %gather3A_401 : vector<16xf32>
        %add3A_403 = arith.addf %add3A_355, %mul3A_402 : vector<16xf32>
        %mul3A_404 = arith.constant 16 : i32
        %mul3A_405 = arith.muli %scan3A_84, %mul3A_404 : i32
        %mul3A_406 = arith.constant 64 : i32
        %mul3A_407 = arith.muli %mul3A_405, %mul3A_406 : i32
        %add3A_408 = arith.constant 26 : i32
        %add3A_409 = arith.addi %mul3A_407, %add3A_408 : i32
        %add3A_410 = vector.broadcast %add3A_409 : i32 to vector<16xi32>
        %add3A_411 = arith.addi %mul3A_5, %add3A_410 : vector<16xi32>
        %gather3A_412 = tpu.vector_load_idx %arg4[%add3A_77, %add3A_411] : memref<2x8192xf32, #tpu.memory_space<vmem>>[vector<16xi32>, vector<16xi32>], vector<16xf32>,
        %gather3A_413 = tpu.vector_load_idx %arg5[%add3A_77, %add3A_411] : memref<2x8192xf32, #tpu.memory_space<vmem>>[vector<16xi32>, vector<16xi32>], vector<16xf32>,
        %mul3A_414 = arith.mulf %gather3A_412, %gather3A_413 : vector<16xf32>
        %add3A_415 = arith.addf %add3A_367, %mul3A_414 : vector<16xf32>
        %mul3A_416 = arith.constant 16 : i32
        %mul3A_417 = arith.muli %scan3A_84, %mul3A_416 : i32
        %mul3A_418 = arith.constant 64 : i32
        %mul3A_419 = arith.muli %mul3A_417, %mul3A_418 : i32
        %add3A_420 = arith.constant 27 : i32
        %add3A_421 = arith.addi %mul3A_419, %add3A_420 : i32
        %add3A_422 = vector.broadcast %add3A_421 : i32 to vector<16xi32>
        %add3A_423 = arith.addi %mul3A_5, %add3A_422 : vector<16xi32>
        %gather3A_424 = tpu.vector_load_idx %arg4[%add3A_77, %add3A_423] : memref<2x8192xf32, #tpu.memory_space<vmem>>[vector<16xi32>, vector<16xi32>], vector<16xf32>,
        %gather3A_425 = tpu.vector_load_idx %arg5[%add3A_77, %add3A_423] : memref<2x8192xf32, #tpu.memory_space<vmem>>[vector<16xi32>, vector<16xi32>], vector<16xf32>,
        %mul3A_426 = arith.mulf %gather3A_424, %gather3A_425 : vector<16xf32>
        %add3A_427 = arith.addf %add3A_379, %mul3A_426 : vector<16xf32>
        %mul3A_428 = arith.constant 16 : i32
        %mul3A_429 = arith.muli %scan3A_84, %mul3A_428 : i32
        %mul3A_430 = arith.constant 64 : i32
        %mul3A_431 = arith.muli %mul3A_429, %mul3A_430 : i32
        %add3A_432 = arith.constant 28 : i32
        %add3A_433 = arith.addi %mul3A_431, %add3A_432 : i32
        %add3A_434 = vector.broadcast %add3A_433 : i32 to vector<16xi32>
        %add3A_435 = arith.addi %mul3A_5, %add3A_434 : vector<16xi32>
        %gather3A_436 = tpu.vector_load_idx %arg4[%add3A_77, %add3A_435] : memref<2x8192xf32, #tpu.memory_space<vmem>>[vector<16xi32>, vector<16xi32>], vector<16xf32>,
        %gather3A_437 = tpu.vector_load_idx %arg5[%add3A_77, %add3A_435] : memref<2x8192xf32, #tpu.memory_space<vmem>>[vector<16xi32>, vector<16xi32>], vector<16xf32>,
        %mul3A_438 = arith.mulf %gather3A_436, %gather3A_437 : vector<16xf32>
        %add3A_439 = arith.addf %add3A_391, %mul3A_438 : vector<16xf32>
        %mul3A_440 = arith.constant 16 : i32
        %mul3A_441 = arith.muli %scan3A_84, %mul3A_440 : i32
        %mul3A_442 = arith.constant 64 : i32
        %mul3A_443 = arith.muli %mul3A_441, %mul3A_442 : i32
        %add3A_444 = arith.constant 29 : i32
        %add3A_445 = arith.addi %mul3A_443, %add3A_444 : i32
        %add3A_446 = vector.broadcast %add3A_445 : i32 to vector<16xi32>
        %add3A_447 = arith.addi %mul3A_5, %add3A_446 : vector<16xi32>
        %gather3A_448 = tpu.vector_load_idx %arg4[%add3A_77, %add3A_447] : memref<2x8192xf32, #tpu.memory_space<vmem>>[vector<16xi32>, vector<16xi32>], vector<16xf32>,
        %gather3A_449 = tpu.vector_load_idx %arg5[%add3A_77, %add3A_447] : memref<2x8192xf32, #tpu.memory_space<vmem>>[vector<16xi32>, vector<16xi32>], vector<16xf32>,
        %mul3A_450 = arith.mulf %gather3A_448, %gather3A_449 : vector<16xf32>
        %add3A_451 = arith.addf %add3A_403, %mul3A_450 : vector<16xf32>
        %mul3A_452 = arith.constant 16 : i32
        %mul3A_453 = arith.muli %scan3A_84, %mul3A_452 : i32
        %mul3A_454 = arith.constant 64 : i32
        %mul3A_455 = arith.muli %mul3A_453, %mul3A_454 : i32
        %add3A_456 = arith.constant 30 : i32
        %add3A_457 = arith.addi %mul3A_455, %add3A_456 : i32
        %add3A_458 = vector.broadcast %add3A_457 : i32 to vector<16xi32>
        %add3A_459 = arith.addi %mul3A_5, %add3A_458 : vector<16xi32>
        %gather3A_460 = tpu.vector_load_idx %arg4[%add3A_77, %add3A_459] : memref<2x8192xf32, #tpu.memory_space<vmem>>[vector<16xi32>, vector<16xi32>], vector<16xf32>,
        %gather3A_461 = tpu.vector_load_idx %arg5[%add3A_77, %add3A_459] : memref<2x8192xf32, #tpu.memory_space<vmem>>[vector<16xi32>, vector<16xi32>], vector<16xf32>,
        %mul3A_462 = arith.mulf %gather3A_460, %gather3A_461 : vector<16xf32>
        %add3A_463 = arith.addf %add3A_415, %mul3A_462 : vector<16xf32>
        %mul3A_464 = arith.constant 16 : i32
        %mul3A_465 = arith.muli %scan3A_84, %mul3A_464 : i32
        %mul3A_466 = arith.constant 64 : i32
        %mul3A_467 = arith.muli %mul3A_465, %mul3A_466 : i32
        %add3A_468 = arith.constant 31 : i32
        %add3A_469 = arith.addi %mul3A_467, %add3A_468 : i32
        %add3A_470 = vector.broadcast %add3A_469 : i32 to vector<16xi32>
        %add3A_471 = arith.addi %mul3A_5, %add3A_470 : vector<16xi32>
        %gather3A_472 = tpu.vector_load_idx %arg4[%add3A_77, %add3A_471] : memref<2x8192xf32, #tpu.memory_space<vmem>>[vector<16xi32>, vector<16xi32>], vector<16xf32>,
        %gather3A_473 = tpu.vector_load_idx %arg5[%add3A_77, %add3A_471] : memref<2x8192xf32, #tpu.memory_space<vmem>>[vector<16xi32>, vector<16xi32>], vector<16xf32>,
        %mul3A_474 = arith.mulf %gather3A_472, %gather3A_473 : vector<16xf32>
        %add3A_475 = arith.addf %add3A_427, %mul3A_474 : vector<16xf32>
        %mul3A_476 = arith.constant 16 : i32
        %mul3A_477 = arith.muli %scan3A_84, %mul3A_476 : i32
        %mul3A_478 = arith.constant 64 : i32
        %mul3A_479 = arith.muli %mul3A_477, %mul3A_478 : i32
        %add3A_480 = arith.constant 32 : i32
        %add3A_481 = arith.addi %mul3A_479, %add3A_480 : i32
        %add3A_482 = vector.broadcast %add3A_481 : i32 to vector<16xi32>
        %add3A_483 = arith.addi %mul3A_5, %add3A_482 : vector<16xi32>
        %gather3A_484 = tpu.vector_load_idx %arg4[%add3A_77, %add3A_483] : memref<2x8192xf32, #tpu.memory_space<vmem>>[vector<16xi32>, vector<16xi32>], vector<16xf32>,
        %gather3A_485 = tpu.vector_load_idx %arg5[%add3A_77, %add3A_483] : memref<2x8192xf32, #tpu.memory_space<vmem>>[vector<16xi32>, vector<16xi32>], vector<16xf32>,
        %mul3A_486 = arith.mulf %gather3A_484, %gather3A_485 : vector<16xf32>
        %add3A_487 = arith.addf %add3A_439, %mul3A_486 : vector<16xf32>
        %mul3A_488 = arith.constant 16 : i32
        %mul3A_489 = arith.muli %scan3A_84, %mul3A_488 : i32
        %mul3A_490 = arith.constant 64 : i32
        %mul3A_491 = arith.muli %mul3A_489, %mul3A_490 : i32
        %add3A_492 = arith.constant 33 : i32
        %add3A_493 = arith.addi %mul3A_491, %add3A_492 : i32
        %add3A_494 = vector.broadcast %add3A_493 : i32 to vector<16xi32>
        %add3A_495 = arith.addi %mul3A_5, %add3A_494 : vector<16xi32>
        %gather3A_496 = tpu.vector_load_idx %arg4[%add3A_77, %add3A_495] : memref<2x8192xf32, #tpu.memory_space<vmem>>[vector<16xi32>, vector<16xi32>], vector<16xf32>,
        %gather3A_497 = tpu.vector_load_idx %arg5[%add3A_77, %add3A_495] : memref<2x8192xf32, #tpu.memory_space<vmem>>[vector<16xi32>, vector<16xi32>], vector<16xf32>,
        %mul3A_498 = arith.mulf %gather3A_496, %gather3A_497 : vector<16xf32>
        %add3A_499 = arith.addf %add3A_451, %mul3A_498 : vector<16xf32>
        %mul3A_500 = arith.constant 16 : i32
        %mul3A_501 = arith.muli %scan3A_84, %mul3A_500 : i32
        %mul3A_502 = arith.constant 64 : i32
        %mul3A_503 = arith.muli %mul3A_501, %mul3A_502 : i32
        %add3A_504 = arith.constant 34 : i32
        %add3A_505 = arith.addi %mul3A_503, %add3A_504 : i32
        %add3A_506 = vector.broadcast %add3A_505 : i32 to vector<16xi32>
        %add3A_507 = arith.addi %mul3A_5, %add3A_506 : vector<16xi32>
        %gather3A_508 = tpu.vector_load_idx %arg4[%add3A_77, %add3A_507] : memref<2x8192xf32, #tpu.memory_space<vmem>>[vector<16xi32>, vector<16xi32>], vector<16xf32>,
        %gather3A_509 = tpu.vector_load_idx %arg5[%add3A_77, %add3A_507] : memref<2x8192xf32, #tpu.memory_space<vmem>>[vector<16xi32>, vector<16xi32>], vector<16xf32>,
        %mul3A_510 = arith.mulf %gather3A_508, %gather3A_509 : vector<16xf32>
        %add3A_511 = arith.addf %add3A_463, %mul3A_510 : vector<16xf32>
        %mul3A_512 = arith.constant 16 : i32
        %mul3A_513 = arith.muli %scan3A_84, %mul3A_512 : i32
        %mul3A_514 = arith.constant 64 : i32
        %mul3A_515 = arith.muli %mul3A_513, %mul3A_514 : i32
        %add3A_516 = arith.constant 35 : i32
        %add3A_517 = arith.addi %mul3A_515, %add3A_516 : i32
        %add3A_518 = vector.broadcast %add3A_517 : i32 to vector<16xi32>
        %add3A_519 = arith.addi %mul3A_5, %add3A_518 : vector<16xi32>
        %gather3A_520 = tpu.vector_load_idx %arg4[%add3A_77, %add3A_519] : memref<2x8192xf32, #tpu.memory_space<vmem>>[vector<16xi32>, vector<16xi32>], vector<16xf32>,
        %gather3A_521 = tpu.vector_load_idx %arg5[%add3A_77, %add3A_519] : memref<2x8192xf32, #tpu.memory_space<vmem>>[vector<16xi32>, vector<16xi32>], vector<16xf32>,
        %mul3A_522 = arith.mulf %gather3A_520, %gather3A_521 : vector<16xf32>
        %add3A_523 = arith.addf %add3A_475, %mul3A_522 : vector<16xf32>
        %mul3A_524 = arith.constant 16 : i32
        %mul3A_525 = arith.muli %scan3A_84, %mul3A_524 : i32
        %mul3A_526 = arith.constant 64 : i32
        %mul3A_527 = arith.muli %mul3A_525, %mul3A_526 : i32
        %add3A_528 = arith.constant 36 : i32
        %add3A_529 = arith.addi %mul3A_527, %add3A_528 : i32
        %add3A_530 = vector.broadcast %add3A_529 : i32 to vector<16xi32>
        %add3A_531 = arith.addi %mul3A_5, %add3A_530 : vector<16xi32>
        %gather3A_532 = tpu.vector_load_idx %arg4[%add3A_77, %add3A_531] : memref<2x8192xf32, #tpu.memory_space<vmem>>[vector<16xi32>, vector<16xi32>], vector<16xf32>,
        %gather3A_533 = tpu.vector_load_idx %arg5[%add3A_77, %add3A_531] : memref<2x8192xf32, #tpu.memory_space<vmem>>[vector<16xi32>, vector<16xi32>], vector<16xf32>,
        %mul3A_534 = arith.mulf %gather3A_532, %gather3A_533 : vector<16xf32>
        %add3A_535 = arith.addf %add3A_487, %mul3A_534 : vector<16xf32>
        %mul3A_536 = arith.constant 16 : i32
        %mul3A_537 = arith.muli %scan3A_84, %mul3A_536 : i32
        %mul3A_538 = arith.constant 64 : i32
        %mul3A_539 = arith.muli %mul3A_537, %mul3A_538 : i32
        %add3A_540 = arith.constant 37 : i32
        %add3A_541 = arith.addi %mul3A_539, %add3A_540 : i32
        %add3A_542 = vector.broadcast %add3A_541 : i32 to vector<16xi32>
        %add3A_543 = arith.addi %mul3A_5, %add3A_542 : vector<16xi32>
        %gather3A_544 = tpu.vector_load_idx %arg4[%add3A_77, %add3A_543] : memref<2x8192xf32, #tpu.memory_space<vmem>>[vector<16xi32>, vector<16xi32>], vector<16xf32>,
        %gather3A_545 = tpu.vector_load_idx %arg5[%add3A_77, %add3A_543] : memref<2x8192xf32, #tpu.memory_space<vmem>>[vector<16xi32>, vector<16xi32>], vector<16xf32>,
        %mul3A_546 = arith.mulf %gather3A_544, %gather3A_545 : vector<16xf32>
        %add3A_547 = arith.addf %add3A_499, %mul3A_546 : vector<16xf32>
        %mul3A_548 = arith.constant 16 : i32
        %mul3A_549 = arith.muli %scan3A_84, %mul3A_548 : i32
        %mul3A_550 = arith.constant 64 : i32
        %mul3A_551 = arith.muli %mul3A_549, %mul3A_550 : i32
        %add3A_552 = arith.constant 38 : i32
        %add3A_553 = arith.addi %mul3A_551, %add3A_552 : i32
        %add3A_554 = vector.broadcast %add3A_553 : i32 to vector<16xi32>
        %add3A_555 = arith.addi %mul3A_5, %add3A_554 : vector<16xi32>
        %gather3A_556 = tpu.vector_load_idx %arg4[%add3A_77, %add3A_555] : memref<2x8192xf32, #tpu.memory_space<vmem>>[vector<16xi32>, vector<16xi32>], vector<16xf32>,
        %gather3A_557 = tpu.vector_load_idx %arg5[%add3A_77, %add3A_555] : memref<2x8192xf32, #tpu.memory_space<vmem>>[vector<16xi32>, vector<16xi32>], vector<16xf32>,
        %mul3A_558 = arith.mulf %gather3A_556, %gather3A_557 : vector<16xf32>
        %add3A_559 = arith.addf %add3A_511, %mul3A_558 : vector<16xf32>
        %mul3A_560 = arith.constant 16 : i32
        %mul3A_561 = arith.muli %scan3A_84, %mul3A_560 : i32
        %mul3A_562 = arith.constant 64 : i32
        %mul3A_563 = arith.muli %mul3A_561, %mul3A_562 : i32
        %add3A_564 = arith.constant 39 : i32
        %add3A_565 = arith.addi %mul3A_563, %add3A_564 : i32
        %add3A_566 = vector.broadcast %add3A_565 : i32 to vector<16xi32>
        %add3A_567 = arith.addi %mul3A_5, %add3A_566 : vector<16xi32>
        %gather3A_568 = tpu.vector_load_idx %arg4[%add3A_77, %add3A_567] : memref<2x8192xf32, #tpu.memory_space<vmem>>[vector<16xi32>, vector<16xi32>], vector<16xf32>,
        %gather3A_569 = tpu.vector_load_idx %arg5[%add3A_77, %add3A_567] : memref<2x8192xf32, #tpu.memory_space<vmem>>[vector<16xi32>, vector<16xi32>], vector<16xf32>,
        %mul3A_570 = arith.mulf %gather3A_568, %gather3A_569 : vector<16xf32>
        %add3A_571 = arith.addf %add3A_523, %mul3A_570 : vector<16xf32>
        %mul3A_572 = arith.constant 16 : i32
        %mul3A_573 = arith.muli %scan3A_84, %mul3A_572 : i32
        %mul3A_574 = arith.constant 64 : i32
        %mul3A_575 = arith.muli %mul3A_573, %mul3A_574 : i32
        %add3A_576 = arith.constant 40 : i32
        %add3A_577 = arith.addi %mul3A_575, %add3A_576 : i32
        %add3A_578 = vector.broadcast %add3A_577 : i32 to vector<16xi32>
        %add3A_579 = arith.addi %mul3A_5, %add3A_578 : vector<16xi32>
        %gather3A_580 = tpu.vector_load_idx %arg4[%add3A_77, %add3A_579] : memref<2x8192xf32, #tpu.memory_space<vmem>>[vector<16xi32>, vector<16xi32>], vector<16xf32>,
        %gather3A_581 = tpu.vector_load_idx %arg5[%add3A_77, %add3A_579] : memref<2x8192xf32, #tpu.memory_space<vmem>>[vector<16xi32>, vector<16xi32>], vector<16xf32>,
        %mul3A_582 = arith.mulf %gather3A_580, %gather3A_581 : vector<16xf32>
        %add3A_583 = arith.addf %add3A_535, %mul3A_582 : vector<16xf32>
        %mul3A_584 = arith.constant 16 : i32
        %mul3A_585 = arith.muli %scan3A_84, %mul3A_584 : i32
        %mul3A_586 = arith.constant 64 : i32
        %mul3A_587 = arith.muli %mul3A_585, %mul3A_586 : i32
        %add3A_588 = arith.constant 41 : i32
        %add3A_589 = arith.addi %mul3A_587, %add3A_588 : i32
        %add3A_590 = vector.broadcast %add3A_589 : i32 to vector<16xi32>
        %add3A_591 = arith.addi %mul3A_5, %add3A_590 : vector<16xi32>
        %gather3A_592 = tpu.vector_load_idx %arg4[%add3A_77, %add3A_591] : memref<2x8192xf32, #tpu.memory_space<vmem>>[vector<16xi32>, vector<16xi32>], vector<16xf32>,
        %gather3A_593 = tpu.vector_load_idx %arg5[%add3A_77, %add3A_591] : memref<2x8192xf32, #tpu.memory_space<vmem>>[vector<16xi32>, vector<16xi32>], vector<16xf32>,
        %mul3A_594 = arith.mulf %gather3A_592, %gather3A_593 : vector<16xf32>
        %add3A_595 = arith.addf %add3A_547, %mul3A_594 : vector<16xf32>
        %mul3A_596 = arith.constant 16 : i32
        %mul3A_597 = arith.muli %scan3A_84, %mul3A_596 : i32
        %mul3A_598 = arith.constant 64 : i32
        %mul3A_599 = arith.muli %mul3A_597, %mul3A_598 : i32
        %add3A_600 = arith.constant 42 : i32
        %add3A_601 = arith.addi %mul3A_599, %add3A_600 : i32
        %add3A_602 = vector.broadcast %add3A_601 : i32 to vector<16xi32>
        %add3A_603 = arith.addi %mul3A_5, %add3A_602 : vector<16xi32>
        %gather3A_604 = tpu.vector_load_idx %arg4[%add3A_77, %add3A_603] : memref<2x8192xf32, #tpu.memory_space<vmem>>[vector<16xi32>, vector<16xi32>], vector<16xf32>,
        %gather3A_605 = tpu.vector_load_idx %arg5[%add3A_77, %add3A_603] : memref<2x8192xf32, #tpu.memory_space<vmem>>[vector<16xi32>, vector<16xi32>], vector<16xf32>,
        %mul3A_606 = arith.mulf %gather3A_604, %gather3A_605 : vector<16xf32>
        %add3A_607 = arith.addf %add3A_559, %mul3A_606 : vector<16xf32>
        %mul3A_608 = arith.constant 16 : i32
        %mul3A_609 = arith.muli %scan3A_84, %mul3A_608 : i32
        %mul3A_610 = arith.constant 64 : i32
        %mul3A_611 = arith.muli %mul3A_609, %mul3A_610 : i32
        %add3A_612 = arith.constant 43 : i32
        %add3A_613 = arith.addi %mul3A_611, %add3A_612 : i32
        %add3A_614 = vector.broadcast %add3A_613 : i32 to vector<16xi32>
        %add3A_615 = arith.addi %mul3A_5, %add3A_614 : vector<16xi32>
        %gather3A_616 = tpu.vector_load_idx %arg4[%add3A_77, %add3A_615] : memref<2x8192xf32, #tpu.memory_space<vmem>>[vector<16xi32>, vector<16xi32>], vector<16xf32>,
        %gather3A_617 = tpu.vector_load_idx %arg5[%add3A_77, %add3A_615] : memref<2x8192xf32, #tpu.memory_space<vmem>>[vector<16xi32>, vector<16xi32>], vector<16xf32>,
        %mul3A_618 = arith.mulf %gather3A_616, %gather3A_617 : vector<16xf32>
        %add3A_619 = arith.addf %add3A_571, %mul3A_618 : vector<16xf32>
        %mul3A_620 = arith.constant 16 : i32
        %mul3A_621 = arith.muli %scan3A_84, %mul3A_620 : i32
        %mul3A_622 = arith.constant 64 : i32
        %mul3A_623 = arith.muli %mul3A_621, %mul3A_622 : i32
        %add3A_624 = arith.constant 44 : i32
        %add3A_625 = arith.addi %mul3A_623, %add3A_624 : i32
        %add3A_626 = vector.broadcast %add3A_625 : i32 to vector<16xi32>
        %add3A_627 = arith.addi %mul3A_5, %add3A_626 : vector<16xi32>
        %gather3A_628 = tpu.vector_load_idx %arg4[%add3A_77, %add3A_627] : memref<2x8192xf32, #tpu.memory_space<vmem>>[vector<16xi32>, vector<16xi32>], vector<16xf32>,
        %gather3A_629 = tpu.vector_load_idx %arg5[%add3A_77, %add3A_627] : memref<2x8192xf32, #tpu.memory_space<vmem>>[vector<16xi32>, vector<16xi32>], vector<16xf32>,
        %mul3A_630 = arith.mulf %gather3A_628, %gather3A_629 : vector<16xf32>
        %add3A_631 = arith.addf %add3A_583, %mul3A_630 : vector<16xf32>
        %mul3A_632 = arith.constant 16 : i32
        %mul3A_633 = arith.muli %scan3A_84, %mul3A_632 : i32
        %mul3A_634 = arith.constant 64 : i32
        %mul3A_635 = arith.muli %mul3A_633, %mul3A_634 : i32
        %add3A_636 = arith.constant 45 : i32
        %add3A_637 = arith.addi %mul3A_635, %add3A_636 : i32
        %add3A_638 = vector.broadcast %add3A_637 : i32 to vector<16xi32>
        %add3A_639 = arith.addi %mul3A_5, %add3A_638 : vector<16xi32>
        %gather3A_640 = tpu.vector_load_idx %arg4[%add3A_77, %add3A_639] : memref<2x8192xf32, #tpu.memory_space<vmem>>[vector<16xi32>, vector<16xi32>], vector<16xf32>,
        %gather3A_641 = tpu.vector_load_idx %arg5[%add3A_77, %add3A_639] : memref<2x8192xf32, #tpu.memory_space<vmem>>[vector<16xi32>, vector<16xi32>], vector<16xf32>,
        %mul3A_642 = arith.mulf %gather3A_640, %gather3A_641 : vector<16xf32>
        %add3A_643 = arith.addf %add3A_595, %mul3A_642 : vector<16xf32>
        %mul3A_644 = arith.constant 16 : i32
        %mul3A_645 = arith.muli %scan3A_84, %mul3A_644 : i32
        %mul3A_646 = arith.constant 64 : i32
        %mul3A_647 = arith.muli %mul3A_645, %mul3A_646 : i32
        %add3A_648 = arith.constant 46 : i32
        %add3A_649 = arith.addi %mul3A_647, %add3A_648 : i32
        %add3A_650 = vector.broadcast %add3A_649 : i32 to vector<16xi32>
        %add3A_651 = arith.addi %mul3A_5, %add3A_650 : vector<16xi32>
        %gather3A_652 = tpu.vector_load_idx %arg4[%add3A_77, %add3A_651] : memref<2x8192xf32, #tpu.memory_space<vmem>>[vector<16xi32>, vector<16xi32>], vector<16xf32>,
        %gather3A_653 = tpu.vector_load_idx %arg5[%add3A_77, %add3A_651] : memref<2x8192xf32, #tpu.memory_space<vmem>>[vector<16xi32>, vector<16xi32>], vector<16xf32>,
        %mul3A_654 = arith.mulf %gather3A_652, %gather3A_653 : vector<16xf32>
        %add3A_655 = arith.addf %add3A_607, %mul3A_654 : vector<16xf32>
        %mul3A_656 = arith.constant 16 : i32
        %mul3A_657 = arith.muli %scan3A_84, %mul3A_656 : i32
        %mul3A_658 = arith.constant 64 : i32
        %mul3A_659 = arith.muli %mul3A_657, %mul3A_658 : i32
        %add3A_660 = arith.constant 47 : i32
        %add3A_661 = arith.addi %mul3A_659, %add3A_660 : i32
        %add3A_662 = vector.broadcast %add3A_661 : i32 to vector<16xi32>
        %add3A_663 = arith.addi %mul3A_5, %add3A_662 : vector<16xi32>
        %gather3A_664 = tpu.vector_load_idx %arg4[%add3A_77, %add3A_663] : memref<2x8192xf32, #tpu.memory_space<vmem>>[vector<16xi32>, vector<16xi32>], vector<16xf32>,
        %gather3A_665 = tpu.vector_load_idx %arg5[%add3A_77, %add3A_663] : memref<2x8192xf32, #tpu.memory_space<vmem>>[vector<16xi32>, vector<16xi32>], vector<16xf32>,
        %mul3A_666 = arith.mulf %gather3A_664, %gather3A_665 : vector<16xf32>
        %add3A_667 = arith.addf %add3A_619, %mul3A_666 : vector<16xf32>
        %mul3A_668 = arith.constant 16 : i32
        %mul3A_669 = arith.muli %scan3A_84, %mul3A_668 : i32
        %mul3A_670 = arith.constant 64 : i32
        %mul3A_671 = arith.muli %mul3A_669, %mul3A_670 : i32
        %add3A_672 = arith.constant 48 : i32
        %add3A_673 = arith.addi %mul3A_671, %add3A_672 : i32
        %add3A_674 = vector.broadcast %add3A_673 : i32 to vector<16xi32>
        %add3A_675 = arith.addi %mul3A_5, %add3A_674 : vector<16xi32>
        %gather3A_676 = tpu.vector_load_idx %arg4[%add3A_77, %add3A_675] : memref<2x8192xf32, #tpu.memory_space<vmem>>[vector<16xi32>, vector<16xi32>], vector<16xf32>,
        %gather3A_677 = tpu.vector_load_idx %arg5[%add3A_77, %add3A_675] : memref<2x8192xf32, #tpu.memory_space<vmem>>[vector<16xi32>, vector<16xi32>], vector<16xf32>,
        %mul3A_678 = arith.mulf %gather3A_676, %gather3A_677 : vector<16xf32>
        %add3A_679 = arith.addf %add3A_631, %mul3A_678 : vector<16xf32>
        %mul3A_680 = arith.constant 16 : i32
        %mul3A_681 = arith.muli %scan3A_84, %mul3A_680 : i32
        %mul3A_682 = arith.constant 64 : i32
        %mul3A_683 = arith.muli %mul3A_681, %mul3A_682 : i32
        %add3A_684 = arith.constant 49 : i32
        %add3A_685 = arith.addi %mul3A_683, %add3A_684 : i32
        %add3A_686 = vector.broadcast %add3A_685 : i32 to vector<16xi32>
        %add3A_687 = arith.addi %mul3A_5, %add3A_686 : vector<16xi32>
        %gather3A_688 = tpu.vector_load_idx %arg4[%add3A_77, %add3A_687] : memref<2x8192xf32, #tpu.memory_space<vmem>>[vector<16xi32>, vector<16xi32>], vector<16xf32>,
        %gather3A_689 = tpu.vector_load_idx %arg5[%add3A_77, %add3A_687] : memref<2x8192xf32, #tpu.memory_space<vmem>>[vector<16xi32>, vector<16xi32>], vector<16xf32>,
        %mul3A_690 = arith.mulf %gather3A_688, %gather3A_689 : vector<16xf32>
        %add3A_691 = arith.addf %add3A_643, %mul3A_690 : vector<16xf32>
        %mul3A_692 = arith.constant 16 : i32
        %mul3A_693 = arith.muli %scan3A_84, %mul3A_692 : i32
        %mul3A_694 = arith.constant 64 : i32
        %mul3A_695 = arith.muli %mul3A_693, %mul3A_694 : i32
        %add3A_696 = arith.constant 50 : i32
        %add3A_697 = arith.addi %mul3A_695, %add3A_696 : i32
        %add3A_698 = vector.broadcast %add3A_697 : i32 to vector<16xi32>
        %add3A_699 = arith.addi %mul3A_5, %add3A_698 : vector<16xi32>
        %gather3A_700 = tpu.vector_load_idx %arg4[%add3A_77, %add3A_699] : memref<2x8192xf32, #tpu.memory_space<vmem>>[vector<16xi32>, vector<16xi32>], vector<16xf32>,
        %gather3A_701 = tpu.vector_load_idx %arg5[%add3A_77, %add3A_699] : memref<2x8192xf32, #tpu.memory_space<vmem>>[vector<16xi32>, vector<16xi32>], vector<16xf32>,
        %mul3A_702 = arith.mulf %gather3A_700, %gather3A_701 : vector<16xf32>
        %add3A_703 = arith.addf %add3A_655, %mul3A_702 : vector<16xf32>
        %mul3A_704 = arith.constant 16 : i32
        %mul3A_705 = arith.muli %scan3A_84, %mul3A_704 : i32
        %mul3A_706 = arith.constant 64 : i32
        %mul3A_707 = arith.muli %mul3A_705, %mul3A_706 : i32
        %add3A_708 = arith.constant 51 : i32
        %add3A_709 = arith.addi %mul3A_707, %add3A_708 : i32
        %add3A_710 = vector.broadcast %add3A_709 : i32 to vector<16xi32>
        %add3A_711 = arith.addi %mul3A_5, %add3A_710 : vector<16xi32>
        %gather3A_712 = tpu.vector_load_idx %arg4[%add3A_77, %add3A_711] : memref<2x8192xf32, #tpu.memory_space<vmem>>[vector<16xi32>, vector<16xi32>], vector<16xf32>,
        %gather3A_713 = tpu.vector_load_idx %arg5[%add3A_77, %add3A_711] : memref<2x8192xf32, #tpu.memory_space<vmem>>[vector<16xi32>, vector<16xi32>], vector<16xf32>,
        %mul3A_714 = arith.mulf %gather3A_712, %gather3A_713 : vector<16xf32>
        %add3A_715 = arith.addf %add3A_667, %mul3A_714 : vector<16xf32>
        %mul3A_716 = arith.constant 16 : i32
        %mul3A_717 = arith.muli %scan3A_84, %mul3A_716 : i32
        %mul3A_718 = arith.constant 64 : i32
        %mul3A_719 = arith.muli %mul3A_717, %mul3A_718 : i32
        %add3A_720 = arith.constant 52 : i32
        %add3A_721 = arith.addi %mul3A_719, %add3A_720 : i32
        %add3A_722 = vector.broadcast %add3A_721 : i32 to vector<16xi32>
        %add3A_723 = arith.addi %mul3A_5, %add3A_722 : vector<16xi32>
        %gather3A_724 = tpu.vector_load_idx %arg4[%add3A_77, %add3A_723] : memref<2x8192xf32, #tpu.memory_space<vmem>>[vector<16xi32>, vector<16xi32>], vector<16xf32>,
        %gather3A_725 = tpu.vector_load_idx %arg5[%add3A_77, %add3A_723] : memref<2x8192xf32, #tpu.memory_space<vmem>>[vector<16xi32>, vector<16xi32>], vector<16xf32>,
        %mul3A_726 = arith.mulf %gather3A_724, %gather3A_725 : vector<16xf32>
        %add3A_727 = arith.addf %add3A_679, %mul3A_726 : vector<16xf32>
        %mul3A_728 = arith.constant 16 : i32
        %mul3A_729 = arith.muli %scan3A_84, %mul3A_728 : i32
        %mul3A_730 = arith.constant 64 : i32
        %mul3A_731 = arith.muli %mul3A_729, %mul3A_730 : i32
        %add3A_732 = arith.constant 53 : i32
        %add3A_733 = arith.addi %mul3A_731, %add3A_732 : i32
        %add3A_734 = vector.broadcast %add3A_733 : i32 to vector<16xi32>
        %add3A_735 = arith.addi %mul3A_5, %add3A_734 : vector<16xi32>
        %gather3A_736 = tpu.vector_load_idx %arg4[%add3A_77, %add3A_735] : memref<2x8192xf32, #tpu.memory_space<vmem>>[vector<16xi32>, vector<16xi32>], vector<16xf32>,
        %gather3A_737 = tpu.vector_load_idx %arg5[%add3A_77, %add3A_735] : memref<2x8192xf32, #tpu.memory_space<vmem>>[vector<16xi32>, vector<16xi32>], vector<16xf32>,
        %mul3A_738 = arith.mulf %gather3A_736, %gather3A_737 : vector<16xf32>
        %add3A_739 = arith.addf %add3A_691, %mul3A_738 : vector<16xf32>
        %mul3A_740 = arith.constant 16 : i32
        %mul3A_741 = arith.muli %scan3A_84, %mul3A_740 : i32
        %mul3A_742 = arith.constant 64 : i32
        %mul3A_743 = arith.muli %mul3A_741, %mul3A_742 : i32
        %add3A_744 = arith.constant 54 : i32
        %add3A_745 = arith.addi %mul3A_743, %add3A_744 : i32
        %add3A_746 = vector.broadcast %add3A_745 : i32 to vector<16xi32>
        %add3A_747 = arith.addi %mul3A_5, %add3A_746 : vector<16xi32>
        %gather3A_748 = tpu.vector_load_idx %arg4[%add3A_77, %add3A_747] : memref<2x8192xf32, #tpu.memory_space<vmem>>[vector<16xi32>, vector<16xi32>], vector<16xf32>,
        %gather3A_749 = tpu.vector_load_idx %arg5[%add3A_77, %add3A_747] : memref<2x8192xf32, #tpu.memory_space<vmem>>[vector<16xi32>, vector<16xi32>], vector<16xf32>,
        %mul3A_750 = arith.mulf %gather3A_748, %gather3A_749 : vector<16xf32>
        %add3A_751 = arith.addf %add3A_703, %mul3A_750 : vector<16xf32>
        %mul3A_752 = arith.constant 16 : i32
        %mul3A_753 = arith.muli %scan3A_84, %mul3A_752 : i32
        %mul3A_754 = arith.constant 64 : i32
        %mul3A_755 = arith.muli %mul3A_753, %mul3A_754 : i32
        %add3A_756 = arith.constant 55 : i32
        %add3A_757 = arith.addi %mul3A_755, %add3A_756 : i32
        %add3A_758 = vector.broadcast %add3A_757 : i32 to vector<16xi32>
        %add3A_759 = arith.addi %mul3A_5, %add3A_758 : vector<16xi32>
        %gather3A_760 = tpu.vector_load_idx %arg4[%add3A_77, %add3A_759] : memref<2x8192xf32, #tpu.memory_space<vmem>>[vector<16xi32>, vector<16xi32>], vector<16xf32>,
        %gather3A_761 = tpu.vector_load_idx %arg5[%add3A_77, %add3A_759] : memref<2x8192xf32, #tpu.memory_space<vmem>>[vector<16xi32>, vector<16xi32>], vector<16xf32>,
        %mul3A_762 = arith.mulf %gather3A_760, %gather3A_761 : vector<16xf32>
        %add3A_763 = arith.addf %add3A_715, %mul3A_762 : vector<16xf32>
        %mul3A_764 = arith.constant 16 : i32
        %mul3A_765 = arith.muli %scan3A_84, %mul3A_764 : i32
        %mul3A_766 = arith.constant 64 : i32
        %mul3A_767 = arith.muli %mul3A_765, %mul3A_766 : i32
        %add3A_768 = arith.constant 56 : i32
        %add3A_769 = arith.addi %mul3A_767, %add3A_768 : i32
        %add3A_770 = vector.broadcast %add3A_769 : i32 to vector<16xi32>
        %add3A_771 = arith.addi %mul3A_5, %add3A_770 : vector<16xi32>
        %gather3A_772 = tpu.vector_load_idx %arg4[%add3A_77, %add3A_771] : memref<2x8192xf32, #tpu.memory_space<vmem>>[vector<16xi32>, vector<16xi32>], vector<16xf32>,
        %gather3A_773 = tpu.vector_load_idx %arg5[%add3A_77, %add3A_771] : memref<2x8192xf32, #tpu.memory_space<vmem>>[vector<16xi32>, vector<16xi32>], vector<16xf32>,
        %mul3A_774 = arith.mulf %gather3A_772, %gather3A_773 : vector<16xf32>
        %add3A_775 = arith.addf %add3A_727, %mul3A_774 : vector<16xf32>
        %mul3A_776 = arith.constant 16 : i32
        %mul3A_777 = arith.muli %scan3A_84, %mul3A_776 : i32
        %mul3A_778 = arith.constant 64 : i32
        %mul3A_779 = arith.muli %mul3A_777, %mul3A_778 : i32
        %add3A_780 = arith.constant 57 : i32
        %add3A_781 = arith.addi %mul3A_779, %add3A_780 : i32
        %add3A_782 = vector.broadcast %add3A_781 : i32 to vector<16xi32>
        %add3A_783 = arith.addi %mul3A_5, %add3A_782 : vector<16xi32>
        %gather3A_784 = tpu.vector_load_idx %arg4[%add3A_77, %add3A_783] : memref<2x8192xf32, #tpu.memory_space<vmem>>[vector<16xi32>, vector<16xi32>], vector<16xf32>,
        %gather3A_785 = tpu.vector_load_idx %arg5[%add3A_77, %add3A_783] : memref<2x8192xf32, #tpu.memory_space<vmem>>[vector<16xi32>, vector<16xi32>], vector<16xf32>,
        %mul3A_786 = arith.mulf %gather3A_784, %gather3A_785 : vector<16xf32>
        %add3A_787 = arith.addf %add3A_739, %mul3A_786 : vector<16xf32>
        %mul3A_788 = arith.constant 16 : i32
        %mul3A_789 = arith.muli %scan3A_84, %mul3A_788 : i32
        %mul3A_790 = arith.constant 64 : i32
        %mul3A_791 = arith.muli %mul3A_789, %mul3A_790 : i32
        %add3A_792 = arith.constant 58 : i32
        %add3A_793 = arith.addi %mul3A_791, %add3A_792 : i32
        %add3A_794 = vector.broadcast %add3A_793 : i32 to vector<16xi32>
        %add3A_795 = arith.addi %mul3A_5, %add3A_794 : vector<16xi32>
        %gather3A_796 = tpu.vector_load_idx %arg4[%add3A_77, %add3A_795] : memref<2x8192xf32, #tpu.memory_space<vmem>>[vector<16xi32>, vector<16xi32>], vector<16xf32>,
        %gather3A_797 = tpu.vector_load_idx %arg5[%add3A_77, %add3A_795] : memref<2x8192xf32, #tpu.memory_space<vmem>>[vector<16xi32>, vector<16xi32>], vector<16xf32>,
        %mul3A_798 = arith.mulf %gather3A_796, %gather3A_797 : vector<16xf32>
        %add3A_799 = arith.addf %add3A_751, %mul3A_798 : vector<16xf32>
        %mul3A_800 = arith.constant 16 : i32
        %mul3A_801 = arith.muli %scan3A_84, %mul3A_800 : i32
        %mul3A_802 = arith.constant 64 : i32
        %mul3A_803 = arith.muli %mul3A_801, %mul3A_802 : i32
        %add3A_804 = arith.constant 59 : i32
        %add3A_805 = arith.addi %mul3A_803, %add3A_804 : i32
        %add3A_806 = vector.broadcast %add3A_805 : i32 to vector<16xi32>
        %add3A_807 = arith.addi %mul3A_5, %add3A_806 : vector<16xi32>
        %gather3A_808 = tpu.vector_load_idx %arg4[%add3A_77, %add3A_807] : memref<2x8192xf32, #tpu.memory_space<vmem>>[vector<16xi32>, vector<16xi32>], vector<16xf32>,
        %gather3A_809 = tpu.vector_load_idx %arg5[%add3A_77, %add3A_807] : memref<2x8192xf32, #tpu.memory_space<vmem>>[vector<16xi32>, vector<16xi32>], vector<16xf32>,
        %mul3A_810 = arith.mulf %gather3A_808, %gather3A_809 : vector<16xf32>
        %add3A_811 = arith.addf %add3A_763, %mul3A_810 : vector<16xf32>
        %mul3A_812 = arith.constant 16 : i32
        %mul3A_813 = arith.muli %scan3A_84, %mul3A_812 : i32
        %mul3A_814 = arith.constant 64 : i32
        %mul3A_815 = arith.muli %mul3A_813, %mul3A_814 : i32
        %add3A_816 = arith.constant 60 : i32
        %add3A_817 = arith.addi %mul3A_815, %add3A_816 : i32
        %add3A_818 = vector.broadcast %add3A_817 : i32 to vector<16xi32>
        %add3A_819 = arith.addi %mul3A_5, %add3A_818 : vector<16xi32>
        %gather3A_820 = tpu.vector_load_idx %arg4[%add3A_77, %add3A_819] : memref<2x8192xf32, #tpu.memory_space<vmem>>[vector<16xi32>, vector<16xi32>], vector<16xf32>,
        %gather3A_821 = tpu.vector_load_idx %arg5[%add3A_77, %add3A_819] : memref<2x8192xf32, #tpu.memory_space<vmem>>[vector<16xi32>, vector<16xi32>], vector<16xf32>,
        %mul3A_822 = arith.mulf %gather3A_820, %gather3A_821 : vector<16xf32>
        %add3A_823 = arith.addf %add3A_775, %mul3A_822 : vector<16xf32>
        %mul3A_824 = arith.constant 16 : i32
        %mul3A_825 = arith.muli %scan3A_84, %mul3A_824 : i32
        %mul3A_826 = arith.constant 64 : i32
        %mul3A_827 = arith.muli %mul3A_825, %mul3A_826 : i32
        %add3A_828 = arith.constant 61 : i32
        %add3A_829 = arith.addi %mul3A_827, %add3A_828 : i32
        %add3A_830 = vector.broadcast %add3A_829 : i32 to vector<16xi32>
        %add3A_831 = arith.addi %mul3A_5, %add3A_830 : vector<16xi32>
        %gather3A_832 = tpu.vector_load_idx %arg4[%add3A_77, %add3A_831] : memref<2x8192xf32, #tpu.memory_space<vmem>>[vector<16xi32>, vector<16xi32>], vector<16xf32>,
        %gather3A_833 = tpu.vector_load_idx %arg5[%add3A_77, %add3A_831] : memref<2x8192xf32, #tpu.memory_space<vmem>>[vector<16xi32>, vector<16xi32>], vector<16xf32>,
        %mul3A_834 = arith.mulf %gather3A_832, %gather3A_833 : vector<16xf32>
        %add3A_835 = arith.addf %add3A_787, %mul3A_834 : vector<16xf32>
        %mul3A_836 = arith.constant 16 : i32
        %mul3A_837 = arith.muli %scan3A_84, %mul3A_836 : i32
        %mul3A_838 = arith.constant 64 : i32
        %mul3A_839 = arith.muli %mul3A_837, %mul3A_838 : i32
        %add3A_840 = arith.constant 62 : i32
        %add3A_841 = arith.addi %mul3A_839, %add3A_840 : i32
        %add3A_842 = vector.broadcast %add3A_841 : i32 to vector<16xi32>
        %add3A_843 = arith.addi %mul3A_5, %add3A_842 : vector<16xi32>
        %gather3A_844 = tpu.vector_load_idx %arg4[%add3A_77, %add3A_843] : memref<2x8192xf32, #tpu.memory_space<vmem>>[vector<16xi32>, vector<16xi32>], vector<16xf32>,
        %gather3A_845 = tpu.vector_load_idx %arg5[%add3A_77, %add3A_843] : memref<2x8192xf32, #tpu.memory_space<vmem>>[vector<16xi32>, vector<16xi32>], vector<16xf32>,
        %mul3A_846 = arith.mulf %gather3A_844, %gather3A_845 : vector<16xf32>
        %add3A_847 = arith.addf %add3A_799, %mul3A_846 : vector<16xf32>
        %mul3A_848 = arith.constant 16 : i32
        %mul3A_849 = arith.muli %scan3A_84, %mul3A_848 : i32
        %mul3A_850 = arith.constant 64 : i32
        %mul3A_851 = arith.muli %mul3A_849, %mul3A_850 : i32
        %add3A_852 = arith.constant 63 : i32
        %add3A_853 = arith.addi %mul3A_851, %add3A_852 : i32
        %add3A_854 = vector.broadcast %add3A_853 : i32 to vector<16xi32>
        %add3A_855 = arith.addi %mul3A_5, %add3A_854 : vector<16xi32>
        %gather3A_856 = tpu.vector_load_idx %arg4[%add3A_77, %add3A_855] : memref<2x8192xf32, #tpu.memory_space<vmem>>[vector<16xi32>, vector<16xi32>], vector<16xf32>,
        %gather3A_857 = tpu.vector_load_idx %arg5[%add3A_77, %add3A_855] : memref<2x8192xf32, #tpu.memory_space<vmem>>[vector<16xi32>, vector<16xi32>], vector<16xf32>,
        %mul3A_858 = arith.mulf %gather3A_856, %gather3A_857 : vector<16xf32>
        %add3A_859 = arith.addf %add3A_811, %mul3A_858 : vector<16xf32>
        %add3A_860 = arith.addf %add3A_823, %add3A_835 : vector<16xf32>
        %add3A_861 = arith.addf %add3A_847, %add3A_859 : vector<16xf32>
        %add3A_862 = arith.addf %add3A_860, %add3A_861 : vector<16xf32>
        %mul3A_863 = arith.constant 128 : i32
        %mul3A_864 = arith.muli %scan3A_36, %mul3A_863 : i32
        %mul3A_865 = arith.constant 16 : i32
        %mul3A_866 = arith.muli %scan3A_84, %mul3A_865 : i32
        %add3A_867 = arith.addi %mul3A_864, %mul3A_866 : i32
        %multiple_of3A = tpu.assume_multiple %add3A_867, 16 : i32
        %swap3A = arith.index_cast %multiple_of3A : i32 to index
        %swap3A_868 = tpu.vector_load %arg6[%swap3A] {strides = array<i32>} : memref<512xf32, #tpu.memory_space<vmem>>, vector<16xf32>,
        tpu.vector_store %arg6[%swap3A], %add3A_862 {strides = array<i32>} : memref<512xf32, #tpu.memory_space<vmem>>, vector<16xf32>,
      }
      %scan3A_83 = arith.constant 8 : i32
    }
    %scan3A_35 = arith.constant 4 : i32
    "tpu.region"() ({
      %run_scoped3A = tpu.sem_alloc : memref<!tpu.dma_semaphore, #tpu.memory_space<semaphore_mem>>
      %dma_start3A_36 = tpu.memref_slice %arg3[%mul3A_2] : memref<16384xf32, #tpu.memory_space<hbm>> -> memref<512xf32, #tpu.memory_space<hbm>>
      %dma_start3A_37 = tpu.memref_slice %arg3[%mul3A_2] : memref<16384xf32, #tpu.memory_space<hbm>> -> memref<512xf32, #tpu.memory_space<hbm>>
      tpu.enqueue_dma source(%arg6 : memref<512xf32, #tpu.memory_space<vmem>>) target(%dma_start3A_37 : memref<512xf32, #tpu.memory_space<hbm>>) target_semaphore(%run_scoped3A : memref<!tpu.dma_semaphore, #tpu.memory_space<semaphore_mem>>)
      %dma_wait3A = tpu.memref_slice %arg3[%mul3A_2] : memref<16384xf32, #tpu.memory_space<hbm>> -> memref<512xf32, #tpu.memory_space<hbm>>
      %dma_wait3A_38 = tpu.memref_slice %arg3[%mul3A_2] : memref<16384xf32, #tpu.memory_space<hbm>> -> memref<512xf32, #tpu.memory_space<hbm>>
      tpu.wait_dma2 semaphore(%run_scoped3A : memref<!tpu.dma_semaphore, #tpu.memory_space<semaphore_mem>>) src(%arg6 : memref<512xf32, #tpu.memory_space<vmem>>) dst(%dma_wait3A_38 : memref<512xf32, #tpu.memory_space<hbm>>)
      tpu.yield
    }) : () -> ()
    return
  }
}

</mosaic_0001>

<sc_bundles>
// kernel: kernel.4.cloned.1.call-start
scs
__scs_entry_jumppad:
0x0: {  	(pc) =	sbr.rel $0x88, $3  }
0x1: {  	(tag) =	ssettag $0x0;
	lr =	simm.s32 $0x1  }
0x2: {  	[smem:$0x3F9D] =	sst lr;
	_ =	strace $0xD0000000  }
0x3: {  	_ = 	snop  }
0x4: {  	_ = 	snop  }
0x5: {  	_ = 	snop  }
0x6: {  	_ = 	snop  }
0x7: {  	_ = 	snop  }
__scs_overlays_trampoline_lowered:
0x8: {  	[smem:$0x3FAC] =	sst s0  }
0x9: {  	[smem:$0x3FAD] =	sst s1  }
0xa: {  	[smem:$0x3FAE] =	sst s2  }
0xb: {  	[smem:$0x3FAF] =	sst s3  }
0xc: {  	[smem:$0x3FB0] =	sst s4  }
0xd: {  	[smem:$0x3FB1] =	sst s5  }
0xe: {  	[smem:$0x3FB2] =	sst s6  }
0xf: {  	[smem:$0x3FB3] =	sst s7  }
0x10: {  	[smem:$0x3FB4] =	sst s8  }
0x11: {  	[smem:$0x3FB5] =	sst s9;
	s0 =	simm.s32 @!p0 $0x0  }
0x12: {  	s1 =	sld [smem:$0x3F9B];
	s0 =	simm.s32 @p0 $0x1  }
0x13: {  	[smem:$0x3FB6] =	sst s0;
	s0 =	simm.s32 @!p1 $0x0  }
0x14: {  	s2 =	sld [smem:$0x3F9A];
	s0 =	simm.s32 @p1 $0x1  }
0x15: {  	[smem:$0x3FB7] =	sst s0;
	s0 =	simm.s32 @!p2 $0x0  }
0x16: {  	s3 =	sld [smem:$0x3FDB];
	s0 =	simm.s32 @p2 $0x1  }
0x17: {  	s4 =	simm.s32 $0x1BF5;
	[smem:$0x3FB9] =	sst s0  }
0x18: {  	s0 =	sld [smem:$0x3F9C];
	_ =	swait.ge [sflag:s4], $0x0  }
0x19: {  	s7 =	sld [smem:$0x3F9D]  }
0x1a: {  	s8 =	sadd.s32 $0xFFFFE003, lr  }
0x1b: {  	s9 =	sadd.s32 $0xFFFFFEF7, lr;
	s5 =	simm.s32 $0xFFFFFFFF;
	p2 =	slt.u32 s8, $0xFFFFF086  }
0x1c: {  	p1 =	slt.u32 s9, $0xF7A;
	s5 =	simm.s32 @!p2 $0x0  }
0x1d: {  	s5 =	simm.s32 @p1 $0x1;
	p0 =	seq.s32 s7, s2  }
0x1e: {  	s7 =	smul.u32 @!p0 $0xF7A, s2;
	p2 =	seq.s32 @!p0 s5, $0x0  }
0x1f: {  	s9 =	smul.u32 $0xF7A, s1;
	s8 =	simm.s32 @!p0 $0x1BF5;
	p2 =	por !p2, p0  }
0x20: {  	[sflag:s8] =	ssyncset.s32 @!p0 $0xFFFFF086;
	s6 =	sadd.s32 @!p0 s3, s7;
	s7 =	simm.s32 @!p0 $0x108  }
0x21: {  	s3 =	sadd.s32 s3, s9;
	s6 =	sadd.s32 @!p0 $0x88, s6;
	s7 =	simm.s32 @p2 $0x1082  }
0x22: {  	[simem:s7], [sflag:s8] =	dma.local @!p0 [hbm:s6], $0xF7A  }
0x23: {  	s9 =	sor.u32 $0xD0000000, s2;
	s6 =	simm.s32 $0x108;
	_ =	swait.ge @!p0 [sflag:s8], $0x0  }
0x24: {  	s3 =	sadd.s32 $0x88, s3;
	s6 =	simm.s32 @!p1 $0x1082;
	[sflag:s4] =	ssyncset.s32 $0xFFFFF086  }
0x25: {  	[simem:s6], [sflag:s4] =	dma.local [hbm:s3], $0xF7A  }
0x26: {  	[smem:$0x3F9D] =	sst s1;
	(tag) =	ssettag s2;
	_ =	strace s9  }
0x27: {  	s1 =	sld [smem:$0x3FAD]  }
0x28: {  	s2 =	sld [smem:$0x3FAE]  }
0x29: {  	s4 =	sld [smem:$0x3FB0]  }
0x2a: {  	p0 =	seq.s32 s5, $0x0;
	s5 =	sld [smem:$0x3FB1]  }
0x2b: {  	s6 =	sld [smem:$0x3FB2]  }
0x2c: {  	s7 =	sld [smem:$0x3FB3]  }
0x2d: {  	s3 =	simm.s32 $0x108;
	s8 =	sld [smem:$0x3FB4]  }
0x2e: {  	s3 =	simm.s32 @!p0 $0x1082;
	s9 =	sld [smem:$0x3FB5]  }
0x2f: {  	lr =	sadd.s32 s0, s3;
	s0 =	sld [smem:$0x3FAC]  }
0x30: {  	s3 =	sld [smem:$0x3FAF]  }
0x31: {  	[smem:$0x3FB8] =	sst s10  }
0x32: {  	s10 =	sld [smem:$0x3FB6];
	_ =	sdelay $0x3  }
0x33: {  	p0 =	seq.s32 s10, $0x1;
	s10 =	sld [smem:$0x3FB8];
	_ =	sdelay $0x3  }
0x34: {  	[smem:$0x3FB8] =	sst s10  }
0x35: {  	s10 =	sld [smem:$0x3FB7];
	_ =	sdelay $0x3  }
0x36: {  	p1 =	seq.s32 s10, $0x1;
	s10 =	sld [smem:$0x3FB8];
	_ =	sdelay $0x3  }
0x37: {  	[smem:$0x3FB8] =	sst s10  }
0x38: {  	s10 =	sld [smem:$0x3FB9]  }
0x39: {  	_ = 	snop;
	(pc) =	sbr.ind lr, $3  }
0x3a: {  	_ = 	snop  }
0x3b: {  	_ = 	snop  }
0x3c: {  	p2 =	seq.s32 s10, $0x1;
	s10 =	sld [smem:$0x3FB8]  }
0x3d: {  	_ =	shalt  }
0x3e: {  	_ =	shalt  }
0x3f: {  	_ =	shalt  }
0x40: {  	_ =	shalt  }
0x41: {  	_ =	shalt  }
0x42: {  	_ =	shalt  }
0x43: {  	_ =	shalt  }
0x44: {  	_ =	shalt  }
0x45: {  	_ =	shalt  }
0x46: {  	_ =	shalt  }
0x47: {  	_ =	shalt  }
0x48: {  	_ =	shalt  }
0x49: {  	_ =	shalt  }
0x4a: {  	_ =	shalt  }
0x4b: {  	_ =	shalt  }
0x4c: {  	_ =	shalt  }
0x4d: {  	_ =	shalt  }
0x4e: {  	_ =	shalt  }
0x4f: {  	_ =	shalt  }
0x50: {  	_ =	shalt  }
0x51: {  	_ =	shalt  }
0x52: {  	_ =	shalt  }
0x53: {  	_ =	shalt  }
0x54: {  	_ =	shalt  }
0x55: {  	_ =	shalt  }
0x56: {  	_ =	shalt  }
0x57: {  	_ =	shalt  }
0x58: {  	_ =	shalt  }
0x59: {  	_ =	shalt  }
0x5a: {  	_ =	shalt  }
0x5b: {  	_ =	shalt  }
0x5c: {  	_ =	shalt  }
0x5d: {  	_ =	shalt  }
0x5e: {  	_ =	shalt  }
0x5f: {  	_ =	shalt  }
0x60: {  	_ =	shalt  }
0x61: {  	_ =	shalt  }
0x62: {  	_ =	shalt  }
0x63: {  	_ =	shalt  }
0x64: {  	_ =	shalt  }
0x65: {  	_ =	shalt  }
0x66: {  	_ =	shalt  }
0x67: {  	_ =	shalt  }
0x68: {  	_ =	shalt  }
0x69: {  	_ =	shalt  }
0x6a: {  	_ =	shalt  }
0x6b: {  	_ =	shalt  }
0x6c: {  	_ =	shalt  }
0x6d: {  	_ =	shalt  }
0x6e: {  	_ =	shalt  }
0x6f: {  	_ =	shalt  }
0x70: {  	_ =	shalt  }
0x71: {  	_ =	shalt  }
0x72: {  	_ =	shalt  }
0x73: {  	_ =	shalt  }
0x74: {  	_ =	shalt  }
0x75: {  	_ =	shalt  }
0x76: {  	_ =	shalt  }
0x77: {  	_ =	shalt  }
0x78: {  	_ =	shalt  }
0x79: {  	_ =	shalt  }
0x7a: {  	_ =	shalt  }
0x7b: {  	_ =	shalt  }
0x7c: {  	_ =	shalt  }
0x7d: {  	_ =	shalt  }
0x7e: {  	_ =	shalt  }
0x7f: {  	_ =	shalt  }
0x80: {  	_ =	shalt  }
0x81: {  	_ =	shalt  }
0x82: {  	_ =	shalt  }
0x83: {  	_ =	shalt  }
0x84: {  	_ =	shalt  }
0x85: {  	_ =	shalt  }
0x86: {  	_ =	shalt  }
0x87: {  	_ =	shalt  }
.Lfunc_end0:
.L_simem_size_0:
called_computation_lowered:
.L_overlay_start_0:
0x88: {  	s2 =	sld [smem:$0x3FD9]  }
0x89: {  	s3 =	sld [smem:$0x3FFE];
	_ =	sdelay $0x1  }
0x8a: {  	s1 =	srdreg.scid  }
0x8b: {  	s0 =	sand.u32 $0x1, s1  }
0x8c: {  	s17 =	sshll.u32 s0, $0xA;
	s2 =	sadd.s32 s3, s2  }
0x8d: {  	s2 =	sadd.s32 s2, s17  }
0x8e: {  	[smem:$0x3FC4] =	sst s2  }
0x8f: {  	_ = 	snop  }
0x90: {  	s2 =	sld [smem:$0x3FC9]  }
0x91: {  	s18 =	sld [smem:$0x3FC8]  }
0x92: {  	s4 =	sld [smem:$0x3FC7]  }
0x93: {  	s5 =	sld [smem:$0x3FC6];
	(tm) =	ssettm $0x1  }
0x94: {  	s6 =	sld [smem:$0x3FFB];
	_ =	sdelay $0x3  }
0x95: {  	_ =	strace s6  }
0x96: {  	s6 =	sld [smem:$0x3FFC];
	_ =	sdelay $0x3  }
0x97: {  	_ =	strace s6  }
0x98: {  	s6 =	sld [smem:$0x3FFD];
	_ =	sdelay $0x3  }
0x99: {  	_ =	strace s6  }
0x9a: {  	_ =	strace $0x8FFFFFFF  }
0x9b: {  	s19 =	sld [smem:$0x3FDB];
	_ =	sdelay $0x1  }
0x9c: {  	s7 =	simm.s32 $_scs_section_size  }
0x9d: {  	s8 =	simm.s32 $_size__tile_overlayer_lowered;
	s9 =	simm.s32 $_tile_overlayer_lowered  }
0x9e: {  	s22 =	simm.s32 $0x1BFF;
	s21 =	sshll.u32 s9, $0x1;
	s6 =	sadd.s32 s7, s19  }
0x9f: {  	s10 =	simm.s32 $0x0;
	s20 =	sshll.u32 s8, $0x1;
	s8 =	sadd.s32 s21, s6  }
0xa0: {  	[timem:s10], [sflag:s22] =	dma.local [hbm:s8], s20  }
0xa1: {  	_ =	swait.ge [sflag:s22], s20  }
0xa2: {  	s7 =	ssub.s32 $0x0, s20;
	[sflag:s22] =	ssyncset.done $0x0  }
0xa3: {  	[sflag:s22] =	ssyncadd.s32 s7;
	_ =	sdelay $0x1  }
0xa4: {  	s23 =	simm.s32 $0x1B8B  }
0xa5: {  	_ =	swait.ge [sflag:s23], $0x1  }
0xa6: {  	[sflag:s23] =	ssyncset.done $0x0  }
0xa7: {  	s25 =	simm.s32 $0x1B8E;
	s24 =	sld [smem:$0x3FFE];
	[sflag:s23] =	ssyncadd.s32 $0xFFFFFFFF  }
0xa8: {  	s26 =	simm.s32 $execute0_lowered;
	[smem:$0x3FD2] =	sst s25  }
0xa9: {  	s8 =	sshll.u32 s26, $0x1;
	_ =	strace $0x80000046;
	[dreg:$0x1] =	wrdreg $0xFFFFFFFF  }
0xaa: {  	s28 =	simm.s32 $_size_execute0_lowered;
	s6 =	sadd.s32 s6, s8;
	[dreg:$0x0] =	wrdreg $0x0  }
0xab: {  	s8 =	sshll.u32 s28, $0x1;
	[dreg:$0x2] =	wrdreg s6  }
0xac: {  	[dreg:$0x3] =	wrdreg s8  }
0xad: {  	[dreg:$0x4] =	wrdreg $0xC0  }
0xae: {  	_ =	task [dreg:s10], $0x5FFFF  }
0xaf: {  	[dreg:$0x1] =	wrdreg $0xFFFFFFFF  }
0xb0: {  	[dreg:$0x0] =	wrdreg $0x60  }
0xb1: {  	[dreg:$0x2] =	wrdreg s2  }
0xb2: {  	[dreg:$0x3] =	wrdreg s18  }
0xb3: {  	[dreg:$0x4] =	wrdreg s4  }
0xb4: {  	[dreg:$0x5] =	wrdreg s5  }
0xb5: {  	[dreg:$0x6] =	wrdreg s24  }
0xb6: {  	[dreg:$0x7] =	wrdreg $0x9  }
0xb7: {  	_ =	task.clear_ibuf [dreg:s10], $0x8FFFF;
	_ =	strace $0x90000046  }
0xb8: {  	s29 =	simm.s32 $0x9;
	_ =	strace $0x80000048  }
0xb9: {  	_ =	swait.ge [sflag:s29], $0x1  }
0xba: {  	[sflag:s29] =	ssyncadd.s32 $0xFFFFFFFF  }
0xbb: {  	_ =	strace $0x90000048  }
0xbc: {  	_ =	sfence  }
0xbd: {  	s30 =	sld [smem:$0x0];
	_ =	sdelay $0x2  }
0xbe: {  	s31 =	sshll.u32 s1, $0xD;
	s1 =	sshrl.u32 s1, $0x2  }
0xbf: {  	s3 =	sand.u32 $0x4000, s31;
	s1 =	sadd.s32 s1, s30  }
0xc0: {  	s0 =	sor.u32 s3, s0;
	s1 =	sshll.u32 s1, $0x11  }
0xc1: {  	s0 =	sor.u32 s1, s0  }
0xc2: {  	s0 =	sadd.s32 $0x8F2B, s0  }
0xc3: {  	[sflag:s0] =	ssyncadd.remote.s32 $0x1  }
0xc4: {  	_ =	sfence.sel $0xFFFF  }
0xc5: {  	[dreg:$0x0] =	wrdreg $0xFFFFFFFF;
	(pc) =	sbr.abs _section_cstart, $3  }
0xc6: {  	[dreg:$0x1] =	wrdreg $0xFFFFFFFF  }
0xc7: {  	_ =	task.clear_ibuf [dreg:s10], $0x2FFFF;
	_ =	strace $0x9FFFFFFF  }
0xc8: {  	(tm) =	ssettm $0x7FFFFFFF  }
0xc9: {  	_ =	shalt  }
tec
execute0_lowered:
.L_overlay_start_1:
0x0: {  	(tag) =	ssettag $0x1  }
0x1: {  	s1 =	rddreg [dreg:$0x0]  }
0x2: {  	s2 =	rddreg [dreg:$0x1]  }
0x3: {  	s3 =	rddreg [dreg:$0x2]  }
0x4: {  	s4 =	rddreg [dreg:$0x3]  }
0x5: {  	s0 =	rddreg [dreg:$0x4];
	s6 =	simm.s32 $0x0  }
0x6: {  	[smem:$0x7FF] =	sst s6;
	s15 =	sadd.s32 $0x10, s1  }
0x7: {  	s16 =	sadd.s32 $0x20, s1;
	_ =	strace $0x80000047;
	[dreg:$0x7] =	wrdreg s15  }
0x8: {  	s17 =	sadd.s32 $0x30, s1;
	[dreg:$0x8] =	wrdreg s16  }
0x9: {  	s18 =	sadd.s32 $0x40, s1;
	[dreg:$0x9] =	wrdreg s17  }
0xa: {  	s19 =	sadd.s32 $0x50, s1;
	[dreg:$0xa] =	wrdreg s18  }
0xb: {  	s20 =	sadd.s32 $0x60, s1;
	[dreg:$0xb] =	wrdreg s19  }
0xc: {  	s21 =	sadd.s32 $0x70, s1;
	[dreg:$0xc] =	wrdreg s20  }
0xd: {  	s22 =	sadd.s32 $0x80, s1;
	[dreg:$0xd] =	wrdreg s21  }
0xe: {  	s23 =	sadd.s32 $0x90, s1;
	[dreg:$0xe] =	wrdreg s22  }
0xf: {  	s24 =	sadd.s32 $0xA0, s1;
	[dreg:$0xf] =	wrdreg s23  }
0x10: {  	s25 =	sadd.s32 $0xB0, s1;
	[dreg:$0x10] =	wrdreg s24  }
0x11: {  	s26 =	sadd.s32 $0xC0, s1;
	[dreg:$0x11] =	wrdreg s25  }
0x12: {  	s11 =	sadd.s32 $0xF0, s1;
	[dreg:$0x12] =	wrdreg s26  }
0x13: {  	s12 =	sadd.s32 $0x10, s2;
	[dreg:$0x15] =	wrdreg s11  }
0x14: {  	s5 =	srdreg.scid;
	s13 =	sadd.s32 $0x20, s2;
	[dreg:$0x16] =	wrdreg s12  }
0x15: {  	s7 =	stileid.u32;
	[dreg:$0x17] =	wrdreg s13;
	s15 =	sadd.s32 $0x40, s2  }
0x16: {  	s28 =	simm.s32 $0x4A00;
	s16 =	sadd.s32 $0x50, s2;
	[dreg:$0x19] =	wrdreg s15  }
0x17: {  	s29 =	simm.s32 $0x4E00;
	s17 =	sadd.s32 $0x60, s2;
	[dreg:$0x1a] =	wrdreg s16  }
0x18: {  	s30 =	simm.s32 $0x3B80;
	s18 =	sadd.s32 $0x70, s2;
	[dreg:$0x1b] =	wrdreg s17  }
0x19: {  	s31 =	simm.s32 $0x7A1400;
	s19 =	sadd.s32 $0x80, s2;
	[dreg:$0x1c] =	wrdreg s18  }
0x1a: {  	s5 =	sand.u32 $0x1, s5;
	s20 =	sadd.s32 $0x90, s2;
	[dreg:$0x1d] =	wrdreg s19  }
0x1b: {  	s7 =	sshll.u32 s7, $0x1;
	s21 =	sadd.s32 $0xA0, s2;
	[dreg:$0x1e] =	wrdreg s20  }
0x1c: {  	s8 =	sadd.s32 $0x800, s0;
	s22 =	sadd.s32 $0xB0, s2;
	[dreg:$0x1f] =	wrdreg s21  }
0x1d: {  	s9 =	ssub.s32 $0x2, s5;
	s23 =	sadd.s32 $0xC0, s2;
	[smem:$0x7F9] =	sst s22  }
0x1e: {  	s7 =	sor.u32 s5, s7;
	s24 =	sadd.s32 $0xD0, s2;
	[smem:$0x7FA] =	sst s23  }
0x1f: {  	s25 =	sadd.s32 $0xE0, s2;
	s26 =	sadd.s32 $0xF0, s2;
	[smem:$0x7FB] =	sst s24  }
0x20: {  	v2 =	vimm.s32 $0x0;
	v3 =	vlaneseq.u32;
	s10 =	sshrl.u32 s9, $0x1;
	s5 =	sshll.u32 s7, $0x7;
	[smem:$0x7FC] =	sst s25  }
0x21: {  	v4 =	vimm.s32 $0x7FFF;
	v5 =	vimm.s32 $0x1;
	vm0 =	vcmask $0x704;
	[smem:$0x7FD] =	sst s26;
	s17 =	simm.s32 $0x400;
	s20 =	simm.s32 $0x1  }
0x22: {  	vm1 =	vcmask $0xB08;
	vm2 =	vcmask $0xF0C;
	vm14 =	vcmask $0x3F3C;
	s25 =	simm.s32 $0x1000;
	s26 =	simm.s32 $0x1E80;
	s18 =	simm.s32 $0x2D00  }
.Ltmp0:
0x23: {  	vm3 =	vcmask $0x1310;
	vm4 =	vcmask $0x1714;
	vm5 =	vcmask $0x1B18;
	s14 =	ssub.s32 s9, s10;
	s9 =	sadd.s32 $0xD0, s1;
	(pc) =	sbr.rel .LBB2_1-.Ltmp0, $4  }
0x24: {  	vm6 =	vcmask $0x1F1C;
	vm7 =	vcmask $0x2320;
	vm8 =	vcmask $0x2724;
	s21 =	simm.s32 $0x5000;
	s10 =	sadd.s32 $0xE0, s1;
	[dreg:$0x13] =	wrdreg s9  }
0x25: {  	vm9 =	vcmask $0x2B28;
	vm10 =	vcmask $0x2F2C;
	s22 =	simm.s32 $0x2;
	v0 =	vmov s5;
	s0 =	smax.u32 s14, $0x1;
	[dreg:$0x14] =	wrdreg s10  }
0x26: {  	vm11 =	vcmask $0x3330;
	vm12 =	vcmask $0x3734;
	s5 =	simm.s32 $0x5200;
	s14 =	sadd.s32 $0x30, s2;
	v1 =	vor.u32 $0xFF000, v0;
	[dreg:$0x6] =	wrdreg s0  }
0x27: {  	vm13 =	vcmask $0x3B38;
	v0 =	vmov s7;
	s9 =	simm.s32 $0x3;
	s10 =	simm.s32 $0x0;
	[dreg:$0x18] =	wrdreg s14;
	v1 =	vbroadcast v1, $0x0  }
.LBB2_38:
0x28: {  	[sflag:s9] =	ssyncadd.s32 $0xFFFFFFC0  }
.LBB2_39:
0x29: {  	s10 =	sadd.s32 $0x1, s10;
	s0 =	rddreg [dreg:$0x6]  }
0x2a: {  	p0 =	sne.s32 s10, s0  }
.Ltmp1:
0x2b: {  	_ = 	snop;
	(pc) =	sbr.rel @!p0 .LBB2_40-.Ltmp1, $1  }
0x2c: {  	_ =	sdelay $0x3  }
.LBB2_1:
0x2d: {  	[smem:$0x7F8] =	sst s10  }
0x2e: {  	[tilespmem:s6], [sflag:$0x1] =	stream.linear.gather [hbm4b:s1+s6], $0x80, $0x38;
	[tilespmem:$0x1FA00] =	vst v63  }
0x2f: {  	s0 =	rddreg [dreg:$0x7]  }
0x30: {  	s12 =	simm.s32 $0x100;
	s13 =	rddreg [dreg:$0x8]  }
0x31: {  	[tilespmem:s12], [sflag:$0x1] =	stream.linear.gather [hbm4b:s0+s6], $0x80, $0x38;
	[tilespmem:$0x1FA00] =	vst v63  }
0x32: {  	s14 =	simm.s32 $0x200;
	s15 =	rddreg [dreg:$0x9]  }
0x33: {  	[tilespmem:s14], [sflag:$0x1] =	stream.linear.gather [hbm4b:s13+s6], $0x80, $0x38;
	[tilespmem:$0x1FA00] =	vst v63  }
0x34: {  	s16 =	simm.s32 $0x300;
	s19 =	rddreg [dreg:$0xa]  }
0x35: {  	[tilespmem:s16], [sflag:$0x1] =	stream.linear.gather [hbm4b:s15+s6], $0x80, $0x38;
	[tilespmem:$0x1FA00] =	vst v63  }
0x36: {  	s23 =	rddreg [dreg:$0xb]  }
0x37: {  	[tilespmem:s17], [sflag:$0x1] =	stream.linear.gather [hbm4b:s19+s6], $0x80, $0x38;
	[tilespmem:$0x1FA00] =	vst v63  }
0x38: {  	s24 =	simm.s32 $0x500;
	s10 =	rddreg [dreg:$0xc]  }
0x39: {  	[tilespmem:s24], [sflag:$0x1] =	stream.linear.gather [hbm4b:s23+s6], $0x80, $0x38;
	[tilespmem:$0x1FA00] =	vst v63  }
0x3a: {  	s11 =	simm.s32 $0x600;
	s12 =	rddreg [dreg:$0xd]  }
0x3b: {  	[tilespmem:s11], [sflag:$0x1] =	stream.linear.gather [hbm4b:s10+s6], $0x80, $0x38;
	[tilespmem:$0x1FA00] =	vst v63  }
0x3c: {  	s13 =	simm.s32 $0x700;
	s14 =	rddreg [dreg:$0xe]  }
0x3d: {  	[tilespmem:s13], [sflag:$0x1] =	stream.linear.gather [hbm4b:s12+s6], $0x80, $0x38;
	[tilespmem:$0x1FA00] =	vst v63  }
0x3e: {  	s15 =	simm.s32 $0x800;
	s16 =	rddreg [dreg:$0xf]  }
0x3f: {  	[tilespmem:s15], [sflag:$0x1] =	stream.linear.gather [hbm4b:s14+s6], $0x80, $0x38;
	[tilespmem:$0x1FA00] =	vst v63  }
0x40: {  	s19 =	simm.s32 $0x900;
	s23 =	rddreg [dreg:$0x10]  }
0x41: {  	[tilespmem:s19], [sflag:$0x1] =	stream.linear.gather [hbm4b:s16+s6], $0x80, $0x38;
	[tilespmem:$0x1FA00] =	vst v63  }
0x42: {  	s24 =	simm.s32 $0xA00;
	s10 =	rddreg [dreg:$0x11]  }
0x43: {  	[tilespmem:s24], [sflag:$0x1] =	stream.linear.gather [hbm4b:s23+s6], $0x80, $0x38;
	[tilespmem:$0x1FA00] =	vst v63  }
0x44: {  	s11 =	simm.s32 $0xB00;
	s12 =	rddreg [dreg:$0x12]  }
0x45: {  	[tilespmem:s11], [sflag:$0x1] =	stream.linear.gather [hbm4b:s10+s6], $0x80, $0x38;
	[tilespmem:$0x1FA00] =	vst v63  }
0x46: {  	s13 =	simm.s32 $0xC00;
	s14 =	rddreg [dreg:$0x13]  }
0x47: {  	[tilespmem:s13], [sflag:$0x1] =	stream.linear.gather [hbm4b:s12+s6], $0x80, $0x38;
	[tilespmem:$0x1FA00] =	vst v63  }
0x48: {  	s15 =	simm.s32 $0xD00;
	s16 =	rddreg [dreg:$0x14]  }
0x49: {  	[tilespmem:s15], [sflag:$0x1] =	stream.linear.gather [hbm4b:s14+s6], $0x80, $0x38;
	[tilespmem:$0x1FA00] =	vst v63  }
0x4a: {  	s19 =	simm.s32 $0xE00;
	s23 =	rddreg [dreg:$0x15];
	s24 =	simm.s32 $0xF00  }
0x4b: {  	[tilespmem:s19], [sflag:$0x1] =	stream.linear.gather [hbm4b:s16+s6], $0x80, $0x38;
	[tilespmem:$0x1FA00] =	vst v63  }
0x4c: {  	s11 =	simm.s32 $0x0;
	s12 =	simm.s32 $0x0;
	s16 =	simm.s32 $0x0  }
0x4d: {  	[tilespmem:s24], [sflag:$0x1] =	stream.linear.gather [hbm4b:s23+s6], $0x80, $0x38;
	[tilespmem:$0x1FA00] =	vst v63  }
.LBB2_2:
0x4e: {  	s10 =	smov.u32 s16  }
0x4f: {  	s16 =	sadd.s32 $0x1, s16;
	p0 =	seq.s32 s10, $0x7  }
0x50: {  	s13 =	sshll.u32 @!p0 s16, $0x7;
	s14 =	sshll.u32 @!p0 s16, $0x8  }
0x51: {  	s15 =	simm.s32 @!p0 $0x0;
	s13 =	sand.u32 @!p0 $0x80, s13;
	s14 =	sadd.s32 @!p0 s1, s14  }
0x52: {  	[tilespmem:s13], [sflag:$0x1] =	stream.linear.gather @!p0 [hbm4b:s14+s15], $0x80, $0x38;
	[tilespmem:$0x1FA00] =	vst v63  }
0x53: {  	s19 =	sadd.s32 @!p0 $0x10, s14;
	s23 =	sor.u32 @!p0 $0x100, s13  }
0x54: {  	[tilespmem:s23], [sflag:$0x1] =	stream.linear.gather @!p0 [hbm4b:s19+s15], $0x80, $0x38;
	[tilespmem:$0x1FA00] =	vst v63  }
0x55: {  	s19 =	sadd.s32 @!p0 $0x20, s14;
	s23 =	sor.u32 @!p0 $0x200, s13  }
0x56: {  	[tilespmem:s23], [sflag:$0x1] =	stream.linear.gather @!p0 [hbm4b:s19+s15], $0x80, $0x38;
	[tilespmem:$0x1FA00] =	vst v63  }
0x57: {  	s19 =	sadd.s32 @!p0 $0x30, s14;
	s23 =	sor.u32 @!p0 $0x300, s13  }
0x58: {  	[tilespmem:s23], [sflag:$0x1] =	stream.linear.gather @!p0 [hbm4b:s19+s15], $0x80, $0x38;
	[tilespmem:$0x1FA00] =	vst v63  }
0x59: {  	s19 =	sadd.s32 @!p0 $0x40, s14;
	s23 =	sor.u32 @!p0 $0x400, s13  }
0x5a: {  	[tilespmem:s23], [sflag:$0x1] =	stream.linear.gather @!p0 [hbm4b:s19+s15], $0x80, $0x38;
	[tilespmem:$0x1FA00] =	vst v63  }
0x5b: {  	s19 =	sadd.s32 @!p0 $0x50, s14;
	s23 =	sor.u32 @!p0 $0x500, s13  }
0x5c: {  	[tilespmem:s23], [sflag:$0x1] =	stream.linear.gather @!p0 [hbm4b:s19+s15], $0x80, $0x38;
	[tilespmem:$0x1FA00] =	vst v63  }
0x5d: {  	s19 =	sadd.s32 @!p0 $0x60, s14;
	s23 =	sor.u32 @!p0 $0x600, s13  }
0x5e: {  	[tilespmem:s23], [sflag:$0x1] =	stream.linear.gather @!p0 [hbm4b:s19+s15], $0x80, $0x38;
	[tilespmem:$0x1FA00] =	vst v63  }
0x5f: {  	s19 =	sadd.s32 @!p0 $0x70, s14;
	s23 =	sor.u32 @!p0 $0x700, s13  }
0x60: {  	[tilespmem:s23], [sflag:$0x1] =	stream.linear.gather @!p0 [hbm4b:s19+s15], $0x80, $0x38;
	[tilespmem:$0x1FA00] =	vst v63  }
0x61: {  	s19 =	sadd.s32 @!p0 $0x80, s14;
	s23 =	sor.u32 @!p0 $0x800, s13  }
0x62: {  	[tilespmem:s23], [sflag:$0x1] =	stream.linear.gather @!p0 [hbm4b:s19+s15], $0x80, $0x38;
	[tilespmem:$0x1FA00] =	vst v63  }
0x63: {  	s19 =	sadd.s32 @!p0 $0x90, s14;
	s23 =	sor.u32 @!p0 $0x900, s13  }
0x64: {  	[tilespmem:s23], [sflag:$0x1] =	stream.linear.gather @!p0 [hbm4b:s19+s15], $0x80, $0x38;
	[tilespmem:$0x1FA00] =	vst v63  }
0x65: {  	s19 =	sadd.s32 @!p0 $0xA0, s14;
	s23 =	sor.u32 @!p0 $0xA00, s13  }
0x66: {  	[tilespmem:s23], [sflag:$0x1] =	stream.linear.gather @!p0 [hbm4b:s19+s15], $0x80, $0x38;
	[tilespmem:$0x1FA00] =	vst v63  }
0x67: {  	s19 =	sadd.s32 @!p0 $0xB0, s14;
	s23 =	sor.u32 @!p0 $0xB00, s13  }
0x68: {  	[tilespmem:s23], [sflag:$0x1] =	stream.linear.gather @!p0 [hbm4b:s19+s15], $0x80, $0x38;
	[tilespmem:$0x1FA00] =	vst v63  }
0x69: {  	s19 =	sadd.s32 @!p0 $0xC0, s14;
	s23 =	sor.u32 @!p0 $0xC00, s13  }
0x6a: {  	[tilespmem:s23], [sflag:$0x1] =	stream.linear.gather @!p0 [hbm4b:s19+s15], $0x80, $0x38;
	[tilespmem:$0x1FA00] =	vst v63  }
0x6b: {  	s19 =	sadd.s32 @!p0 $0xD0, s14;
	s23 =	sor.u32 @!p0 $0xD00, s13  }
0x6c: {  	[tilespmem:s23], [sflag:$0x1] =	stream.linear.gather @!p0 [hbm4b:s19+s15], $0x80, $0x38;
	[tilespmem:$0x1FA00] =	vst v63  }
0x6d: {  	s10 =	sshll.u32 s10, $0x7;
	s19 =	sadd.s32 @!p0 $0xE0, s14;
	s23 =	sor.u32 @!p0 $0xE00, s13  }
0x6e: {  	[tilespmem:s23], [sflag:$0x1] =	stream.linear.gather @!p0 [hbm4b:s19+s15], $0x80, $0x38;
	[tilespmem:$0x1FA00] =	vst v63  }
0x6f: {  	s14 =	sadd.s32 @!p0 $0xF0, s14;
	s13 =	sor.u32 @!p0 $0xF00, s13;
	s23 =	simm.s32 $0x0  }
0x70: {  	[tilespmem:s13], [sflag:$0x1] =	stream.linear.gather @!p0 [hbm4b:s14+s15], $0x80, $0x38;
	[tilespmem:$0x1FA00] =	vst v63  }
0x71: {  	s24 =	sand.u32 $0xF00, s23;
	s14 =	sand.u32 $0x80, s10;
	_ =	swait.ge [sflag:s20], $0x800  }
0x72: {  	s13 =	sand.u32 $0x70, s23;
	s10 =	sor.u32 s24, s14;
	[sflag:s20] =	ssyncset.done $0x0  }
0x73: {  	s10 =	sadd.s32 s13, s10;
	[sflag:s20] =	ssyncadd.s32 $0xFFFFF800  }
0x74: {  	v6 =	vld [tilespmem:s10+$0x0];
	_ =	sdelay $0x4  }
0x75: {  	v7 =	vshrl.u32 v6, $0x7  }
0x76: {  	v7 =	vand.u32 $0x1F, v7  }
0x77: {  	vm15 =	veq.s32 v7, v0  }
0x78: {  	v7 =	vsel vm15, $0x1, v2  }
0x79: {  	(xrf0) =	vadd.scan.msk.s32 $0xffff, v7;
	_ =	sdelay $0x4  }
0x7a: {  	v7 =	vsel vm15, $0xFFFFFFFF, v2  }
0x7b: {  	v7 =	vadd.s32 s11, v7;
	v8, _, _ =	vpop (xrf0)  }
0x7c: {  	v7 =	vadd.s32 v8, v7;
	(v2sf) =	vpush v8, $0xF;
	_ =	sdelay $0x2  }
0x7d: {  	s19 =	simm.s32 $0x20;
	s15 =	simm.s32 $0x20  }
0x7e: {  	s23 =	sand.u32 $0xF00, s15;
	s24 =	sadd.s32 $0x0, s12;
	s13 =	simm.s32 $0x10  }
.LBB2_3:
0x7f: {  	p0 =	seq.s32 s19, $0x7F0;
	s10 =	sand.u32 $0x70, s13;
	s23 =	sor.u32 s23, s14;
	v8 =	vor.u32 s24, v3;
	[tilespmem:v7+s25+$0x0] =	vst.idx.msk vm15, v6  }
0x80: {  	s24 =	smov.u32 s13;
	s13 =	smov.u32 s19;
	s10 =	sadd.s32 s10, s23;
	[tilespmem:v7+s26+$0x0] =	vst.idx.msk vm15, v8  }
0x81: {  	v6 =	vld [tilespmem:s10+$0x0];
	_ =	sdelay $0x4  }
0x82: {  	v7 =	vshrl.u32 v6, $0x7  }
0x83: {  	v7 =	vand.u32 $0x1F, v7  }
0x84: {  	vm15 =	veq.s32 v7, v0  }
0x85: {  	v7 =	vsel vm15, $0xFFFFFFFF, v2;
	v8 =	vsel vm15, $0x1, v2;
	s10 =	spop (v2sf)  }
0x86: {  	(xrf0) =	vadd.scan.msk.s32 $0xffff, v8;
	s11 =	sadd.s32 s11, s10  }
0x87: {  	v7 =	vadd.s32 s11, v7;
	_ =	sdelay $0x4  }
0x88: {  	v8, _, _ =	vpop (xrf0)  }
.Ltmp2:
0x89: {  	v7 =	vadd.s32 v8, v7;
	(v2sf) =	vpush v8, $0xF;
	(pc) =	sbr.rel @!p0 .LBB2_3-.Ltmp2, $3  }
0x8a: {  	_ =	sdelay $0x1  }
0x8b: {  	s15 =	sadd.s32 $0x20, s15  }
0x8c: {  	s19 =	sadd.s32 $0x10, s19;
	s23 =	sand.u32 $0xF00, s15;
	s24 =	sadd.s32 s24, s12  }
0x8d: {  	_ =	sdelay $0x4  }
0x8e: {  	s10 =	sand.u32 $0x70, s13;
	s14 =	sor.u32 s23, s14;
	v8 =	vor.u32 s24, v3;
	[tilespmem:v7+s25+$0x0] =	vst.idx.msk vm15, v6  }
0x8f: {  	s10 =	sadd.s32 s10, s14;
	[tilespmem:v7+s26+$0x0] =	vst.idx.msk vm15, v8  }
0x90: {  	v6 =	vld [tilespmem:s10+$0x0];
	_ =	sdelay $0x4  }
0x91: {  	v7 =	vshrl.u32 v6, $0x7  }
0x92: {  	v7 =	vand.u32 $0x1F, v7  }
0x93: {  	vm15 =	veq.s32 v7, v0  }
0x94: {  	v7 =	vsel vm15, $0x1, v2  }
0x95: {  	(xrf0) =	vadd.scan.msk.s32 $0xffff, v7;
	_ =	sdelay $0x5  }
0x96: {  	v7, _, _ =	vpop (xrf0)  }
0x97: {  	(v2sf) =	vpush v7, $0xF;
	_ =	sdelay $0x6  }
0x98: {  	s19 =	spop (v2sf)  }
0x99: {  	v62 =	vsel vm15, $0xFFFFFFFF, v2;
	s10 =	sadd.s32 s11, s19  }
0x9a: {  	v8 =	vadd.s32 s10, v62  }
0x9b: {  	v7 =	vadd.s32 v7, v8  }
0x9c: {  	p0 =	sne.s32 s16, $0x8  }
.Ltmp3:
0x9d: {  	_ = 	snop;
	(pc) =	sbr.rel @p0 .LBB2_2-.Ltmp3, $4  }
0x9e: {  	_ = 	snop  }
0x9f: {  	s23 =	sadd.s32 s13, s12  }
0xa0: {  	v63 =	vor.u32 s23, v3;
	[tilespmem:v7+s25+$0x0] =	vst.idx.msk vm15, v6;
	s24 =	spop (v2sf)  }
0xa1: {  	s12 =	sadd.s32 $0x800, s12;
	[tilespmem:v7+s26+$0x0] =	vst.idx.msk vm15, v63;
	s11 =	sadd.s32 s10, s24  }
0xa2: {  	s12 =	simm.s32 $0x0;
	s0 =	rddreg [dreg:$0x16]  }
0xa3: {  	[tilespmem:s12], [sflag:$0x1] =	stream.linear.gather [hbm4b:s2+s12], $0x80, $0x38;
	[tilespmem:$0x1FA00] =	vst v63  }
0xa4: {  	s10 =	simm.s32 $0x100;
	s16 =	rddreg [dreg:$0x17]  }
0xa5: {  	[tilespmem:s10], [sflag:$0x1] =	stream.linear.gather [hbm4b:s0+s12], $0x80, $0x38;
	[tilespmem:$0x1FA00] =	vst v63  }
0xa6: {  	s19 =	simm.s32 $0x200;
	s23 =	rddreg [dreg:$0x18]  }
0xa7: {  	[tilespmem:s19], [sflag:$0x1] =	stream.linear.gather [hbm4b:s16+s12], $0x80, $0x38;
	[tilespmem:$0x1FA00] =	vst v63  }
0xa8: {  	s24 =	simm.s32 $0x300;
	s13 =	rddreg [dreg:$0x19]  }
0xa9: {  	[tilespmem:s24], [sflag:$0x1] =	stream.linear.gather [hbm4b:s23+s12], $0x80, $0x38;
	[tilespmem:$0x1FA00] =	vst v63  }
0xaa: {  	s14 =	rddreg [dreg:$0x1a]  }
0xab: {  	[tilespmem:s17], [sflag:$0x1] =	stream.linear.gather [hbm4b:s13+s12], $0x80, $0x38;
	[tilespmem:$0x1FA00] =	vst v63  }
0xac: {  	s15 =	simm.s32 $0x500;
	s10 =	rddreg [dreg:$0x1d]  }
0xad: {  	[tilespmem:s15], [sflag:$0x1] =	stream.linear.gather [hbm4b:s14+s12], $0x80, $0x38;
	[tilespmem:$0x1FA00] =	vst v63  }
0xae: {  	s16 =	rddreg [dreg:$0x1b];
	s19 =	simm.s32 $0x600  }
0xaf: {  	[tilespmem:s19], [sflag:$0x1] =	stream.linear.gather [hbm4b:s16+s12], $0x80, $0x38;
	[tilespmem:$0x1FA00] =	vst v63  }
0xb0: {  	s23 =	rddreg [dreg:$0x1c];
	s24 =	simm.s32 $0x700  }
0xb1: {  	[tilespmem:s24], [sflag:$0x1] =	stream.linear.gather [hbm4b:s23+s12], $0x80, $0x38;
	[tilespmem:$0x1FA00] =	vst v63  }
0xb2: {  	s13 =	simm.s32 $0x800;
	s14 =	rddreg [dreg:$0x1e]  }
0xb3: {  	[tilespmem:s13], [sflag:$0x1] =	stream.linear.gather [hbm4b:s10+s12], $0x80, $0x38;
	[tilespmem:$0x1FA00] =	vst v63  }
0xb4: {  	s15 =	simm.s32 $0x900;
	s16 =	rddreg [dreg:$0x1f]  }
0xb5: {  	[tilespmem:s15], [sflag:$0x1] =	stream.linear.gather [hbm4b:s14+s12], $0x80, $0x38;
	[tilespmem:$0x1FA00] =	vst v63  }
0xb6: {  	s19 =	simm.s32 $0xA00;
	s23 =	sld [smem:$0x7F9]  }
0xb7: {  	[tilespmem:s19], [sflag:$0x1] =	stream.linear.gather [hbm4b:s16+s12], $0x80, $0x38;
	[tilespmem:$0x1FA00] =	vst v63  }
0xb8: {  	s24 =	simm.s32 $0xB00;
	s10 =	sld [smem:$0x7FA]  }
0xb9: {  	[tilespmem:s24], [sflag:$0x1] =	stream.linear.gather [hbm4b:s23+s12], $0x80, $0x38;
	[tilespmem:$0x1FA00] =	vst v63  }
0xba: {  	s13 =	simm.s32 $0xC00;
	s14 =	sld [smem:$0x7FB]  }
0xbb: {  	[tilespmem:s13], [sflag:$0x1] =	stream.linear.gather [hbm4b:s10+s12], $0x80, $0x38;
	[tilespmem:$0x1FA00] =	vst v63  }
0xbc: {  	s15 =	simm.s32 $0xD00;
	s16 =	sld [smem:$0x7FC]  }
0xbd: {  	[tilespmem:s15], [sflag:$0x1] =	stream.linear.gather [hbm4b:s14+s12], $0x80, $0x38;
	[tilespmem:$0x1FA00] =	vst v63  }
0xbe: {  	s19 =	simm.s32 $0xE00;
	s23 =	sld [smem:$0x7FD]  }
0xbf: {  	[tilespmem:s19], [sflag:$0x1] =	stream.linear.gather [hbm4b:s16+s12], $0x80, $0x38;
	[tilespmem:$0x1FA00] =	vst v63  }
0xc0: {  	s24 =	simm.s32 $0xF00  }
0xc1: {  	[tilespmem:s24], [sflag:$0x1] =	stream.linear.gather [hbm4b:s23+s12], $0x80, $0x38;
	[tilespmem:$0x1FA00] =	vst v63  }
0xc2: {  	s16 =	simm.s32 $0x4000;
	s23 =	simm.s32 $0x0  }
.LBB2_7:
0xc3: {  	s10 =	smov.u32 s23  }
0xc4: {  	s23 =	sadd.s32 $0x1, s23;
	p0 =	seq.s32 s10, $0x7  }
0xc5: {  	s13 =	sshll.u32 @!p0 s23, $0x7;
	s14 =	sshll.u32 @!p0 s23, $0x8  }
0xc6: {  	s15 =	simm.s32 @!p0 $0x0;
	s13 =	sand.u32 @!p0 $0x80, s13;
	s14 =	sadd.s32 @!p0 s2, s14  }
0xc7: {  	[tilespmem:s13], [sflag:$0x1] =	stream.linear.gather @!p0 [hbm4b:s14+s15], $0x80, $0x38;
	[tilespmem:$0x1FA00] =	vst v63  }
0xc8: {  	s19 =	sadd.s32 @!p0 $0x10, s14;
	s24 =	sor.u32 @!p0 $0x100, s13  }
0xc9: {  	[tilespmem:s24], [sflag:$0x1] =	stream.linear.gather @!p0 [hbm4b:s19+s15], $0x80, $0x38;
	[tilespmem:$0x1FA00] =	vst v63  }
0xca: {  	s19 =	sadd.s32 @!p0 $0x20, s14;
	s24 =	sor.u32 @!p0 $0x200, s13  }
0xcb: {  	[tilespmem:s24], [sflag:$0x1] =	stream.linear.gather @!p0 [hbm4b:s19+s15], $0x80, $0x38;
	[tilespmem:$0x1FA00] =	vst v63  }
0xcc: {  	s19 =	sadd.s32 @!p0 $0x30, s14;
	s24 =	sor.u32 @!p0 $0x300, s13  }
0xcd: {  	[tilespmem:s24], [sflag:$0x1] =	stream.linear.gather @!p0 [hbm4b:s19+s15], $0x80, $0x38;
	[tilespmem:$0x1FA00] =	vst v63  }
0xce: {  	s19 =	sadd.s32 @!p0 $0x40, s14;
	s24 =	sor.u32 @!p0 $0x400, s13  }
0xcf: {  	[tilespmem:s24], [sflag:$0x1] =	stream.linear.gather @!p0 [hbm4b:s19+s15], $0x80, $0x38;
	[tilespmem:$0x1FA00] =	vst v63  }
0xd0: {  	s19 =	sadd.s32 @!p0 $0x50, s14;
	s24 =	sor.u32 @!p0 $0x500, s13  }
0xd1: {  	[tilespmem:s24], [sflag:$0x1] =	stream.linear.gather @!p0 [hbm4b:s19+s15], $0x80, $0x38;
	[tilespmem:$0x1FA00] =	vst v63  }
0xd2: {  	s19 =	sadd.s32 @!p0 $0x60, s14;
	s24 =	sor.u32 @!p0 $0x600, s13  }
0xd3: {  	[tilespmem:s24], [sflag:$0x1] =	stream.linear.gather @!p0 [hbm4b:s19+s15], $0x80, $0x38;
	[tilespmem:$0x1FA00] =	vst v63  }
0xd4: {  	s19 =	sadd.s32 @!p0 $0x70, s14;
	s24 =	sor.u32 @!p0 $0x700, s13  }
0xd5: {  	[tilespmem:s24], [sflag:$0x1] =	stream.linear.gather @!p0 [hbm4b:s19+s15], $0x80, $0x38;
	[tilespmem:$0x1FA00] =	vst v63  }
0xd6: {  	s19 =	sadd.s32 @!p0 $0x80, s14;
	s24 =	sor.u32 @!p0 $0x800, s13  }
0xd7: {  	[tilespmem:s24], [sflag:$0x1] =	stream.linear.gather @!p0 [hbm4b:s19+s15], $0x80, $0x38;
	[tilespmem:$0x1FA00] =	vst v63  }
0xd8: {  	s19 =	sadd.s32 @!p0 $0x90, s14;
	s24 =	sor.u32 @!p0 $0x900, s13  }
0xd9: {  	[tilespmem:s24], [sflag:$0x1] =	stream.linear.gather @!p0 [hbm4b:s19+s15], $0x80, $0x38;
	[tilespmem:$0x1FA00] =	vst v63  }
0xda: {  	s19 =	sadd.s32 @!p0 $0xA0, s14;
	s24 =	sor.u32 @!p0 $0xA00, s13  }
0xdb: {  	[tilespmem:s24], [sflag:$0x1] =	stream.linear.gather @!p0 [hbm4b:s19+s15], $0x80, $0x38;
	[tilespmem:$0x1FA00] =	vst v63  }
0xdc: {  	s19 =	sadd.s32 @!p0 $0xB0, s14;
	s24 =	sor.u32 @!p0 $0xB00, s13  }
0xdd: {  	[tilespmem:s24], [sflag:$0x1] =	stream.linear.gather @!p0 [hbm4b:s19+s15], $0x80, $0x38;
	[tilespmem:$0x1FA00] =	vst v63  }
0xde: {  	s19 =	sadd.s32 @!p0 $0xC0, s14;
	s24 =	sor.u32 @!p0 $0xC00, s13  }
0xdf: {  	[tilespmem:s24], [sflag:$0x1] =	stream.linear.gather @!p0 [hbm4b:s19+s15], $0x80, $0x38;
	[tilespmem:$0x1FA00] =	vst v63  }
0xe0: {  	s19 =	sadd.s32 @!p0 $0xD0, s14;
	s24 =	sor.u32 @!p0 $0xD00, s13  }
0xe1: {  	[tilespmem:s24], [sflag:$0x1] =	stream.linear.gather @!p0 [hbm4b:s19+s15], $0x80, $0x38;
	[tilespmem:$0x1FA00] =	vst v63  }
0xe2: {  	s19 =	sadd.s32 @!p0 $0xE0, s14;
	s24 =	sor.u32 @!p0 $0xE00, s13  }
0xe3: {  	[tilespmem:s24], [sflag:$0x1] =	stream.linear.gather @!p0 [hbm4b:s19+s15], $0x80, $0x38;
	[tilespmem:$0x1FA00] =	vst v63  }
0xe4: {  	s10 =	sshll.u32 s10, $0x7;
	s14 =	sadd.s32 @!p0 $0xF0, s14;
	s13 =	sor.u32 @!p0 $0xF00, s13  }
0xe5: {  	[tilespmem:s13], [sflag:$0x1] =	stream.linear.gather @!p0 [hbm4b:s14+s15], $0x80, $0x38;
	[tilespmem:$0x1FA00] =	vst v63  }
0xe6: {  	s19 =	sand.u32 $0xF00, s12;
	s14 =	sand.u32 $0x80, s10;
	_ =	swait.ge [sflag:s20], $0x800  }
0xe7: {  	s24 =	sand.u32 $0x70, s12;
	s10 =	sor.u32 s19, s14;
	[sflag:s20] =	ssyncset.done $0x0  }
0xe8: {  	s10 =	sadd.s32 s24, s10;
	[sflag:s20] =	ssyncadd.s32 $0xFFFFF800  }
0xe9: {  	v6 =	vld [tilespmem:s10+$0x0];
	_ =	sdelay $0x4  }
0xea: {  	v7 =	vshrl.u32 v6, $0x7  }
0xeb: {  	v7 =	vand.u32 $0x1F, v7  }
0xec: {  	vm15 =	veq.s32 v7, v0  }
0xed: {  	v7 =	vsel vm15, $0x1, v2  }
0xee: {  	(xrf0) =	vadd.scan.msk.s32 $0xffff, v7;
	_ =	sdelay $0x4  }
0xef: {  	v7 =	vsel vm15, $0xFFFFFFFF, v2  }
0xf0: {  	v7 =	vadd.s32 s11, v7;
	v8, _, _ =	vpop (xrf0)  }
0xf1: {  	v7 =	vadd.s32 v8, v7;
	(v2sf) =	vpush v8, $0xF;
	_ =	sdelay $0x2  }
0xf2: {  	s13 =	simm.s32 $0x10;
	s15 =	simm.s32 $0x20  }
0xf3: {  	s19 =	simm.s32 $0x20;
	s24 =	sand.u32 $0xF00, s15;
	s10 =	sadd.s32 $0x0, s16  }
.LBB2_8:
0xf4: {  	p0 =	seq.s32 s19, $0x7F0;
	s0 =	sand.u32 $0x70, s13;
	s24 =	sor.u32 s24, s14;
	v8 =	vor.u32 s10, v3;
	[tilespmem:v7+s25+$0x0] =	vst.idx.msk vm15, v6  }
0xf5: {  	s10 =	smov.u32 s13;
	s13 =	smov.u32 s19;
	s0 =	sadd.s32 s0, s24;
	[tilespmem:v7+s26+$0x0] =	vst.idx.msk vm15, v8  }
0xf6: {  	v6 =	vld [tilespmem:s0+$0x0];
	_ =	sdelay $0x4  }
0xf7: {  	v7 =	vshrl.u32 v6, $0x7  }
0xf8: {  	v7 =	vand.u32 $0x1F, v7  }
0xf9: {  	vm15 =	veq.s32 v7, v0  }
0xfa: {  	v7 =	vsel vm15, $0xFFFFFFFF, v2;
	v8 =	vsel vm15, $0x1, v2;
	s0 =	spop (v2sf)  }
0xfb: {  	(xrf0) =	vadd.scan.msk.s32 $0xffff, v8;
	s11 =	sadd.s32 s11, s0  }
0xfc: {  	v7 =	vadd.s32 s11, v7;
	_ =	sdelay $0x4  }
0xfd: {  	v8, _, _ =	vpop (xrf0)  }
.Ltmp4:
0xfe: {  	v7 =	vadd.s32 v8, v7;
	(v2sf) =	vpush v8, $0xF;
	(pc) =	sbr.rel @!p0 .LBB2_8-.Ltmp4, $3  }
0xff: {  	_ =	sdelay $0x1  }
0x100: {  	s15 =	sadd.s32 $0x20, s15  }
0x101: {  	s19 =	sadd.s32 $0x10, s19;
	s24 =	sand.u32 $0xF00, s15;
	s10 =	sadd.s32 s10, s16  }
0x102: {  	_ =	sdelay $0x4  }
0x103: {  	s0 =	sand.u32 $0x70, s13;
	s14 =	sor.u32 s24, s14;
	v8 =	vor.u32 s10, v3;
	[tilespmem:v7+s25+$0x0] =	vst.idx.msk vm15, v6  }
0x104: {  	s0 =	sadd.s32 s0, s14;
	[tilespmem:v7+s26+$0x0] =	vst.idx.msk vm15, v8  }
0x105: {  	v6 =	vld [tilespmem:s0+$0x0];
	_ =	sdelay $0x4  }
0x106: {  	v7 =	vshrl.u32 v6, $0x7  }
0x107: {  	v7 =	vand.u32 $0x1F, v7  }
0x108: {  	vm15 =	veq.s32 v7, v0  }
0x109: {  	v7 =	vsel vm15, $0x1, v2  }
0x10a: {  	(xrf0) =	vadd.scan.msk.s32 $0xffff, v7;
	_ =	sdelay $0x5  }
0x10b: {  	v7, _, _ =	vpop (xrf0)  }
0x10c: {  	(v2sf) =	vpush v7, $0xF;
	_ =	sdelay $0x6  }
0x10d: {  	s15 =	spop (v2sf)  }
0x10e: {  	v62 =	vsel vm15, $0xFFFFFFFF, v2;
	s0 =	sadd.s32 s11, s15  }
0x10f: {  	v8 =	vadd.s32 s0, v62  }
0x110: {  	v7 =	vadd.s32 v7, v8;
	_ =	sdelay $0x3  }
0x111: {  	s19 =	sadd.s32 s13, s16  }
0x112: {  	v63 =	vor.u32 s19, v3;
	[tilespmem:v7+s25+$0x0] =	vst.idx.msk vm15, v6;
	s24 =	spop (v2sf)  }
0x113: {  	[tilespmem:v7+s26+$0x0] =	vst.idx.msk vm15, v63;
	s11 =	sadd.s32 s0, s24  }
0x114: {  	p0 =	seq.s32 s23, $0x8  }
.Ltmp5:
0x115: {  	_ = 	snop;
	(pc) =	sbr.rel @!p0 .LBB2_7-.Ltmp5, $2  }
0x116: {  	_ =	sdelay $0x2  }
0x117: {  	s16 =	sadd.s32 $0x800, s16  }
0x118: {  	v6 =	vadd.s32 s11, v3;
	_ =	sdelay $0x3  }
0x119: {  	s12 =	simm.s32 $0x1000  }
0x11a: {  	s23 =	simm.s32 $0x1E80;
	[tilespmem:v6+s12+$0x0] =	vst.idx.msk $0xffff, v1  }
0x11b: {  	[tilespmem:v6+s23+$0x0] =	vst.idx.msk $0xffff, v4  }
0x11c: {  	[tilespmem:$0x4A00] =	vst v2  }
0x11d: {  	[tilespmem:$0x4A10] =	vst v2  }
0x11e: {  	[tilespmem:$0x4A20] =	vst v2  }
0x11f: {  	[tilespmem:$0x4A30] =	vst v2  }
0x120: {  	[tilespmem:$0x4A40] =	vst v2  }
0x121: {  	[tilespmem:$0x4A50] =	vst v2  }
0x122: {  	[tilespmem:$0x4A60] =	vst v2  }
0x123: {  	[tilespmem:$0x4A70] =	vst v2  }
0x124: {  	[tilespmem:$0x4A80] =	vst v2  }
0x125: {  	[tilespmem:$0x4A90] =	vst v2  }
0x126: {  	[tilespmem:$0x4AA0] =	vst v2  }
0x127: {  	[tilespmem:$0x4AB0] =	vst v2  }
0x128: {  	[tilespmem:$0x4AC0] =	vst v2  }
0x129: {  	[tilespmem:$0x4AD0] =	vst v2  }
0x12a: {  	[tilespmem:$0x4AE0] =	vst v2  }
0x12b: {  	[tilespmem:$0x4AF0] =	vst v2  }
0x12c: {  	[tilespmem:$0x4B00] =	vst v2  }
0x12d: {  	[tilespmem:$0x4B10] =	vst v2  }
0x12e: {  	[tilespmem:$0x4B20] =	vst v2  }
0x12f: {  	s0 =	sadd.s32 $0xF, s11;
	[tilespmem:$0x4B30] =	vst v2  }
0x130: {  	s10 =	sand.u32 $0xF, s0;
	[tilespmem:$0x4B40] =	vst v2  }
0x131: {  	s24 =	sshra.s32 s0, $0x1F;
	p1 =	slt.s32 s0, $0x1;
	p0 =	sne.s32 s10, $0x0;
	[tilespmem:$0x4B50] =	vst v2  }
0x132: {  	s10 =	sshrl.u32 s24, $0x1C;
	p0 =	por !p1, !p0;
	[tilespmem:$0x4B60] =	vst v2  }
0x133: {  	s0 =	sadd.s32 s10, s0;
	s10 =	simm.s32 $0x1;
	p0 =	por !p0, !p0;
	[tilespmem:$0x4B70] =	vst v2  }
0x134: {  	s0 =	sshra.s32 s0, $0x4;
	s10 =	simm.s32 @!p0 $0x0;
	[tilespmem:$0x4B80] =	vst v2  }
0x135: {  	s16 =	ssub.s32 s0, s10;
	[tilespmem:$0x4B90] =	vst v2  }
0x136: {  	[tilespmem:$0x4BA0] =	vst v2;
	p0 =	slt.s32 s16, $0x1  }
.Ltmp6:
0x137: {  	[tilespmem:$0x4BB0] =	vst v2;
	(pc) =	sbr.rel @p0 .LBB2_14-.Ltmp6, $4  }
0x138: {  	[tilespmem:$0x4BC0] =	vst v2  }
0x139: {  	[tilespmem:$0x4BD0] =	vst v2  }
0x13a: {  	[tilespmem:$0x4BE0] =	vst v2  }
0x13b: {  	[tilespmem:$0x4BF0] =	vst v2  }
0x13c: {  	v6 =	vld [tilespmem:s23+$0x0]  }
0x13d: {  	v7 =	vld [tilespmem:s12+$0x0];
	_ =	sdelay $0x3  }
0x13e: {  	vm15 =	vgt.u32 v6, $0x3FFF  }
0x13f: {  	v6 =	vshrl.u32 v7, $0xC;
	v7 =	vsel vm15, $0x100, v2  }
0x140: {  	v7 =	vadd.s32 v6, v7  }
0x141: {  	v6 =	vand.u32 $0x7F, v6;
	v7 =	vand.u32 $0x1FFF80, v7  }
0x142: {  	v6 =	vor.u32 v6, v7;
	_ =	sdelay $0x4  }
0x143: {  	[tilespmem:v6+s28+$0x0] =	vst.idx.add.s32.msk $0x1, v5  }
0x144: {  	[tilespmem:v6+s28+$0x0] =	vst.idx.add.s32.msk vm0, v5  }
0x145: {  	[tilespmem:v6+s28+$0x0] =	vst.idx.add.s32.msk vm1, v5  }
0x146: {  	[tilespmem:v6+s28+$0x0] =	vst.idx.add.s32.msk vm2, v5  }
0x147: {  	[tilespmem:v6+s28+$0x0] =	vst.idx.add.s32.msk vm3, v5  }
0x148: {  	[tilespmem:v6+s28+$0x0] =	vst.idx.add.s32.msk vm4, v5  }
0x149: {  	[tilespmem:v6+s28+$0x0] =	vst.idx.add.s32.msk vm5, v5  }
0x14a: {  	[tilespmem:v6+s28+$0x0] =	vst.idx.add.s32.msk vm6, v5  }
0x14b: {  	[tilespmem:v6+s28+$0x0] =	vst.idx.add.s32.msk vm7, v5  }
0x14c: {  	p1 =	sne.s32 s16, $0x1;
	[tilespmem:v6+s28+$0x0] =	vst.idx.add.s32.msk vm8, v5  }
.Ltmp7:
0x14d: {  	[tilespmem:v6+s28+$0x0] =	vst.idx.add.s32.msk vm9, v5;
	(pc) =	sbr.rel @!p1 .LBB2_13-.Ltmp7, $4  }
0x14e: {  	[tilespmem:v6+s28+$0x0] =	vst.idx.add.s32.msk vm10, v5  }
0x14f: {  	[tilespmem:v6+s28+$0x0] =	vst.idx.add.s32.msk vm11, v5  }
0x150: {  	[tilespmem:v6+s28+$0x0] =	vst.idx.add.s32.msk vm12, v5  }
0x151: {  	s13 =	sadd.s32 $0xFFFFFFFF, s16;
	[tilespmem:v6+s28+$0x0] =	vst.idx.add.s32.msk vm13, v5  }
.LBB2_12:
0x152: {  	p1 =	sne.s32 s13, $0x1;
	[tilespmem:v6+s28+$0x0] =	vst.idx.add.s32.msk vm14, v5;
	s12 =	sadd.s32 $0x10, s12;
	s23 =	sadd.s32 $0x10, s23  }
0x153: {  	s13 =	sadd.s32 $0xFFFFFFFF, s13;
	v6 =	vld [tilespmem:s23+$0x0]  }
0x154: {  	v7 =	vld [tilespmem:s12+$0x0];
	_ =	sdelay $0x3  }
0x155: {  	vm15 =	vgt.u32 v6, $0x3FFF  }
0x156: {  	v6 =	vshrl.u32 v7, $0xC;
	v7 =	vsel vm15, $0x100, v2  }
0x157: {  	v7 =	vadd.s32 v6, v7  }
0x158: {  	v6 =	vand.u32 $0x7F, v6;
	v7 =	vand.u32 $0x1FFF80, v7  }
0x159: {  	v6 =	vor.u32 v6, v7;
	_ =	sdelay $0x4  }
0x15a: {  	[tilespmem:v6+s28+$0x0] =	vst.idx.add.s32.msk $0x1, v5  }
0x15b: {  	[tilespmem:v6+s28+$0x0] =	vst.idx.add.s32.msk vm0, v5  }
0x15c: {  	[tilespmem:v6+s28+$0x0] =	vst.idx.add.s32.msk vm1, v5  }
0x15d: {  	[tilespmem:v6+s28+$0x0] =	vst.idx.add.s32.msk vm2, v5  }
0x15e: {  	[tilespmem:v6+s28+$0x0] =	vst.idx.add.s32.msk vm3, v5  }
0x15f: {  	[tilespmem:v6+s28+$0x0] =	vst.idx.add.s32.msk vm4, v5  }
0x160: {  	[tilespmem:v6+s28+$0x0] =	vst.idx.add.s32.msk vm5, v5  }
0x161: {  	[tilespmem:v6+s28+$0x0] =	vst.idx.add.s32.msk vm6, v5  }
0x162: {  	[tilespmem:v6+s28+$0x0] =	vst.idx.add.s32.msk vm7, v5  }
0x163: {  	[tilespmem:v6+s28+$0x0] =	vst.idx.add.s32.msk vm8, v5  }
.Ltmp8:
0x164: {  	[tilespmem:v6+s28+$0x0] =	vst.idx.add.s32.msk vm9, v5;
	(pc) =	sbr.rel @p1 .LBB2_12-.Ltmp8, $4  }
0x165: {  	[tilespmem:v6+s28+$0x0] =	vst.idx.add.s32.msk vm10, v5  }
0x166: {  	[tilespmem:v6+s28+$0x0] =	vst.idx.add.s32.msk vm11, v5  }
0x167: {  	[tilespmem:v6+s28+$0x0] =	vst.idx.add.s32.msk vm12, v5  }
0x168: {  	[tilespmem:v6+s28+$0x0] =	vst.idx.add.s32.msk vm13, v5  }
.LBB2_13:
0x169: {  	_ =	sdelay $0x4  }
0x16a: {  	[tilespmem:v6+s28+$0x0] =	vst.idx.add.s32.msk vm14, v5  }
.LBB2_14:
0x16b: {  	v6 =	vld [tilespmem:$0x4A00]  }
0x16c: {  	v7 =	vld [tilespmem:$0x4A10];
	_ =	sdelay $0x1  }
0x16d: {  	v8 =	vld [tilespmem:$0x4A20];
	_ =	sdelay $0x1  }
0x16e: {  	v9 =	vld [tilespmem:$0x4A30];
	(xrf0) =	vadd.scan.msk.s32 $0xffff, v6  }
0x16f: {  	(xrf0) =	vadd.scan.msk.s32 $0xffff, v7  }
0x170: {  	v10 =	vld [tilespmem:$0x4A40]  }
0x171: {  	(xrf0) =	vadd.scan.msk.s32 $0xffff, v8  }
0x172: {  	v11 =	vld [tilespmem:$0x4A50]  }
0x173: {  	(xrf0) =	vadd.scan.msk.s32 $0xffff, v9  }
0x174: {  	v13 =	vld [tilespmem:$0x4A60];
	v12, _, _ =	vpop (xrf0)  }
0x175: {  	(xrf0) =	vadd.scan.msk.s32 $0xffff, v10;
	(v2sf) =	vpush v12, $0xF;
	v14, _, _ =	vpop (xrf0)  }
0x176: {  	v15 =	vld [tilespmem:$0x4A70];
	(v2sf) =	vpush v14, $0xF  }
0x177: {  	(xrf0) =	vadd.scan.msk.s32 $0xffff, v11;
	v16, _, _ =	vpop (xrf0)  }
0x178: {  	v17 =	vld [tilespmem:$0x4A80];
	(v2sf) =	vpush v16, $0xF  }
0x179: {  	(xrf0) =	vadd.scan.msk.s32 $0xffff, v13;
	v18, _, _ =	vpop (xrf0)  }
0x17a: {  	v19 =	vld [tilespmem:$0x4A90];
	(v2sf) =	vpush v18, $0xF  }
0x17b: {  	v20, _, _ =	vpop (xrf0);
	(xrf0) =	vadd.scan.msk.s32 $0xffff, v15  }
0x17c: {  	v21 =	vld [tilespmem:$0x4AA0];
	(v2sf) =	vpush v20, $0xF  }
0x17d: {  	v22, _, _ =	vpop (xrf0);
	(xrf0) =	vadd.scan.msk.s32 $0xffff, v17  }
0x17e: {  	v23 =	vld [tilespmem:$0x4AB0];
	(v2sf) =	vpush v22, $0xF  }
0x17f: {  	v24, _, _ =	vpop (xrf0);
	(xrf0) =	vadd.scan.msk.s32 $0xffff, v19  }
0x180: {  	v25 =	vld [tilespmem:$0x4AC0];
	(v2sf) =	vpush v24, $0xF  }
0x181: {  	v26, _, _ =	vpop (xrf0);
	(xrf0) =	vadd.scan.msk.s32 $0xffff, v21  }
0x182: {  	v27 =	vld [tilespmem:$0x4AD0];
	v7 =	vsub.s32 v14, v7;
	(v2sf) =	vpush v26, $0xF  }
0x183: {  	v6 =	vsub.s32 v12, v6;
	v12 =	vbroadcast v12, $0xF;
	v28, _, _ =	vpop (xrf0);
	(xrf0) =	vadd.scan.msk.s32 $0xffff, v23  }
0x184: {  	v58 =	vld [tilespmem:$0x4AE0];
	[tilespmem:$0x4C00] =	vst v6;
	s0 =	spop (v2sf);
	(v2sf) =	vpush v28, $0xF  }
0x185: {  	[tilespmem:$0x4E00] =	vst v6;
	v6 =	vadd.s32 v12, v7;
	v7, _, _ =	vpop (xrf0);
	(xrf0) =	vadd.scan.msk.s32 $0xffff, v25;
	s10 =	spop (v2sf)  }
0x186: {  	v59 =	vld [tilespmem:$0x4AF0];
	v8 =	vsub.s32 v16, v8;
	[tilespmem:$0x4C10] =	vst v6;
	(v2sf) =	vpush v7, $0xF;
	s0 =	sadd.s32 s0, s10  }
0x187: {  	[tilespmem:$0x4E10] =	vst v6;
	s24 =	spop (v2sf);
	v60, _, _ =	vpop (xrf0);
	(xrf0) =	vadd.scan.msk.s32 $0xffff, v27;
	v6 =	vadd.s32 s0, v8  }
0x188: {  	v61 =	vld [tilespmem:$0x4B00];
	v9 =	vsub.s32 v18, v9;
	s0 =	sadd.s32 s0, s24;
	(v2sf) =	vpush v60, $0xF;
	[tilespmem:$0x4C20] =	vst v6  }
0x189: {  	s12 =	spop (v2sf);
	v62, _, _ =	vpop (xrf0);
	(xrf0) =	vadd.scan.msk.s32 $0xffff, v58;
	[tilespmem:$0x4E20] =	vst v6;
	v6 =	vadd.s32 s0, v9  }
0x18a: {  	v63 =	vld [tilespmem:$0x4B10];
	v10 =	vsub.s32 v20, v10;
	s0 =	sadd.s32 s0, s12;
	(v2sf) =	vpush v62, $0xF;
	[tilespmem:$0x4C30] =	vst v6  }
0x18b: {  	v30, _, _ =	vpop (xrf0);
	(xrf0) =	vadd.scan.msk.s32 $0xffff, v59;
	[tilespmem:$0x4E30] =	vst v6;
	v6 =	vadd.s32 s0, v10;
	s13 =	spop (v2sf)  }
0x18c: {  	v31 =	vld [tilespmem:$0x4B20];
	v11 =	vsub.s32 v22, v11;
	[tilespmem:$0x4C40] =	vst v6;
	(v2sf) =	vpush v30, $0xF;
	s0 =	sadd.s32 s0, s13  }
0x18d: {  	[tilespmem:$0x4E40] =	vst v6;
	s14 =	spop (v2sf);
	v6 =	vadd.s32 s0, v11;
	v32, _, _ =	vpop (xrf0);
	(xrf0) =	vadd.scan.msk.s32 $0xffff, v61  }
0x18e: {  	v33 =	vld [tilespmem:$0x4B30];
	v13 =	vsub.s32 v24, v13;
	s0 =	sadd.s32 s0, s14;
	[tilespmem:$0x4C50] =	vst v6;
	(v2sf) =	vpush v32, $0xF  }
0x18f: {  	s15 =	spop (v2sf);
	[tilespmem:$0x4E50] =	vst v6;
	v6 =	vadd.s32 s0, v13;
	v34, _, _ =	vpop (xrf0);
	(xrf0) =	vadd.scan.msk.s32 $0xffff, v63  }
0x190: {  	v35 =	vld [tilespmem:$0x4B40];
	v15 =	vsub.s32 v26, v15;
	s0 =	sadd.s32 s0, s15;
	[tilespmem:$0x4C60] =	vst v6;
	(v2sf) =	vpush v34, $0xF  }
0x191: {  	[tilespmem:$0x4E60] =	vst v6;
	v6 =	vadd.s32 s0, v15;
	v36, _, _ =	vpop (xrf0);
	(xrf0) =	vadd.scan.msk.s32 $0xffff, v31;
	s19 =	spop (v2sf)  }
0x192: {  	v37 =	vld [tilespmem:$0x4B50];
	v17 =	vsub.s32 v28, v17;
	v7 =	vsub.s32 v7, v19;
	[tilespmem:$0x4C70] =	vst v6;
	(v2sf) =	vpush v36, $0xF;
	s0 =	sadd.s32 s0, s19  }
0x193: {  	[tilespmem:$0x4E70] =	vst v6;
	v6 =	vadd.s32 s0, v17;
	v38, _, _ =	vpop (xrf0);
	(xrf0) =	vadd.scan.msk.s32 $0xffff, v33;
	s23 =	spop (v2sf)  }
0x194: {  	v39 =	vld [tilespmem:$0x4B60];
	[tilespmem:$0x4C80] =	vst v6;
	(v2sf) =	vpush v38, $0xF;
	s0 =	sadd.s32 s0, s23  }
0x195: {  	[tilespmem:$0x4E80] =	vst v6;
	s24 =	spop (v2sf);
	v6 =	vadd.s32 s0, v7;
	v7, _, _ =	vpop (xrf0);
	(xrf0) =	vadd.scan.msk.s32 $0xffff, v35  }
0x196: {  	v40 =	vld [tilespmem:$0x4B70];
	v8 =	vsub.s32 v60, v21;
	s0 =	sadd.s32 s0, s24;
	[tilespmem:$0x4C90] =	vst v6;
	(v2sf) =	vpush v7, $0xF  }
0x197: {  	[tilespmem:$0x4E90] =	vst v6;
	v6 =	vadd.s32 s0, v8;
	s12 =	spop (v2sf);
	v41, _, _ =	vpop (xrf0);
	(xrf0) =	vadd.scan.msk.s32 $0xffff, v37  }
0x198: {  	v42 =	vld [tilespmem:$0x4B80];
	v9 =	vsub.s32 v62, v23;
	[tilespmem:$0x4CA0] =	vst v6;
	s0 =	sadd.s32 s0, s12;
	(v2sf) =	vpush v41, $0xF  }
0x199: {  	[tilespmem:$0x4EA0] =	vst v6;
	s13 =	spop (v2sf);
	v6 =	vadd.s32 s0, v9;
	v43, _, _ =	vpop (xrf0);
	(xrf0) =	vadd.scan.msk.s32 $0xffff, v39  }
0x19a: {  	v44 =	vld [tilespmem:$0x4B90];
	v10 =	vsub.s32 v30, v25;
	s0 =	sadd.s32 s0, s13;
	[tilespmem:$0x4CB0] =	vst v6;
	(v2sf) =	vpush v43, $0xF  }
0x19b: {  	[tilespmem:$0x4EB0] =	vst v6;
	v6 =	vadd.s32 s0, v10;
	s14 =	spop (v2sf);
	v45, _, _ =	vpop (xrf0);
	(xrf0) =	vadd.scan.msk.s32 $0xffff, v40  }
0x19c: {  	v46 =	vld [tilespmem:$0x4BA0];
	v11 =	vsub.s32 v32, v27;
	[tilespmem:$0x4CC0] =	vst v6;
	s0 =	sadd.s32 s0, s14;
	(v2sf) =	vpush v45, $0xF  }
0x19d: {  	[tilespmem:$0x4EC0] =	vst v6;
	v6 =	vadd.s32 s0, v11;
	s15 =	spop (v2sf);
	v47, _, _ =	vpop (xrf0);
	(xrf0) =	vadd.scan.msk.s32 $0xffff, v42  }
0x19e: {  	v48 =	vld [tilespmem:$0x4BB0];
	v13 =	vsub.s32 v34, v58;
	[tilespmem:$0x4CD0] =	vst v6;
	s0 =	sadd.s32 s0, s15;
	(v2sf) =	vpush v47, $0xF  }
0x19f: {  	[tilespmem:$0x4ED0] =	vst v6;
	s19 =	spop (v2sf);
	v6 =	vadd.s32 s0, v13;
	v49, _, _ =	vpop (xrf0);
	(xrf0) =	vadd.scan.msk.s32 $0xffff, v44  }
0x1a0: {  	v50 =	vld [tilespmem:$0x4BC0];
	v12 =	vsub.s32 v36, v59;
	s0 =	sadd.s32 s0, s19;
	[tilespmem:$0x4CE0] =	vst v6;
	(v2sf) =	vpush v49, $0xF  }
0x1a1: {  	[tilespmem:$0x4EE0] =	vst v6;
	v6 =	vadd.s32 s0, v12;
	s23 =	spop (v2sf);
	v51, _, _ =	vpop (xrf0);
	(xrf0) =	vadd.scan.msk.s32 $0xffff, v46  }
0x1a2: {  	v16 =	vsub.s32 v38, v61;
	v7 =	vsub.s32 v7, v63;
	[tilespmem:$0x4CF0] =	vst v6;
	s0 =	sadd.s32 s0, s23;
	(v2sf) =	vpush v51, $0xF  }
0x1a3: {  	v52 =	vld [tilespmem:$0x4BD0];
	[tilespmem:$0x4EF0] =	vst v6;
	v6 =	vadd.s32 s0, v16;
	s24 =	spop (v2sf);
	v53, _, _ =	vpop (xrf0);
	(xrf0) =	vadd.scan.msk.s32 $0xffff, v48  }
0x1a4: {  	[tilespmem:$0x4D00] =	vst v6;
	s0 =	sadd.s32 s0, s24;
	(v2sf) =	vpush v53, $0xF  }
0x1a5: {  	v54 =	vld [tilespmem:$0x4BE0];
	[tilespmem:$0x4F00] =	vst v6;
	v6 =	vadd.s32 s0, v7;
	v7, _, _ =	vpop (xrf0);
	(xrf0) =	vadd.scan.msk.s32 $0xffff, v50;
	s12 =	spop (v2sf)  }
0x1a6: {  	v8 =	vsub.s32 v41, v31;
	[tilespmem:$0x4D10] =	vst v6;
	(v2sf) =	vpush v7, $0xF;
	s0 =	sadd.s32 s0, s12  }
0x1a7: {  	[tilespmem:$0x4F10] =	vst v6;
	s13 =	spop (v2sf);
	v6 =	vadd.s32 s0, v8;
	v55, _, _ =	vpop (xrf0)  }
0x1a8: {  	v9 =	vsub.s32 v43, v33;
	(xrf0) =	vadd.scan.msk.s32 $0xffff, v52;
	s0 =	sadd.s32 s0, s13;
	[tilespmem:$0x4D20] =	vst v6;
	(v2sf) =	vpush v55, $0xF  }
0x1a9: {  	[tilespmem:$0x4F20] =	vst v6;
	v6 =	vadd.s32 s0, v9;
	s14 =	spop (v2sf);
	v56, _, _ =	vpop (xrf0)  }
0x1aa: {  	v10 =	vsub.s32 v45, v35;
	(xrf0) =	vadd.scan.msk.s32 $0xffff, v54;
	[tilespmem:$0x4D30] =	vst v6;
	s0 =	sadd.s32 s0, s14;
	(v2sf) =	vpush v56, $0xF  }
0x1ab: {  	[tilespmem:$0x4F30] =	vst v6;
	v57, _, _ =	vpop (xrf0);
	v6 =	vadd.s32 s0, v10;
	s15 =	spop (v2sf)  }
0x1ac: {  	v58 =	vsub.s32 v47, v37;
	[tilespmem:$0x4D40] =	vst v6;
	(v2sf) =	vpush v57, $0xF;
	s0 =	sadd.s32 s0, s15  }
0x1ad: {  	[tilespmem:$0x4F40] =	vst v6;
	s19 =	spop (v2sf);
	v6 =	vadd.s32 s0, v58  }
0x1ae: {  	v60 =	vsub.s32 v49, v39;
	v59, _, _ =	vpop (xrf0);
	s0 =	sadd.s32 s0, s19;
	[tilespmem:$0x4D50] =	vst v6  }
0x1af: {  	(v2sf) =	vpush v59, $0xF;
	[tilespmem:$0x4F50] =	vst v6;
	v6 =	vadd.s32 s0, v60;
	s23 =	spop (v2sf)  }
0x1b0: {  	v12 =	vsub.s32 v51, v40;
	v61, _, _ =	vpop (xrf0);
	[tilespmem:$0x4D60] =	vst v6;
	s0 =	sadd.s32 s0, s23  }
0x1b1: {  	(v2sf) =	vpush v61, $0xF;
	[tilespmem:$0x4F60] =	vst v6;
	v6 =	vadd.s32 s0, v12;
	s24 =	spop (v2sf)  }
0x1b2: {  	v62 =	vsub.s32 v53, v42;
	[tilespmem:$0x4D70] =	vst v6;
	s0 =	sadd.s32 s0, s24  }
0x1b3: {  	[tilespmem:$0x4F70] =	vst v6;
	s12 =	spop (v2sf);
	v6 =	vadd.s32 s0, v62  }
0x1b4: {  	v7 =	vsub.s32 v7, v44;
	s0 =	sadd.s32 s0, s12;
	[tilespmem:$0x4D80] =	vst v6  }
0x1b5: {  	v63 =	vld [tilespmem:$0x4BF0];
	[tilespmem:$0x4F80] =	vst v6;
	s13 =	spop (v2sf);
	v6 =	vadd.s32 s0, v7  }
0x1b6: {  	v7 =	vsub.s32 v55, v46;
	[tilespmem:$0x4D90] =	vst v6;
	s0 =	sadd.s32 s0, s13  }
0x1b7: {  	[tilespmem:$0x4F90] =	vst v6;
	v6 =	vadd.s32 s0, v7;
	s14 =	spop (v2sf)  }
0x1b8: {  	v7 =	vsub.s32 v56, v48;
	[tilespmem:$0x4DA0] =	vst v6;
	s0 =	sadd.s32 s0, s14  }
0x1b9: {  	[tilespmem:$0x4FA0] =	vst v6;
	s15 =	spop (v2sf);
	v6 =	vadd.s32 s0, v7  }
0x1ba: {  	(xrf0) =	vadd.scan.msk.s32 $0xffff, v63;
	v7 =	vsub.s32 v57, v50;
	s0 =	sadd.s32 s0, s15;
	[tilespmem:$0x4DB0] =	vst v6  }
0x1bb: {  	[tilespmem:$0x4FB0] =	vst v6;
	s19 =	spop (v2sf);
	v6 =	vadd.s32 s0, v7  }
0x1bc: {  	v7 =	vsub.s32 v59, v52;
	[tilespmem:$0x4DC0] =	vst v6;
	s0 =	sadd.s32 s0, s19  }
0x1bd: {  	[tilespmem:$0x4FC0] =	vst v6;
	v6 =	vadd.s32 s0, v7;
	v7 =	vsub.s32 v61, v54  }
0x1be: {  	s23 =	spop (v2sf)  }
0x1bf: {  	[tilespmem:$0x4DD0] =	vst v6;
	s0 =	sadd.s32 s0, s23  }
.Ltmp9:
0x1c0: {  	[tilespmem:$0x4FD0] =	vst v6;
	s24 =	spop (v2sf);
	v6 =	vadd.s32 s0, v7;
	v7, _, _ =	vpop (xrf0);
	(pc) =	sbr.rel @p0 .LBB2_17-.Ltmp9, $4  }
0x1c1: {  	s0 =	sadd.s32 s0, s24;
	[tilespmem:$0x4DE0] =	vst v6;
	v7 =	vsub.s32 v7, v63  }
0x1c2: {  	[tilespmem:$0x4FE0] =	vst v6;
	v6 =	vadd.s32 s0, v7  }
0x1c3: {  	[tilespmem:$0x4DF0] =	vst v6  }
0x1c4: {  	[tilespmem:$0x4FF0] =	vst v6  }
0x1c5: {  	s12 =	simm.s32 $0x1000;
	s13 =	simm.s32 $0x1E80  }
.LBB2_16:
0x1c6: {  	v6 =	vld [tilespmem:s13+$0x0]  }
0x1c7: {  	v7 =	vld [tilespmem:s12+$0x0];
	_ =	sdelay $0x3  }
0x1c8: {  	vm15 =	vgt.u32 v6, $0x3FFF  }
0x1c9: {  	v8 =	vshrl.u32 v7, $0xC;
	v9 =	vsel vm15, $0x100, v2  }
0x1ca: {  	v9 =	vadd.s32 v8, v9  }
0x1cb: {  	v8 =	vand.u32 $0x7F, v8;
	v9 =	vand.u32 $0x1FFF80, v9  }
0x1cc: {  	v8 =	vor.u32 v8, v9;
	_ =	sdelay $0x4  }
0x1cd: {  	v9 =	vld.idx.msk [tilespmem:v8+s29+$0x0], $0xffff;
	_ =	sdelay $0x7  }
0x1ce: {  	[tilespmem:v9+s18+$0x0] =	vst.idx.msk $0x1, v7  }
0x1cf: {  	[tilespmem:v9+s30+$0x0] =	vst.idx.msk $0x1, v6  }
0x1d0: {  	[tilespmem:v8+s29+$0x0] =	vst.idx.add.s32.msk $0x1, v5  }
0x1d1: {  	v9 =	vld.idx.msk [tilespmem:v8+s29+$0x0], $0xffff;
	_ =	sdelay $0x7  }
0x1d2: {  	[tilespmem:v9+s18+$0x0] =	vst.idx.msk vm0, v7  }
0x1d3: {  	[tilespmem:v9+s30+$0x0] =	vst.idx.msk vm0, v6  }
0x1d4: {  	[tilespmem:v8+s29+$0x0] =	vst.idx.add.s32.msk vm0, v5  }
0x1d5: {  	v9 =	vld.idx.msk [tilespmem:v8+s29+$0x0], $0xffff;
	_ =	sdelay $0x7  }
0x1d6: {  	[tilespmem:v9+s18+$0x0] =	vst.idx.msk vm1, v7  }
0x1d7: {  	[tilespmem:v9+s30+$0x0] =	vst.idx.msk vm1, v6  }
0x1d8: {  	[tilespmem:v8+s29+$0x0] =	vst.idx.add.s32.msk vm1, v5  }
0x1d9: {  	v9 =	vld.idx.msk [tilespmem:v8+s29+$0x0], $0xffff;
	_ =	sdelay $0x7  }
0x1da: {  	[tilespmem:v9+s18+$0x0] =	vst.idx.msk vm2, v7  }
0x1db: {  	[tilespmem:v9+s30+$0x0] =	vst.idx.msk vm2, v6  }
0x1dc: {  	[tilespmem:v8+s29+$0x0] =	vst.idx.add.s32.msk vm2, v5  }
0x1dd: {  	v9 =	vld.idx.msk [tilespmem:v8+s29+$0x0], $0xffff;
	_ =	sdelay $0x7  }
0x1de: {  	[tilespmem:v9+s18+$0x0] =	vst.idx.msk vm3, v7  }
0x1df: {  	[tilespmem:v9+s30+$0x0] =	vst.idx.msk vm3, v6  }
0x1e0: {  	[tilespmem:v8+s29+$0x0] =	vst.idx.add.s32.msk vm3, v5  }
0x1e1: {  	v9 =	vld.idx.msk [tilespmem:v8+s29+$0x0], $0xffff;
	_ =	sdelay $0x7  }
0x1e2: {  	[tilespmem:v9+s18+$0x0] =	vst.idx.msk vm4, v7  }
0x1e3: {  	[tilespmem:v9+s30+$0x0] =	vst.idx.msk vm4, v6  }
0x1e4: {  	[tilespmem:v8+s29+$0x0] =	vst.idx.add.s32.msk vm4, v5  }
0x1e5: {  	v9 =	vld.idx.msk [tilespmem:v8+s29+$0x0], $0xffff;
	_ =	sdelay $0x7  }
0x1e6: {  	[tilespmem:v9+s18+$0x0] =	vst.idx.msk vm5, v7  }
0x1e7: {  	[tilespmem:v9+s30+$0x0] =	vst.idx.msk vm5, v6  }
0x1e8: {  	[tilespmem:v8+s29+$0x0] =	vst.idx.add.s32.msk vm5, v5  }
0x1e9: {  	v9 =	vld.idx.msk [tilespmem:v8+s29+$0x0], $0xffff;
	_ =	sdelay $0x7  }
0x1ea: {  	[tilespmem:v9+s18+$0x0] =	vst.idx.msk vm6, v7  }
0x1eb: {  	[tilespmem:v9+s30+$0x0] =	vst.idx.msk vm6, v6  }
0x1ec: {  	[tilespmem:v8+s29+$0x0] =	vst.idx.add.s32.msk vm6, v5  }
0x1ed: {  	v9 =	vld.idx.msk [tilespmem:v8+s29+$0x0], $0xffff;
	_ =	sdelay $0x7  }
0x1ee: {  	[tilespmem:v9+s18+$0x0] =	vst.idx.msk vm7, v7  }
0x1ef: {  	[tilespmem:v9+s30+$0x0] =	vst.idx.msk vm7, v6  }
0x1f0: {  	[tilespmem:v8+s29+$0x0] =	vst.idx.add.s32.msk vm7, v5  }
0x1f1: {  	v9 =	vld.idx.msk [tilespmem:v8+s29+$0x0], $0xffff;
	_ =	sdelay $0x7  }
0x1f2: {  	[tilespmem:v9+s18+$0x0] =	vst.idx.msk vm8, v7  }
0x1f3: {  	[tilespmem:v9+s30+$0x0] =	vst.idx.msk vm8, v6  }
0x1f4: {  	[tilespmem:v8+s29+$0x0] =	vst.idx.add.s32.msk vm8, v5  }
0x1f5: {  	v9 =	vld.idx.msk [tilespmem:v8+s29+$0x0], $0xffff;
	_ =	sdelay $0x7  }
0x1f6: {  	[tilespmem:v9+s18+$0x0] =	vst.idx.msk vm9, v7  }
0x1f7: {  	[tilespmem:v9+s30+$0x0] =	vst.idx.msk vm9, v6  }
0x1f8: {  	[tilespmem:v8+s29+$0x0] =	vst.idx.add.s32.msk vm9, v5  }
0x1f9: {  	v9 =	vld.idx.msk [tilespmem:v8+s29+$0x0], $0xffff;
	_ =	sdelay $0x7  }
0x1fa: {  	[tilespmem:v9+s18+$0x0] =	vst.idx.msk vm10, v7  }
0x1fb: {  	[tilespmem:v9+s30+$0x0] =	vst.idx.msk vm10, v6  }
0x1fc: {  	[tilespmem:v8+s29+$0x0] =	vst.idx.add.s32.msk vm10, v5  }
0x1fd: {  	v9 =	vld.idx.msk [tilespmem:v8+s29+$0x0], $0xffff;
	_ =	sdelay $0x7  }
0x1fe: {  	[tilespmem:v9+s18+$0x0] =	vst.idx.msk vm11, v7  }
0x1ff: {  	[tilespmem:v9+s30+$0x0] =	vst.idx.msk vm11, v6  }
0x200: {  	[tilespmem:v8+s29+$0x0] =	vst.idx.add.s32.msk vm11, v5  }
0x201: {  	v9 =	vld.idx.msk [tilespmem:v8+s29+$0x0], $0xffff;
	_ =	sdelay $0x7  }
0x202: {  	[tilespmem:v9+s18+$0x0] =	vst.idx.msk vm12, v7  }
0x203: {  	[tilespmem:v9+s30+$0x0] =	vst.idx.msk vm12, v6  }
0x204: {  	[tilespmem:v8+s29+$0x0] =	vst.idx.add.s32.msk vm12, v5  }
0x205: {  	v9 =	vld.idx.msk [tilespmem:v8+s29+$0x0], $0xffff;
	_ =	sdelay $0x7  }
0x206: {  	[tilespmem:v9+s18+$0x0] =	vst.idx.msk vm13, v7  }
0x207: {  	[tilespmem:v9+s30+$0x0] =	vst.idx.msk vm13, v6  }
0x208: {  	[tilespmem:v8+s29+$0x0] =	vst.idx.add.s32.msk vm13, v5  }
0x209: {  	v9 =	vld.idx.msk [tilespmem:v8+s29+$0x0], $0xffff;
	_ =	sdelay $0x4  }
0x20a: {  	p0 =	sne.s32 s16, $0x1  }
.Ltmp10:
0x20b: {  	_ = 	snop;
	(pc) =	sbr.rel @p0 .LBB2_16-.Ltmp10, $4  }
0x20c: {  	_ = 	snop  }
0x20d: {  	[tilespmem:v9+s18+$0x0] =	vst.idx.msk vm14, v7  }
0x20e: {  	[tilespmem:v9+s30+$0x0] =	vst.idx.msk vm14, v6  }
0x20f: {  	s12 =	sadd.s32 $0x10, s12;
	s13 =	sadd.s32 $0x10, s13;
	s16 =	sadd.s32 $0xFFFFFFFF, s16;
	[tilespmem:v8+s29+$0x0] =	vst.idx.add.s32.msk vm14, v5  }
.LBB2_17:
0x210: {  	s0 =	simm.s32 $0x4A00  }
0x211: {  	v6 =	vld [tilespmem:s0+$0x0];
	_ =	sdelay $0x1  }
0x212: {  	s12 =	simm.s32 $0x0  }
0x213: {  	v7 =	vor.u32 s12, v3  }
0x214: {  	v8 =	vand.u32 $0xFF, v7  }
0x215: {  	vm15 =	vne.s32 v8, $0xFF;
	vm0 =	vgt.s32 v6, $0x0  }
0x216: {  	vm15 =	vmand vm15, vm0  }
0x217: {  	v6 =	vsel vm15, $0x1, v2  }
0x218: {  	(xrf0) =	vadd.scan.msk.s32 $0xffff, v6;
	_ =	sdelay $0x4  }
0x219: {  	v6 =	vsel vm15, $0xFFFFFFFF, v2  }
0x21a: {  	v6 =	vadd.s32 s12, v6;
	v8, _, _ =	vpop (xrf0)  }
0x21b: {  	v6 =	vadd.s32 v8, v6;
	(v2sf) =	vpush v8, $0xF;
	_ =	sdelay $0x4  }
0x21c: {  	s13 =	simm.s32 $0x4A10;
	[tilespmem:v6+s21+$0x0] =	vst.idx.msk vm15, v7  }
0x21d: {  	s14 =	simm.s32 $0x10;
	s15 =	simm.s32 $0x20;
	v6 =	vld [tilespmem:s13+$0x0]  }
.LBB2_18:
0x21e: {  	p0 =	sne.s32 s15, $0x1F0;
	_ =	sdelay $0x1  }
0x21f: {  	v7 =	vor.u32 s14, v3;
	s14 =	smov.u32 s15  }
0x220: {  	v8 =	vand.u32 $0xFF, v7  }
0x221: {  	vm0 =	vne.s32 v8, $0xFF;
	vm15 =	vgt.s32 v6, $0x0  }
0x222: {  	vm0 =	vmand vm0, vm15  }
0x223: {  	v6 =	vsel vm0, $0xFFFFFFFF, v2;
	v8 =	vsel vm0, $0x1, v2  }
0x224: {  	(xrf0) =	vadd.scan.msk.s32 $0xffff, v8  }
0x225: {  	s0 =	spop (v2sf)  }
0x226: {  	s12 =	sadd.s32 s12, s0  }
0x227: {  	v6 =	vadd.s32 s12, v6;
	_ =	sdelay $0x2  }
0x228: {  	v8, _, _ =	vpop (xrf0)  }
0x229: {  	v6 =	vadd.s32 v8, v6;
	(v2sf) =	vpush v8, $0xF;
	_ =	sdelay $0x1  }
.Ltmp11:
0x22a: {  	(pc) =	sbr.rel @p0 .LBB2_18-.Ltmp11, $3  }
0x22b: {  	_ =	sdelay $0x1  }
0x22c: {  	s13 =	sadd.s32 $0x10, s13;
	[tilespmem:v6+s21+$0x0] =	vst.idx.msk vm0, v7  }
0x22d: {  	s15 =	sadd.s32 $0x10, s15;
	v6 =	vld [tilespmem:s13+$0x0]  }
0x22e: {  	_ =	sdelay $0x1  }
0x22f: {  	v7 =	vor.u32 s14, v3  }
0x230: {  	v8 =	vand.u32 $0xFF, v7  }
0x231: {  	vm15 =	vne.s32 v8, $0xFF;
	vm0 =	vgt.s32 v6, $0x0  }
0x232: {  	vm0 =	vmand vm15, vm0  }
0x233: {  	v6 =	vsel vm0, $0x1, v2  }
0x234: {  	(xrf0) =	vadd.scan.msk.s32 $0xffff, v6;
	_ =	sdelay $0x5  }
0x235: {  	v6, _, _ =	vpop (xrf0)  }
0x236: {  	(v2sf) =	vpush v6, $0xF;
	_ =	sdelay $0xd  }
0x237: {  	s0 =	spop (v2sf)  }
0x238: {  	v63 =	vsel vm0, $0xFFFFFFFF, v2;
	s0 =	sadd.s32 s12, s0;
	s10 =	spop (v2sf)  }
0x239: {  	v8 =	vadd.s32 s0, v63;
	s16 =	sadd.s32 s0, s10  }
0x23a: {  	v6 =	vadd.s32 v6, v8;
	p0 =	slt.s32 s16, $0x1  }
.Ltmp12:
0x23b: {  	_ = 	snop;
	(pc) =	sbr.rel @p0 .LBB2_35-.Ltmp12, $2  }
0x23c: {  	_ =	sdelay $0x2  }
0x23d: {  	[tilespmem:v6+s21+$0x0] =	vst.idx.msk vm0, v7  }
0x23e: {  	s12 =	simm.s32 $0x0  }
0x23f: {  	v6 =	vmov s12;
	_ =	sdelay $0x4  }
0x240: {  	v6 =	vld.idx.msk [tilespmem:v6+s21+$0x0], $0xffff;
	_ =	sdelay $0x4  }
0x241: {  	(v2sf) =	vpush v6, $0x0;
	_ =	sdelay $0xe  }
0x242: {  	s0 =	spop (v2sf)  }
0x243: {  	s19 =	smin.u32 s16, $0xC;
	s10 =	sshra.s32 s0, $0x1F  }
0x244: {  	p3 =	sne.s32 s19, $0x1;
	s10 =	sshrl.u32 s10, $0x18  }
.Ltmp13:
0x245: {  	s15 =	sadd.s32 s10, s0;
	(pc) =	sbr.rel @!p3 .LBB2_21-.Ltmp13, $4  }
0x246: {  	s13 =	simm.s32 $0x5200;
	s10 =	sand.u32 $0xFFFFFF00, s15  }
0x247: {  	p0 =	slt.s32 s0, $0x1;
	s23 =	sshll.u32 s0, $0x5;
	p1 =	sne.s32 s0, s10  }
0x248: {  	s14 =	simm.s32 $0x1;
	s24 =	sadd.s32 $0x2000, s23;
	p0 =	por !p0, !p1  }
0x249: {  	s24 =	sand.u32 $0x1FE0, s24;
	p2 =	por !p0, !p0;
	p0 =	por $0x0, $0x0  }
0x24a: {  	s0 =	simm.s32 $0x1  }
0x24b: {  	v6 =	vmov s14;
	s10 =	sshra.s32 s15, $0x8;
	s0 =	simm.s32 @!p2 $0x0  }
0x24c: {  	s23 =	sor.u32 s7, s24;
	p0 =	seq.s32 s10, s0;
	s0 =	smov.u32 s4  }
0x24d: {  	s24 =	sshll.u32 s23, $0x7;
	s0 =	smov.u32 @p0 s3  }
0x24e: {  	s0 =	sadd.s32 s0, s24  }
0x24f: {  	[tilespmem:s13], [sflag:$0x2] =	stream.strided.gather [hbm4b:s0+s17], $0x2000, s31, s17, $0x38;
	[tilespmem:$0x1FA00] =	vst v63  }
0x250: {  	v6 =	vld.idx.msk [tilespmem:v6+s21+$0x0], $0xffff;
	_ =	sdelay $0x4  }
0x251: {  	(v2sf) =	vpush v6, $0x0;
	_ =	sdelay $0xe  }
0x252: {  	s14 =	spop (v2sf)  }
0x253: {  	s24 =	sshra.s32 s14, $0x1F  }
0x254: {  	s10 =	sshrl.u32 s24, $0x18  }
0x255: {  	s15 =	sadd.s32 s10, s14  }
0x256: {  	s10 =	sand.u32 $0xFFFFFF00, s15  }
0x257: {  	p6 =	slt.s32 s14, $0x1;
	p1 =	sne.s32 s14, s10  }
0x258: {  	p0 =	por !p6, !p1;
	p1 =	sne.s32 s19, $0x2  }
.Ltmp14:
0x259: {  	_ = 	snop;
	(pc) =	sbr.rel @!p1 .LBB2_23-.Ltmp14, $4  }
0x25a: {  	s0 =	sshll.u32 s14, $0x5  }
0x25b: {  	s0 =	sadd.s32 $0x2000, s0  }
0x25c: {  	s23 =	simm.s32 $0x2;
	s24 =	sand.u32 $0x1FE0, s0  }
0x25d: {  	s14 =	simm.s32 $0x5200;
	p2 =	por !p0, !p0;
	p0 =	por $0x1, $0x1  }
.LBB2_24:
0x25e: {  	v6 =	vmov s23;
	s23 =	sadd.s32 $0x1, s23;
	s10 =	simm.s32 $0x1  }
0x25f: {  	s0 =	sshra.s32 s15, $0x8;
	s15 =	sor.u32 s7, s24;
	s10 =	simm.s32 @!p2 $0x0  }
0x260: {  	p1 =	sne.s32 s19, s23;
	p2 =	seq.s32 s0, s10;
	s10 =	smov.u32 s4  }
0x261: {  	s0 =	sshll.u32 s15, $0x7;
	s10 =	smov.u32 @p2 s3  }
0x262: {  	s14 =	sadd.s32 $0x2000, s14;
	s0 =	sadd.s32 s10, s0  }
0x263: {  	[tilespmem:s14], [sflag:$0x2] =	stream.strided.gather [hbm4b:s0+s17], $0x2000, s31, s17, $0x38;
	[tilespmem:$0x1FA00] =	vst v63  }
0x264: {  	v6 =	vld.idx.msk [tilespmem:v6+s21+$0x0], $0xffff;
	_ =	sdelay $0x5  }
0x265: {  	(v2sf) =	vpush v6, $0x0;
	_ =	sdelay $0xe  }
0x266: {  	s0 =	spop (v2sf)  }
0x267: {  	s10 =	sshra.s32 s0, $0x1F  }
0x268: {  	s10 =	sshrl.u32 s10, $0x18  }
.Ltmp15:
0x269: {  	s15 =	sadd.s32 s10, s0;
	(pc) =	sbr.rel @p1 .LBB2_24-.Ltmp15, $4  }
0x26a: {  	s10 =	sand.u32 $0xFFFFFF00, s15  }
0x26b: {  	p2 =	slt.s32 s0, $0x1;
	s24 =	sshll.u32 s0, $0x5;
	p3 =	sne.s32 s0, s10  }
0x26c: {  	s0 =	sadd.s32 $0x2000, s24;
	p2 =	por !p2, !p3  }
0x26d: {  	s24 =	sand.u32 $0x1FE0, s0;
	p2 =	por !p2, !p2  }
.LBB2_25:
0x26e: {  	s0 =	simm.s32 $0x1  }
.Ltmp16:
0x26f: {  	s10 =	sshra.s32 s15, $0x8;
	s0 =	simm.s32 @!p2 $0x0;
	(pc) =	sbr.rel .LBB2_26-.Ltmp16, $4  }
0x270: {  	s23 =	sor.u32 s7, s24;
	p1 =	seq.s32 s10, s0;
	s0 =	smov.u32 s4  }
0x271: {  	s14 =	sadd.s32 @p0 $0x2000, s14;
	s24 =	sshll.u32 s23, $0x7;
	s0 =	smov.u32 @p1 s3  }
0x272: {  	s13 =	smov.u32 @p0 s14;
	s0 =	sadd.s32 s0, s24  }
0x273: {  	[tilespmem:s13], [sflag:$0x2] =	stream.strided.gather [hbm4b:s0+s17], $0x2000, s31, s17, $0x38;
	[tilespmem:$0x1FA00] =	vst v63  }
.LBB2_28:
0x274: {  	s19 =	smov.u32 s14  }
.LBB2_33:
0x275: {  	_ =	sdelay $0x2  }
0x276: {  	[hbm4b:s24+s6] =	stream.linear.scatter @p0 [tilespmem:s15], [sflag:$0x3], $0x40, $0x38;
	[tilespmem:$0x1FA00] =	vst v63  }
0x277: {  	v11 =	vld.idx.msk [tilespmem:v10+s18+$0x0], $0xffff;
	_ =	sdelay $0x4  }
0x278: {  	(v2sf) =	vpush v11, $0x0;
	_ =	sdelay $0xe  }
0x279: {  	s0 =	spop (v2sf)  }
0x27a: {  	s10 =	sshra.s32 s0, $0x1F  }
0x27b: {  	s10 =	sshrl.u32 s10, $0x19  }
0x27c: {  	s10 =	sadd.s32 s10, s0  }
0x27d: {  	s10 =	sand.u32 $0xFFFFFF80, s10  }
0x27e: {  	s0 =	ssub.s32 s0, s10  }
0x27f: {  	v62 =	vmov s0  }
0x280: {  	v12 =	vand.u32 $0xFFFFFF80, v62  }
0x281: {  	v11 =	vand.u32 $0x7F, v62;
	v9 =	vadd.s32 v12, v9  }
0x282: {  	v9 =	vor.u32 v11, v9;
	_ =	sdelay $0x2  }
0x283: {  	s23 =	sshra.s32 s14, $0x1F  }
0x284: {  	s0 =	sshrl.u32 s23, $0x1B  }
0x285: {  	s0 =	sadd.s32 s0, s14;
	v8 =	vadd.s32 v12, v8;
	v9 =	vld.idx.msk [tilespmem:v9+s5+$0x0], $0xffff  }
0x286: {  	s0 =	sand.u32 $0xFFFFE0, s0;
	v8 =	vor.u32 v11, v8  }
0x287: {  	s0 =	ssub.s32 s14, s0  }
0x288: {  	v63 =	vld.idx.msk [tilespmem:v10+s30+$0x0], $0xffff;
	s0 =	sshll.u32 s0, $0x8  }
0x289: {  	s0 =	sshra.s32 s0, $0x2  }
0x28a: {  	[tilespmem:s0+$0x1F200] =	vst v9  }
0x28b: {  	v7 =	vadd.s32 v12, v7;
	v8 =	vld.idx.msk [tilespmem:v8+s5+$0x0], $0xffff  }
0x28c: {  	v7 =	vor.u32 v11, v7  }
0x28d: {  	(v2sf) =	vpush v63, $0x0;
	_ =	sdelay $0x2  }
0x28e: {  	[tilespmem:s0+$0x1F210] =	vst v8  }
0x28f: {  	v6 =	vadd.s32 v12, v6;
	v7 =	vld.idx.msk [tilespmem:v7+s5+$0x0], $0xffff  }
0x290: {  	v6 =	vor.u32 v11, v6;
	_ =	sdelay $0x3  }
0x291: {  	[tilespmem:s0+$0x1F220] =	vst v7  }
0x292: {  	v6 =	vld.idx.msk [tilespmem:v6+s5+$0x0], $0xffff;
	_ =	sdelay $0x3  }
0x293: {  	p0 =	slt.s32 s19, $0x20  }
0x294: {  	s13 =	simm.s32 @!p0 $0x3;
	s24 =	spop (v2sf);
	[tilespmem:s0+$0x1F230] =	vst v6  }
0x295: {  	s10 =	sshll.u32 s24, $0x3;
	_ =	swait.ge @!p0 [sflag:s13], $0x40  }
0x296: {  	s10 =	sand.u32 $0x1FFFFFF8, s10;
	[sflag:s13] =	ssyncset.done @!p0 $0x0  }
0x297: {  	s10 =	sadd.s32 s8, s10;
	s0 =	sadd.s32 $0x1F200, s0;
	[sflag:s13] =	ssyncadd.s32 @!p0 $0xFFFFFFC0  }
0x298: {  	[hbm4b:s10+s6] =	stream.linear.scatter [tilespmem:s0], [sflag:$0x3], $0x40, $0x38;
	[tilespmem:$0x1FA00] =	vst v63  }
.LBB2_34:
0x299: {  	s12 =	sadd.s32 $0x1, s12  }
0x29a: {  	p0 =	sne.s32 s12, s16  }
.Ltmp17:
0x29b: {  	_ = 	snop;
	(pc) =	sbr.rel @!p0 .LBB2_35-.Ltmp17, $1  }
0x29c: {  	_ =	sdelay $0x3  }
.LBB2_26:
0x29d: {  	s0 =	sadd.s32 $0xC, s12  }
0x29e: {  	p0 =	sge.s32 s0, s16  }
0x29f: {  	v6 =	vmov @!p0 s0;
	_ =	sdelay $0x3  }
0x2a0: {  	s10 =	simm.s32 @!p0 $0x5000  }
0x2a1: {  	v6 =	vld.idx.msk @!p0 [tilespmem:v6+s10+$0x0], $0xffff;
	_ =	sdelay $0x4  }
0x2a2: {  	(v2sf) =	vpush @!p0 v6, $0x0;
	_ =	sdelay $0xd  }
0x2a3: {  	s14 =	smulhi.u32 @!p0 $0x4EC4EC4F, s0;
	s15 =	sshra.s32 @!p0 s0, $0x1F  }
0x2a4: {  	s15 =	smul.u32 @!p0 $0x4EC4EC4F, s15;
	s10 =	spop @!p0 (v2sf)  }
0x2a5: {  	s13 =	sshra.s32 @!p0 s10, $0x1F  }
0x2a6: {  	s14 =	sadd.s32 @!p0 s15, s14;
	s13 =	sshrl.u32 @!p0 s13, $0x18  }
0x2a7: {  	s15 =	sshrl.u32 @!p0 s14, $0x1F;
	s14 =	sshrl.u32 @!p0 s14, $0x2;
	s13 =	sadd.s32 @!p0 s13, s10  }
0x2a8: {  	s14 =	sadd.s32 @!p0 s15, s14;
	s19 =	sand.u32 @!p0 $0xFFFFFF00, s13  }
0x2a9: {  	s14 =	smul.u32 @!p0 $0xD, s14;
	p1 =	slt.s32 @!p0 s10, $0x1;
	p2 =	sne.s32 @!p0 s10, s19  }
0x2aa: {  	p1 =	por @!p0 !p1, !p2  }
0x2ab: {  	s15 =	simm.s32 @!p0 $0x1;
	s0 =	ssub.s32 @!p0 s0, s14;
	p1 =	por @!p0 !p1, !p1  }
0x2ac: {  	s14 =	simm.s32 @!p0 $0x7A1400;
	s10 =	sshll.u32 @!p0 s10, $0x5;
	p1 =	por !p1, p0  }
0x2ad: {  	s13 =	sshra.s32 @!p0 s13, $0x8;
	s10 =	sadd.s32 @!p0 $0x2000, s10;
	s15 =	simm.s32 @p1 $0x0  }
0x2ae: {  	s0 =	sshll.u32 @!p0 s0, $0xF;
	s10 =	sand.u32 @!p0 $0x1FE0, s10;
	p1 =	seq.s32 @!p0 s13, s15  }
0x2af: {  	s10 =	sor.u32 @!p0 s7, s10;
	s13 =	smov.u32 s3;
	p1 =	por !p1, p0  }
0x2b0: {  	s0 =	sshra.s32 @!p0 s0, $0x2;
	s10 =	sshll.u32 @!p0 s10, $0x7;
	s13 =	smov.u32 @p1 s4  }
0x2b1: {  	v6 =	vmov s12;
	s0 =	sadd.s32 @!p0 $0x5200, s0;
	s10 =	sadd.s32 @!p0 s13, s10;
	s13 =	simm.s32 @!p0 $0x400  }
0x2b2: {  	[tilespmem:s0], [sflag:$0x2] =	stream.strided.gather @!p0 [hbm4b:s10+s13], $0x2000, s14, s13, $0x38;
	[tilespmem:$0x1FA00] =	vst v63  }
0x2b3: {  	_ =	swait.ge [sflag:s22], $0x2000  }
0x2b4: {  	[sflag:s22] =	ssyncset.done $0x0  }
0x2b5: {  	[sflag:s22] =	ssyncadd.s32 $0xFFFFE000  }
0x2b6: {  	v6 =	vld.idx.msk [tilespmem:v6+s21+$0x0], $0xffff;
	_ =	sdelay $0x4  }
0x2b7: {  	v6 =	vbroadcast v6, $0x0;
	_ =	sdelay $0x4  }
0x2b8: {  	s23 =	simm.s32 $0x4C00  }
0x2b9: {  	v7 =	vld.idx.msk [tilespmem:v6+s23+$0x0], $0xffff  }
0x2ba: {  	v6 =	vld.idx.msk [tilespmem:v6+s28+$0x0], $0xffff;
	_ =	sdelay $0x3  }
0x2bb: {  	(v2sf) =	vpush v7, $0x0  }
0x2bc: {  	(v2sf) =	vpush v6, $0x0;
	_ =	sdelay $0xd  }
0x2bd: {  	s14 =	spop (v2sf)  }
0x2be: {  	s13 =	spop (v2sf)  }
0x2bf: {  	s24 =	sadd.s32 s14, s13  }
0x2c0: {  	p0 =	sge.s32 s14, s24  }
.Ltmp18:
0x2c1: {  	_ = 	snop;
	(pc) =	sbr.rel @p0 .LBB2_34-.Ltmp18, $1  }
0x2c2: {  	_ =	sdelay $0x3  }
0x2c3: {  	s0 =	smulhi.u32 $0x4EC4EC4F, s12;
	_ =	sdelay $0x1  }
0x2c4: {  	s0 =	sshrl.u32 s0, $0x2  }
0x2c5: {  	s13 =	sadd.s32 $0xFFFFFFFF, s13;
	s0 =	smul.u32 $0xD, s0  }
0x2c6: {  	p1 =	sne.s32 s13, $0x0  }
.Ltmp19:
0x2c7: {  	v6 =	vmul.u32 $0x80, v3;
	s0 =	ssub.s32 s12, s0;
	(pc) =	sbr.rel @!p1 .LBB2_28-.Ltmp19, $4  }
0x2c8: {  	s0 =	sshll.u32 s0, $0xD  }
0x2c9: {  	v7 =	vor.u32 $0x800, v6;
	v9 =	vor.u32 s0, v6  }
0x2ca: {  	v8 =	vor.u32 s0, v7;
	v7 =	vor.u32 $0x1000, v6;
	v6 =	vor.u32 $0x1800, v6  }
0x2cb: {  	v10 =	vmov s14;
	p0 =	por $0x0, $0x0;
	v7 =	vor.u32 s0, v7;
	v6 =	vor.u32 s0, v6  }
0x2cc: {  	_ =	sdelay $0x3  }
0x2cd: {  	v11 =	vld.idx.msk [tilespmem:v10+s18+$0x0], $0xffff;
	_ =	sdelay $0x4  }
0x2ce: {  	(v2sf) =	vpush v11, $0x0;
	_ =	sdelay $0xe  }
0x2cf: {  	s0 =	spop (v2sf)  }
0x2d0: {  	s10 =	sshra.s32 s0, $0x1F  }
0x2d1: {  	s10 =	sshrl.u32 s10, $0x19  }
0x2d2: {  	s10 =	sadd.s32 s10, s0  }
0x2d3: {  	s10 =	sand.u32 $0xFFFFFF80, s10  }
0x2d4: {  	s0 =	ssub.s32 s0, s10  }
0x2d5: {  	v11 =	vmov s0  }
0x2d6: {  	v12 =	vand.u32 $0xFFFFFF80, v11  }
0x2d7: {  	v11 =	vand.u32 $0x7F, v11;
	v13 =	vadd.s32 v12, v9  }
0x2d8: {  	v13 =	vor.u32 v11, v13;
	_ =	sdelay $0x2  }
0x2d9: {  	s23 =	sshra.s32 s14, $0x1F  }
0x2da: {  	s0 =	sshrl.u32 s23, $0x1B  }
0x2db: {  	s0 =	sadd.s32 s0, s14;
	v14 =	vadd.s32 v12, v8;
	v13 =	vld.idx.msk [tilespmem:v13+s5+$0x0], $0xffff  }
0x2dc: {  	s0 =	sand.u32 $0xFFFFE0, s0;
	v14 =	vor.u32 v11, v14  }
0x2dd: {  	v10 =	vld.idx.msk [tilespmem:v10+s30+$0x0], $0xffff;
	s0 =	ssub.s32 s14, s0  }
0x2de: {  	s0 =	sshll.u32 s0, $0x8  }
0x2df: {  	s0 =	sshra.s32 s0, $0x2  }
0x2e0: {  	[tilespmem:s0+$0x1F200] =	vst v13  }
0x2e1: {  	v62 =	vadd.s32 v12, v7;
	v14 =	vld.idx.msk [tilespmem:v14+s5+$0x0], $0xffff  }
0x2e2: {  	(v2sf) =	vpush v10, $0x0;
	v13 =	vor.u32 v11, v62;
	_ =	sdelay $0x3  }
0x2e3: {  	[tilespmem:s0+$0x1F210] =	vst v14  }
0x2e4: {  	v10 =	vadd.s32 v12, v6;
	v63 =	vld.idx.msk [tilespmem:v13+s5+$0x0], $0xffff  }
0x2e5: {  	v10 =	vor.u32 v11, v10;
	_ =	sdelay $0x3  }
0x2e6: {  	[tilespmem:s0+$0x1F220] =	vst v63  }
0x2e7: {  	v10 =	vld.idx.msk [tilespmem:v10+s5+$0x0], $0xffff;
	_ =	sdelay $0x1  }
0x2e8: {  	s13 =	sadd.s32 $0xFFFFFFFF, s13  }
0x2e9: {  	p0 =	slt.s32 s14, $0x20;
	p1 =	sne.s32 s13, $0x0  }
.Ltmp20:
0x2ea: {  	s23 =	sadd.s32 $0x1, s14;
	s24 =	spop (v2sf);
	(pc) =	sbr.rel @!p1 .LBB2_30-.Ltmp20, $4  }
0x2eb: {  	s19 =	simm.s32 @!p0 $0x3;
	s10 =	sshll.u32 s24, $0x3;
	[tilespmem:s0+$0x1F230] =	vst v10;
	v10 =	vmov s23  }
0x2ec: {  	s10 =	sand.u32 $0x1FFFFFF8, s10;
	_ =	swait.ge @!p0 [sflag:s19], $0x40  }
0x2ed: {  	s15 =	sadd.s32 $0x1F200, s0;
	s24 =	sadd.s32 s8, s10;
	[sflag:s19] =	ssyncset.done @!p0 $0x0  }
0x2ee: {  	[sflag:s19] =	ssyncadd.s32 @!p0 $0xFFFFFFC0;
	p0 =	por $0x1, $0x1;
	s19 =	smov.u32 s23  }
.LBB2_31:
0x2ef: {  	[hbm4b:s24+s6] =	stream.linear.scatter [tilespmem:s15], [sflag:$0x3], $0x40, $0x38;
	[tilespmem:$0x1FA00] =	vst v63  }
0x2f0: {  	s13 =	sadd.s32 $0xFFFFFFFF, s13;
	v11 =	vld.idx.msk [tilespmem:v10+s18+$0x0], $0xffff  }
0x2f1: {  	p1 =	sne.s32 s13, $0x0;
	_ =	sdelay $0x4  }
0x2f2: {  	(v2sf) =	vpush v11, $0x0;
	_ =	sdelay $0xe  }
0x2f3: {  	s0 =	spop (v2sf)  }
0x2f4: {  	s10 =	sshra.s32 s0, $0x1F  }
0x2f5: {  	s10 =	sshrl.u32 s10, $0x19  }
0x2f6: {  	s10 =	sadd.s32 s10, s0  }
0x2f7: {  	s10 =	sand.u32 $0xFFFFFF80, s10  }
0x2f8: {  	s0 =	ssub.s32 s0, s10  }
0x2f9: {  	v11 =	vmov s0  }
0x2fa: {  	v12 =	vand.u32 $0xFFFFFF80, v11  }
0x2fb: {  	v11 =	vand.u32 $0x7F, v11;
	v13 =	vadd.s32 v12, v9;
	v14 =	vadd.s32 v12, v8  }
0x2fc: {  	v15 =	vadd.s32 v12, v7;
	v13 =	vor.u32 v11, v13;
	v14 =	vor.u32 v11, v14  }
0x2fd: {  	v12 =	vadd.s32 v12, v6;
	v15 =	vor.u32 v11, v15  }
0x2fe: {  	v11 =	vor.u32 v11, v12;
	_ =	sdelay $0x1  }
0x2ff: {  	s0 =	sshra.s32 s23, $0x1F  }
0x300: {  	s0 =	sshrl.u32 s0, $0x1B;
	v12 =	vld.idx.msk [tilespmem:v13+s5+$0x0], $0xffff  }
0x301: {  	s0 =	sadd.s32 s0, s23  }
0x302: {  	s0 =	sand.u32 $0xFFFFE0, s0  }
0x303: {  	s0 =	ssub.s32 s23, s0  }
0x304: {  	s0 =	sshll.u32 s0, $0x8  }
0x305: {  	s0 =	sshra.s32 s0, $0x2;
	v10 =	vld.idx.msk [tilespmem:v10+s30+$0x0], $0xffff  }
0x306: {  	[tilespmem:s0+$0x1F200] =	vst v12  }
0x307: {  	v12 =	vld.idx.msk [tilespmem:v14+s5+$0x0], $0xffff;
	_ =	sdelay $0x3  }
0x308: {  	(v2sf) =	vpush v10, $0x0;
	_ =	sdelay $0x1  }
0x309: {  	[tilespmem:s0+$0x1F210] =	vst v12  }
0x30a: {  	v10 =	vld.idx.msk [tilespmem:v15+s5+$0x0], $0xffff;
	_ =	sdelay $0x5  }
0x30b: {  	[tilespmem:s0+$0x1F220] =	vst v10  }
0x30c: {  	v11 =	vld.idx.msk [tilespmem:v11+s5+$0x0], $0xffff;
	_ =	sdelay $0x3  }
0x30d: {  	s23 =	sadd.s32 $0x1, s23  }
.Ltmp21:
0x30e: {  	p2 =	slt.s32 s19, $0x20;
	s10 =	spop (v2sf);
	(pc) =	sbr.rel @p1 .LBB2_31-.Ltmp21, $4  }
0x30f: {  	s14 =	simm.s32 @!p2 $0x3;
	s19 =	smov.u32 s23;
	v10 =	vmov s23;
	[tilespmem:s0+$0x1F230] =	vst v11;
	s10 =	sshll.u32 s10, $0x3  }
0x310: {  	_ =	swait.ge @!p2 [sflag:s14], $0x40;
	s10 =	sand.u32 $0x1FFFFFF8, s10  }
0x311: {  	[sflag:s14] =	ssyncset.done @!p2 $0x0  }
0x312: {  	s15 =	sadd.s32 $0x1F200, s0;
	s24 =	sadd.s32 s8, s10;
	[sflag:s14] =	ssyncadd.s32 @!p2 $0xFFFFFFC0  }
.Ltmp22:
0x313: {  	(pc) =	sbr.rel .LBB2_33-.Ltmp22, $2  }
0x314: {  	_ =	sdelay $0x2  }
0x315: {  	s14 =	smov.u32 s23  }
.LBB2_30:
.Ltmp23:
0x316: {  	(pc) =	sbr.rel .LBB2_33-.Ltmp23, $2  }
0x317: {  	_ =	sdelay $0x2  }
0x318: {  	s14 =	smov.u32 s23;
	s19 =	smov.u32 s23  }
.LBB2_35:
0x319: {  	p0 =	slt.s32 s11, $0x1  }
.Ltmp24:
0x31a: {  	_ = 	snop;
	(pc) =	sbr.rel @p0 .LBB2_39-.Ltmp24, $3  }
0x31b: {  	_ = 	snop  }
0x31c: {  	s10 =	sld [smem:$0x7F8];
	_ =	sdelay $0x1  }
0x31d: {  	vm0 =	vcmask $0x704  }
0x31e: {  	s0 =	smin.u32 s11, $0x20  }
0x31f: {  	p0 =	sne.s32 s0, $0x1  }
.Ltmp25:
0x320: {  	_ = 	snop;
	(pc) =	sbr.rel @!p0 .LBB2_38-.Ltmp25, $3  }
0x321: {  	_ =	sdelay $0x1  }
0x322: {  	_ =	swait.ge [sflag:s9], $0x40  }
0x323: {  	s11 =	sadd.s32 $0xFFFFFFFF, s0;
	[sflag:s9] =	ssyncset.done $0x0  }
.LBB2_37:
0x324: {  	p0 =	sne.s32 s11, $0x1;
	s11 =	sadd.s32 $0xFFFFFFFF, s11;
	[sflag:s9] =	ssyncadd.s32 $0xFFFFFFC0  }
.Ltmp26:
0x325: {  	(pc) =	sbr.rel @p0 .LBB2_37-.Ltmp26, $3  }
0x326: {  	_ =	sdelay $0x1  }
0x327: {  	_ =	swait.ge [sflag:s9], $0x40  }
0x328: {  	[sflag:s9] =	ssyncset.done $0x0  }
.Ltmp27:
0x329: {  	_ = 	snop;
	(pc) =	sbr.rel .LBB2_38-.Ltmp27, $1  }
0x32a: {  	_ =	sdelay $0x3  }
.LBB2_21:
.Ltmp28:
0x32b: {  	(pc) =	sbr.rel .LBB2_25-.Ltmp28, $2  }
0x32c: {  	_ =	sdelay $0x2  }
0x32d: {  	s14 =	simm.s32 $0x5200  }
.LBB2_23:
.Ltmp29:
0x32e: {  	(pc) =	sbr.rel .LBB2_25-.Ltmp29, $2  }
0x32f: {  	_ =	sdelay $0x2  }
0x330: {  	s14 =	simm.s32 $0x5200  }
.LBB2_40:
0x331: {  	_ =	sfence.sel $0x180000  }
0x332: {  	[bflag:$0x0] =	sbarrier.arrive $0xFFFF  }
0x333: {  	_ =	strace $0x90000047  }
0x334: {  	s0 =	stileid.u32;
	[bflag:$0x2] =	sbarrier.arrive $0xFFFF  }
0x335: {  	p0 =	sne.s32 s0, $0x0;
	s0 =	rddreg [dreg:$0x5]  }
0x336: {  	s0 =	sadd.s32 @!p0 $0x100000, s0  }
0x337: {  	[sflag:s0] =	ssyncadd.tile.s32 @!p0 $0x1;
	_ =	shalt  }
.Lfunc_end2:
_tile_overlayer_lowered:
.L_overlay_start_2:
0x338: {  	(tag) =	ssettag $0x2  }
0x339: {  	s0 =	rddreg [dreg:$0x0];
	s2 =	stileid.u32  }
0x33a: {  	s1 =	rddreg [dreg:$0x1];
	p0 =	sne.s32 s2, $0x0  }
0x33b: {  	s3 =	rddreg [dreg:$0x2];
	[bflag:$0x3] =	sbarrier.arrive $0xFFFF;
	s2 =	simm.s32 @!p0 $0x1C04  }
0x33c: {  	[timem:s3], [sflag:s2] =	dma.local @!p0 [hbm:s0], s1  }
0x33d: {  	s0 =	simm.s32 @!p0 $0x4  }
0x33e: {  	_ =	swait.ge @!p0 [sflag:s0], s1  }
0x33f: {  	s1 =	ssub.s32 @!p0 $0x0, s1;
	[sflag:s0] =	ssyncset.done @!p0 $0x0  }
0x340: {  	[sflag:s0] =	ssyncadd.s32 @!p0 s1  }
0x341: {  	[bflag:$0x3] =	sbarrier.arrive $0xFFFF  }
0x342: {  	_ =	shalt  }

// kernel: kernel.7.cloned.1.call-start
scs
__scs_entry_jumppad:
0x0: {  	(pc) =	sbr.rel $0x88, $3  }
0x1: {  	(tag) =	ssettag $0x0;
	lr =	simm.s32 $0x1  }
0x2: {  	[smem:$0x3F9D] =	sst lr;
	_ =	strace $0xD0000000  }
0x3: {  	_ = 	snop  }
0x4: {  	_ = 	snop  }
0x5: {  	_ = 	snop  }
0x6: {  	_ = 	snop  }
0x7: {  	_ = 	snop  }
__scs_overlays_trampoline_lowered:
0x8: {  	[smem:$0x3FAC] =	sst s0  }
0x9: {  	[smem:$0x3FAD] =	sst s1  }
0xa: {  	[smem:$0x3FAE] =	sst s2  }
0xb: {  	[smem:$0x3FAF] =	sst s3  }
0xc: {  	[smem:$0x3FB0] =	sst s4  }
0xd: {  	[smem:$0x3FB1] =	sst s5  }
0xe: {  	[smem:$0x3FB2] =	sst s6  }
0xf: {  	[smem:$0x3FB3] =	sst s7  }
0x10: {  	[smem:$0x3FB4] =	sst s8  }
0x11: {  	[smem:$0x3FB5] =	sst s9;
	s0 =	simm.s32 @!p0 $0x0  }
0x12: {  	s1 =	sld [smem:$0x3F9B];
	s0 =	simm.s32 @p0 $0x1  }
0x13: {  	[smem:$0x3FB6] =	sst s0;
	s0 =	simm.s32 @!p1 $0x0  }
0x14: {  	s2 =	sld [smem:$0x3F9A];
	s0 =	simm.s32 @p1 $0x1  }
0x15: {  	[smem:$0x3FB7] =	sst s0;
	s0 =	simm.s32 @!p2 $0x0  }
0x16: {  	s3 =	sld [smem:$0x3FDB];
	s0 =	simm.s32 @p2 $0x1  }
0x17: {  	s4 =	simm.s32 $0x1BF5;
	[smem:$0x3FB9] =	sst s0  }
0x18: {  	s0 =	sld [smem:$0x3F9C];
	_ =	swait.ge [sflag:s4], $0x0  }
0x19: {  	s7 =	sld [smem:$0x3F9D]  }
0x1a: {  	s8 =	sadd.s32 $0xFFFFE003, lr  }
0x1b: {  	s9 =	sadd.s32 $0xFFFFFEF7, lr;
	s5 =	simm.s32 $0xFFFFFFFF;
	p2 =	slt.u32 s8, $0xFFFFF086  }
0x1c: {  	p1 =	slt.u32 s9, $0xF7A;
	s5 =	simm.s32 @!p2 $0x0  }
0x1d: {  	s5 =	simm.s32 @p1 $0x1;
	p0 =	seq.s32 s7, s2  }
0x1e: {  	s7 =	smul.u32 @!p0 $0xF7A, s2;
	p2 =	seq.s32 @!p0 s5, $0x0  }
0x1f: {  	s9 =	smul.u32 $0xF7A, s1;
	s8 =	simm.s32 @!p0 $0x1BF5;
	p2 =	por !p2, p0  }
0x20: {  	[sflag:s8] =	ssyncset.s32 @!p0 $0xFFFFF086;
	s6 =	sadd.s32 @!p0 s3, s7;
	s7 =	simm.s32 @!p0 $0x108  }
0x21: {  	s3 =	sadd.s32 s3, s9;
	s6 =	sadd.s32 @!p0 $0x88, s6;
	s7 =	simm.s32 @p2 $0x1082  }
0x22: {  	[simem:s7], [sflag:s8] =	dma.local @!p0 [hbm:s6], $0xF7A  }
0x23: {  	s9 =	sor.u32 $0xD0000000, s2;
	s6 =	simm.s32 $0x108;
	_ =	swait.ge @!p0 [sflag:s8], $0x0  }
0x24: {  	s3 =	sadd.s32 $0x88, s3;
	s6 =	simm.s32 @!p1 $0x1082;
	[sflag:s4] =	ssyncset.s32 $0xFFFFF086  }
0x25: {  	[simem:s6], [sflag:s4] =	dma.local [hbm:s3], $0xF7A  }
0x26: {  	[smem:$0x3F9D] =	sst s1;
	(tag) =	ssettag s2;
	_ =	strace s9  }
0x27: {  	s1 =	sld [smem:$0x3FAD]  }
0x28: {  	s2 =	sld [smem:$0x3FAE]  }
0x29: {  	s4 =	sld [smem:$0x3FB0]  }
0x2a: {  	p0 =	seq.s32 s5, $0x0;
	s5 =	sld [smem:$0x3FB1]  }
0x2b: {  	s6 =	sld [smem:$0x3FB2]  }
0x2c: {  	s7 =	sld [smem:$0x3FB3]  }
0x2d: {  	s3 =	simm.s32 $0x108;
	s8 =	sld [smem:$0x3FB4]  }
0x2e: {  	s3 =	simm.s32 @!p0 $0x1082;
	s9 =	sld [smem:$0x3FB5]  }
0x2f: {  	lr =	sadd.s32 s0, s3;
	s0 =	sld [smem:$0x3FAC]  }
0x30: {  	s3 =	sld [smem:$0x3FAF]  }
0x31: {  	[smem:$0x3FB8] =	sst s10  }
0x32: {  	s10 =	sld [smem:$0x3FB6];
	_ =	sdelay $0x3  }
0x33: {  	p0 =	seq.s32 s10, $0x1;
	s10 =	sld [smem:$0x3FB8];
	_ =	sdelay $0x3  }
0x34: {  	[smem:$0x3FB8] =	sst s10  }
0x35: {  	s10 =	sld [smem:$0x3FB7];
	_ =	sdelay $0x3  }
0x36: {  	p1 =	seq.s32 s10, $0x1;
	s10 =	sld [smem:$0x3FB8];
	_ =	sdelay $0x3  }
0x37: {  	[smem:$0x3FB8] =	sst s10  }
0x38: {  	s10 =	sld [smem:$0x3FB9]  }
0x39: {  	_ = 	snop;
	(pc) =	sbr.ind lr, $3  }
0x3a: {  	_ = 	snop  }
0x3b: {  	_ = 	snop  }
0x3c: {  	p2 =	seq.s32 s10, $0x1;
	s10 =	sld [smem:$0x3FB8]  }
0x3d: {  	_ =	shalt  }
0x3e: {  	_ =	shalt  }
0x3f: {  	_ =	shalt  }
0x40: {  	_ =	shalt  }
0x41: {  	_ =	shalt  }
0x42: {  	_ =	shalt  }
0x43: {  	_ =	shalt  }
0x44: {  	_ =	shalt  }
0x45: {  	_ =	shalt  }
0x46: {  	_ =	shalt  }
0x47: {  	_ =	shalt  }
0x48: {  	_ =	shalt  }
0x49: {  	_ =	shalt  }
0x4a: {  	_ =	shalt  }
0x4b: {  	_ =	shalt  }
0x4c: {  	_ =	shalt  }
0x4d: {  	_ =	shalt  }
0x4e: {  	_ =	shalt  }
0x4f: {  	_ =	shalt  }
0x50: {  	_ =	shalt  }
0x51: {  	_ =	shalt  }
0x52: {  	_ =	shalt  }
0x53: {  	_ =	shalt  }
0x54: {  	_ =	shalt  }
0x55: {  	_ =	shalt  }
0x56: {  	_ =	shalt  }
0x57: {  	_ =	shalt  }
0x58: {  	_ =	shalt  }
0x59: {  	_ =	shalt  }
0x5a: {  	_ =	shalt  }
0x5b: {  	_ =	shalt  }
0x5c: {  	_ =	shalt  }
0x5d: {  	_ =	shalt  }
0x5e: {  	_ =	shalt  }
0x5f: {  	_ =	shalt  }
0x60: {  	_ =	shalt  }
0x61: {  	_ =	shalt  }
0x62: {  	_ =	shalt  }
0x63: {  	_ =	shalt  }
0x64: {  	_ =	shalt  }
0x65: {  	_ =	shalt  }
0x66: {  	_ =	shalt  }
0x67: {  	_ =	shalt  }
0x68: {  	_ =	shalt  }
0x69: {  	_ =	shalt  }
0x6a: {  	_ =	shalt  }
0x6b: {  	_ =	shalt  }
0x6c: {  	_ =	shalt  }
0x6d: {  	_ =	shalt  }
0x6e: {  	_ =	shalt  }
0x6f: {  	_ =	shalt  }
0x70: {  	_ =	shalt  }
0x71: {  	_ =	shalt  }
0x72: {  	_ =	shalt  }
0x73: {  	_ =	shalt  }
0x74: {  	_ =	shalt  }
0x75: {  	_ =	shalt  }
0x76: {  	_ =	shalt  }
0x77: {  	_ =	shalt  }
0x78: {  	_ =	shalt  }
0x79: {  	_ =	shalt  }
0x7a: {  	_ =	shalt  }
0x7b: {  	_ =	shalt  }
0x7c: {  	_ =	shalt  }
0x7d: {  	_ =	shalt  }
0x7e: {  	_ =	shalt  }
0x7f: {  	_ =	shalt  }
0x80: {  	_ =	shalt  }
0x81: {  	_ =	shalt  }
0x82: {  	_ =	shalt  }
0x83: {  	_ =	shalt  }
0x84: {  	_ =	shalt  }
0x85: {  	_ =	shalt  }
0x86: {  	_ =	shalt  }
0x87: {  	_ =	shalt  }
.Lfunc_end0:
.L_simem_size_0:
called_computation.1_lowered:
.L_overlay_start_0:
0x88: {  	s2 =	sld [smem:$0x3FD9]  }
0x89: {  	s3 =	sld [smem:$0x3FFE];
	_ =	sdelay $0x1  }
0x8a: {  	s1 =	srdreg.scid  }
0x8b: {  	s0 =	sand.u32 $0x1, s1  }
0x8c: {  	s17 =	sshll.u32 s0, $0xA;
	s2 =	sadd.s32 s3, s2  }
0x8d: {  	s2 =	sadd.s32 s2, s17  }
0x8e: {  	[smem:$0x3FC4] =	sst s2  }
0x8f: {  	_ = 	snop  }
0x90: {  	s2 =	sld [smem:$0x3FD0];
	(tm) =	ssettm $0x1  }
0x91: {  	s18 =	sld [smem:$0x3FFB];
	_ =	sdelay $0x3  }
0x92: {  	_ =	strace s18  }
0x93: {  	s3 =	sld [smem:$0x3FFC];
	_ =	sdelay $0x3  }
0x94: {  	_ =	strace s3  }
0x95: {  	s3 =	sld [smem:$0x3FFD];
	_ =	sdelay $0x3  }
0x96: {  	_ =	strace s3  }
0x97: {  	_ =	strace $0x8FFFFFFF  }
0x98: {  	s19 =	sld [smem:$0x3FDB];
	_ =	sdelay $0x1  }
0x99: {  	s4 =	simm.s32 $_scs_section_size  }
0x9a: {  	s5 =	simm.s32 $_size__tile_overlayer_lowered;
	s6 =	simm.s32 $_tile_overlayer_lowered  }
0x9b: {  	s22 =	simm.s32 $0x1BFF;
	s21 =	sshll.u32 s6, $0x1;
	s3 =	sadd.s32 s4, s19  }
0x9c: {  	s7 =	simm.s32 $0x0;
	s20 =	sshll.u32 s5, $0x1;
	s5 =	sadd.s32 s21, s3  }
0x9d: {  	[timem:s7], [sflag:s22] =	dma.local [hbm:s5], s20  }
0x9e: {  	_ =	swait.ge [sflag:s22], s20  }
0x9f: {  	s4 =	ssub.s32 $0x0, s20;
	[sflag:s22] =	ssyncset.done $0x0  }
0xa0: {  	[sflag:s22] =	ssyncadd.s32 s4;
	_ =	sdelay $0x1  }
0xa1: {  	s23 =	simm.s32 $0x1B8B  }
0xa2: {  	_ =	swait.ge [sflag:s23], $0x1  }
0xa3: {  	[sflag:s23] =	ssyncset.done $0x0  }
0xa4: {  	s25 =	simm.s32 $0x1B8E;
	s24 =	sld [smem:$0x3FFE];
	[sflag:s23] =	ssyncadd.s32 $0xFFFFFFFF  }
0xa5: {  	s26 =	simm.s32 $execute0_lowered;
	[smem:$0x3FD2] =	sst s25  }
0xa6: {  	s5 =	sshll.u32 s26, $0x1;
	_ =	strace $0x80000049;
	[dreg:$0x1] =	wrdreg $0xFFFFFFFF  }
0xa7: {  	s28 =	simm.s32 $_size_execute0_lowered;
	s3 =	sadd.s32 s3, s5;
	[dreg:$0x0] =	wrdreg $0x0  }
0xa8: {  	s5 =	sshll.u32 s28, $0x1;
	[dreg:$0x2] =	wrdreg s3  }
0xa9: {  	[dreg:$0x3] =	wrdreg s5  }
0xaa: {  	[dreg:$0x4] =	wrdreg $0xC0  }
0xab: {  	_ =	task [dreg:s7], $0x5FFFF  }
0xac: {  	[dreg:$0x1] =	wrdreg $0xFFFFFFFF  }
0xad: {  	[dreg:$0x0] =	wrdreg $0x60  }
0xae: {  	[dreg:$0x2] =	wrdreg s24  }
0xaf: {  	[dreg:$0x3] =	wrdreg s2  }
0xb0: {  	[dreg:$0x4] =	wrdreg $0x9  }
0xb1: {  	_ =	task.clear_ibuf [dreg:s7], $0x5FFFF;
	_ =	strace $0x90000049  }
0xb2: {  	s29 =	simm.s32 $0x9;
	_ =	strace $0x8000004B  }
0xb3: {  	_ =	swait.ge [sflag:s29], $0x1  }
0xb4: {  	[sflag:s29] =	ssyncadd.s32 $0xFFFFFFFF  }
0xb5: {  	_ =	strace $0x9000004B  }
0xb6: {  	_ =	sfence  }
0xb7: {  	s30 =	sld [smem:$0x0];
	_ =	sdelay $0x2  }
0xb8: {  	s31 =	sshll.u32 s1, $0xD;
	s1 =	sshrl.u32 s1, $0x2  }
0xb9: {  	s3 =	sand.u32 $0x4000, s31;
	s1 =	sadd.s32 s1, s30  }
0xba: {  	s0 =	sor.u32 s3, s0;
	s1 =	sshll.u32 s1, $0x11  }
0xbb: {  	s0 =	sor.u32 s1, s0  }
0xbc: {  	s0 =	sadd.s32 $0x8F2B, s0  }
0xbd: {  	[sflag:s0] =	ssyncadd.remote.s32 $0x1  }
0xbe: {  	_ =	sfence.sel $0xFFFF  }
0xbf: {  	[dreg:$0x0] =	wrdreg $0xFFFFFFFF;
	(pc) =	sbr.abs _section_cstart, $3  }
0xc0: {  	[dreg:$0x1] =	wrdreg $0xFFFFFFFF  }
0xc1: {  	_ =	task.clear_ibuf [dreg:s7], $0x2FFFF;
	_ =	strace $0x9FFFFFFF  }
0xc2: {  	(tm) =	ssettm $0x7FFFFFFF  }
0xc3: {  	_ =	shalt  }
tec
execute0_lowered:
.L_overlay_start_1:
0x0: {  	(tag) =	ssettag $0x1  }
0x1: {  	s3 =	rddreg [dreg:$0x0]  }
0x2: {  	s7 =	rddreg [dreg:$0x1]  }
0x3: {  	s0 =	rddreg [dreg:$0x2]  }
0x4: {  	s4 =	srdreg.scid;
	s1 =	stileid.u32  }
0x5: {  	s2 =	simm.s32 $0x0;
	s10 =	simm.s32 $0x8000;
	s11 =	simm.s32 $0x3  }
0x6: {  	s12 =	simm.s32 $0x0;
	s4 =	sand.u32 $0x1, s4;
	s5 =	sshll.u32 s1, $0x1  }
0x7: {  	[smem:$0x7FF] =	sst s2;
	s6 =	ssub.s32 $0x2, s4;
	s8 =	sor.u32 s4, s5  }
0x8: {  	s3 =	sadd.s32 $0x800, s3;
	s31 =	sshrl.u32 s6, $0x1;
	s5 =	sshll.u32 s8, $0xC  }
0x9: {  	_ =	strace $0x8000004A;
	s9 =	ssub.s32 s6, s31;
	s4 =	sadd.s32 s3, s5  }
0xa: {  	v0 =	vlaneseq.u32;
	s5 =	sshll.u32 s8, $0xF;
	s8 =	sshll.u32 s8, $0x6;
	s6 =	sadd.s32 $0x20000, s4  }
0xb: {  	v0 =	vmul.u32 $0x40, v0;
	s7 =	sadd.s32 s7, s8;
	s8 =	smax.u32 s9, $0x1;
	s9 =	simm.s32 $0x4000  }
.LBB2_1:
0xc: {  	[tilespmem:s2], [sflag:$0x1] =	stream.linear.gather [hbm4b:s4+s2], $0x2000, $0x38;
	[tilespmem:$0x8200] =	vst v63  }
0xd: {  	s13 =	simm.s32 $0x8000;
	s14 =	simm.s32 $0x0  }
0xe: {  	[tilespmem:s9], [sflag:$0x1] =	stream.linear.gather [hbm4b:s6+s2], $0x2000, $0x38;
	[tilespmem:$0x8200] =	vst v63  }
.LBB2_3:
0xf: {  	s15 =	smov.u32 s14;
	s24 =	sand.u32 $0x1, s14  }
0x10: {  	p1 =	seq.s32 s15, $0x3;
	p0 =	seq.s32 s24, $0x1  }
0x11: {  	s14 =	sadd.s32 $0x1, s15;
	p1 =	por !p0, p1  }
0x12: {  	s16 =	sshll.u32 @!p1 s14, $0xD  }
0x13: {  	s16 =	sadd.s32 @!p1 s5, s16  }
0x14: {  	s16 =	sshrl.u32 @!p1 s16, $0x3  }
0x15: {  	s17 =	simm.s32 @!p1 $0x0;
	s16 =	sadd.s32 @!p1 s3, s16  }
0x16: {  	[tilespmem:s17], [sflag:$0x1] =	stream.linear.gather @!p1 [hbm4b:s16+s17], $0x2000, $0x38;
	[tilespmem:$0x8200] =	vst v63  }
0x17: {  	s25 =	sand.u32 $0x1, s14;
	s18 =	simm.s32 @!p1 $0x4000;
	s16 =	sadd.s32 @!p1 $0x20000, s16  }
0x18: {  	[tilespmem:s18], [sflag:$0x1] =	stream.linear.gather @!p1 [hbm4b:s16+s17], $0x2000, $0x38;
	[tilespmem:$0x8200] =	vst v63  }
0x19: {  	p1 =	seq.s32 s25, $0x0  }
0x1a: {  	s16 =	sshll.u32 @!p1 s14, $0xD  }
0x1b: {  	s16 =	sadd.s32 @!p1 s5, s16  }
0x1c: {  	s16 =	sshrl.u32 @!p1 s16, $0x3  }
0x1d: {  	s17 =	simm.s32 @!p1 $0x0;
	s18 =	simm.s32 @!p1 $0x2000;
	s16 =	sadd.s32 @!p1 s3, s16  }
0x1e: {  	[tilespmem:s18], [sflag:$0x2] =	stream.linear.gather @!p1 [hbm4b:s16+s17], $0x2000, $0x38;
	[tilespmem:$0x8200] =	vst v63  }
0x1f: {  	s15 =	sshll.u32 s15, $0xD;
	s16 =	sadd.s32 @!p1 $0x20000, s16;
	s18 =	simm.s32 @!p1 $0x6000  }
0x20: {  	[tilespmem:s18], [sflag:$0x2] =	stream.linear.gather @!p1 [hbm4b:s16+s17], $0x2000, $0x38;
	[tilespmem:$0x8200] =	vst v63  }
0x21: {  	s26 =	simm.s32 $0x3C;
	s15 =	sand.u32 $0x2000, s15;
	s16 =	simm.s32 $0x2  }
0x22: {  	v1 =	vor.u32 s26, v0;
	v7 =	vmov s15;
	s16 =	simm.s32 @!p0 $0x1  }
0x23: {  	v1 =	vand.u32 $0x1FF8, v1;
	v50 =	vor.u32 $0x4, v7;
	_ =	swait.ge [sflag:s16], $0x2000  }
0x24: {  	s28 =	simm.s32 $0x3D;
	v3 =	vor.u32 v1, v50;
	[sflag:s16] =	ssyncset.done $0x0  }
0x25: {  	v2 =	vor.u32 s28, v0;
	[sflag:s16] =	ssyncadd.s32 $0xFFFFE000  }
0x26: {  	s29 =	simm.s32 $0x3E;
	v53 =	vor.u32 $0x5, v7;
	v1 =	vand.u32 $0x1FF8, v2;
	_ =	swait.ge [sflag:s16], $0x2000  }
0x27: {  	v4 =	vor.u32 v1, v53;
	v1 =	vor.u32 s29, v0;
	[sflag:s16] =	ssyncset.done $0x0  }
0x28: {  	v58 =	vor.u32 $0x6, v7;
	v1 =	vand.u32 $0x1FF8, v1;
	[sflag:s16] =	ssyncadd.s32 $0xFFFFE000  }
0x29: {  	v5 =	vor.u32 v1, v58;
	v1 =	vld.idx.msk [tilespmem:v3+s2+$0x0], $0xffff;
	_ =	sdelay $0x4  }
0x2a: {  	[tilespmem:$0x1FBA0] =	vst v1;
	v1 =	vld.idx.msk [tilespmem:v3+s9+$0x0], $0xffff  }
0x2b: {  	s31 =	simm.s32 $0x39  }
0x2c: {  	v8 =	vor.u32 s31, v0  }
0x2d: {  	v8 =	vand.u32 $0x1FF8, v8;
	v61 =	vor.u32 $0x1, v7;
	s18 =	simm.s32 $0x34  }
0x2e: {  	v10 =	vor.u32 v8, v61;
	v11 =	vor.u32 s18, v0  }
0x2f: {  	s29 =	simm.s32 $0x29;
	v11 =	vand.u32 $0x1FF0, v11;
	[tilespmem:$0x1FBB0] =	vst v1;
	v1 =	vld.idx.msk [tilespmem:v4+s2+$0x0], $0xffff  }
0x30: {  	v31 =	vor.u32 s29, v0;
	v13 =	vor.u32 v11, v50  }
0x31: {  	v31 =	vand.u32 $0x1FE8, v31  }
0x32: {  	s31 =	simm.s32 $0x25;
	v31 =	vor.u32 v31, v61  }
0x33: {  	v35 =	vor.u32 s31, v0;
	v19 =	vld.idx.msk [tilespmem:v10+s9+$0x0], $0xffff  }
0x34: {  	v35 =	vand.u32 $0x1FE0, v35;
	s29 =	simm.s32 $0xD;
	[tilespmem:$0x1FBC0] =	vst v1;
	v1 =	vld.idx.msk [tilespmem:v4+s9+$0x0], $0xffff  }
0x35: {  	v35 =	vor.u32 v35, v53;
	v59 =	vor.u32 s29, v0;
	s18 =	simm.s32 $0x21;
	v20 =	vld.idx.msk [tilespmem:v13+s2+$0x0], $0xffff  }
0x36: {  	v59 =	vand.u32 $0x1FC8, v59;
	v39 =	vor.u32 s18, v0;
	v21 =	vld.idx.msk [tilespmem:v13+s9+$0x0], $0xffff  }
0x37: {  	s19 =	simm.s32 $0x35;
	v59 =	vor.u32 v59, v53;
	v39 =	vand.u32 $0x1FE0, v39;
	v37 =	vld.idx.msk [tilespmem:v31+s2+$0x0], $0xffff  }
0x38: {  	v11 =	vor.u32 s19, v0;
	v39 =	vor.u32 v39, v61;
	v31 =	vld.idx.msk [tilespmem:v31+s9+$0x0], $0xffff  }
0x39: {  	s20 =	simm.s32 $0x36;
	v11 =	vand.u32 $0x1FF0, v11;
	[tilespmem:$0x1FBD0] =	vst v1;
	v1 =	vld.idx.msk [tilespmem:v5+s2+$0x0], $0xffff  }
0x3a: {  	s19 =	simm.s32 $0x1C;
	v14 =	vor.u32 v11, v53;
	v11 =	vor.u32 s20, v0;
	v42 =	vld.idx.msk [tilespmem:v35+s2+$0x0], $0xffff  }
0x3b: {  	v41 =	vor.u32 s19, v0;
	v11 =	vand.u32 $0x1FF0, v11;
	v35 =	vld.idx.msk [tilespmem:v35+s9+$0x0], $0xffff  }
0x3c: {  	s30 =	simm.s32 $0x38;
	v41 =	vand.u32 $0x1FD8, v41;
	v15 =	vor.u32 v11, v58;
	v11 =	vld.idx.msk [tilespmem:v59+s9+$0x0], $0xffff  }
0x3d: {  	v41 =	vor.u32 v41, v50;
	s16 =	sor.u32 s15, s30;
	v45 =	vld.idx.msk [tilespmem:v39+s2+$0x0], $0xffff  }
0x3e: {  	s21 =	simm.s32 $0x30;
	v6 =	vor.u32 s16, v0;
	[tilespmem:$0x1FC90] =	vst v1;
	v1 =	vld.idx.msk [tilespmem:v5+s9+$0x0], $0xffff  }
0x3f: {  	s16 =	sor.u32 s15, s21;
	v39 =	vld.idx.msk [tilespmem:v39+s9+$0x0], $0xffff  }
0x40: {  	v16 =	vor.u32 s16, v0;
	v22 =	vld.idx.msk [tilespmem:v14+s2+$0x0], $0xffff  }
0x41: {  	v23 =	vld.idx.msk [tilespmem:v14+s9+$0x0], $0xffff  }
0x42: {  	s28 =	simm.s32 $0x28;
	v48 =	vld.idx.msk [tilespmem:v41+s2+$0x0], $0xffff  }
0x43: {  	s30 =	simm.s32 $0x24;
	s16 =	sor.u32 s15, s28;
	[tilespmem:$0x1FCA0] =	vst v1;
	v1 =	vld.idx.msk [tilespmem:v6+s2+$0x0], $0xffff  }
0x44: {  	v34 =	vor.u32 s30, v0;
	v30 =	vor.u32 s16, v0;
	v41 =	vld.idx.msk [tilespmem:v41+s9+$0x0], $0xffff  }
0x45: {  	s17 =	simm.s32 $0x3A;
	v34 =	vand.u32 $0x1FE0, v34;
	v24 =	vld.idx.msk [tilespmem:v16+s2+$0x0], $0xffff  }
0x46: {  	v8 =	vor.u32 s17, v0;
	v34 =	vor.u32 v34, v50;
	v25 =	vld.idx.msk [tilespmem:v16+s9+$0x0], $0xffff  }
0x47: {  	v60 =	vor.u32 $0x2, v7;
	s17 =	simm.s32 $0x20;
	v9 =	vand.u32 $0x1FF8, v8;
	v3 =	vld [tilespmem:$0x1FBA0]  }
0x48: {  	v12 =	vor.u32 v9, v60;
	s16 =	sor.u32 s15, s17;
	[tilespmem:$0x1FBE0] =	vst v1;
	v1 =	vld.idx.msk [tilespmem:v6+s9+$0x0], $0xffff  }
0x49: {  	s24 =	simm.s32 $0x2C;
	s21 =	simm.s32 $0x18;
	v38 =	vor.u32 s16, v0;
	v36 =	vld.idx.msk [tilespmem:v30+s2+$0x0], $0xffff  }
0x4a: {  	v14 =	vor.u32 s24, v0;
	s16 =	sor.u32 s15, s21;
	v30 =	vld.idx.msk [tilespmem:v30+s9+$0x0], $0xffff  }
0x4b: {  	s25 =	simm.s32 $0x2D;
	v14 =	vand.u32 $0x1FE8, v14;
	v46 =	vor.u32 s16, v0;
	v40 =	vld.idx.msk [tilespmem:v34+s2+$0x0], $0xffff  }
0x4c: {  	v29 =	vor.u32 v14, v50;
	v14 =	vor.u32 s25, v0;
	v34 =	vld.idx.msk [tilespmem:v34+s9+$0x0], $0xffff  }
0x4d: {  	v14 =	vand.u32 $0x1FE8, v14;
	[tilespmem:$0x1FBF0] =	vst v1;
	v1 =	vld.idx.msk [tilespmem:v12+s2+$0x0], $0xffff  }
0x4e: {  	s25 =	simm.s32 $0x10;
	v16 =	vor.u32 v14, v53;
	v44 =	vld.idx.msk [tilespmem:v38+s2+$0x0], $0xffff  }
0x4f: {  	s16 =	sor.u32 s15, s25;
	v38 =	vld.idx.msk [tilespmem:v38+s9+$0x0], $0xffff  }
0x50: {  	v54 =	vor.u32 s16, v0;
	v52 =	vld.idx.msk [tilespmem:v46+s2+$0x0], $0xffff  }
0x51: {  	v46 =	vld.idx.msk [tilespmem:v46+s9+$0x0], $0xffff  }
0x52: {  	s30 =	simm.s32 $0x8;
	[tilespmem:$0x1FC60] =	vst v1;
	v1 =	vld.idx.msk [tilespmem:v12+s9+$0x0], $0xffff  }
0x53: {  	s16 =	sor.u32 s15, s30;
	v18 =	vld.idx.msk [tilespmem:v16+s2+$0x0], $0xffff  }
0x54: {  	v62 =	vor.u32 s16, v0;
	v33 =	vld.idx.msk [tilespmem:v16+s9+$0x0], $0xffff  }
0x55: {  	v16 =	vld.idx.msk [tilespmem:v54+s2+$0x0], $0xffff  }
0x56: {  	s31 =	simm.s32 $0x9;
	v5 =	vld [tilespmem:$0x1FBB0]  }
0x57: {  	s22 =	simm.s32 $0x31;
	v63 =	vor.u32 s31, v0;
	s18 =	simm.s32 $0x0;
	[tilespmem:$0x1FC70] =	vst v1;
	v1 =	vld.idx.msk [tilespmem:v15+s2+$0x0], $0xffff  }
0x58: {  	v63 =	vand.u32 $0x1FC8, v63;
	v8 =	vor.u32 s18, v0;
	v54 =	vld.idx.msk [tilespmem:v54+s9+$0x0], $0xffff;
	v12 =	vor.u32 s22, v0  }
0x59: {  	s23 =	simm.s32 $0x32;
	v63 =	vor.u32 v63, v61;
	v8 =	vand.u32 $0x1FC0, v8;
	v9 =	vld.idx.msk [tilespmem:v62+s2+$0x0], $0xffff;
	v12 =	vand.u32 $0x1FF0, v12  }
0x5a: {  	v2 =	vor.u32 v8, v53;
	v4 =	vld.idx.msk [tilespmem:v10+s2+$0x0], $0xffff;
	v17 =	vor.u32 v12, v61;
	v12 =	vor.u32 s23, v0  }
0x5b: {  	v3 =	vmul.f32 v5, v3;
	v5 =	vld [tilespmem:$0x1FBD0];
	v13 =	vand.u32 $0x1FF0, v12  }
0x5c: {  	v28 =	vor.u32 v13, v60;
	[tilespmem:$0x1FC40] =	vst v1;
	v1 =	vld.idx.msk [tilespmem:v15+s9+$0x0], $0xffff  }
0x5d: {  	[tilespmem:$0x1FCB0] =	vst v3;
	v3 =	vld [tilespmem:$0x1FBC0]  }
0x5e: {  	v10 =	vld.idx.msk [tilespmem:v63+s2+$0x0], $0xffff  }
0x5f: {  	v4 =	vmul.f32 v19, v4;
	v19 =	vmul.f32 v25, v24;
	v24 =	vld.idx.msk [tilespmem:v2+s2+$0x0], $0xffff  }
0x60: {  	v6 =	vld.idx.msk [tilespmem:v62+s9+$0x0], $0xffff  }
0x61: {  	s28 =	simm.s32 $0xC;
	[tilespmem:$0x1FC50] =	vst v1;
	v1 =	vld.idx.msk [tilespmem:v28+s2+$0x0], $0xffff  }
0x62: {  	v57 =	vor.u32 s28, v0;
	v3 =	vmul.f32 v5, v3;
	v5 =	vld.idx.msk [tilespmem:v63+s9+$0x0], $0xffff  }
0x63: {  	s26 =	simm.s32 $0x2E;
	v57 =	vand.u32 $0x1FC8, v57;
	v62 =	vld [tilespmem:$0x1FBF0]  }
0x64: {  	v57 =	vor.u32 v57, v50;
	v14 =	vor.u32 s26, v0;
	s22 =	simm.s32 $0x19;
	v26 =	vld.idx.msk [tilespmem:v17+s2+$0x0], $0xffff  }
0x65: {  	v47 =	vor.u32 s22, v0;
	v27 =	vld.idx.msk [tilespmem:v17+s9+$0x0], $0xffff;
	v15 =	vand.u32 $0x1FE8, v14  }
0x66: {  	v47 =	vand.u32 $0x1FD8, v47;
	v17 =	vor.u32 v15, v58;
	[tilespmem:$0x1FC20] =	vst v1;
	v1 =	vld.idx.msk [tilespmem:v28+s9+$0x0], $0xffff  }
0x67: {  	v47 =	vor.u32 v47, v61;
	v12 =	vld.idx.msk [tilespmem:v59+s2+$0x0], $0xffff  }
0x68: {  	v59 =	vld [tilespmem:$0x1FBE0]  }
0x69: {  	v13 =	vld.idx.msk [tilespmem:v57+s2+$0x0], $0xffff  }
0x6a: {  	[tilespmem:$0x1FCC0] =	vst v3;
	v3 =	vor.u32 v8, v58;
	s23 =	simm.s32 $0x14;
	v57 =	vld.idx.msk [tilespmem:v57+s9+$0x0], $0xffff  }
0x6b: {  	s24 =	simm.s32 $0x15;
	v49 =	vor.u32 s23, v0;
	[tilespmem:$0x1FC30] =	vst v1;
	v1 =	vld.idx.msk [tilespmem:v17+s2+$0x0], $0xffff  }
0x6c: {  	v51 =	vor.u32 s24, v0;
	s26 =	simm.s32 $0x11;
	v49 =	vand.u32 $0x1FD0, v49;
	v32 =	vld.idx.msk [tilespmem:v47+s2+$0x0], $0xffff  }
0x6d: {  	v55 =	vor.u32 s26, v0;
	v49 =	vor.u32 v49, v50;
	v47 =	vld.idx.msk [tilespmem:v47+s9+$0x0], $0xffff;
	v63 =	vmul.f32 v62, v59  }
0x6e: {  	v55 =	vand.u32 $0x1FD0, v55;
	v62 =	vmul.f32 v23, v22;
	v22 =	vmul.f32 v33, v18;
	v33 =	vld.idx.msk [tilespmem:v2+s9+$0x0], $0xffff  }
0x6f: {  	v55 =	vor.u32 v55, v61;
	v18 =	vmul.f32 v30, v36;
	v36 =	vmul.f32 v31, v37;
	v37 =	vld.idx.msk [tilespmem:v3+s2+$0x0], $0xffff  }
0x70: {  	v51 =	vand.u32 $0x1FD0, v51;
	[tilespmem:$0x1FC00] =	vst v1;
	v1 =	vld.idx.msk [tilespmem:v17+s9+$0x0], $0xffff  }
0x71: {  	v51 =	vor.u32 v51, v53;
	v3 =	vld.idx.msk [tilespmem:v3+s9+$0x0], $0xffff  }
0x72: {  	v56 =	vld.idx.msk [tilespmem:v49+s2+$0x0], $0xffff  }
0x73: {  	v49 =	vld.idx.msk [tilespmem:v49+s9+$0x0], $0xffff  }
0x74: {  	v14 =	vld.idx.msk [tilespmem:v55+s2+$0x0], $0xffff  }
0x75: {  	v55 =	vld.idx.msk [tilespmem:v55+s9+$0x0], $0xffff;
	[tilespmem:$0x1FC10] =	vst v1;
	v1 =	vor.u32 v8, v50  }
0x76: {  	v15 =	vld.idx.msk [tilespmem:v51+s2+$0x0], $0xffff  }
0x77: {  	s21 =	simm.s32 $0x26;
	v2 =	vor.u32 v8, v61;
	v51 =	vld.idx.msk [tilespmem:v51+s9+$0x0], $0xffff  }
0x78: {  	v6 =	vmul.f32 v6, v9;
	v9 =	vor.u32 s21, v0;
	v28 =	vld.idx.msk [tilespmem:v29+s2+$0x0], $0xffff  }
0x79: {  	v9 =	vand.u32 $0x1FE0, v9;
	v30 =	vor.u32 v8, v60;
	v29 =	vld.idx.msk [tilespmem:v29+s9+$0x0], $0xffff  }
0x7a: {  	s20 =	simm.s32 $0x1D;
	s16 =	sor.u32 s15, s18;
	[tilespmem:$0x1FC80] =	vst v4;
	v9 =	vor.u32 v9, v58;
	v4 =	vld.idx.msk [tilespmem:v1+s2+$0x0], $0xffff  }
0x7b: {  	v43 =	vor.u32 s20, v0;
	v59 =	vmul.f32 v21, v20;
	v23 =	vld.idx.msk [tilespmem:v1+s9+$0x0], $0xffff;
	v1 =	vor.u32 s16, v0  }
0x7c: {  	v43 =	vand.u32 $0x1FD8, v43;
	v20 =	vmul.f32 v27, v26;
	v26 =	vmul.f32 v35, v42;
	v42 =	vld.idx.msk [tilespmem:v2+s2+$0x0], $0xffff  }
0x7d: {  	s19 =	simm.s32 $0x2A;
	v43 =	vor.u32 v43, v53;
	v2 =	vld.idx.msk [tilespmem:v2+s9+$0x0], $0xffff  }
0x7e: {  	v31 =	vmul.f32 v46, v52;
	v52 =	vld.idx.msk [tilespmem:v30+s9+$0x0], $0xffff;
	v21 =	vmul.f32 v29, v28;
	v28 =	vor.u32 s19, v0  }
0x7f: {  	v27 =	vmul.f32 v38, v44;
	v24 =	vmul.f32 v33, v24;
	v33 =	vld.idx.msk [tilespmem:v9+s2+$0x0], $0xffff;
	v29 =	vand.u32 $0x1FE8, v28  }
0x80: {  	v28 =	vmul.f32 v39, v45;
	v39 =	vor.u32 v29, v60;
	v29 =	vor.u32 $0x3, v7;
	v38 =	vld.idx.msk [tilespmem:v1+s9+$0x0], $0xffff  }
0x81: {  	v25 =	vmul.f32 v34, v40;
	v40 =	vld.idx.msk [tilespmem:v1+s2+$0x0], $0xffff;
	v1 =	vmul.f32 v41, v48;
	v41 =	vor.u32 v8, v29  }
0x82: {  	v9 =	vld.idx.msk [tilespmem:v9+s9+$0x0], $0xffff;
	v48 =	vor.u32 $0x7, v7  }
0x83: {  	s20 =	simm.s32 $0xA;
	v34 =	vmul.f32 v49, v56;
	v49 =	vld.idx.msk [tilespmem:v30+s2+$0x0], $0xffff;
	v7 =	vor.u32 v8, v48  }
0x84: {  	v5 =	vmul.f32 v5, v10;
	v17 =	vld.idx.msk [tilespmem:v43+s2+$0x0], $0xffff;
	v8 =	vor.u32 s20, v0  }
0x85: {  	s24 =	simm.s32 $0x12;
	v11 =	vmul.f32 v11, v12;
	v13 =	vmul.f32 v57, v13;
	v43 =	vld.idx.msk [tilespmem:v43+s9+$0x0], $0xffff;
	v8 =	vand.u32 $0x1FC8, v8  }
0x86: {  	s22 =	simm.s32 $0xB;
	v57 =	vor.u32 s24, v0;
	v44 =	vmul.f32 v54, v16;
	v8 =	vor.u32 v8, v60;
	v12 =	vld.idx.msk [tilespmem:v41+s2+$0x0], $0xffff  }
0x87: {  	v54 =	vor.u32 s22, v0;
	v32 =	vmul.f32 v47, v32;
	v46 =	vmul.f32 v55, v14;
	v10 =	vld.idx.msk [tilespmem:v41+s9+$0x0], $0xffff  }
0x88: {  	v2 =	vmul.f32 v2, v42;
	v4 =	vmul.f32 v23, v4;
	v23 =	vand.u32 $0x1FC8, v54;
	v55 =	vld.idx.msk [tilespmem:v7+s2+$0x0], $0xffff  }
0x89: {  	v35 =	vmul.f32 v51, v15;
	v23 =	vor.u32 v23, v29;
	v38 =	vmul.f32 v38, v40;
	v56 =	vld.idx.msk [tilespmem:v7+s9+$0x0], $0xffff  }
0x8a: {  	s23 =	simm.s32 $0xE;
	v42 =	vmul.f32 v52, v49;
	v2 =	vadd.f32 $0.0e+00, v2;
	v52 =	vand.u32 $0x1FD0, v57;
	v30 =	vld.idx.msk [tilespmem:v39+s2+$0x0], $0xffff  }
0x8b: {  	v7 =	vor.u32 s23, v0;
	v51 =	vadd.f32 $0.0e+00, v38;
	v38 =	vor.u32 v52, v60;
	v40 =	vld.idx.msk [tilespmem:v8+s2+$0x0], $0xffff  }
0x8c: {  	s25 =	simm.s32 $0xF;
	v3 =	vmul.f32 v3, v37;
	v2 =	vadd.f32 v24, v2;
	v7 =	vand.u32 $0x1FC8, v7;
	v8 =	vld.idx.msk [tilespmem:v8+s9+$0x0], $0xffff  }
0x8d: {  	v49 =	vor.u32 v7, v58;
	v7 =	vld.idx.msk [tilespmem:v39+s9+$0x0], $0xffff;
	v10 =	vmul.f32 v10, v12;
	v12 =	vor.u32 s25, v0  }
0x8e: {  	s31 =	simm.s32 $0x1E;
	v42 =	vadd.f32 $0.0e+00, v42;
	v12 =	vand.u32 $0x1FC8, v12;
	v54 =	vmul.f32 v56, v55;
	v55 =	vld.idx.msk [tilespmem:v23+s2+$0x0], $0xffff  }
0x8f: {  	s28 =	simm.s32 $0x22;
	v2 =	vadd.f32 v5, v2;
	v5 =	vor.u32 s31, v0;
	v23 =	vld.idx.msk [tilespmem:v23+s9+$0x0], $0xffff;
	v12 =	vor.u32 v12, v48  }
0x90: {  	s26 =	simm.s32 $0x13;
	v57 =	vor.u32 s28, v0;
	v3 =	vadd.f32 v3, v42;
	v5 =	vand.u32 $0x1FD8, v5;
	v52 =	vld.idx.msk [tilespmem:v38+s2+$0x0], $0xffff  }
0x91: {  	v5 =	vor.u32 v5, v58;
	v4 =	vadd.f32 v4, v51;
	v56 =	vor.u32 s26, v0;
	v38 =	vld.idx.msk [tilespmem:v38+s9+$0x0], $0xffff  }
0x92: {  	s30 =	simm.s32 $0x17;
	v2 =	vadd.f32 v11, v2;
	v17 =	vmul.f32 v43, v17;
	v37 =	vand.u32 $0x1FD0, v56;
	v24 =	vld.idx.msk [tilespmem:v49+s2+$0x0], $0xffff  }
0x93: {  	s29 =	simm.s32 $0x16;
	v4 =	vadd.f32 v6, v4;
	v6 =	vor.u32 s30, v0;
	v47 =	vld.idx.msk [tilespmem:v49+s9+$0x0], $0xffff;
	v37 =	vor.u32 v37, v29  }
0x94: {  	v8 =	vmul.f32 v8, v40;
	v49 =	vor.u32 s29, v0;
	v40 =	vand.u32 $0x1FE0, v57;
	v51 =	vld.idx.msk [tilespmem:v12+s2+$0x0], $0xffff  }
0x95: {  	v10 =	vadd.f32 $0.0e+00, v10;
	v42 =	vand.u32 $0x1FD0, v49;
	v40 =	vor.u32 v40, v60;
	v12 =	vld.idx.msk [tilespmem:v12+s9+$0x0], $0xffff  }
0x96: {  	s17 =	simm.s32 $0x1A;
	v6 =	vand.u32 $0x1FD0, v6;
	v42 =	vor.u32 v42, v58;
	v38 =	vmul.f32 v38, v52;
	v52 =	vld.idx.msk [tilespmem:v5+s2+$0x0], $0xffff  }
0x97: {  	v6 =	vor.u32 v6, v48;
	v10 =	vadd.f32 v54, v10;
	v54 =	vor.u32 s17, v0;
	v5 =	vld.idx.msk [tilespmem:v5+s9+$0x0], $0xffff  }
0x98: {  	v3 =	vadd.f32 v8, v3;
	v43 =	vand.u32 $0x1FD8, v54;
	v23 =	vmul.f32 v23, v55;
	v8 =	vld.idx.msk [tilespmem:v37+s2+$0x0], $0xffff  }
0x99: {  	v2 =	vadd.f32 v46, v2;
	s20 =	simm.s32 $0x1B;
	v43 =	vor.u32 v43, v60;
	v37 =	vld.idx.msk [tilespmem:v37+s9+$0x0], $0xffff  }
0x9a: {  	s28 =	simm.s32 $0x2B;
	v56 =	vor.u32 s20, v0;
	v4 =	vadd.f32 v13, v4;
	v10 =	vadd.f32 v23, v10;
	v23 =	vld.idx.msk [tilespmem:v40+s2+$0x0], $0xffff  }
0x9b: {  	v41 =	vand.u32 $0x1FD8, v56;
	v56 =	vor.u32 s28, v0;
	v24 =	vmul.f32 v47, v24;
	v55 =	vld.idx.msk [tilespmem:v42+s2+$0x0], $0xffff  }
0x9c: {  	v2 =	vadd.f32 v35, v2;
	v35 =	vand.u32 $0x1FE8, v56;
	v11 =	vld.idx.msk [tilespmem:v42+s9+$0x0], $0xffff  }
0x9d: {  	v4 =	vadd.f32 v44, v4;
	v35 =	vor.u32 v35, v29;
	v3 =	vadd.f32 v24, v3;
	v24 =	vld.idx.msk [tilespmem:v6+s2+$0x0], $0xffff  }
0x9e: {  	s22 =	simm.s32 $0x1F;
	v41 =	vor.u32 v41, v29;
	v49 =	vld.idx.msk [tilespmem:v43+s2+$0x0], $0xffff  }
0x9f: {  	s23 =	simm.s32 $0x23;
	v57 =	vor.u32 s22, v0;
	v4 =	vadd.f32 v34, v4;
	v43 =	vld.idx.msk [tilespmem:v43+s9+$0x0], $0xffff;
	v12 =	vmul.f32 v12, v51  }
0xa0: {  	v51 =	vor.u32 s23, v0;
	v8 =	vmul.f32 v37, v8;
	v37 =	vld.idx.msk [tilespmem:v40+s9+$0x0], $0xffff;
	v40 =	vand.u32 $0x1FD8, v57  }
0xa1: {  	s24 =	simm.s32 $0x2F;
	v6 =	vld.idx.msk [tilespmem:v6+s9+$0x0], $0xffff;
	v45 =	vand.u32 $0x1FE0, v51;
	v10 =	vadd.f32 v12, v10;
	v40 =	vor.u32 v40, v48  }
0xa2: {  	s25 =	simm.s32 $0x27;
	v54 =	vor.u32 s24, v0;
	v4 =	vadd.f32 v31, v4;
	v31 =	vld.idx.msk [tilespmem:v35+s2+$0x0], $0xffff;
	v45 =	vor.u32 v45, v29  }
0xa3: {  	v11 =	vmul.f32 v11, v55;
	v55 =	vld.idx.msk [tilespmem:v41+s2+$0x0], $0xffff;
	v8 =	vadd.f32 v8, v10;
	v10 =	vor.u32 s25, v0  }
0xa4: {  	v39 =	vand.u32 $0x1FE8, v54;
	v3 =	vadd.f32 v38, v3;
	v41 =	vld.idx.msk [tilespmem:v41+s9+$0x0], $0xffff;
	v10 =	vand.u32 $0x1FE0, v10  }
0xa5: {  	s26 =	simm.s32 $0x33;
	v39 =	vor.u32 v39, v48;
	v43 =	vmul.f32 v43, v49;
	v49 =	vld.idx.msk [tilespmem:v35+s9+$0x0], $0xffff;
	v10 =	vor.u32 v10, v48  }
0xa6: {  	s21 =	simm.s32 $0x37;
	v6 =	vmul.f32 v6, v24;
	v24 =	vor.u32 s26, v0;
	v3 =	vadd.f32 v11, v3;
	v57 =	vld.idx.msk [tilespmem:v40+s2+$0x0], $0xffff  }
0xa7: {  	v5 =	vmul.f32 v5, v52;
	v12 =	vor.u32 s21, v0;
	v24 =	vand.u32 $0x1FF0, v24;
	v40 =	vld.idx.msk [tilespmem:v40+s9+$0x0], $0xffff  }
0xa8: {  	v12 =	vand.u32 $0x1FF0, v12;
	v24 =	vor.u32 v24, v29;
	v11 =	vld.idx.msk [tilespmem:v45+s2+$0x0], $0xffff;
	v3 =	vadd.f32 v43, v3  }
0xa9: {  	v1 =	vadd.f32 v1, v4;
	v12 =	vor.u32 v12, v48;
	v6 =	vadd.f32 v6, v8;
	v45 =	vld.idx.msk [tilespmem:v45+s9+$0x0], $0xffff  }
0xaa: {  	v4 =	vmul.f32 v37, v23;
	v34 =	vmul.f32 v41, v55;
	v3 =	vadd.f32 v5, v3;
	v8 =	vld.idx.msk [tilespmem:v10+s2+$0x0], $0xffff  }
0xab: {  	v9 =	vmul.f32 v9, v33;
	v10 =	vld.idx.msk [tilespmem:v10+s9+$0x0], $0xffff  }
0xac: {  	v23 =	vld.idx.msk [tilespmem:v39+s2+$0x0], $0xffff;
	v6 =	vadd.f32 v34, v6;
	v3 =	vadd.f32 v4, v3;
	v47 =	vmul.f32 v40, v57  }
0xad: {  	v1 =	vadd.f32 v27, v1;
	v27 =	vld.idx.msk [tilespmem:v24+s2+$0x0], $0xffff  }
0xae: {  	s19 =	simm.s32 $0x3B;
	v3 =	vadd.f32 v9, v3;
	v9 =	vld.idx.msk [tilespmem:v12+s9+$0x0], $0xffff;
	v5 =	vadd.f32 v47, v6;
	v6 =	vmul.f32 v45, v11  }
0xaf: {  	v2 =	vadd.f32 v32, v2;
	v42 =	vor.u32 s19, v0;
	v11 =	vld.idx.msk [tilespmem:v39+s9+$0x0], $0xffff  }
0xb0: {  	s18 =	simm.s32 $0x3F;
	v42 =	vand.u32 $0x1FF8, v42;
	v4 =	vadd.f32 v6, v5;
	v5 =	vmul.f32 v10, v8;
	v8 =	vld.idx.msk [tilespmem:v12+s2+$0x0], $0xffff  }
0xb1: {  	v13 =	vor.u32 s18, v0;
	v42 =	vor.u32 v42, v29;
	v10 =	vld [tilespmem:$0x1FC00]  }
0xb2: {  	v2 =	vadd.f32 v17, v2;
	v13 =	vand.u32 $0x1FF8, v13;
	v12 =	vld [tilespmem:$0x1FC10]  }
0xb3: {  	v13 =	vor.u32 v13, v48;
	v6 =	vld.idx.msk [tilespmem:v24+s9+$0x0], $0xffff;
	v4 =	vadd.f32 v5, v4;
	v5 =	vmul.f32 v49, v31  }
0xb4: {  	v14 =	vld [tilespmem:$0x1FC30];
	v7 =	vmul.f32 v7, v30  }
0xb5: {  	v2 =	vadd.f32 v28, v2;
	v4 =	vadd.f32 v5, v4;
	v5 =	vmul.f32 v11, v23;
	v11 =	vld [tilespmem:$0x1FC20]  }
0xb6: {  	v3 =	vadd.f32 v7, v3;
	v7 =	vld.idx.msk [tilespmem:v42+s9+$0x0], $0xffff  }
0xb7: {  	v2 =	vadd.f32 v26, v2;
	v10 =	vmul.f32 v12, v10;
	v12 =	vld.idx.msk [tilespmem:v42+s2+$0x0], $0xffff  }
0xb8: {  	v1 =	vadd.f32 v25, v1;
	v4 =	vadd.f32 v5, v4;
	v5 =	vmul.f32 v6, v27;
	v6 =	vld.idx.msk [tilespmem:v13+s9+$0x0], $0xffff  }
0xb9: {  	v3 =	vadd.f32 v10, v3;
	v10 =	vld [tilespmem:$0x1FC40]  }
0xba: {  	v2 =	vadd.f32 v36, v2;
	v1 =	vadd.f32 v18, v1;
	v11 =	vmul.f32 v14, v11;
	v14 =	vld.idx.msk [tilespmem:v13+s2+$0x0], $0xffff  }
0xbb: {  	v4 =	vadd.f32 v5, v4;
	v5 =	vmul.f32 v9, v8;
	v8 =	vld [tilespmem:$0x1FC60]  }
0xbc: {  	v2 =	vadd.f32 v22, v2;
	v1 =	vadd.f32 v21, v1;
	v9 =	vld [tilespmem:$0x1FC70]  }
0xbd: {  	v4 =	vadd.f32 v5, v4;
	v5 =	vmul.f32 v7, v12;
	v7 =	vld [tilespmem:$0x1FC80]  }
0xbe: {  	v2 =	vadd.f32 v20, v2;
	v1 =	vadd.f32 v19, v1;
	v13 =	vld [tilespmem:$0x1FC50]  }
0xbf: {  	v4 =	vadd.f32 v5, v4;
	v5 =	vmul.f32 v6, v14;
	v6 =	vld [tilespmem:$0x1FCB0]  }
0xc0: {  	v2 =	vadd.f32 v62, v2;
	v1 =	vadd.f32 v59, v1  }
0xc1: {  	v8 =	vmul.f32 v9, v8;
	v9 =	vld [tilespmem:$0x1FCA0]  }
0xc2: {  	v1 =	vadd.f32 v63, v1;
	v2 =	vadd.f32 v7, v2;
	v7 =	vld [tilespmem:$0x1FC90]  }
0xc3: {  	v3 =	vadd.f32 v11, v3;
	v10 =	vmul.f32 v13, v10  }
0xc4: {  	v1 =	vadd.f32 v6, v1;
	v6 =	vld [tilespmem:$0x1FCC0]  }
0xc5: {  	v3 =	vadd.f32 v10, v3;
	_ =	sdelay $0x1  }
0xc6: {  	v3 =	vadd.f32 v8, v3;
	v7 =	vmul.f32 v9, v7  }
0xc7: {  	s29 =	simm.s32 $0x43C;
	v4 =	vadd.f32 v5, v4  }
0xc8: {  	s30 =	simm.s32 $0x43D;
	v3 =	vadd.f32 v7, v3;
	v2 =	vadd.f32 v6, v2;
	v6 =	vor.u32 s29, v0  }
0xc9: {  	v5 =	vand.u32 $0x1FF8, v6;
	v6 =	vor.u32 s30, v0  }
0xca: {  	v5 =	vor.u32 v5, v50;
	v1 =	vadd.f32 v2, v1;
	v2 =	vadd.f32 v4, v3  }
0xcb: {  	s31 =	simm.s32 $0x43E;
	v3 =	vand.u32 $0x1FF8, v6  }
0xcc: {  	v4 =	vor.u32 s31, v0;
	v3 =	vor.u32 v3, v53;
	v1 =	vadd.f32 v2, v1  }
0xcd: {  	v2 =	vand.u32 $0x1FF8, v4  }
0xce: {  	v4 =	vor.u32 v2, v58;
	[tilespmem:s13+$0x0] =	vst v1  }
0xcf: {  	s18 =	simm.s32 $0x439;
	v1 =	vld.idx.msk [tilespmem:v5+s2+$0x0], $0xffff  }
0xd0: {  	v2 =	vor.u32 s18, v0;
	v11 =	vld.idx.msk [tilespmem:v5+s9+$0x0], $0xffff  }
0xd1: {  	s17 =	simm.s32 $0x438;
	s19 =	simm.s32 $0x43A;
	v5 =	vand.u32 $0x1FF8, v2;
	v2 =	vld.idx.msk [tilespmem:v3+s2+$0x0], $0xffff  }
0xd2: {  	s16 =	sor.u32 s15, s17;
	v6 =	vor.u32 s19, v0;
	v17 =	vld.idx.msk [tilespmem:v3+s9+$0x0], $0xffff  }
0xd3: {  	v7 =	vor.u32 s16, v0;
	v3 =	vand.u32 $0x1FF8, v6;
	v6 =	vld.idx.msk [tilespmem:v4+s2+$0x0], $0xffff  }
0xd4: {  	v5 =	vor.u32 v5, v61;
	v4 =	vld.idx.msk [tilespmem:v4+s9+$0x0], $0xffff;
	_ =	sdelay $0x2  }
0xd5: {  	s20 =	simm.s32 $0x434;
	v3 =	vor.u32 v3, v60  }
0xd6: {  	s21 =	simm.s32 $0x435;
	v21 =	vld.idx.msk [tilespmem:v7+s9+$0x0], $0xffff;
	[tilespmem:$0x1FCD0] =	vst v6;
	v6 =	vor.u32 s20, v0  }
0xd7: {  	v8 =	vor.u32 s21, v0;
	v18 =	vld.idx.msk [tilespmem:v5+s2+$0x0], $0xffff;
	[tilespmem:$0x1FCE0] =	vst v4;
	v4 =	vand.u32 $0x1FF0, v6  }
0xd8: {  	s22 =	simm.s32 $0x436;
	v6 =	vld.idx.msk [tilespmem:v7+s2+$0x0], $0xffff;
	v7 =	vand.u32 $0x1FF0, v8;
	v4 =	vor.u32 v4, v50  }
0xd9: {  	v22 =	vld.idx.msk [tilespmem:v5+s9+$0x0], $0xffff;
	v8 =	vor.u32 v7, v53;
	v7 =	vor.u32 s22, v0  }
0xda: {  	v5 =	vand.u32 $0x1FF0, v7;
	v7 =	vld.idx.msk [tilespmem:v3+s2+$0x0], $0xffff  }
0xdb: {  	v3 =	vld.idx.msk [tilespmem:v3+s9+$0x0], $0xffff  }
0xdc: {  	v5 =	vor.u32 v5, v58  }
0xdd: {  	v30 =	vld.idx.msk [tilespmem:v4+s2+$0x0], $0xffff  }
0xde: {  	s24 =	simm.s32 $0x431;
	s23 =	simm.s32 $0x430;
	v23 =	vld.idx.msk [tilespmem:v8+s2+$0x0], $0xffff  }
0xdf: {  	s25 =	simm.s32 $0x432;
	v9 =	vor.u32 s24, v0;
	s16 =	sor.u32 s15, s23;
	v27 =	vld.idx.msk [tilespmem:v8+s9+$0x0], $0xffff;
	[tilespmem:$0x1FCF0] =	vst v7  }
0xe0: {  	[tilespmem:$0x1FD00] =	vst v3;
	v3 =	vor.u32 s16, v0;
	v7 =	vld.idx.msk [tilespmem:v4+s9+$0x0], $0xffff;
	v4 =	vand.u32 $0x1FF0, v9;
	v9 =	vor.u32 s25, v0  }
0xe1: {  	v8 =	vand.u32 $0x1FF0, v9;
	v9 =	vld.idx.msk [tilespmem:v5+s2+$0x0], $0xffff  }
0xe2: {  	v4 =	vor.u32 v4, v61;
	v5 =	vld.idx.msk [tilespmem:v5+s9+$0x0], $0xffff;
	_ =	sdelay $0x1  }
0xe3: {  	v8 =	vor.u32 v8, v60  }
0xe4: {  	s26 =	simm.s32 $0x42C;
	v55 =	vld.idx.msk [tilespmem:v3+s2+$0x0], $0xffff  }
0xe5: {  	s28 =	simm.s32 $0x42D;
	v56 =	vld.idx.msk [tilespmem:v3+s9+$0x0], $0xffff;
	[tilespmem:$0x1FD10] =	vst v9;
	v9 =	vor.u32 s26, v0  }
0xe6: {  	s29 =	simm.s32 $0x42E;
	[tilespmem:$0x1FD20] =	vst v5;
	v54 =	vld.idx.msk [tilespmem:v4+s2+$0x0], $0xffff;
	v5 =	vand.u32 $0x1FE8, v9;
	v9 =	vor.u32 s28, v0  }
0xe7: {  	v25 =	vld.idx.msk [tilespmem:v4+s9+$0x0], $0xffff;
	v3 =	vand.u32 $0x1FE8, v9;
	v9 =	vor.u32 s29, v0  }
0xe8: {  	v4 =	vand.u32 $0x1FE8, v9;
	v9 =	vld.idx.msk [tilespmem:v8+s2+$0x0], $0xffff  }
0xe9: {  	v5 =	vor.u32 v5, v50;
	v8 =	vld.idx.msk [tilespmem:v8+s9+$0x0], $0xffff;
	_ =	sdelay $0x4  }
0xea: {  	[tilespmem:$0x1FD40] =	vst v8;
	v8 =	vld.idx.msk [tilespmem:v5+s2+$0x0], $0xffff  }
0xeb: {  	v3 =	vor.u32 v3, v53;
	v5 =	vld.idx.msk [tilespmem:v5+s9+$0x0], $0xffff;
	_ =	sdelay $0x2  }
0xec: {  	s31 =	simm.s32 $0x429  }
0xed: {  	[tilespmem:$0x1FD30] =	vst v9;
	v9 =	vor.u32 s31, v0  }
0xee: {  	[tilespmem:$0x1FD60] =	vst v5;
	v5 =	vand.u32 $0x1FE8, v9;
	v9 =	vld.idx.msk [tilespmem:v3+s2+$0x0], $0xffff  }
0xef: {  	v4 =	vor.u32 v4, v58;
	_ =	sdelay $0x2  }
0xf0: {  	s17 =	simm.s32 $0x42A  }
0xf1: {  	s30 =	simm.s32 $0x428;
	v59 =	vld.idx.msk [tilespmem:v3+s9+$0x0], $0xffff;
	[tilespmem:$0x1FD70] =	vst v9;
	v9 =	vor.u32 s17, v0  }
0xf2: {  	s16 =	sor.u32 s15, s30;
	v3 =	vand.u32 $0x1FE8, v9;
	v9 =	vld.idx.msk [tilespmem:v4+s2+$0x0], $0xffff  }
0xf3: {  	[tilespmem:$0x1FD50] =	vst v8;
	v8 =	vor.u32 s16, v0;
	v4 =	vld.idx.msk [tilespmem:v4+s9+$0x0], $0xffff;
	_ =	sdelay $0x2  }
0xf4: {  	s18 =	simm.s32 $0x424  }
0xf5: {  	[tilespmem:$0x1FD80] =	vst v9;
	v9 =	vor.u32 s18, v0  }
0xf6: {  	[tilespmem:$0x1FD90] =	vst v4;
	v4 =	vand.u32 $0x1FE0, v9;
	v9 =	vld.idx.msk [tilespmem:v8+s2+$0x0], $0xffff  }
0xf7: {  	v5 =	vor.u32 v5, v61;
	_ =	sdelay $0x2  }
0xf8: {  	s19 =	simm.s32 $0x425  }
0xf9: {  	v36 =	vld.idx.msk [tilespmem:v8+s9+$0x0], $0xffff;
	[tilespmem:$0x1FDA0] =	vst v9;
	v9 =	vor.u32 s19, v0  }
0xfa: {  	v8 =	vand.u32 $0x1FE0, v9;
	v9 =	vld.idx.msk [tilespmem:v5+s2+$0x0], $0xffff  }
0xfb: {  	v3 =	vor.u32 v3, v60;
	_ =	sdelay $0x2  }
0xfc: {  	s20 =	simm.s32 $0x426  }
0xfd: {  	v37 =	vld.idx.msk [tilespmem:v5+s9+$0x0], $0xffff;
	[tilespmem:$0x1FDB0] =	vst v9;
	v9 =	vor.u32 s20, v0  }
0xfe: {  	v5 =	vand.u32 $0x1FE0, v9;
	v9 =	vld.idx.msk [tilespmem:v3+s2+$0x0], $0xffff  }
0xff: {  	v4 =	vor.u32 v4, v50;
	v3 =	vld.idx.msk [tilespmem:v3+s9+$0x0], $0xffff;
	_ =	sdelay $0x4  }
0x100: {  	[tilespmem:$0x1FDD0] =	vst v3;
	v3 =	vld.idx.msk [tilespmem:v4+s2+$0x0], $0xffff  }
0x101: {  	v8 =	vor.u32 v8, v53;
	v4 =	vld.idx.msk [tilespmem:v4+s9+$0x0], $0xffff;
	_ =	sdelay $0x2  }
0x102: {  	s22 =	simm.s32 $0x421  }
0x103: {  	[tilespmem:$0x1FDC0] =	vst v9;
	v9 =	vor.u32 s22, v0  }
0x104: {  	[tilespmem:$0x1FDF0] =	vst v4;
	v4 =	vand.u32 $0x1FE0, v9;
	v9 =	vld.idx.msk [tilespmem:v8+s2+$0x0], $0xffff  }
0x105: {  	v5 =	vor.u32 v5, v58;
	v8 =	vld.idx.msk [tilespmem:v8+s9+$0x0], $0xffff;
	_ =	sdelay $0x2  }
0x106: {  	s23 =	simm.s32 $0x422  }
0x107: {  	s21 =	simm.s32 $0x420;
	[tilespmem:$0x1FE00] =	vst v9;
	v9 =	vor.u32 s23, v0  }
0x108: {  	s16 =	sor.u32 s15, s21;
	[tilespmem:$0x1FE10] =	vst v8;
	v8 =	vand.u32 $0x1FE0, v9;
	v9 =	vld.idx.msk [tilespmem:v5+s2+$0x0], $0xffff  }
0x109: {  	[tilespmem:$0x1FDE0] =	vst v3;
	v3 =	vor.u32 s16, v0;
	v5 =	vld.idx.msk [tilespmem:v5+s9+$0x0], $0xffff;
	_ =	sdelay $0x2  }
0x10a: {  	s24 =	simm.s32 $0x41C  }
0x10b: {  	[tilespmem:$0x1FE20] =	vst v9;
	v9 =	vor.u32 s24, v0  }
0x10c: {  	[tilespmem:$0x1FE30] =	vst v5;
	v5 =	vand.u32 $0x1FD8, v9;
	v9 =	vld.idx.msk [tilespmem:v3+s2+$0x0], $0xffff  }
0x10d: {  	v4 =	vor.u32 v4, v61;
	_ =	sdelay $0x2  }
0x10e: {  	s25 =	simm.s32 $0x41D  }
0x10f: {  	v49 =	vld.idx.msk [tilespmem:v3+s9+$0x0], $0xffff;
	[tilespmem:$0x1FE40] =	vst v9;
	v9 =	vor.u32 s25, v0  }
0x110: {  	v3 =	vand.u32 $0x1FD8, v9;
	v9 =	vld.idx.msk [tilespmem:v4+s2+$0x0], $0xffff  }
0x111: {  	v8 =	vor.u32 v8, v60;
	_ =	sdelay $0x2  }
0x112: {  	s26 =	simm.s32 $0x41E  }
0x113: {  	v52 =	vld.idx.msk [tilespmem:v4+s9+$0x0], $0xffff;
	[tilespmem:$0x1FE50] =	vst v9;
	v9 =	vor.u32 s26, v0  }
0x114: {  	v4 =	vand.u32 $0x1FD8, v9;
	v9 =	vld.idx.msk [tilespmem:v8+s2+$0x0], $0xffff  }
0x115: {  	v5 =	vor.u32 v5, v50;
	v8 =	vld.idx.msk [tilespmem:v8+s9+$0x0], $0xffff;
	_ =	sdelay $0x4  }
0x116: {  	[tilespmem:$0x1FE70] =	vst v8;
	v8 =	vld.idx.msk [tilespmem:v5+s2+$0x0], $0xffff  }
0x117: {  	v3 =	vor.u32 v3, v53;
	v5 =	vld.idx.msk [tilespmem:v5+s9+$0x0], $0xffff;
	_ =	sdelay $0x2  }
0x118: {  	s29 =	simm.s32 $0x419  }
0x119: {  	[tilespmem:$0x1FE60] =	vst v9;
	v9 =	vor.u32 s29, v0  }
0x11a: {  	[tilespmem:$0x1FE90] =	vst v5;
	v5 =	vand.u32 $0x1FD8, v9;
	v9 =	vld.idx.msk [tilespmem:v3+s2+$0x0], $0xffff  }
0x11b: {  	v4 =	vor.u32 v4, v58;
	_ =	sdelay $0x2  }
0x11c: {  	s30 =	simm.s32 $0x41A;
	s28 =	simm.s32 $0x418  }
0x11d: {  	s16 =	sor.u32 s15, s28;
	v62 =	vld.idx.msk [tilespmem:v3+s9+$0x0], $0xffff;
	[tilespmem:$0x1FEA0] =	vst v9;
	v9 =	vor.u32 s30, v0  }
0x11e: {  	[tilespmem:$0x1FE80] =	vst v8;
	v8 =	vor.u32 s16, v0;
	v3 =	vand.u32 $0x1FD8, v9;
	v9 =	vld.idx.msk [tilespmem:v4+s2+$0x0], $0xffff  }
0x11f: {  	v4 =	vld.idx.msk [tilespmem:v4+s9+$0x0], $0xffff;
	_ =	sdelay $0x1  }
0x120: {  	v3 =	vor.u32 v3, v60;
	_ =	sdelay $0x1  }
0x121: {  	s31 =	simm.s32 $0x414;
	[tilespmem:$0x1FEB0] =	vst v9;
	v9 =	vld.idx.msk [tilespmem:v8+s2+$0x0], $0xffff  }
0x122: {  	v5 =	vor.u32 v5, v61;
	[tilespmem:$0x1FEC0] =	vst v4;
	v4 =	vor.u32 s31, v0  }
0x123: {  	v4 =	vand.u32 $0x1FD0, v4  }
0x124: {  	v13 =	vld.idx.msk [tilespmem:v3+s2+$0x0], $0xffff;
	v4 =	vor.u32 v4, v50  }
0x125: {  	v2 =	vmul.f32 v17, v2;
	s17 =	simm.s32 $0x415;
	v3 =	vld.idx.msk [tilespmem:v3+s9+$0x0], $0xffff  }
0x126: {  	v63 =	vmul.f32 v11, v1;
	s26 =	simm.s32 $0x409;
	[tilespmem:$0x1FED0] =	vst v9;
	v9 =	vor.u32 s17, v0  }
0x127: {  	[tilespmem:$0x1FF40] =	vst v2;
	v2 =	vmul.f32 v21, v6;
	s18 =	simm.s32 $0x416;
	v1 =	vor.u32 s26, v0;
	v10 =	vand.u32 $0x1FD0, v9;
	v9 =	vld.idx.msk [tilespmem:v5+s2+$0x0], $0xffff  }
0x128: {  	s19 =	simm.s32 $0x410;
	v1 =	vand.u32 $0x1FC8, v1;
	v12 =	vor.u32 v10, v53;
	v10 =	vld.idx.msk [tilespmem:v5+s9+$0x0], $0xffff;
	v5 =	vor.u32 s18, v0  }
0x129: {  	[tilespmem:$0x1FF50] =	vst v2;
	v2 =	vmul.f32 v22, v18;
	s20 =	simm.s32 $0x411;
	s25 =	simm.s32 $0x408;
	v18 =	vor.u32 v1, v61;
	s16 =	sor.u32 s15, s19;
	v14 =	vld.idx.msk [tilespmem:v4+s2+$0x0], $0xffff;
	v5 =	vand.u32 $0x1FD0, v5  }
0x12a: {  	[tilespmem:$0x1FEF0] =	vst v3;
	v3 =	vor.u32 s20, v0;
	v16 =	vld.idx.msk [tilespmem:v4+s9+$0x0], $0xffff;
	v4 =	vor.u32 s16, v0;
	s16 =	sor.u32 s15, s25;
	v5 =	vor.u32 v5, v58  }
0x12b: {  	v3 =	vand.u32 $0x1FD0, v3;
	v11 =	vor.u32 s16, v0;
	s16 =	simm.s32 $0x400  }
0x12c: {  	[tilespmem:$0x1FF60] =	vst v2;
	v2 =	vmul.f32 v7, v30;
	s21 =	simm.s32 $0x412;
	s30 =	simm.s32 $0x437;
	v15 =	vor.u32 v3, v61;
	v7 =	vor.u32 s16, v0  }
0x12d: {  	v8 =	vld.idx.msk [tilespmem:v8+s9+$0x0], $0xffff;
	v3 =	vor.u32 s21, v0;
	v30 =	vand.u32 $0x1FC0, v7;
	v7 =	vor.u32 s30, v0  }
0x12e: {  	v3 =	vand.u32 $0x1FD0, v3;
	v33 =	vand.u32 $0x1FF0, v7;
	v7 =	vld.idx.msk [tilespmem:v18+s2+$0x0], $0xffff  }
0x12f: {  	v20 =	vor.u32 v3, v60;
	v3 =	vld.idx.msk [tilespmem:v5+s9+$0x0], $0xffff  }
0x130: {  	v19 =	vld.idx.msk [tilespmem:v12+s2+$0x0], $0xffff  }
0x131: {  	[tilespmem:$0x1FF90] =	vst v48;
	v23 =	vmul.f32 v27, v23;
	s29 =	simm.s32 $0x43F;
	v42 =	vor.u32 v30, v58;
	v12 =	vld.idx.msk [tilespmem:v12+s9+$0x0], $0xffff  }
0x132: {  	v6 =	vor.u32 s29, v0;
	[tilespmem:$0x1FEE0] =	vst v13;
	v13 =	vld.idx.msk [tilespmem:v5+s2+$0x0], $0xffff  }
0x133: {  	[tilespmem:$0x1FF80] =	vst v23;
	s22 =	simm.s32 $0x40C;
	v6 =	vand.u32 $0x1FF8, v6;
	v23 =	vld.idx.msk [tilespmem:v11+s2+$0x0], $0xffff  }
0x134: {  	v48 =	vor.u32 v6, v48;
	v6 =	vld.idx.msk [tilespmem:v11+s9+$0x0], $0xffff;
	[tilespmem:$0x1FF10] =	vst v3;
	v3 =	vor.u32 s22, v0  }
0x135: {  	s23 =	simm.s32 $0x40D;
	v28 =	vld.idx.msk [tilespmem:v20+s2+$0x0], $0xffff;
	v5 =	vand.u32 $0x1FC8, v3  }
0x136: {  	v40 =	vld.idx.msk [tilespmem:v42+s2+$0x0], $0xffff;
	v24 =	vor.u32 v5, v50;
	v5 =	vor.u32 s23, v0  }
0x137: {  	s24 =	simm.s32 $0x40E;
	[tilespmem:$0x1FF00] =	vst v13;
	v13 =	vld.idx.msk [tilespmem:v15+s2+$0x0], $0xffff;
	v5 =	vand.u32 $0x1FC8, v5  }
0x138: {  	v26 =	vor.u32 v5, v53;
	v5 =	vld.idx.msk [tilespmem:v15+s9+$0x0], $0xffff;
	v15 =	vor.u32 s24, v0  }
0x139: {  	v42 =	vld.idx.msk [tilespmem:v42+s9+$0x0], $0xffff;
	v15 =	vand.u32 $0x1FC8, v15  }
0x13a: {  	v3 =	vld.idx.msk [tilespmem:v4+s2+$0x0], $0xffff;
	[tilespmem:$0x1FF20] =	vst v28;
	v28 =	vor.u32 v15, v58  }
0x13b: {  	v4 =	vld.idx.msk [tilespmem:v4+s9+$0x0], $0xffff  }
0x13c: {  	s28 =	simm.s32 $0x40A;
	v15 =	vld.idx.msk [tilespmem:v20+s9+$0x0], $0xffff  }
0x13d: {  	v1 =	vor.u32 s28, v0;
	v20 =	vld.idx.msk [tilespmem:v24+s2+$0x0], $0xffff  }
0x13e: {  	[tilespmem:$0x1FF70] =	vst v2;
	v2 =	vand.u32 $0x1FC8, v1;
	v17 =	vld.idx.msk [tilespmem:v26+s2+$0x0], $0xffff  }
0x13f: {  	s26 =	simm.s32 $0x417;
	v22 =	vor.u32 v2, v60;
	s31 =	simm.s32 $0x433;
	v1 =	vld.idx.msk [tilespmem:v28+s2+$0x0], $0xffff  }
0x140: {  	v57 =	vor.u32 s26, v0;
	s19 =	simm.s32 $0x43B;
	v11 =	vor.u32 s31, v0;
	v2 =	vld.idx.msk [tilespmem:v28+s9+$0x0], $0xffff;
	v28 =	vor.u32 v30, v50  }
0x141: {  	[tilespmem:$0x1FFE0] =	vst v61;
	v43 =	vor.u32 v30, v61;
	v35 =	vand.u32 $0x1FF0, v11;
	v11 =	vor.u32 s19, v0;
	v21 =	vld.idx.msk [tilespmem:v26+s9+$0x0], $0xffff  }
0x142: {  	v39 =	vand.u32 $0x1FD0, v57;
	s20 =	simm.s32 $0x42F;
	v61 =	vmovc v54;
	v54 =	vor.u32 v30, v60;
	v11 =	vand.u32 $0x1FF8, v11;
	[tilespmem:$0x1FF30] =	vst v15;
	v15 =	vld.idx.msk [tilespmem:v24+s9+$0x0], $0xffff  }
0x143: {  	[tilespmem:$0x1FFA0] =	vst v50;
	s21 =	simm.s32 $0x42B;
	v11 =	vor.u32 v11, v29;
	s22 =	simm.s32 $0x423;
	v24 =	vld.idx.msk [tilespmem:v18+s9+$0x0], $0xffff;
	v18 =	vor.u32 s20, v0;
	v50 =	vor.u32 v30, v53  }
0x144: {  	v31 =	vor.u32 s22, v0;
	s23 =	simm.s32 $0x41F;
	v26 =	vor.u32 s21, v0;
	v45 =	vand.u32 $0x1FE8, v18;
	v18 =	vld.idx.msk [tilespmem:v22+s2+$0x0], $0xffff  }
0x145: {  	s25 =	simm.s32 $0x41B;
	s30 =	simm.s32 $0x413;
	v31 =	vand.u32 $0x1FE0, v31;
	v34 =	vand.u32 $0x1FE8, v26;
	v26 =	vor.u32 s23, v0;
	v38 =	vld.idx.msk [tilespmem:v28+s2+$0x0], $0xffff  }
0x146: {  	[tilespmem:$0x1FFC0] =	vst v58;
	s28 =	simm.s32 $0x40B;
	s24 =	simm.s32 $0x427;
	v58 =	vor.u32 s30, v0;
	v26 =	vand.u32 $0x1FD8, v26;
	v44 =	vld.idx.msk [tilespmem:v28+s9+$0x0], $0xffff;
	v28 =	vor.u32 s25, v0  }
0x147: {  	[tilespmem:$0x1FFB0] =	vst v53;
	s29 =	simm.s32 $0x40F;
	v53 =	vor.u32 s24, v0;
	v22 =	vld.idx.msk [tilespmem:v22+s9+$0x0], $0xffff;
	v32 =	vand.u32 $0x1FD8, v28;
	v28 =	vor.u32 s28, v0  }
0x148: {  	[tilespmem:$0x1FFF0] =	vst v60;
	s31 =	sor.u32 s15, s16;
	v41 =	vand.u32 $0x1FE0, v53;
	v46 =	vld.idx.msk [tilespmem:v50+s2+$0x0], $0xffff;
	v53 =	vand.u32 $0x1FC8, v28;
	v28 =	vor.u32 s29, v0  }
0x149: {  	[tilespmem:$0x1FFD0] =	vst v29;
	s17 =	simm.s32 $0x83F;
	v60 =	vmovc v55;
	s16 =	smov.u32 s13;
	v47 =	vld.idx.msk [tilespmem:v50+s9+$0x0], $0xffff;
	v50 =	vand.u32 $0x1FD0, v58;
	v51 =	vand.u32 $0x1FC8, v28;
	v28 =	vor.u32 s31, v0  }
.LBB2_4:
0x14a: {  	v25 =	vmul.f32 v25, v61  }
0x14b: {  	v27 =	vmul.f32 v56, v60  }
0x14c: {  	[tilespmem:$0x1FAF0] =	vst v25;
	v25 =	vld [tilespmem:$0x1FD50]  }
0x14d: {  	[tilespmem:$0x1FAE0] =	vst v27;
	v27 =	vld [tilespmem:$0x1FD60];
	_ =	sdelay $0x4  }
0x14e: {  	v25 =	vmul.f32 v27, v25;
	v27 =	vld [tilespmem:$0x1FDA0];
	_ =	sdelay $0x1  }
0x14f: {  	[tilespmem:$0x1FAC0] =	vst v25;
	v25 =	vld [tilespmem:$0x1FD70];
	_ =	sdelay $0x1  }
0x150: {  	v60 =	vld [tilespmem:$0x1FE00]  }
0x151: {  	v36 =	vmul.f32 v36, v27;
	v27 =	vld [tilespmem:$0x1FDB0]  }
0x152: {  	v61 =	vld [tilespmem:$0x1FE10]  }
0x153: {  	v25 =	vmul.f32 v59, v25;
	_ =	sdelay $0x1  }
0x154: {  	[tilespmem:$0x1FAD0] =	vst v25;
	v25 =	vld.idx.msk [tilespmem:v43+s2+$0x0], $0xffff  }
0x155: {  	v37 =	vmul.f32 v37, v27;
	v27 =	vld.idx.msk [tilespmem:v43+s9+$0x0], $0xffff  }
0x156: {  	v43 =	vmul.f32 v61, v60;
	v60 =	vld [tilespmem:$0x1FE40];
	_ =	sdelay $0x1  }
0x157: {  	v29 =	vld [tilespmem:$0x1FFD0]  }
0x158: {  	[tilespmem:$0x1FB00] =	vst v63;
	v63 =	vld [tilespmem:$0x1FF90]  }
0x159: {  	v55 =	vld.idx.msk [tilespmem:v28+s9+$0x0], $0xffff  }
0x15a: {  	v49 =	vmul.f32 v49, v60;
	v60 =	vld [tilespmem:$0x1FE50]  }
0x15b: {  	v56 =	vld.idx.msk [tilespmem:v28+s2+$0x0], $0xffff  }
0x15c: {  	v28 =	vld [tilespmem:$0x1FED0];
	v57 =	vor.u32 v30, v29  }
0x15d: {  	v58 =	vor.u32 v30, v63;
	v30 =	vld [tilespmem:$0x1FDE0]  }
0x15e: {  	v61 =	vld [tilespmem:$0x1FE90]  }
0x15f: {  	v52 =	vmul.f32 v52, v60;
	v60 =	vld [tilespmem:$0x1FE80]  }
0x160: {  	v59 =	vld [tilespmem:$0x1FDF0]  }
0x161: {  	v9 =	vmul.f32 v10, v9;
	v10 =	vor.u32 v34, v29;
	v34 =	vld.idx.msk [tilespmem:v57+s9+$0x0], $0xffff  }
0x162: {  	v14 =	vmul.f32 v16, v14;
	v53 =	vor.u32 v53, v29;
	v16 =	vld.idx.msk [tilespmem:v58+s2+$0x0], $0xffff  }
0x163: {  	v3 =	vmul.f32 v4, v3;
	v4 =	vmul.f32 v5, v13;
	v13 =	vld.idx.msk [tilespmem:v58+s9+$0x0], $0xffff  }
0x164: {  	v60 =	vmul.f32 v61, v60;
	v61 =	vld [tilespmem:$0x1FEA0]  }
0x165: {  	v12 =	vmul.f32 v12, v19;
	v19 =	vor.u32 v50, v29;
	v30 =	vmul.f32 v59, v30;
	v59 =	vld.idx.msk [tilespmem:v54+s2+$0x0], $0xffff  }
0x166: {  	v15 =	vmul.f32 v15, v20;
	v17 =	vmul.f32 v21, v17;
	v32 =	vor.u32 v32, v29;
	v54 =	vld.idx.msk [tilespmem:v54+s9+$0x0], $0xffff  }
0x167: {  	v6 =	vmul.f32 v6, v23;
	v23 =	vmul.f32 v44, v38;
	v20 =	vld.idx.msk [tilespmem:v53+s2+$0x0], $0xffff  }
0x168: {  	v7 =	vmul.f32 v24, v7;
	v51 =	vor.u32 v51, v63;
	v21 =	vor.u32 v31, v29;
	v31 =	vld.idx.msk [tilespmem:v53+s9+$0x0], $0xffff  }
0x169: {  	v58 =	vmul.f32 v55, v56;
	v62 =	vmul.f32 v62, v61;
	v61 =	vld.idx.msk [tilespmem:v57+s2+$0x0], $0xffff  }
0x16a: {  	v24 =	vmul.f32 v47, v46;
	v46 =	vld.idx.msk [tilespmem:v19+s2+$0x0], $0xffff;
	v25 =	vmul.f32 v27, v25;
	v57 =	vor.u32 v39, v63  }
0x16b: {  	v1 =	vmul.f32 v2, v1;
	v2 =	vld.idx.msk [tilespmem:v32+s2+$0x0], $0xffff;
	v59 =	vmul.f32 v54, v59;
	v39 =	vadd.f32 $0.0e+00, v58  }
0x16c: {  	v40 =	vmul.f32 v42, v40;
	v13 =	vmul.f32 v13, v16;
	v16 =	vld.idx.msk [tilespmem:v19+s9+$0x0], $0xffff;
	v25 =	vadd.f32 $0.0e+00, v25  }
0x16d: {  	v5 =	vor.u32 v41, v63;
	v27 =	vld.idx.msk [tilespmem:v51+s2+$0x0], $0xffff;
	v41 =	vadd.f32 $0.0e+00, v59;
	v19 =	vadd.f32 v23, v39  }
0x16e: {  	v26 =	vor.u32 v26, v63;
	v23 =	vadd.f32 v24, v25;
	v34 =	vmul.f32 v34, v61;
	v61 =	vld.idx.msk [tilespmem:v51+s9+$0x0], $0xffff  }
0x16f: {  	v18 =	vmul.f32 v22, v18;
	v24 =	vadd.f32 v40, v41;
	v6 =	vadd.f32 v6, v19;
	v22 =	vld.idx.msk [tilespmem:v57+s2+$0x0], $0xffff  }
0x170: {  	v7 =	vadd.f32 v7, v23;
	v25 =	vld.idx.msk [tilespmem:v57+s9+$0x0], $0xffff  }
0x171: {  	v18 =	vadd.f32 v18, v24;
	v6 =	vadd.f32 v15, v6;
	v15 =	vld [tilespmem:$0x1FF20]  }
0x172: {  	v7 =	vadd.f32 v17, v7;
	v17 =	vld [tilespmem:$0x1FF30]  }
0x173: {  	v1 =	vadd.f32 v1, v18;
	v18 =	vld.idx.msk [tilespmem:v26+s9+$0x0], $0xffff;
	v34 =	vadd.f32 $0.0e+00, v34  }
0x174: {  	v3 =	vadd.f32 v3, v6;
	v4 =	vadd.f32 v4, v7;
	v6 =	vld [tilespmem:$0x1FF00]  }
0x175: {  	v7 =	vld [tilespmem:$0x1FF10]  }
0x176: {  	v20 =	vmul.f32 v31, v20;
	v13 =	vadd.f32 v13, v34;
	v4 =	vadd.f32 v12, v4;
	v12 =	vld [tilespmem:$0x1FEE0]  }
0x177: {  	v3 =	vadd.f32 v14, v3;
	v14 =	vld [tilespmem:$0x1FEF0]  }
0x178: {  	v8 =	vmul.f32 v8, v28;
	v13 =	vadd.f32 v20, v13;
	v20 =	vld.idx.msk [tilespmem:v32+s9+$0x0], $0xffff  }
0x179: {  	v19 =	vmul.f32 v61, v27;
	v15 =	vmul.f32 v17, v15;
	v17 =	vld.idx.msk [tilespmem:v26+s2+$0x0], $0xffff  }
0x17a: {  	v3 =	vadd.f32 v8, v3;
	v8 =	vld [tilespmem:$0x1FEB0]  }
0x17b: {  	v16 =	vmul.f32 v16, v46;
	v4 =	vadd.f32 v9, v4;
	v9 =	vld [tilespmem:$0x1FEC0];
	v13 =	vadd.f32 v19, v13  }
0x17c: {  	v6 =	vmul.f32 v7, v6;
	v7 =	vld.idx.msk [tilespmem:v21+s2+$0x0], $0xffff  }
0x17d: {  	v1 =	vadd.f32 v15, v1;
	v13 =	vadd.f32 v16, v13;
	v16 =	vld.idx.msk [tilespmem:v21+s9+$0x0], $0xffff  }
0x17e: {  	v15 =	vmul.f32 v25, v22;
	v12 =	vmul.f32 v14, v12;
	v14 =	vld.idx.msk [tilespmem:v5+s2+$0x0], $0xffff  }
0x17f: {  	v1 =	vadd.f32 v6, v1;
	v5 =	vld.idx.msk [tilespmem:v5+s9+$0x0], $0xffff  }
0x180: {  	v2 =	vmul.f32 v20, v2;
	v6 =	vadd.f32 v15, v13;
	v8 =	vmul.f32 v9, v8;
	v9 =	vld.idx.msk [tilespmem:v10+s2+$0x0], $0xffff  }
0x181: {  	v45 =	vor.u32 v45, v63;
	v1 =	vadd.f32 v12, v1;
	v12 =	vld [tilespmem:$0x1FE60]  }
0x182: {  	v13 =	vld [tilespmem:$0x1FE70];
	v2 =	vadd.f32 v2, v6;
	v6 =	vmul.f32 v18, v17  }
0x183: {  	v10 =	vld.idx.msk [tilespmem:v10+s9+$0x0], $0xffff  }
0x184: {  	v2 =	vadd.f32 v6, v2;
	v6 =	vmul.f32 v16, v7  }
0x185: {  	v15 =	vld [tilespmem:$0x1FE30]  }
0x186: {  	v5 =	vmul.f32 v5, v14;
	v7 =	vld.idx.msk [tilespmem:v45+s9+$0x0], $0xffff;
	v2 =	vadd.f32 v6, v2  }
0x187: {  	v12 =	vmul.f32 v13, v12;
	v13 =	vld.idx.msk [tilespmem:v45+s2+$0x0], $0xffff  }
0x188: {  	v2 =	vadd.f32 v5, v2;
	v5 =	vmul.f32 v10, v9;
	v9 =	vld [tilespmem:$0x1FD80]  }
0x189: {  	v10 =	vld [tilespmem:$0x1FD90]  }
0x18a: {  	v1 =	vadd.f32 v8, v1;
	v8 =	vld [tilespmem:$0x1FE20]  }
0x18b: {  	v35 =	vor.u32 v35, v29;
	v14 =	vld [tilespmem:$0x1FDD0]  }
0x18c: {  	v3 =	vadd.f32 v60, v3;
	v1 =	vadd.f32 v12, v1;
	v12 =	vld [tilespmem:$0x1FDC0]  }
0x18d: {  	v33 =	vor.u32 v33, v63;
	v2 =	vadd.f32 v5, v2;
	v5 =	vmul.f32 v7, v13;
	v7 =	vld.idx.msk [tilespmem:v11+s9+$0x0], $0xffff  }
0x18e: {  	v3 =	vadd.f32 v49, v3;
	v9 =	vmul.f32 v10, v9;
	v10 =	vld.idx.msk [tilespmem:v11+s2+$0x0], $0xffff  }
0x18f: {  	v8 =	vmul.f32 v15, v8;
	v11 =	vld [tilespmem:$0x1FAC0]  }
0x190: {  	v3 =	vadd.f32 v30, v3;
	v6 =	vld.idx.msk [tilespmem:v35+s9+$0x0], $0xffff  }
0x191: {  	v4 =	vadd.f32 v62, v4;
	v15 =	vld.idx.msk [tilespmem:v35+s2+$0x0], $0xffff;
	v1 =	vadd.f32 v8, v1;
	v12 =	vmul.f32 v14, v12  }
0x192: {  	v3 =	vadd.f32 v36, v3;
	v8 =	vld.idx.msk [tilespmem:v33+s9+$0x0], $0xffff  }
0x193: {  	v4 =	vadd.f32 v52, v4;
	v14 =	vld.idx.msk [tilespmem:v33+s2+$0x0], $0xffff;
	v1 =	vadd.f32 v12, v1  }
0x194: {  	v3 =	vadd.f32 v11, v3;
	v11 =	vld [tilespmem:$0x1FAD0]  }
0x195: {  	v4 =	vadd.f32 v43, v4;
	v1 =	vadd.f32 v9, v1;
	v9 =	vld [tilespmem:$0x1FAE0]  }
0x196: {  	v13 =	vld [tilespmem:$0x1FD20];
	v2 =	vadd.f32 v5, v2;
	v5 =	vmul.f32 v6, v15  }
0x197: {  	v4 =	vadd.f32 v37, v4;
	v12 =	vld [tilespmem:$0x1FD40]  }
0x198: {  	v2 =	vadd.f32 v5, v2;
	v5 =	vmul.f32 v8, v14;
	v8 =	vld [tilespmem:$0x1FF70]  }
0x199: {  	v4 =	vadd.f32 v11, v4;
	v11 =	vld [tilespmem:$0x1FD30]  }
0x19a: {  	v3 =	vadd.f32 v9, v3;
	v9 =	vld [tilespmem:$0x1FAF0]  }
0x19b: {  	v2 =	vadd.f32 v5, v2;
	v5 =	vmul.f32 v7, v10;
	v7 =	vld [tilespmem:$0x1FF50]  }
0x19c: {  	v6 =	vld.idx.msk [tilespmem:v48+s9+$0x0], $0xffff  }
0x19d: {  	v3 =	vadd.f32 v8, v3;
	v8 =	vld [tilespmem:$0x1FF80]  }
0x19e: {  	v11 =	vmul.f32 v12, v11;
	v12 =	vld.idx.msk [tilespmem:v48+s2+$0x0], $0xffff  }
0x19f: {  	v4 =	vadd.f32 v9, v4;
	v9 =	vld [tilespmem:$0x1FD10]  }
0x1a0: {  	v3 =	vadd.f32 v7, v3;
	v7 =	vld [tilespmem:$0x1FF60];
	_ =	sdelay $0x1  }
0x1a1: {  	v4 =	vadd.f32 v8, v4;
	v8 =	vld [tilespmem:$0x1FCF0]  }
0x1a2: {  	v2 =	vadd.f32 v5, v2;
	v5 =	vmul.f32 v6, v12;
	v6 =	vld [tilespmem:$0x1FB00]  }
0x1a3: {  	v1 =	vadd.f32 v11, v1;
	v11 =	vld [tilespmem:$0x1FD00];
	v9 =	vmul.f32 v13, v9  }
0x1a4: {  	v4 =	vadd.f32 v7, v4;
	v7 =	vld [tilespmem:$0x1FCD0]  }
0x1a5: {  	v1 =	vadd.f32 v9, v1;
	v9 =	vld [tilespmem:$0x1FCE0];
	_ =	sdelay $0x1  }
0x1a6: {  	v3 =	vadd.f32 v6, v3;
	v6 =	vld [tilespmem:$0x1FF40]  }
0x1a7: {  	v8 =	vmul.f32 v11, v8  }
0x1a8: {  	v47 =	vld [tilespmem:$0x1FFA0]  }
0x1a9: {  	v1 =	vadd.f32 v8, v1;
	v7 =	vmul.f32 v9, v7  }
0x1aa: {  	s18 =	sadd.s32 $0xFFFFFFFD, s17;
	v2 =	vadd.f32 v5, v2  }
0x1ab: {  	v1 =	vadd.f32 v7, v1;
	v4 =	vadd.f32 v6, v4;
	v6 =	vor.u32 s18, v0  }
0x1ac: {  	v5 =	vand.u32 $0x1FF8, v6  }
0x1ad: {  	v1 =	vadd.f32 v2, v1;
	v5 =	vor.u32 v5, v47;
	v3 =	vadd.f32 v4, v3  }
0x1ae: {  	v35 =	vld [tilespmem:$0x1FFB0]  }
0x1af: {  	v1 =	vadd.f32 v1, v3  }
0x1b0: {  	s22 =	sadd.s32 $0xFFFFFFFE, s17;
	s16 =	sadd.s32 $0x10, s16  }
0x1b1: {  	v6 =	vor.u32 s22, v0;
	[tilespmem:s16+$0x0] =	vst v1  }
0x1b2: {  	v2 =	vand.u32 $0x1FF8, v6;
	v1 =	vld.idx.msk [tilespmem:v5+s2+$0x0], $0xffff  }
0x1b3: {  	v2 =	vor.u32 v2, v35;
	v5 =	vld.idx.msk [tilespmem:v5+s9+$0x0], $0xffff  }
0x1b4: {  	v38 =	vld [tilespmem:$0x1FFC0];
	_ =	sdelay $0x1  }
0x1b5: {  	s23 =	sadd.s32 $0xFFFFFFFF, s17  }
0x1b6: {  	v4 =	vor.u32 s23, v0  }
0x1b7: {  	v3 =	vand.u32 $0x1FF8, v4;
	[tilespmem:$0x1FB20] =	vst v5;
	v5 =	vld.idx.msk [tilespmem:v2+s2+$0x0], $0xffff  }
0x1b8: {  	v3 =	vor.u32 v3, v38;
	_ =	sdelay $0x2  }
0x1b9: {  	s25 =	sadd.s32 $0xFFFFFFFB, s17;
	v57 =	vld [tilespmem:$0x1FFE0]  }
0x1ba: {  	s24 =	sadd.s32 $0xFFFFFFF9, s17;
	v40 =	vld.idx.msk [tilespmem:v2+s9+$0x0], $0xffff;
	[tilespmem:$0x1FB30] =	vst v5;
	v5 =	vor.u32 s25, v0  }
0x1bb: {  	s18 =	sor.u32 s15, s24;
	v2 =	vand.u32 $0x1FF8, v5;
	v5 =	vld.idx.msk [tilespmem:v3+s2+$0x0], $0xffff  }
0x1bc: {  	[tilespmem:$0x1FB10] =	vst v1;
	v1 =	vor.u32 s18, v0;
	v3 =	vld.idx.msk [tilespmem:v3+s9+$0x0], $0xffff;
	_ =	sdelay $0x1  }
0x1bd: {  	s19 =	sadd.s32 $0xFFFFFFFA, s17;
	v58 =	vld [tilespmem:$0x1FFF0]  }
0x1be: {  	s26 =	sadd.s32 $0xFFFFFFF5, s17;
	v4 =	vor.u32 s19, v0  }
0x1bf: {  	v4 =	vand.u32 $0x1FF8, v4;
	[tilespmem:$0x1FCD0] =	vst v5;
	v5 =	vor.u32 s26, v0  }
0x1c0: {  	v4 =	vor.u32 v4, v57;
	[tilespmem:$0x1FCE0] =	vst v3;
	v3 =	vand.u32 $0x1FF0, v5;
	v5 =	vld.idx.msk [tilespmem:v1+s2+$0x0], $0xffff  }
0x1c1: {  	v1 =	vld.idx.msk [tilespmem:v1+s9+$0x0], $0xffff  }
0x1c2: {  	v2 =	vor.u32 v2, v58;
	_ =	sdelay $0x1  }
0x1c3: {  	s28 =	sadd.s32 $0xFFFFFFF6, s17  }
0x1c4: {  	s29 =	sadd.s32 $0xFFFFFFF7, s17;
	v42 =	vld.idx.msk [tilespmem:v4+s2+$0x0], $0xffff;
	[tilespmem:$0x1FB40] =	vst v5;
	v5 =	vor.u32 s28, v0  }
0x1c5: {  	v11 =	vld.idx.msk [tilespmem:v4+s9+$0x0], $0xffff;
	[tilespmem:$0x1FB50] =	vst v1;
	v1 =	vand.u32 $0x1FF0, v5;
	v5 =	vor.u32 s29, v0  }
0x1c6: {  	v4 =	vand.u32 $0x1FF0, v5;
	v5 =	vld.idx.msk [tilespmem:v2+s2+$0x0], $0xffff  }
0x1c7: {  	v3 =	vor.u32 v3, v47;
	v2 =	vld.idx.msk [tilespmem:v2+s9+$0x0], $0xffff;
	_ =	sdelay $0x4  }
0x1c8: {  	[tilespmem:$0x1FD00] =	vst v2;
	v2 =	vld.idx.msk [tilespmem:v3+s2+$0x0], $0xffff  }
0x1c9: {  	v1 =	vor.u32 v1, v35;
	v3 =	vld.idx.msk [tilespmem:v3+s9+$0x0], $0xffff;
	_ =	sdelay $0x2  }
0x1ca: {  	s31 =	sadd.s32 $0xFFFFFFF2, s17  }
0x1cb: {  	[tilespmem:$0x1FCF0] =	vst v5;
	v5 =	vor.u32 s31, v0  }
0x1cc: {  	[tilespmem:$0x1FB70] =	vst v3;
	v3 =	vand.u32 $0x1FF0, v5;
	v5 =	vld.idx.msk [tilespmem:v1+s2+$0x0], $0xffff  }
0x1cd: {  	v4 =	vor.u32 v4, v38;
	v1 =	vld.idx.msk [tilespmem:v1+s9+$0x0], $0xffff;
	_ =	sdelay $0x1  }
0x1ce: {  	s30 =	sadd.s32 $0xFFFFFFF1, s17  }
0x1cf: {  	s19 =	sadd.s32 $0xFFFFFFF3, s17;
	s18 =	sor.u32 s15, s30;
	[tilespmem:$0x1FB60] =	vst v2  }
0x1d0: {  	v2 =	vor.u32 s18, v0;
	[tilespmem:$0x1FB80] =	vst v5;
	v5 =	vor.u32 s19, v0  }
0x1d1: {  	[tilespmem:$0x1FB90] =	vst v1;
	v1 =	vand.u32 $0x1FF0, v5;
	v5 =	vld.idx.msk [tilespmem:v4+s2+$0x0], $0xffff  }
0x1d2: {  	v3 =	vor.u32 v3, v57;
	v4 =	vld.idx.msk [tilespmem:v4+s9+$0x0], $0xffff;
	_ =	sdelay $0x1  }
0x1d3: {  	v1 =	vor.u32 v1, v58  }
0x1d4: {  	s20 =	sadd.s32 $0xFFFFFFED, s17;
	v60 =	vld.idx.msk [tilespmem:v2+s2+$0x0], $0xffff  }
0x1d5: {  	s21 =	sadd.s32 $0xFFFFFFEE, s17;
	v56 =	vld.idx.msk [tilespmem:v2+s9+$0x0], $0xffff;
	[tilespmem:$0x1FD10] =	vst v5;
	v5 =	vor.u32 s20, v0  }
0x1d6: {  	s22 =	sadd.s32 $0xFFFFFFEF, s17;
	v61 =	vld.idx.msk [tilespmem:v3+s2+$0x0], $0xffff;
	[tilespmem:$0x1FD20] =	vst v4;
	v4 =	vand.u32 $0x1FE8, v5;
	v5 =	vor.u32 s21, v0  }
0x1d7: {  	v25 =	vld.idx.msk [tilespmem:v3+s9+$0x0], $0xffff;
	v2 =	vand.u32 $0x1FE8, v5;
	v5 =	vor.u32 s22, v0  }
0x1d8: {  	v3 =	vand.u32 $0x1FE8, v5;
	v5 =	vld.idx.msk [tilespmem:v1+s2+$0x0], $0xffff  }
0x1d9: {  	v4 =	vor.u32 v4, v47;
	v1 =	vld.idx.msk [tilespmem:v1+s9+$0x0], $0xffff;
	_ =	sdelay $0x4  }
0x1da: {  	[tilespmem:$0x1FD40] =	vst v1;
	v1 =	vld.idx.msk [tilespmem:v4+s2+$0x0], $0xffff  }
0x1db: {  	v2 =	vor.u32 v2, v35;
	v4 =	vld.idx.msk [tilespmem:v4+s9+$0x0], $0xffff;
	_ =	sdelay $0x2  }
0x1dc: {  	s24 =	sadd.s32 $0xFFFFFFEA, s17  }
0x1dd: {  	[tilespmem:$0x1FD30] =	vst v5;
	v5 =	vor.u32 s24, v0  }
0x1de: {  	[tilespmem:$0x1FD60] =	vst v4;
	v4 =	vand.u32 $0x1FE8, v5;
	v5 =	vld.idx.msk [tilespmem:v2+s2+$0x0], $0xffff  }
0x1df: {  	v3 =	vor.u32 v3, v38;
	_ =	sdelay $0x2  }
0x1e0: {  	s25 =	sadd.s32 $0xFFFFFFEB, s17  }
0x1e1: {  	s23 =	sadd.s32 $0xFFFFFFE9, s17;
	v59 =	vld.idx.msk [tilespmem:v2+s9+$0x0], $0xffff;
	[tilespmem:$0x1FD70] =	vst v5;
	v5 =	vor.u32 s25, v0  }
0x1e2: {  	s18 =	sor.u32 s15, s23;
	v2 =	vand.u32 $0x1FE8, v5;
	v5 =	vld.idx.msk [tilespmem:v3+s2+$0x0], $0xffff  }
0x1e3: {  	[tilespmem:$0x1FD50] =	vst v1;
	v1 =	vor.u32 s18, v0;
	v3 =	vld.idx.msk [tilespmem:v3+s9+$0x0], $0xffff;
	_ =	sdelay $0x2  }
0x1e4: {  	s26 =	sadd.s32 $0xFFFFFFE5, s17  }
0x1e5: {  	[tilespmem:$0x1FD80] =	vst v5;
	v5 =	vor.u32 s26, v0  }
0x1e6: {  	[tilespmem:$0x1FD90] =	vst v3;
	v3 =	vand.u32 $0x1FE0, v5;
	v5 =	vld.idx.msk [tilespmem:v1+s2+$0x0], $0xffff  }
0x1e7: {  	v4 =	vor.u32 v4, v57;
	_ =	sdelay $0x2  }
0x1e8: {  	s28 =	sadd.s32 $0xFFFFFFE6, s17  }
0x1e9: {  	v36 =	vld.idx.msk [tilespmem:v1+s9+$0x0], $0xffff;
	[tilespmem:$0x1FDA0] =	vst v5;
	v5 =	vor.u32 s28, v0  }
0x1ea: {  	v1 =	vand.u32 $0x1FE0, v5;
	v5 =	vld.idx.msk [tilespmem:v4+s2+$0x0], $0xffff  }
0x1eb: {  	v2 =	vor.u32 v2, v58;
	_ =	sdelay $0x2  }
0x1ec: {  	s29 =	sadd.s32 $0xFFFFFFE7, s17  }
0x1ed: {  	v37 =	vld.idx.msk [tilespmem:v4+s9+$0x0], $0xffff;
	[tilespmem:$0x1FDB0] =	vst v5;
	v5 =	vor.u32 s29, v0  }
0x1ee: {  	v4 =	vand.u32 $0x1FE0, v5;
	v5 =	vld.idx.msk [tilespmem:v2+s2+$0x0], $0xffff  }
0x1ef: {  	v3 =	vor.u32 v3, v47;
	v2 =	vld.idx.msk [tilespmem:v2+s9+$0x0], $0xffff;
	_ =	sdelay $0x4  }
0x1f0: {  	[tilespmem:$0x1FDD0] =	vst v2;
	v2 =	vld.idx.msk [tilespmem:v3+s2+$0x0], $0xffff  }
0x1f1: {  	v1 =	vor.u32 v1, v35;
	v3 =	vld.idx.msk [tilespmem:v3+s9+$0x0], $0xffff;
	_ =	sdelay $0x2  }
0x1f2: {  	s31 =	sadd.s32 $0xFFFFFFE2, s17  }
0x1f3: {  	[tilespmem:$0x1FDC0] =	vst v5;
	v5 =	vor.u32 s31, v0  }
0x1f4: {  	[tilespmem:$0x1FDF0] =	vst v3;
	v3 =	vand.u32 $0x1FE0, v5;
	v5 =	vld.idx.msk [tilespmem:v1+s2+$0x0], $0xffff  }
0x1f5: {  	v4 =	vor.u32 v4, v38;
	v1 =	vld.idx.msk [tilespmem:v1+s9+$0x0], $0xffff;
	_ =	sdelay $0x2  }
0x1f6: {  	s19 =	sadd.s32 $0xFFFFFFE3, s17  }
0x1f7: {  	s30 =	sadd.s32 $0xFFFFFFE1, s17;
	[tilespmem:$0x1FE00] =	vst v5;
	v5 =	vor.u32 s19, v0  }
0x1f8: {  	s18 =	sor.u32 s15, s30;
	[tilespmem:$0x1FE10] =	vst v1;
	v1 =	vand.u32 $0x1FE0, v5;
	v5 =	vld.idx.msk [tilespmem:v4+s2+$0x0], $0xffff  }
0x1f9: {  	[tilespmem:$0x1FDE0] =	vst v2;
	v2 =	vor.u32 s18, v0;
	v4 =	vld.idx.msk [tilespmem:v4+s9+$0x0], $0xffff;
	_ =	sdelay $0x2  }
0x1fa: {  	s20 =	sadd.s32 $0xFFFFFFDD, s17  }
0x1fb: {  	[tilespmem:$0x1FE20] =	vst v5;
	v5 =	vor.u32 s20, v0  }
0x1fc: {  	[tilespmem:$0x1FE30] =	vst v4;
	v4 =	vand.u32 $0x1FD8, v5;
	v5 =	vld.idx.msk [tilespmem:v2+s2+$0x0], $0xffff  }
0x1fd: {  	v3 =	vor.u32 v3, v57;
	_ =	sdelay $0x2  }
0x1fe: {  	s21 =	sadd.s32 $0xFFFFFFDE, s17  }
0x1ff: {  	v49 =	vld.idx.msk [tilespmem:v2+s9+$0x0], $0xffff;
	[tilespmem:$0x1FE40] =	vst v5;
	v5 =	vor.u32 s21, v0  }
0x200: {  	v2 =	vand.u32 $0x1FD8, v5;
	v5 =	vld.idx.msk [tilespmem:v3+s2+$0x0], $0xffff  }
0x201: {  	v1 =	vor.u32 v1, v58;
	_ =	sdelay $0x2  }
0x202: {  	s22 =	sadd.s32 $0xFFFFFFDF, s17  }
0x203: {  	v52 =	vld.idx.msk [tilespmem:v3+s9+$0x0], $0xffff;
	[tilespmem:$0x1FE50] =	vst v5;
	v5 =	vor.u32 s22, v0  }
0x204: {  	v3 =	vand.u32 $0x1FD8, v5;
	v5 =	vld.idx.msk [tilespmem:v1+s2+$0x0], $0xffff  }
0x205: {  	v4 =	vor.u32 v4, v47;
	v1 =	vld.idx.msk [tilespmem:v1+s9+$0x0], $0xffff;
	_ =	sdelay $0x4  }
0x206: {  	[tilespmem:$0x1FE70] =	vst v1;
	v1 =	vld.idx.msk [tilespmem:v4+s2+$0x0], $0xffff  }
0x207: {  	v2 =	vor.u32 v2, v35;
	v4 =	vld.idx.msk [tilespmem:v4+s9+$0x0], $0xffff;
	_ =	sdelay $0x2  }
0x208: {  	s24 =	sadd.s32 $0xFFFFFFDA, s17  }
0x209: {  	[tilespmem:$0x1FE60] =	vst v5;
	v5 =	vor.u32 s24, v0  }
0x20a: {  	[tilespmem:$0x1FE90] =	vst v4;
	v4 =	vand.u32 $0x1FD8, v5;
	v5 =	vld.idx.msk [tilespmem:v2+s2+$0x0], $0xffff  }
0x20b: {  	v3 =	vor.u32 v3, v38;
	_ =	sdelay $0x2  }
0x20c: {  	s25 =	sadd.s32 $0xFFFFFFDB, s17  }
0x20d: {  	s23 =	sadd.s32 $0xFFFFFFD9, s17;
	v62 =	vld.idx.msk [tilespmem:v2+s9+$0x0], $0xffff;
	[tilespmem:$0x1FEA0] =	vst v5;
	v5 =	vor.u32 s25, v0  }
0x20e: {  	s18 =	sor.u32 s15, s23;
	v2 =	vand.u32 $0x1FD8, v5;
	v5 =	vld.idx.msk [tilespmem:v3+s2+$0x0], $0xffff  }
0x20f: {  	[tilespmem:$0x1FE80] =	vst v1;
	v1 =	vor.u32 s18, v0;
	v3 =	vld.idx.msk [tilespmem:v3+s9+$0x0], $0xffff;
	_ =	sdelay $0x2  }
0x210: {  	s26 =	sadd.s32 $0xFFFFFFD5, s17  }
0x211: {  	[tilespmem:$0x1FEB0] =	vst v5;
	v5 =	vor.u32 s26, v0  }
0x212: {  	v4 =	vor.u32 v4, v57;
	[tilespmem:$0x1FEC0] =	vst v3;
	v3 =	vand.u32 $0x1FD0, v5;
	v5 =	vld.idx.msk [tilespmem:v1+s2+$0x0], $0xffff;
	_ =	sdelay $0x1  }
0x213: {  	v2 =	vor.u32 v2, v58;
	_ =	sdelay $0x1  }
0x214: {  	s28 =	sadd.s32 $0xFFFFFFD6, s17;
	v8 =	vld.idx.msk [tilespmem:v1+s9+$0x0], $0xffff  }
0x215: {  	s29 =	sadd.s32 $0xFFFFFFD7, s17;
	v9 =	vld.idx.msk [tilespmem:v4+s2+$0x0], $0xffff;
	v3 =	vor.u32 v3, v47;
	[tilespmem:$0x1FED0] =	vst v5;
	v5 =	vor.u32 s28, v0  }
0x216: {  	v10 =	vld.idx.msk [tilespmem:v4+s9+$0x0], $0xffff;
	v1 =	vand.u32 $0x1FD0, v5;
	v5 =	vor.u32 s29, v0  }
0x217: {  	v4 =	vand.u32 $0x1FD0, v5;
	v5 =	vld.idx.msk [tilespmem:v2+s2+$0x0], $0xffff  }
0x218: {  	v1 =	vor.u32 v1, v35;
	_ =	sdelay $0x1  }
0x219: {  	v14 =	vld.idx.msk [tilespmem:v3+s2+$0x0], $0xffff;
	v4 =	vor.u32 v4, v38  }
0x21a: {  	s31 =	sadd.s32 $0xFFFFFFD2, s17;
	v2 =	vld.idx.msk [tilespmem:v2+s9+$0x0], $0xffff  }
0x21b: {  	v16 =	vld.idx.msk [tilespmem:v3+s9+$0x0], $0xffff;
	[tilespmem:$0x1FEE0] =	vst v5;
	v5 =	vor.u32 s31, v0  }
0x21c: {  	s20 =	sadd.s32 $0xFFFFFFD3, s17;
	v19 =	vld.idx.msk [tilespmem:v1+s2+$0x0], $0xffff;
	v3 =	vand.u32 $0x1FD0, v5  }
0x21d: {  	s30 =	sadd.s32 $0xFFFFFFD1, s17;
	v12 =	vld.idx.msk [tilespmem:v1+s9+$0x0], $0xffff;
	v5 =	vor.u32 v3, v57;
	v3 =	vor.u32 s20, v0  }
0x21e: {  	s18 =	sor.u32 s15, s30;
	v1 =	vand.u32 $0x1FD0, v3;
	v3 =	vld.idx.msk [tilespmem:v4+s2+$0x0], $0xffff  }
0x21f: {  	[tilespmem:$0x1FEF0] =	vst v2;
	v2 =	vor.u32 s18, v0;
	v4 =	vld.idx.msk [tilespmem:v4+s9+$0x0], $0xffff  }
0x220: {  	v1 =	vor.u32 v1, v58;
	_ =	sdelay $0x1  }
0x221: {  	s21 =	sadd.s32 $0xFFFFFFCD, s17  }
0x222: {  	[tilespmem:$0x1FF00] =	vst v3;
	v3 =	vor.u32 s21, v0  }
0x223: {  	[tilespmem:$0x1FF10] =	vst v4;
	v4 =	vand.u32 $0x1FC8, v3;
	v3 =	vld.idx.msk [tilespmem:v2+s2+$0x0], $0xffff  }
0x224: {  	s22 =	sadd.s32 $0xFFFFFFCE, s17;
	v15 =	vld.idx.msk [tilespmem:v1+s2+$0x0], $0xffff  }
0x225: {  	v7 =	vor.u32 s22, v0;
	v1 =	vld.idx.msk [tilespmem:v1+s9+$0x0], $0xffff;
	v6 =	vor.u32 v4, v47  }
0x226: {  	v4 =	vld.idx.msk [tilespmem:v2+s9+$0x0], $0xffff;
	v2 =	vand.u32 $0x1FC8, v7  }
0x227: {  	v2 =	vor.u32 v2, v35  }
0x228: {  	s24 =	sadd.s32 $0xFFFFFFC9, s17  }
0x229: {  	v11 =	vmul.f32 v11, v42;
	s25 =	sadd.s32 $0xFFFFFFCA, s17;
	s26 =	sadd.s32 $0xFFFFFFFC, s17;
	s20 =	sadd.s32 $0xFFFFFFF8, s17  }
0x22a: {  	v22 =	vor.u32 s26, v0;
	s18 =	sor.u32 s15, s24;
	v27 =	vor.u32 s20, v0;
	[tilespmem:$0x1FF30] =	vst v1;
	v1 =	vor.u32 s25, v0;
	v20 =	vld.idx.msk [tilespmem:v6+s2+$0x0], $0xffff  }
0x22b: {  	s28 =	sadd.s32 $0xFFFFFFCB, s17;
	v18 =	vor.u32 s18, v0;
	v33 =	vand.u32 $0x1FF0, v27;
	[tilespmem:$0x1FF20] =	vst v15;
	v15 =	vld.idx.msk [tilespmem:v6+s9+$0x0], $0xffff;
	v1 =	vand.u32 $0x1FC8, v1  }
0x22c: {  	v27 =	vand.u32 $0x1FF8, v22;
	v17 =	vld.idx.msk [tilespmem:v2+s2+$0x0], $0xffff;
	v24 =	vor.u32 v1, v57;
	v1 =	vor.u32 s28, v0  }
0x22d: {  	[tilespmem:$0x1FF60] =	vst v11;
	s31 =	sadd.s32 $0xFFFFFFC1, s17;
	v11 =	vor.u32 v27, v29;
	v6 =	vor.u32 s17, v0;
	v21 =	vld.idx.msk [tilespmem:v2+s9+$0x0], $0xffff;
	v2 =	vand.u32 $0x1FC8, v1  }
0x22e: {  	v27 =	vld [tilespmem:$0x1FB60];
	v26 =	vand.u32 $0x1FF8, v6;
	v6 =	vor.u32 s31, v0;
	v32 =	vor.u32 v2, v58  }
0x22f: {  	v29 =	vld [tilespmem:$0x1FB70];
	v30 =	vand.u32 $0x1FC0, v6  }
0x230: {  	v23 =	vld.idx.msk [tilespmem:v18+s2+$0x0], $0xffff;
	v43 =	vor.u32 v30, v47  }
0x231: {  	v6 =	vld.idx.msk [tilespmem:v18+s9+$0x0], $0xffff  }
0x232: {  	s23 =	sadd.s32 $0xFFFFFFCF, s17;
	v48 =	vor.u32 v26, v63;
	v63 =	vld [tilespmem:$0x1FB20];
	v54 =	vor.u32 v30, v35  }
0x233: {  	s22 =	sadd.s32 $0xFFFFFFE0, s17;
	s30 =	sadd.s32 $0xFFFFFFF4, s17;
	v7 =	vor.u32 s23, v0;
	v18 =	vld.idx.msk [tilespmem:v32+s2+$0x0], $0xffff  }
0x234: {  	v44 =	vor.u32 s22, v0;
	v31 =	vor.u32 s30, v0;
	s26 =	sadd.s32 $0xFFFFFFDC, s17;
	v7 =	vand.u32 $0x1FC8, v7;
	v22 =	vld.idx.msk [tilespmem:v32+s9+$0x0], $0xffff  }
0x235: {  	v46 =	vor.u32 s26, v0;
	s24 =	sadd.s32 $0xFFFFFFE4, s17;
	s23 =	sadd.s32 $0xFFFFFFD8, s17;
	v7 =	vor.u32 v7, v38;
	v55 =	vor.u32 v30, v38;
	v38 =	vld.idx.msk [tilespmem:v43+s2+$0x0], $0xffff  }
0x236: {  	v39 =	vor.u32 s24, v0;
	v51 =	vor.u32 s23, v0;
	s28 =	sadd.s32 $0xFFFFFFD0, s17;
	v26 =	vand.u32 $0x1FD8, v44;
	v44 =	vld.idx.msk [tilespmem:v43+s9+$0x0], $0xffff  }
0x237: {  	v47 =	vor.u32 s28, v0;
	v35 =	vand.u32 $0x1FF0, v31;
	v32 =	vand.u32 $0x1FD8, v46;
	v46 =	vld.idx.msk [tilespmem:v54+s2+$0x0], $0xffff  }
0x238: {  	v31 =	vand.u32 $0x1FE0, v39;
	v39 =	vand.u32 $0x1FD0, v51;
	v51 =	vand.u32 $0x1FC8, v47;
	v47 =	vld.idx.msk [tilespmem:v54+s9+$0x0], $0xffff  }
0x239: {  	v54 =	vld [tilespmem:$0x1FB10]  }
0x23a: {  	v43 =	vor.u32 v30, v57;
	v57 =	vld [tilespmem:$0x1FB30]  }
0x23b: {  	v13 =	vld.idx.msk [tilespmem:v5+s2+$0x0], $0xffff;
	v27 =	vmul.f32 v29, v27  }
0x23c: {  	v29 =	vld [tilespmem:$0x1FB90]  }
0x23d: {  	[tilespmem:$0x1FF70] =	vst v27;
	v27 =	vld [tilespmem:$0x1FB80]  }
0x23e: {  	v63 =	vmul.f32 v63, v54;
	v54 =	vld [tilespmem:$0x1FB40]  }
0x23f: {  	v40 =	vmul.f32 v40, v57;
	v57 =	vld [tilespmem:$0x1FB50]  }
0x240: {  	v5 =	vld.idx.msk [tilespmem:v5+s9+$0x0], $0xffff  }
0x241: {  	p0 =	seq.s32 s17, $0x1C3F;
	s30 =	sadd.s32 $0xFFFFFFCC, s17;
	s29 =	sadd.s32 $0xFFFFFFF0, s17;
	v1 =	vld.idx.msk [tilespmem:v7+s2+$0x0], $0xffff  }
.Ltmp0:
0x242: {  	v53 =	vor.u32 s30, v0;
	v28 =	vor.u32 s29, v0;
	s29 =	sadd.s32 $0xFFFFFFD4, s17;
	v27 =	vmul.f32 v29, v27;
	v2 =	vld.idx.msk [tilespmem:v7+s9+$0x0], $0xffff;
	(pc) =	sbr.rel @!p0 .LBB2_4-.Ltmp0, $4  }
0x243: {  	v53 =	vand.u32 $0x1FC8, v53;
	v50 =	vor.u32 s29, v0;
	s21 =	sadd.s32 $0xFFFFFFEC, s17;
	v7 =	vld.idx.msk [tilespmem:v24+s2+$0x0], $0xffff  }
0x244: {  	v45 =	vand.u32 $0x1FE8, v28;
	v34 =	vor.u32 s21, v0;
	s25 =	sadd.s32 $0xFFFFFFE8, s17;
	[tilespmem:$0x1FF80] =	vst v27;
	v24 =	vld.idx.msk [tilespmem:v24+s9+$0x0], $0xffff;
	v54 =	vmul.f32 v57, v54  }
0x245: {  	v50 =	vand.u32 $0x1FD0, v50;
	v34 =	vand.u32 $0x1FE8, v34;
	v41 =	vor.u32 s25, v0;
	s31 =	sor.u32 s15, s31;
	v42 =	vld.idx.msk [tilespmem:v55+s9+$0x0], $0xffff;
	[tilespmem:$0x1FF40] =	vst v40  }
0x246: {  	v41 =	vand.u32 $0x1FE0, v41;
	s17 =	sadd.s32 $0x400, s17;
	v28 =	vor.u32 s31, v0;
	v40 =	vld.idx.msk [tilespmem:v55+s2+$0x0], $0xffff;
	[tilespmem:$0x1FF50] =	vst v54;
	v54 =	vor.u32 v30, v58  }
0x247: {  	v27 =	vmul.f32 v56, v60;
	v60 =	vld [tilespmem:$0x1FD50]  }
0x248: {  	v25 =	vmul.f32 v25, v61;
	v61 =	vld [tilespmem:$0x1FD60]  }
0x249: {  	v29 =	vld [tilespmem:$0x1FD70]  }
0x24a: {  	v56 =	vld [tilespmem:$0x1FDA0]  }
0x24b: {  	v57 =	vld [tilespmem:$0x1FDB0]  }
0x24c: {  	v58 =	vld [tilespmem:$0x1FDE0]  }
0x24d: {  	v55 =	vmul.f32 v61, v60;
	v60 =	vld [tilespmem:$0x1FE00]  }
0x24e: {  	v61 =	vld [tilespmem:$0x1FE10]  }
0x24f: {  	v12 =	vmul.f32 v12, v19;
	v19 =	vld.idx.msk [tilespmem:v54+s2+$0x0], $0xffff  }
0x250: {  	v3 =	vmul.f32 v4, v3;
	v4 =	vmul.f32 v5, v13;
	v5 =	vld.idx.msk [tilespmem:v54+s9+$0x0], $0xffff  }
0x251: {  	[tilespmem:$0x1FAB0] =	vst v25;
	v25 =	vld [tilespmem:$0x1FFD0]  }
0x252: {  	v29 =	vmul.f32 v59, v29;
	v59 =	vld [tilespmem:$0x1FDF0]  }
0x253: {  	v36 =	vmul.f32 v36, v56;
	v56 =	vmul.f32 v61, v60;
	v60 =	vld [tilespmem:$0x1FE40]  }
0x254: {  	v37 =	vmul.f32 v37, v57;
	v57 =	vld.idx.msk [tilespmem:v28+s9+$0x0], $0xffff  }
0x255: {  	v61 =	vld [tilespmem:$0x1FE50]  }
0x256: {  	v28 =	vld.idx.msk [tilespmem:v28+s2+$0x0], $0xffff  }
0x257: {  	[tilespmem:$0x1FAA0] =	vst v27;
	v27 =	vmul.f32 v59, v58;
	v59 =	vld [tilespmem:$0x1FE80]  }
0x258: {  	v9 =	vmul.f32 v10, v9;
	v49 =	vmul.f32 v49, v60;
	v60 =	vld [tilespmem:$0x1FE90]  }
0x259: {  	v13 =	vmul.f32 v15, v20;
	v15 =	vmul.f32 v21, v17  }
0x25a: {  	v6 =	vmul.f32 v6, v23;
	v52 =	vmul.f32 v52, v61;
	v61 =	vld.idx.msk [tilespmem:v43+s2+$0x0], $0xffff  }
0x25b: {  	v23 =	vmul.f32 v44, v38;
	v7 =	vmul.f32 v24, v7;
	v32 =	vor.u32 v32, v25;
	v43 =	vld.idx.msk [tilespmem:v43+s9+$0x0], $0xffff  }
0x25c: {  	v44 =	vld [tilespmem:$0x1FF10];
	v24 =	vmul.f32 v47, v46;
	v28 =	vmul.f32 v57, v28  }
0x25d: {  	v5 =	vmul.f32 v5, v19;
	v17 =	vor.u32 v53, v25;
	v59 =	vmul.f32 v60, v59;
	v60 =	vld [tilespmem:$0x1FEA0]  }
0x25e: {  	v47 =	vld [tilespmem:$0x1FEE0];
	v50 =	vor.u32 v50, v25;
	v31 =	vor.u32 v31, v25;
	v28 =	vadd.f32 $0.0e+00, v28  }
0x25f: {  	v20 =	vor.u32 v35, v25;
	v21 =	vor.u32 v34, v25;
	v57 =	vmul.f32 v42, v40;
	v42 =	vld [tilespmem:$0x1FF00]  }
0x260: {  	v58 =	vor.u32 v30, v25;
	v25 =	vld.idx.msk [tilespmem:v32+s2+$0x0], $0xffff;
	v23 =	vadd.f32 v23, v28;
	v10 =	vmul.f32 v43, v61  }
0x261: {  	v5 =	vadd.f32 $0.0e+00, v5;
	v34 =	vld.idx.msk [tilespmem:v32+s9+$0x0], $0xffff  }
0x262: {  	v6 =	vadd.f32 v6, v23;
	v10 =	vadd.f32 $0.0e+00, v10;
	v60 =	vmul.f32 v62, v60;
	v62 =	vld [tilespmem:$0x1FED0]  }
0x263: {  	v5 =	vadd.f32 v57, v5;
	v46 =	vld.idx.msk [tilespmem:v31+s2+$0x0], $0xffff  }
0x264: {  	v57 =	vld [tilespmem:$0x1FEB0];
	v6 =	vadd.f32 v13, v6;
	v10 =	vadd.f32 v24, v10  }
0x265: {  	v18 =	vmul.f32 v22, v18;
	v32 =	vld.idx.msk [tilespmem:v20+s9+$0x0], $0xffff  }
0x266: {  	v14 =	vmul.f32 v16, v14;
	v28 =	vld [tilespmem:$0x1FF20];
	v3 =	vadd.f32 v3, v6;
	v7 =	vadd.f32 v7, v10  }
0x267: {  	v5 =	vadd.f32 v18, v5;
	v8 =	vmul.f32 v8, v62;
	v62 =	vld [tilespmem:$0x1FF90]  }
0x268: {  	v18 =	vld [tilespmem:$0x1FE70];
	v3 =	vadd.f32 v14, v3;
	v7 =	vadd.f32 v15, v7  }
0x269: {  	v53 =	vld.idx.msk [tilespmem:v58+s2+$0x0], $0xffff  }
0x26a: {  	v54 =	vld.idx.msk [tilespmem:v58+s9+$0x0], $0xffff;
	v4 =	vadd.f32 v4, v7;
	v3 =	vadd.f32 v8, v3  }
0x26b: {  	v6 =	vmul.f32 v44, v42;
	v42 =	vld [tilespmem:$0x1FD40]  }
0x26c: {  	v4 =	vadd.f32 v12, v4;
	v3 =	vadd.f32 v59, v3;
	v59 =	vld [tilespmem:$0x1FF60];
	v16 =	vor.u32 v30, v62  }
0x26d: {  	v58 =	vor.u32 v51, v62;
	v51 =	vld.idx.msk [tilespmem:v17+s2+$0x0], $0xffff  }
0x26e: {  	v4 =	vadd.f32 v9, v4;
	v17 =	vld.idx.msk [tilespmem:v17+s9+$0x0], $0xffff  }
0x26f: {  	v3 =	vadd.f32 v49, v3;
	v49 =	vld [tilespmem:$0x1FD10]  }
0x270: {  	v4 =	vadd.f32 v60, v4;
	v60 =	vld [tilespmem:$0x1FCD0]  }
0x271: {  	v39 =	vor.u32 v39, v62;
	v61 =	vld.idx.msk [tilespmem:v16+s2+$0x0], $0xffff  }
0x272: {  	v16 =	vld.idx.msk [tilespmem:v16+s9+$0x0], $0xffff  }
0x273: {  	v53 =	vmul.f32 v54, v53;
	v26 =	vor.u32 v26, v62;
	v54 =	vld.idx.msk [tilespmem:v58+s2+$0x0], $0xffff  }
0x274: {  	v30 =	vld.idx.msk [tilespmem:v58+s9+$0x0], $0xffff  }
0x275: {  	v58 =	vld.idx.msk [tilespmem:v50+s2+$0x0], $0xffff  }
0x276: {  	v33 =	vor.u32 v33, v62;
	v43 =	vor.u32 v45, v62;
	v41 =	vor.u32 v41, v62;
	v62 =	vld.idx.msk [tilespmem:v39+s2+$0x0], $0xffff  }
0x277: {  	v1 =	vmul.f32 v2, v1;
	v2 =	vld.idx.msk [tilespmem:v39+s9+$0x0], $0xffff  }
0x278: {  	v40 =	vld.idx.msk [tilespmem:v26+s2+$0x0], $0xffff  }
0x279: {  	v45 =	vld.idx.msk [tilespmem:v26+s9+$0x0], $0xffff  }
0x27a: {  	v17 =	vmul.f32 v17, v51;
	v51 =	vld.idx.msk [tilespmem:v31+s9+$0x0], $0xffff  }
0x27b: {  	v22 =	vld.idx.msk [tilespmem:v43+s2+$0x0], $0xffff  }
0x27c: {  	v19 =	vadd.f32 $0.0e+00, v53;
	v53 =	vmul.f32 v34, v25;
	v3 =	vadd.f32 v27, v3;
	v25 =	vld.idx.msk [tilespmem:v43+s9+$0x0], $0xffff  }
0x27d: {  	v31 =	vld [tilespmem:$0x1FDD0]  }
0x27e: {  	v4 =	vadd.f32 v52, v4;
	v3 =	vadd.f32 v36, v3;
	v36 =	vld [tilespmem:$0x1FD80]  }
0x27f: {  	v38 =	vld.idx.msk [tilespmem:v33+s9+$0x0], $0xffff  }
0x280: {  	v4 =	vadd.f32 v56, v4;
	v43 =	vld.idx.msk [tilespmem:v11+s9+$0x0], $0xffff  }
0x281: {  	v56 =	vld [tilespmem:$0x1FD00]  }
0x282: {  	v4 =	vadd.f32 v37, v4;
	v37 =	vld [tilespmem:$0x1FD90]  }
0x283: {  	v3 =	vadd.f32 v55, v3;
	v55 =	vld [tilespmem:$0x1FCF0]  }
0x284: {  	v16 =	vmul.f32 v16, v61;
	v61 =	vld.idx.msk [tilespmem:v50+s9+$0x0], $0xffff  }
0x285: {  	v24 =	vmul.f32 v30, v54;
	v30 =	vld [tilespmem:$0x1FF30]  }
0x286: {  	v50 =	vld [tilespmem:$0x1FEF0]  }
0x287: {  	v54 =	vld.idx.msk [tilespmem:v41+s2+$0x0], $0xffff;
	v16 =	vadd.f32 v16, v19  }
0x288: {  	v2 =	vmul.f32 v2, v62;
	v62 =	vmul.f32 v45, v40;
	v40 =	vld.idx.msk [tilespmem:v11+s2+$0x0], $0xffff  }
0x289: {  	v19 =	vld.idx.msk [tilespmem:v21+s9+$0x0], $0xffff;
	v23 =	vadd.f32 v17, v16  }
0x28a: {  	v1 =	vadd.f32 v1, v5;
	v16 =	vld.idx.msk [tilespmem:v21+s2+$0x0], $0xffff  }
0x28b: {  	v17 =	vld [tilespmem:$0x1FE60];
	v13 =	vmul.f32 v30, v28;
	v39 =	vmul.f32 v61, v58;
	v35 =	vadd.f32 v24, v23  }
0x28c: {  	v58 =	vld [tilespmem:$0x1FEC0]  }
0x28d: {  	v21 =	vmul.f32 v51, v46;
	v46 =	vld [tilespmem:$0x1FAA0];
	v1 =	vadd.f32 v13, v1;
	v5 =	vadd.f32 v39, v35  }
0x28e: {  	v61 =	vld.idx.msk [tilespmem:v41+s9+$0x0], $0xffff  }
0x28f: {  	v12 =	vmul.f32 v50, v47;
	v23 =	vld [tilespmem:$0x1FE20];
	v1 =	vadd.f32 v6, v1;
	v2 =	vadd.f32 v2, v5  }
0x290: {  	v24 =	vld [tilespmem:$0x1FE30]  }
0x291: {  	v28 =	vld.idx.msk [tilespmem:v20+s2+$0x0], $0xffff;
	v8 =	vmul.f32 v58, v57;
	v1 =	vadd.f32 v12, v1;
	v2 =	vadd.f32 v53, v2  }
0x292: {  	v30 =	vld [tilespmem:$0x1FDC0]  }
0x293: {  	v12 =	vmul.f32 v18, v17;
	v53 =	vld [tilespmem:$0x1FF70];
	v1 =	vadd.f32 v8, v1;
	v2 =	vadd.f32 v62, v2  }
0x294: {  	v41 =	vld [tilespmem:$0x1FD30];
	v26 =	vmul.f32 v61, v54  }
0x295: {  	v58 =	vld [tilespmem:$0x1FF50];
	v10 =	vmul.f32 v24, v23;
	v1 =	vadd.f32 v12, v1;
	v2 =	vadd.f32 v21, v2  }
0x296: {  	v47 =	vld [tilespmem:$0x1FAB0];
	v34 =	vmul.f32 v19, v16;
	v3 =	vadd.f32 v46, v3  }
0x297: {  	v35 =	vld.idx.msk [tilespmem:v33+s2+$0x0], $0xffff;
	v9 =	vmul.f32 v31, v30;
	v1 =	vadd.f32 v10, v1;
	v2 =	vadd.f32 v26, v2  }
0x298: {  	v50 =	vld [tilespmem:$0x1FD20];
	v39 =	vmul.f32 v25, v22;
	v3 =	vadd.f32 v53, v3  }
0x299: {  	v54 =	vld [tilespmem:$0x1FF80];
	v10 =	vmul.f32 v37, v36;
	v1 =	vadd.f32 v9, v1;
	v2 =	vadd.f32 v34, v2  }
0x29a: {  	v4 =	vadd.f32 v29, v4;
	v45 =	vld.idx.msk [tilespmem:v48+s2+$0x0], $0xffff;
	v44 =	vmul.f32 v32, v28;
	v3 =	vadd.f32 v58, v3  }
0x29b: {  	v51 =	vld.idx.msk [tilespmem:v48+s9+$0x0], $0xffff;
	v9 =	vmul.f32 v42, v41;
	v1 =	vadd.f32 v10, v1;
	v2 =	vadd.f32 v39, v2  }
0x29c: {  	v4 =	vadd.f32 v47, v4;
	v61 =	vld [tilespmem:$0x1FCE0];
	v52 =	vmul.f32 v38, v35;
	v3 =	vadd.f32 v63, v3  }
0x29d: {  	v10 =	vmul.f32 v50, v49;
	v63 =	vld [tilespmem:$0x1FF40];
	v1 =	vadd.f32 v9, v1;
	v2 =	vadd.f32 v44, v2  }
0x29e: {  	v7 =	vmul.f32 v56, v55;
	v4 =	vadd.f32 v54, v4  }
0x29f: {  	v57 =	vmul.f32 v43, v40;
	v1 =	vadd.f32 v10, v1;
	v2 =	vadd.f32 v52, v2  }
0x2a0: {  	v62 =	vmul.f32 v51, v45;
	v4 =	vadd.f32 v59, v4  }
0x2a1: {  	v8 =	vmul.f32 v61, v60;
	v1 =	vadd.f32 v7, v1;
	v2 =	vadd.f32 v57, v2  }
0x2a2: {  	v4 =	vadd.f32 v63, v4  }
0x2a3: {  	v1 =	vadd.f32 v8, v1;
	v2 =	vadd.f32 v62, v2;
	_ =	sdelay $0x1  }
0x2a4: {  	v3 =	vadd.f32 v4, v3;
	v1 =	vadd.f32 v2, v1;
	_ =	sdelay $0x1  }
0x2a5: {  	v1 =	vadd.f32 v1, v3  }
0x2a6: {  	s15 =	sadd.s32 $0x10, s16  }
0x2a7: {  	[tilespmem:s15+$0x0] =	vst v1  }
0x2a8: {  	p0 =	seq.s32 s14, $0x4  }
.Ltmp1:
0x2a9: {  	_ = 	snop;
	(pc) =	sbr.rel @!p0 .LBB2_3-.Ltmp1, $2  }
0x2aa: {  	_ =	sdelay $0x2  }
0x2ab: {  	s13 =	sadd.s32 $0x80, s13  }
0x2ac: {  	s12 =	sadd.s32 $0x1, s12  }
0x2ad: {  	p0 =	sne.s32 s12, s8  }
.Ltmp2:
0x2ae: {  	_ = 	snop;
	(pc) =	sbr.rel @p0 .LBB2_1-.Ltmp2, $4  }
0x2af: {  	[hbm4b:s7+s2] =	stream.linear.scatter [tilespmem:s10], [sflag:$0x3], $0x200, $0x38;
	[tilespmem:$0x8200] =	vst v63  }
0x2b0: {  	_ =	swait.ge [sflag:s11], $0x200  }
0x2b1: {  	[sflag:s11] =	ssyncset.done $0x0  }
0x2b2: {  	[sflag:s11] =	ssyncadd.s32 $0xFFFFFE00  }
0x2b3: {  	_ =	sfence.sel $0x180000  }
0x2b4: {  	[bflag:$0x0] =	sbarrier.arrive $0xFFFF  }
0x2b5: {  	p0 =	sne.s32 s1, $0x0;
	_ =	strace $0x9000004A  }
0x2b6: {  	s0 =	sadd.s32 @!p0 $0x100000, s0;
	[bflag:$0x2] =	sbarrier.arrive $0xFFFF  }
0x2b7: {  	[sflag:s0] =	ssyncadd.tile.s32 @!p0 $0x1;
	_ =	shalt  }
.Lfunc_end2:
_tile_overlayer_lowered:
.L_overlay_start_2:
0x2b8: {  	(tag) =	ssettag $0x2  }
0x2b9: {  	s0 =	rddreg [dreg:$0x0];
	s2 =	stileid.u32  }
0x2ba: {  	s1 =	rddreg [dreg:$0x1];
	p0 =	sne.s32 s2, $0x0  }
0x2bb: {  	s3 =	rddreg [dreg:$0x2];
	[bflag:$0x3] =	sbarrier.arrive $0xFFFF;
	s2 =	simm.s32 @!p0 $0x1C03  }
0x2bc: {  	[timem:s3], [sflag:s2] =	dma.local @!p0 [hbm:s0], s1  }
0x2bd: {  	s0 =	simm.s32 @!p0 $0x3  }
0x2be: {  	_ =	swait.ge @!p0 [sflag:s0], s1  }
0x2bf: {  	s1 =	ssub.s32 @!p0 $0x0, s1;
	[sflag:s0] =	ssyncset.done @!p0 $0x0  }
0x2c0: {  	[sflag:s0] =	ssyncadd.s32 @!p0 s1  }
0x2c1: {  	[bflag:$0x3] =	sbarrier.arrive $0xFFFF  }
0x2c2: {  	_ =	shalt  }

</sc_bundles>
